<compile_context>
chip_gen: v7x
topology: tpu7x:2x2x1
jax: 0.10.2.dev20260603
libtpu: 0.0.44.dev20260713+nightly
codegen_flags: <defaults>
</compile_context>

<pallas_src>
import functools

import jax
import jax.numpy as jnp
from jax import lax
from jax.experimental import pallas as pl
from jax.experimental.pallas import tpu as pltpu
from jax.experimental.pallas import tpu_sc as plsc

N = 10000
E = 160000
F_IN = 500
H = 128
C = 3

NC = 2
NS = 16
NW = NC * NS
B = 128

Np = 10240
EC = E // B
CHW = 40
LC = EC - CHW * (NW - 1)
RT = Np // NS

RB = 2048
GRID = Np // RB

_f32 = jnp.float32



def _make_agg(D):
    mesh = plsc.VectorSubcoreMesh(
        core_axis_name="c", subcore_axis_name="s",
        num_cores=NC, num_subcores=NS)

    @functools.partial(
        pl.kernel,
        out_type=jax.ShapeDtypeStruct((NC, Np, D), _f32),
        mesh=mesh,
        scratch_types=[
            pltpu.VMEM((CHW, B), jnp.int32),
            pltpu.VMEM((CHW, B), jnp.int32),
            pltpu.VMEM((2, B, D), _f32),
            pltpu.VMEM_SHARED((Np, D), _f32),
            pltpu.SemaphoreType.DMA((2,)),
            pltpu.SemaphoreType.DMA((3,)),
        ],
    )
    def agg(hs_hbm, src_hbm, dst_hbm, zero_hbm, out_hbm,
            sidx, didx, rows, acc, sem, psem):
        cid = lax.axis_index("c")
        sid = lax.axis_index("s")
        wid = cid * NS + sid
        r0 = pl.multiple_of(sid * RT, 8)
        last = wid == NW - 1
        nch = jnp.where(last, LC, CHW)
        c0 = pl.multiple_of(wid * CHW, 8)
        pltpu.async_copy(zero_hbm.at[pl.ds(r0, RT)], acc.at[pl.ds(r0, RT)],
                         psem.at[2])

        @pl.when(jnp.logical_not(last))
        def _():
            pltpu.async_copy(src_hbm.at[pl.ds(c0, CHW)], sidx, psem.at[0])
            pltpu.async_copy(dst_hbm.at[pl.ds(c0, CHW)], didx, psem.at[1])
            pltpu.make_async_copy(src_hbm.at[pl.ds(c0, CHW)], sidx,
                                  psem.at[0]).wait()

        @pl.when(last)
        def _():
            pltpu.async_copy(src_hbm.at[pl.ds(c0, 8)],
                             sidx.at[pl.ds(0, 8)], psem.at[0])
            pltpu.async_copy(src_hbm.at[pl.ds(c0 + 8, LC - 8)],
                             sidx.at[pl.ds(8, LC - 8)], psem.at[0])
            pltpu.async_copy(dst_hbm.at[pl.ds(c0, 8)],
                             didx.at[pl.ds(0, 8)], psem.at[1])
            pltpu.async_copy(dst_hbm.at[pl.ds(c0 + 8, LC - 8)],
                             didx.at[pl.ds(8, LC - 8)], psem.at[1])
            pltpu.make_async_copy(src_hbm.at[pl.ds(c0, 8)],
                                  sidx.at[pl.ds(0, 8)], psem.at[0]).wait()
            pltpu.make_async_copy(src_hbm.at[pl.ds(c0 + 8, LC - 8)],
                                  sidx.at[pl.ds(8, LC - 8)], psem.at[0]).wait()

        pltpu.async_copy(hs_hbm.at[sidx.at[0]], rows.at[0], sem.at[0])

        @pl.when(jnp.logical_not(last))
        def _():
            pltpu.make_async_copy(dst_hbm.at[pl.ds(c0, CHW)], didx,
                                  psem.at[1]).wait()

        @pl.when(last)
        def _():
            pltpu.make_async_copy(dst_hbm.at[pl.ds(c0, 8)],
                                  didx.at[pl.ds(0, 8)], psem.at[1]).wait()
            pltpu.make_async_copy(dst_hbm.at[pl.ds(c0 + 8, LC - 8)],
                                  didx.at[pl.ds(8, LC - 8)], psem.at[1]).wait()

        pltpu.make_async_copy(zero_hbm.at[pl.ds(r0, RT)],
                              acc.at[pl.ds(r0, RT)], psem.at[2]).wait()
        plsc.subcore_barrier()

        def body(ci, carry):
            par = lax.rem(ci, 2)
            nxt = lax.rem(ci + 1, 2)

            @pl.when(ci + 1 < nch)
            def _():
                pltpu.async_copy(hs_hbm.at[sidx.at[ci + 1]],
                                 rows.at[nxt], sem.at[nxt])

            pltpu.make_async_copy(hs_hbm.at[sidx.at[ci]],
                                  rows.at[par], sem.at[par]).wait()
            pltpu.sync_copy(rows.at[par], acc.at[didx.at[ci]], add=True)
            return carry

        lax.fori_loop(0, nch, body, 0)
        plsc.subcore_barrier()
        pltpu.sync_copy(acc.at[pl.ds(r0, RT)],
                        out_hbm.at[cid, pl.ds(r0, RT)])

    return agg


def _make_deg():
    mesh = plsc.VectorSubcoreMesh(
        core_axis_name="c", subcore_axis_name="s",
        num_cores=NC, num_subcores=NS)

    @functools.partial(
        pl.kernel,
        out_type=jax.ShapeDtypeStruct((NW, Np), _f32),
        mesh=mesh,
        compiler_params=pltpu.CompilerParams(needs_layout_passes=False),
        scratch_types=[
            pltpu.VMEM((CHW, B), jnp.int32),
            pltpu.VMEM((Np,), _f32),
        ],
    )
    def deg(dst_hbm, out_hbm, didx, hist):
        cid = lax.axis_index("c")
        sid = lax.axis_index("s")
        wid = cid * NS + sid
        last = wid == NW - 1
        nch = jnp.where(last, LC, CHW)
        c0 = pl.multiple_of(wid * CHW, 8)

        @pl.when(jnp.logical_not(last))
        def _():
            pltpu.sync_copy(dst_hbm.at[pl.ds(c0, CHW)], didx)

        @pl.when(last)
        def _():
            pltpu.sync_copy(dst_hbm.at[pl.ds(c0, 8)], didx.at[pl.ds(0, 8)])
            pltpu.sync_copy(dst_hbm.at[pl.ds(c0 + 8, LC - 8)],
                            didx.at[pl.ds(8, LC - 8)])

        zero16 = jnp.zeros((16,), _f32)

        def zbody(i, carry):
            hist[pl.ds(i * 16, 16)] = zero16
            return carry

        lax.fori_loop(0, Np // 16, zbody, 0)

        one16 = jnp.ones((16,), _f32)

        def body(ci, carry):
            for j in range(B // 16):
                idx = didx[ci, pl.ds(j * 16, 16)]
                plsc.addupdate_scatter(hist, [idx], one16)
            return carry

        lax.fori_loop(0, nch, body, 0)
        pltpu.sync_copy(hist, out_hbm.at[wid])

    return deg


_make_agg = functools.lru_cache(None)(_make_agg)
_make_deg = functools.lru_cache(None)(_make_deg)



RB1 = 2000


def _k1a_body(x_ref, w_ref, h_ref):
    h_ref[...] = jnp.dot(x_ref[...], w_ref[...], preferred_element_type=_f32)


_k1a = pl.pallas_call(
    _k1a_body,
    grid=(N // RB1,),
    in_specs=[
        pl.BlockSpec((RB1, F_IN), lambda i: (i, 0)),
        pl.BlockSpec((F_IN, H), lambda i: (0, 0)),
    ],
    out_specs=pl.BlockSpec((RB1, H), lambda i: (i, 0)),
    out_shape=jax.ShapeDtypeStruct((Np, H), _f32),
)


def _k1b_body(h_ref, degp_ref, hs_ref, dinv_ref):
    nrows = h_ref.shape[0]
    deg = jnp.sum(degp_ref[...], axis=0)[:, None] + 1.0
    dinv = lax.rsqrt(deg)
    hs_ref[...] = h_ref[...] * dinv
    dinv_ref[...] = jnp.broadcast_to(dinv, (nrows, 16))


_k1b = pl.pallas_call(
    _k1b_body,
    grid=(GRID,),
    in_specs=[
        pl.BlockSpec((RB, H), lambda i: (i, 0)),
        pl.BlockSpec((NW, RB), lambda i: (0, i)),
    ],
    out_specs=[
        pl.BlockSpec((RB, H), lambda i: (i, 0)),
        pl.BlockSpec((RB, 16), lambda i: (i, 0)),
    ],
    out_shape=[
        jax.ShapeDtypeStruct((Np, H), _f32),
        jax.ShapeDtypeStruct((Np, 16), _f32),
    ],
)


def _kc_body(p_ref, hs_ref, dinv_ref, b_ref, w_ref, hs2_ref):
    dv = dinv_ref[:, 0:1]
    s = p_ref[0, :, :] + p_ref[1, :, :] + hs_ref[...]
    a = jnp.maximum(dv * s + b_ref[...], 0.0)
    hs2_ref[...] = jnp.dot(a, w_ref[...], preferred_element_type=_f32) * dv


_kc128 = pl.pallas_call(
    _kc_body,
    grid=(GRID,),
    in_specs=[
        pl.BlockSpec((2, RB, H), lambda i: (0, i, 0)),
        pl.BlockSpec((RB, H), lambda i: (i, 0)),
        pl.BlockSpec((RB, 16), lambda i: (i, 0)),
        pl.BlockSpec((1, H), lambda i: (0, 0)),
        pl.BlockSpec((H, H), lambda i: (0, 0)),
    ],
    out_specs=pl.BlockSpec((RB, H), lambda i: (i, 0)),
    out_shape=jax.ShapeDtypeStruct((Np, H), _f32),
)


def _kc4_body(p_ref, hs_ref, dinv_ref, b_ref, g_ref):
    dv = dinv_ref[:, 0:1]
    s = p_ref[0, :, :] + p_ref[1, :, :] + hs_ref[...]
    g_ref[...] = jnp.maximum(dv * s + b_ref[...], 0.0) * dv


_kc4 = pl.pallas_call(
    _kc4_body,
    grid=(GRID,),
    in_specs=[
        pl.BlockSpec((2, RB, H), lambda i: (0, i, 0)),
        pl.BlockSpec((RB, H), lambda i: (i, 0)),
        pl.BlockSpec((RB, 16), lambda i: (i, 0)),
        pl.BlockSpec((1, H), lambda i: (0, 0)),
    ],
    out_specs=pl.BlockSpec((RB, H), lambda i: (i, 0)),
    out_shape=jax.ShapeDtypeStruct((Np, H), _f32),
)


def _kf_body(p_ref, g_ref, dinv_ref, b_ref, w_ref, out_ref):
    dv = dinv_ref[:, 0:1]
    m = dv * (p_ref[0, :, :] + p_ref[1, :, :] + g_ref[...])
    out_ref[...] = jnp.dot(m, w_ref[...], preferred_element_type=_f32) + b_ref[...]


_kf = pl.pallas_call(
    _kf_body,
    grid=(GRID,),
    in_specs=[
        pl.BlockSpec((2, RB, H), lambda i: (0, i, 0)),
        pl.BlockSpec((RB, H), lambda i: (i, 0)),
        pl.BlockSpec((RB, 16), lambda i: (i, 0)),
        pl.BlockSpec((1, 16), lambda i: (0, 0)),
        pl.BlockSpec((H, 16), lambda i: (0, 0)),
    ],
    out_specs=pl.BlockSpec((RB, 16), lambda i: (i, 0)),
    out_shape=jax.ShapeDtypeStruct((Np, 16), _f32),
)



def kernel(x, edge_index, W1, b1, W2, b2, W3, b3, W4, b4, W5, b5):
    src = edge_index[0].reshape(EC, B)
    dst = edge_index[1].reshape(EC, B)
    zeros128 = jnp.zeros((Np, H), _f32)
    W5p = jnp.pad(W5, ((0, 0), (0, 16 - C)))
    b1r = b1.reshape(1, H)
    b2r = b2.reshape(1, H)
    b3r = b3.reshape(1, H)
    b4r = b4.reshape(1, H)
    b5r = jnp.pad(b5, (0, 16 - C)).reshape(1, 16)

    _deg = _make_deg()
    _agg128 = _make_agg(H)

    h1 = _k1a(x, W1)
    degp = _deg(dst)
    hs1, dinv = _k1b(h1, degp)
    p1 = _agg128(hs1, src, dst, zeros128)
    hs2 = _kc128(p1, hs1, dinv, b1r, W2)
    p2 = _agg128(hs2, src, dst, zeros128)
    hs3 = _kc128(p2, hs2, dinv, b2r, W3)
    p3 = _agg128(hs3, src, dst, zeros128)
    hs4 = _kc128(p3, hs3, dinv, b3r, W4)
    p4 = _agg128(hs4, src, dst, zeros128)
    g4 = _kc4(p4, hs4, dinv, b4r)
    p5 = _agg128(g4, src, dst, zeros128)
    outp = _kf(p5, g4, dinv, b5r, W5p)
    return outp[:N, :C]

# --- scband reference (transcript-rebuilt; emitter-appended) ---
"""Pipeline reference for scband-gcnlarge-20761871909627 (READ-ONLY COPY).

The authoritative reference and input builder live on the scoring server;
editing this copy changes nothing except your own understanding.
"""

import jax, jax.numpy as jnp
import numpy as np

N = 10000
E = 160000
F_IN = 500
H = 128
C = 3


def setup_inputs(seed: int = 0) -> dict:
    key = jax.random.key(seed)
    ks = jax.random.split(key, 12)
    x = jax.random.normal(ks[0], (N, F_IN), dtype=jnp.float32)
    edge_index = jax.random.randint(ks[1], (2, E), 0, N, dtype=jnp.int32)
    s = 0.05
    W1 = jax.random.normal(ks[2], (F_IN, H), dtype=jnp.float32) * s
    b1 = jnp.zeros((H,), dtype=jnp.float32)
    W2 = jax.random.normal(ks[3], (H, H), dtype=jnp.float32) * s
    b2 = jnp.zeros((H,), dtype=jnp.float32)
    W3 = jax.random.normal(ks[4], (H, H), dtype=jnp.float32) * s
    b3 = jnp.zeros((H,), dtype=jnp.float32)
    W4 = jax.random.normal(ks[5], (H, H), dtype=jnp.float32) * s
    b4 = jnp.zeros((H,), dtype=jnp.float32)
    W5 = jax.random.normal(ks[6], (H, C), dtype=jnp.float32) * s
    b5 = jnp.zeros((C,), dtype=jnp.float32)
    return {"x": x, "edge_index": edge_index, "W1": W1, "b1": b1, "W2": W2, "b2": b2, "W3": W3, "b3": b3, "W4": W4, "b4": b4, "W5": W5, "b5": b5}


def _gcn_layer(x, src, dst, norm, W, b):
    h = x @ W
    msg = h[src] * norm[:, None]
    out = jax.ops.segment_sum(msg, dst, num_segments=N)
    return out + b


def reference(x, edge_index, W1, b1, W2, b2, W3, b3, W4, b4, W5, b5):
    # GCNConv with symmetric normalization and self-loops (PyG defaults)
    loop = jnp.arange(N, dtype=edge_index.dtype)
    src = jnp.concatenate([edge_index[0], loop])
    dst = jnp.concatenate([edge_index[1], loop])
    deg = jax.ops.segment_sum(jnp.ones_like(dst, dtype=jnp.float32), dst, num_segments=N)
    dinv = jax.lax.rsqrt(jnp.maximum(deg, 1.0))
    norm = dinv[src] * dinv[dst]
    # dropout is identity in eval mode (training=False)
    h = jax.nn.relu(_gcn_layer(x, src, dst, norm, W1, b1))
    h = jax.nn.relu(_gcn_layer(h, src, dst, norm, W2, b2))
    h = jax.nn.relu(_gcn_layer(h, src, dst, norm, W3, b3))
    h = jax.nn.relu(_gcn_layer(h, src, dst, norm, W4, b4))
    out = _gcn_layer(h, src, dst, norm, W5, b5)
    return out

if __name__ == "__main__":
    import jax
    _d = setup_inputs()
    print(jax.jit(kernel)(*tuple(_d.values())))

</pallas_src>

<mosaic_0001>
#map = affine_map<(d0, d1) -> (0, 0)>
#map1 = affine_map<(d0, d1) -> (0, 0, 0)>
module attributes {stable_mosaic.version = 14 : i64} {
  func.func @agg(%arg0: i32, %arg1: i32, %arg2: memref<10240x128xf32, #tpu.memory_space<hbm>>, %arg3: memref<1250x128xi32, #tpu.memory_space<hbm>>, %arg4: memref<1250x128xi32, #tpu.memory_space<hbm>>, %arg5: memref<10240x128xf32, #tpu.memory_space<hbm>>, %arg6: memref<2x10240x128xf32, #tpu.memory_space<hbm>>, %arg7: memref<40x128xi32, #tpu.memory_space<vmem>>, %arg8: memref<40x128xi32, #tpu.memory_space<vmem>>, %arg9: memref<2x128x128xf32, #tpu.memory_space<vmem>>, %arg10: memref<10240x128xf32, #tpu.memory_space<vmem_shared>>, %arg11: memref<2x!tpu.dma_semaphore, #tpu.memory_space<semaphore_mem>>, %arg12: memref<3x!tpu.dma_semaphore, #tpu.memory_space<semaphore_mem>>) attributes {dimension_semantics = [#tpu.dimension_semantics<core_parallel>, #tpu.dimension_semantics<subcore_parallel>], iteration_bounds = array<i64: 2, 16>, scalar_prefetch = 0 : i64, scratch_operands = 6 : i64, tpu.core_type = #tpu.core_type<sc_vector_subcore>, window_params = [{transform_indices = #map}, {transform_indices = #map}, {transform_indices = #map}, {transform_indices = #map}, {transform_indices = #map1}]} {
    %mul3A = arith.constant 16 : i32
    %mul3A_0 = arith.muli %arg0, %mul3A : i32
    %add3A = arith.addi %mul3A_0, %arg1 : i32
    %mul3A_1 = arith.constant 640 : i32
    %mul3A_2 = arith.muli %arg1, %mul3A_1 : i32
    %multiple_of3A = tpu.assume_multiple %mul3A_2, 8 : i32
    %eq3A = arith.constant 31 : i32
    %eq3A_3 = arith.cmpi eq, %add3A, %eq3A : i32
    %jit3A = arith.constant 10 : i32
    %jit3A_4 = arith.constant 40 : i32
    %select_n3A = arith.select %eq3A_3, %jit3A, %jit3A_4 : i32
    %mul3A_5 = arith.constant 40 : i32
    %mul3A_6 = arith.muli %add3A, %mul3A_5 : i32
    %multiple_of3A_7 = tpu.assume_multiple %mul3A_6, 8 : i32
    %dma_start3A = arith.constant 2 : i32
    %dma_start3A_8 = tpu.memref_slice %arg12[%dma_start3A] : memref<3x!tpu.dma_semaphore, #tpu.memory_space<semaphore_mem>> -> memref<1x!tpu.dma_semaphore, #tpu.memory_space<semaphore_mem>>
    %dma_start3A_9 = tpu.memref_squeeze %dma_start3A_8 : memref<1x!tpu.dma_semaphore, #tpu.memory_space<semaphore_mem>> -> memref<!tpu.dma_semaphore, #tpu.memory_space<semaphore_mem>>
    %dma_start3A_10 = arith.constant 0 : i32
    %dma_start3A_11 = tpu.memref_slice %arg10[%multiple_of3A, %dma_start3A_10] : memref<10240x128xf32, #tpu.memory_space<vmem_shared>> -> memref<640x128xf32, #tpu.memory_space<vmem_shared>>
    %dma_start3A_12 = arith.constant 0 : i32
    %dma_start3A_13 = tpu.memref_slice %arg5[%multiple_of3A, %dma_start3A_12] : memref<10240x128xf32, #tpu.memory_space<hbm>> -> memref<640x128xf32, #tpu.memory_space<hbm>>
    tpu.enqueue_dma source(%dma_start3A_13 : memref<640x128xf32, #tpu.memory_space<hbm>>) target(%dma_start3A_11 : memref<640x128xf32, #tpu.memory_space<vmem_shared>>) target_semaphore(%dma_start3A_9 : memref<!tpu.dma_semaphore, #tpu.memory_space<semaphore_mem>>)
    %not3A = arith.constant true
    %not3A_14 = arith.xori %eq3A_3, %not3A : i1
    %convert_element_type3A = arith.extui %not3A_14 : i1 to i32
    %cond3A = arith.constant 0 : i32
    %cond3A_15 = arith.cmpi ne, %convert_element_type3A, %cond3A : i32
    scf.if %cond3A_15 {
      %dma_start3A_58 = arith.constant 0 : i32
      %dma_start3A_59 = arith.constant 0 : i32
      %dma_start3A_60 = tpu.memref_slice %arg3[%multiple_of3A_7, %dma_start3A_59] : memref<1250x128xi32, #tpu.memory_space<hbm>> -> memref<40x128xi32, #tpu.memory_space<hbm>>
      %dma_start3A_61 = tpu.memref_slice %arg12[%dma_start3A_58] : memref<3x!tpu.dma_semaphore, #tpu.memory_space<semaphore_mem>> -> memref<1x!tpu.dma_semaphore, #tpu.memory_space<semaphore_mem>>
      %dma_start3A_62 = tpu.memref_squeeze %dma_start3A_61 : memref<1x!tpu.dma_semaphore, #tpu.memory_space<semaphore_mem>> -> memref<!tpu.dma_semaphore, #tpu.memory_space<semaphore_mem>>
      %dma_start3A_63 = arith.constant 0 : i32
      %dma_start3A_64 = tpu.memref_slice %arg3[%multiple_of3A_7, %dma_start3A_63] : memref<1250x128xi32, #tpu.memory_space<hbm>> -> memref<40x128xi32, #tpu.memory_space<hbm>>
      tpu.enqueue_dma source(%dma_start3A_64 : memref<40x128xi32, #tpu.memory_space<hbm>>) target(%arg7 : memref<40x128xi32, #tpu.memory_space<vmem>>) target_semaphore(%dma_start3A_62 : memref<!tpu.dma_semaphore, #tpu.memory_space<semaphore_mem>>)
      %dma_start3A_65 = arith.constant 1 : i32
      %dma_start3A_66 = arith.constant 0 : i32
      %dma_start3A_67 = tpu.memref_slice %arg4[%multiple_of3A_7, %dma_start3A_66] : memref<1250x128xi32, #tpu.memory_space<hbm>> -> memref<40x128xi32, #tpu.memory_space<hbm>>
      %dma_start3A_68 = tpu.memref_slice %arg12[%dma_start3A_65] : memref<3x!tpu.dma_semaphore, #tpu.memory_space<semaphore_mem>> -> memref<1x!tpu.dma_semaphore, #tpu.memory_space<semaphore_mem>>
      %dma_start3A_69 = tpu.memref_squeeze %dma_start3A_68 : memref<1x!tpu.dma_semaphore, #tpu.memory_space<semaphore_mem>> -> memref<!tpu.dma_semaphore, #tpu.memory_space<semaphore_mem>>
      %dma_start3A_70 = arith.constant 0 : i32
      %dma_start3A_71 = tpu.memref_slice %arg4[%multiple_of3A_7, %dma_start3A_70] : memref<1250x128xi32, #tpu.memory_space<hbm>> -> memref<40x128xi32, #tpu.memory_space<hbm>>
      tpu.enqueue_dma source(%dma_start3A_71 : memref<40x128xi32, #tpu.memory_space<hbm>>) target(%arg8 : memref<40x128xi32, #tpu.memory_space<vmem>>) target_semaphore(%dma_start3A_69 : memref<!tpu.dma_semaphore, #tpu.memory_space<semaphore_mem>>)
      %dma_wait3A_72 = arith.constant 0 : i32
      %dma_wait3A_73 = arith.constant 0 : i32
      %dma_wait3A_74 = tpu.memref_slice %arg3[%multiple_of3A_7, %dma_wait3A_73] : memref<1250x128xi32, #tpu.memory_space<hbm>> -> memref<40x128xi32, #tpu.memory_space<hbm>>
      %dma_wait3A_75 = tpu.memref_slice %arg12[%dma_wait3A_72] : memref<3x!tpu.dma_semaphore, #tpu.memory_space<semaphore_mem>> -> memref<1x!tpu.dma_semaphore, #tpu.memory_space<semaphore_mem>>
      %dma_wait3A_76 = tpu.memref_squeeze %dma_wait3A_75 : memref<1x!tpu.dma_semaphore, #tpu.memory_space<semaphore_mem>> -> memref<!tpu.dma_semaphore, #tpu.memory_space<semaphore_mem>>
      %dma_wait3A_77 = arith.constant 0 : i32
      %dma_wait3A_78 = tpu.memref_slice %arg3[%multiple_of3A_7, %dma_wait3A_77] : memref<1250x128xi32, #tpu.memory_space<hbm>> -> memref<40x128xi32, #tpu.memory_space<hbm>>
      tpu.wait_dma2 semaphore(%dma_wait3A_76 : memref<!tpu.dma_semaphore, #tpu.memory_space<semaphore_mem>>) src(%dma_wait3A_78 : memref<40x128xi32, #tpu.memory_space<hbm>>) dst(%arg7 : memref<40x128xi32, #tpu.memory_space<vmem>>)
    } else {
    }
    %convert_element_type3A_16 = arith.extui %eq3A_3 : i1 to i32
    %cond3A_17 = arith.constant 0 : i32
    %cond3A_18 = arith.cmpi ne, %convert_element_type3A_16, %cond3A_17 : i32
    scf.if %cond3A_18 {
      %dma_start3A_58 = arith.constant 0 : i32
      %dma_start3A_59 = arith.constant 0 : i32
      %dma_start3A_60 = arith.constant 0 : i32
      %dma_start3A_61 = tpu.memref_slice %arg7[%dma_start3A_59, %dma_start3A_60] : memref<40x128xi32, #tpu.memory_space<vmem>> -> memref<8x128xi32, #tpu.memory_space<vmem>>
      %dma_start3A_62 = arith.constant 0 : i32
      %dma_start3A_63 = tpu.memref_slice %arg3[%multiple_of3A_7, %dma_start3A_62] : memref<1250x128xi32, #tpu.memory_space<hbm>> -> memref<8x128xi32, #tpu.memory_space<hbm>>
      %dma_start3A_64 = tpu.memref_slice %arg12[%dma_start3A_58] : memref<3x!tpu.dma_semaphore, #tpu.memory_space<semaphore_mem>> -> memref<1x!tpu.dma_semaphore, #tpu.memory_space<semaphore_mem>>
      %dma_start3A_65 = tpu.memref_squeeze %dma_start3A_64 : memref<1x!tpu.dma_semaphore, #tpu.memory_space<semaphore_mem>> -> memref<!tpu.dma_semaphore, #tpu.memory_space<semaphore_mem>>
      %dma_start3A_66 = arith.constant 0 : i32
      %dma_start3A_67 = arith.constant 0 : i32
      %dma_start3A_68 = tpu.memref_slice %arg7[%dma_start3A_66, %dma_start3A_67] : memref<40x128xi32, #tpu.memory_space<vmem>> -> memref<8x128xi32, #tpu.memory_space<vmem>>
      %dma_start3A_69 = arith.constant 0 : i32
      %dma_start3A_70 = tpu.memref_slice %arg3[%multiple_of3A_7, %dma_start3A_69] : memref<1250x128xi32, #tpu.memory_space<hbm>> -> memref<8x128xi32, #tpu.memory_space<hbm>>
      tpu.enqueue_dma source(%dma_start3A_70 : memref<8x128xi32, #tpu.memory_space<hbm>>) target(%dma_start3A_68 : memref<8x128xi32, #tpu.memory_space<vmem>>) target_semaphore(%dma_start3A_65 : memref<!tpu.dma_semaphore, #tpu.memory_space<semaphore_mem>>)
      %add3A_71 = arith.constant 8 : i32
      %add3A_72 = arith.addi %multiple_of3A_7, %add3A_71 : i32
      %dma_start3A_73 = arith.constant 0 : i32
      %dma_start3A_74 = arith.constant 8 : i32
      %dma_start3A_75 = arith.constant 0 : i32
      %dma_start3A_76 = tpu.memref_slice %arg7[%dma_start3A_74, %dma_start3A_75] : memref<40x128xi32, #tpu.memory_space<vmem>> -> memref<2x128xi32, #tpu.memory_space<vmem>>
      %dma_start3A_77 = arith.constant 0 : i32
      %dma_start3A_78 = tpu.memref_slice %arg3[%add3A_72, %dma_start3A_77] : memref<1250x128xi32, #tpu.memory_space<hbm>> -> memref<2x128xi32, #tpu.memory_space<hbm>>
      %dma_start3A_79 = tpu.memref_slice %arg12[%dma_start3A_73] : memref<3x!tpu.dma_semaphore, #tpu.memory_space<semaphore_mem>> -> memref<1x!tpu.dma_semaphore, #tpu.memory_space<semaphore_mem>>
      %dma_start3A_80 = tpu.memref_squeeze %dma_start3A_79 : memref<1x!tpu.dma_semaphore, #tpu.memory_space<semaphore_mem>> -> memref<!tpu.dma_semaphore, #tpu.memory_space<semaphore_mem>>
      %dma_start3A_81 = arith.constant 8 : i32
      %dma_start3A_82 = arith.constant 0 : i32
      %dma_start3A_83 = tpu.memref_slice %arg7[%dma_start3A_81, %dma_start3A_82] : memref<40x128xi32, #tpu.memory_space<vmem>> -> memref<2x128xi32, #tpu.memory_space<vmem>>
      %dma_start3A_84 = arith.constant 0 : i32
      %dma_start3A_85 = tpu.memref_slice %arg3[%add3A_72, %dma_start3A_84] : memref<1250x128xi32, #tpu.memory_space<hbm>> -> memref<2x128xi32, #tpu.memory_space<hbm>>
      tpu.enqueue_dma source(%dma_start3A_85 : memref<2x128xi32, #tpu.memory_space<hbm>>) target(%dma_start3A_83 : memref<2x128xi32, #tpu.memory_space<vmem>>) target_semaphore(%dma_start3A_80 : memref<!tpu.dma_semaphore, #tpu.memory_space<semaphore_mem>>)
      %dma_start3A_86 = arith.constant 1 : i32
      %dma_start3A_87 = arith.constant 0 : i32
      %dma_start3A_88 = arith.constant 0 : i32
      %dma_start3A_89 = tpu.memref_slice %arg8[%dma_start3A_87, %dma_start3A_88] : memref<40x128xi32, #tpu.memory_space<vmem>> -> memref<8x128xi32, #tpu.memory_space<vmem>>
      %dma_start3A_90 = arith.constant 0 : i32
      %dma_start3A_91 = tpu.memref_slice %arg4[%multiple_of3A_7, %dma_start3A_90] : memref<1250x128xi32, #tpu.memory_space<hbm>> -> memref<8x128xi32, #tpu.memory_space<hbm>>
      %dma_start3A_92 = tpu.memref_slice %arg12[%dma_start3A_86] : memref<3x!tpu.dma_semaphore, #tpu.memory_space<semaphore_mem>> -> memref<1x!tpu.dma_semaphore, #tpu.memory_space<semaphore_mem>>
      %dma_start3A_93 = tpu.memref_squeeze %dma_start3A_92 : memref<1x!tpu.dma_semaphore, #tpu.memory_space<semaphore_mem>> -> memref<!tpu.dma_semaphore, #tpu.memory_space<semaphore_mem>>
      %dma_start3A_94 = arith.constant 0 : i32
      %dma_start3A_95 = arith.constant 0 : i32
      %dma_start3A_96 = tpu.memref_slice %arg8[%dma_start3A_94, %dma_start3A_95] : memref<40x128xi32, #tpu.memory_space<vmem>> -> memref<8x128xi32, #tpu.memory_space<vmem>>
      %dma_start3A_97 = arith.constant 0 : i32
      %dma_start3A_98 = tpu.memref_slice %arg4[%multiple_of3A_7, %dma_start3A_97] : memref<1250x128xi32, #tpu.memory_space<hbm>> -> memref<8x128xi32, #tpu.memory_space<hbm>>
      tpu.enqueue_dma source(%dma_start3A_98 : memref<8x128xi32, #tpu.memory_space<hbm>>) target(%dma_start3A_96 : memref<8x128xi32, #tpu.memory_space<vmem>>) target_semaphore(%dma_start3A_93 : memref<!tpu.dma_semaphore, #tpu.memory_space<semaphore_mem>>)
      %add3A_99 = arith.constant 8 : i32
      %add3A_100 = arith.addi %multiple_of3A_7, %add3A_99 : i32
      %dma_start3A_101 = arith.constant 1 : i32
      %dma_start3A_102 = arith.constant 8 : i32
      %dma_start3A_103 = arith.constant 0 : i32
      %dma_start3A_104 = tpu.memref_slice %arg8[%dma_start3A_102, %dma_start3A_103] : memref<40x128xi32, #tpu.memory_space<vmem>> -> memref<2x128xi32, #tpu.memory_space<vmem>>
      %dma_start3A_105 = arith.constant 0 : i32
      %dma_start3A_106 = tpu.memref_slice %arg4[%add3A_100, %dma_start3A_105] : memref<1250x128xi32, #tpu.memory_space<hbm>> -> memref<2x128xi32, #tpu.memory_space<hbm>>
      %dma_start3A_107 = tpu.memref_slice %arg12[%dma_start3A_101] : memref<3x!tpu.dma_semaphore, #tpu.memory_space<semaphore_mem>> -> memref<1x!tpu.dma_semaphore, #tpu.memory_space<semaphore_mem>>
      %dma_start3A_108 = tpu.memref_squeeze %dma_start3A_107 : memref<1x!tpu.dma_semaphore, #tpu.memory_space<semaphore_mem>> -> memref<!tpu.dma_semaphore, #tpu.memory_space<semaphore_mem>>
      %dma_start3A_109 = arith.constant 8 : i32
      %dma_start3A_110 = arith.constant 0 : i32
      %dma_start3A_111 = tpu.memref_slice %arg8[%dma_start3A_109, %dma_start3A_110] : memref<40x128xi32, #tpu.memory_space<vmem>> -> memref<2x128xi32, #tpu.memory_space<vmem>>
      %dma_start3A_112 = arith.constant 0 : i32
      %dma_start3A_113 = tpu.memref_slice %arg4[%add3A_100, %dma_start3A_112] : memref<1250x128xi32, #tpu.memory_space<hbm>> -> memref<2x128xi32, #tpu.memory_space<hbm>>
      tpu.enqueue_dma source(%dma_start3A_113 : memref<2x128xi32, #tpu.memory_space<hbm>>) target(%dma_start3A_111 : memref<2x128xi32, #tpu.memory_space<vmem>>) target_semaphore(%dma_start3A_108 : memref<!tpu.dma_semaphore, #tpu.memory_space<semaphore_mem>>)
      %dma_wait3A_114 = arith.constant 0 : i32
      %dma_wait3A_115 = arith.constant 0 : i32
      %dma_wait3A_116 = arith.constant 0 : i32
      %dma_wait3A_117 = tpu.memref_slice %arg7[%dma_wait3A_115, %dma_wait3A_116] : memref<40x128xi32, #tpu.memory_space<vmem>> -> memref<8x128xi32, #tpu.memory_space<vmem>>
      %dma_wait3A_118 = arith.constant 0 : i32
      %dma_wait3A_119 = tpu.memref_slice %arg3[%multiple_of3A_7, %dma_wait3A_118] : memref<1250x128xi32, #tpu.memory_space<hbm>> -> memref<8x128xi32, #tpu.memory_space<hbm>>
      %dma_wait3A_120 = tpu.memref_slice %arg12[%dma_wait3A_114] : memref<3x!tpu.dma_semaphore, #tpu.memory_space<semaphore_mem>> -> memref<1x!tpu.dma_semaphore, #tpu.memory_space<semaphore_mem>>
      %dma_wait3A_121 = tpu.memref_squeeze %dma_wait3A_120 : memref<1x!tpu.dma_semaphore, #tpu.memory_space<semaphore_mem>> -> memref<!tpu.dma_semaphore, #tpu.memory_space<semaphore_mem>>
      %dma_wait3A_122 = arith.constant 0 : i32
      %dma_wait3A_123 = arith.constant 0 : i32
      %dma_wait3A_124 = tpu.memref_slice %arg7[%dma_wait3A_122, %dma_wait3A_123] : memref<40x128xi32, #tpu.memory_space<vmem>> -> memref<8x128xi32, #tpu.memory_space<vmem>>
      %dma_wait3A_125 = arith.constant 0 : i32
      %dma_wait3A_126 = tpu.memref_slice %arg3[%multiple_of3A_7, %dma_wait3A_125] : memref<1250x128xi32, #tpu.memory_space<hbm>> -> memref<8x128xi32, #tpu.memory_space<hbm>>
      tpu.wait_dma2 semaphore(%dma_wait3A_121 : memref<!tpu.dma_semaphore, #tpu.memory_space<semaphore_mem>>) src(%dma_wait3A_126 : memref<8x128xi32, #tpu.memory_space<hbm>>) dst(%dma_wait3A_124 : memref<8x128xi32, #tpu.memory_space<vmem>>)
      %add3A_127 = arith.constant 8 : i32
      %add3A_128 = arith.addi %multiple_of3A_7, %add3A_127 : i32
      %dma_wait3A_129 = arith.constant 0 : i32
      %dma_wait3A_130 = arith.constant 8 : i32
      %dma_wait3A_131 = arith.constant 0 : i32
      %dma_wait3A_132 = tpu.memref_slice %arg7[%dma_wait3A_130, %dma_wait3A_131] : memref<40x128xi32, #tpu.memory_space<vmem>> -> memref<2x128xi32, #tpu.memory_space<vmem>>
      %dma_wait3A_133 = arith.constant 0 : i32
      %dma_wait3A_134 = tpu.memref_slice %arg3[%add3A_128, %dma_wait3A_133] : memref<1250x128xi32, #tpu.memory_space<hbm>> -> memref<2x128xi32, #tpu.memory_space<hbm>>
      %dma_wait3A_135 = tpu.memref_slice %arg12[%dma_wait3A_129] : memref<3x!tpu.dma_semaphore, #tpu.memory_space<semaphore_mem>> -> memref<1x!tpu.dma_semaphore, #tpu.memory_space<semaphore_mem>>
      %dma_wait3A_136 = tpu.memref_squeeze %dma_wait3A_135 : memref<1x!tpu.dma_semaphore, #tpu.memory_space<semaphore_mem>> -> memref<!tpu.dma_semaphore, #tpu.memory_space<semaphore_mem>>
      %dma_wait3A_137 = arith.constant 8 : i32
      %dma_wait3A_138 = arith.constant 0 : i32
      %dma_wait3A_139 = tpu.memref_slice %arg7[%dma_wait3A_137, %dma_wait3A_138] : memref<40x128xi32, #tpu.memory_space<vmem>> -> memref<2x128xi32, #tpu.memory_space<vmem>>
      %dma_wait3A_140 = arith.constant 0 : i32
      %dma_wait3A_141 = tpu.memref_slice %arg3[%add3A_128, %dma_wait3A_140] : memref<1250x128xi32, #tpu.memory_space<hbm>> -> memref<2x128xi32, #tpu.memory_space<hbm>>
      tpu.wait_dma2 semaphore(%dma_wait3A_136 : memref<!tpu.dma_semaphore, #tpu.memory_space<semaphore_mem>>) src(%dma_wait3A_141 : memref<2x128xi32, #tpu.memory_space<hbm>>) dst(%dma_wait3A_139 : memref<2x128xi32, #tpu.memory_space<vmem>>)
    } else {
    }
    %dma_start3A_19 = arith.constant 0 : i32
    %dma_start3A_20 = arith.constant 0 : i32
    %dma_start3A_21 = arith.constant 0 : i32
    %dma_start3A_22 = arith.constant 0 : i32
    %dma_start3A_23 = arith.constant 0 : i32
    %dma_start3A_24 = tpu.memref_slice %arg9[%dma_start3A_20, %dma_start3A_22, %dma_start3A_23] : memref<2x128x128xf32, #tpu.memory_space<vmem>> -> memref<1x128x128xf32, #tpu.memory_space<vmem>>
    %dma_start3A_25 = tpu.memref_squeeze %dma_start3A_24 : memref<1x128x128xf32, #tpu.memory_space<vmem>> -> memref<128x128xf32, #tpu.memory_space<vmem>>
    %dma_start3A_26 = arith.constant 0 : i32
    %dma_start3A_27 = tpu.memref_slice %arg7[%dma_start3A_19, %dma_start3A_26] : memref<40x128xi32, #tpu.memory_space<vmem>> -> memref<1x128xi32, #tpu.memory_space<vmem>>
    %dma_start3A_28 = tpu.memref_squeeze %dma_start3A_27 : memref<1x128xi32, #tpu.memory_space<vmem>> -> memref<128xi32, #tpu.memory_space<vmem>>
    %dma_start3A_29 = arith.constant 0 : i32
    %dma_start3A_30 = arith.constant 0 : i32
    %dma_start3A_31 = tpu.memref_slice %arg2[%dma_start3A_29, %dma_start3A_30] : memref<10240x128xf32, #tpu.memory_space<hbm>> -> memref<10240x128xf32, #tpu.memory_space<hbm>>
    %dma_start3A_32 = tpu.memref_slice %arg11[%dma_start3A_21] : memref<2x!tpu.dma_semaphore, #tpu.memory_space<semaphore_mem>> -> memref<1x!tpu.dma_semaphore, #tpu.memory_space<semaphore_mem>>
    %dma_start3A_33 = tpu.memref_squeeze %dma_start3A_32 : memref<1x!tpu.dma_semaphore, #tpu.memory_space<semaphore_mem>> -> memref<!tpu.dma_semaphore, #tpu.memory_space<semaphore_mem>>
    tpu.enqueue_indirect_dma source(%dma_start3A_31 : memref<10240x128xf32, #tpu.memory_space<hbm>>) target(%dma_start3A_25 : memref<128x128xf32, #tpu.memory_space<vmem>>) offsets(%dma_start3A_28 : memref<128xi32, #tpu.memory_space<vmem>>) semaphore(%dma_start3A_33 : memref<!tpu.dma_semaphore, #tpu.memory_space<semaphore_mem>>)
    %not3A_34 = arith.constant true
    %not3A_35 = arith.xori %eq3A_3, %not3A_34 : i1
    %convert_element_type3A_36 = arith.extui %not3A_35 : i1 to i32
    %cond3A_37 = arith.constant 0 : i32
    %cond3A_38 = arith.cmpi ne, %convert_element_type3A_36, %cond3A_37 : i32
    scf.if %cond3A_38 {
      %dma_wait3A_58 = arith.constant 1 : i32
      %dma_wait3A_59 = arith.constant 0 : i32
      %dma_wait3A_60 = tpu.memref_slice %arg4[%multiple_of3A_7, %dma_wait3A_59] : memref<1250x128xi32, #tpu.memory_space<hbm>> -> memref<40x128xi32, #tpu.memory_space<hbm>>
      %dma_wait3A_61 = tpu.memref_slice %arg12[%dma_wait3A_58] : memref<3x!tpu.dma_semaphore, #tpu.memory_space<semaphore_mem>> -> memref<1x!tpu.dma_semaphore, #tpu.memory_space<semaphore_mem>>
      %dma_wait3A_62 = tpu.memref_squeeze %dma_wait3A_61 : memref<1x!tpu.dma_semaphore, #tpu.memory_space<semaphore_mem>> -> memref<!tpu.dma_semaphore, #tpu.memory_space<semaphore_mem>>
      %dma_wait3A_63 = arith.constant 0 : i32
      %dma_wait3A_64 = tpu.memref_slice %arg4[%multiple_of3A_7, %dma_wait3A_63] : memref<1250x128xi32, #tpu.memory_space<hbm>> -> memref<40x128xi32, #tpu.memory_space<hbm>>
      tpu.wait_dma2 semaphore(%dma_wait3A_62 : memref<!tpu.dma_semaphore, #tpu.memory_space<semaphore_mem>>) src(%dma_wait3A_64 : memref<40x128xi32, #tpu.memory_space<hbm>>) dst(%arg8 : memref<40x128xi32, #tpu.memory_space<vmem>>)
    } else {
    }
    %convert_element_type3A_39 = arith.extui %eq3A_3 : i1 to i32
    %cond3A_40 = arith.constant 0 : i32
    %cond3A_41 = arith.cmpi ne, %convert_element_type3A_39, %cond3A_40 : i32
    scf.if %cond3A_41 {
      %dma_wait3A_58 = arith.constant 1 : i32
      %dma_wait3A_59 = arith.constant 0 : i32
      %dma_wait3A_60 = arith.constant 0 : i32
      %dma_wait3A_61 = tpu.memref_slice %arg8[%dma_wait3A_59, %dma_wait3A_60] : memref<40x128xi32, #tpu.memory_space<vmem>> -> memref<8x128xi32, #tpu.memory_space<vmem>>
      %dma_wait3A_62 = arith.constant 0 : i32
      %dma_wait3A_63 = tpu.memref_slice %arg4[%multiple_of3A_7, %dma_wait3A_62] : memref<1250x128xi32, #tpu.memory_space<hbm>> -> memref<8x128xi32, #tpu.memory_space<hbm>>
      %dma_wait3A_64 = tpu.memref_slice %arg12[%dma_wait3A_58] : memref<3x!tpu.dma_semaphore, #tpu.memory_space<semaphore_mem>> -> memref<1x!tpu.dma_semaphore, #tpu.memory_space<semaphore_mem>>
      %dma_wait3A_65 = tpu.memref_squeeze %dma_wait3A_64 : memref<1x!tpu.dma_semaphore, #tpu.memory_space<semaphore_mem>> -> memref<!tpu.dma_semaphore, #tpu.memory_space<semaphore_mem>>
      %dma_wait3A_66 = arith.constant 0 : i32
      %dma_wait3A_67 = arith.constant 0 : i32
      %dma_wait3A_68 = tpu.memref_slice %arg8[%dma_wait3A_66, %dma_wait3A_67] : memref<40x128xi32, #tpu.memory_space<vmem>> -> memref<8x128xi32, #tpu.memory_space<vmem>>
      %dma_wait3A_69 = arith.constant 0 : i32
      %dma_wait3A_70 = tpu.memref_slice %arg4[%multiple_of3A_7, %dma_wait3A_69] : memref<1250x128xi32, #tpu.memory_space<hbm>> -> memref<8x128xi32, #tpu.memory_space<hbm>>
      tpu.wait_dma2 semaphore(%dma_wait3A_65 : memref<!tpu.dma_semaphore, #tpu.memory_space<semaphore_mem>>) src(%dma_wait3A_70 : memref<8x128xi32, #tpu.memory_space<hbm>>) dst(%dma_wait3A_68 : memref<8x128xi32, #tpu.memory_space<vmem>>)
      %add3A_71 = arith.constant 8 : i32
      %add3A_72 = arith.addi %multiple_of3A_7, %add3A_71 : i32
      %dma_wait3A_73 = arith.constant 1 : i32
      %dma_wait3A_74 = arith.constant 8 : i32
      %dma_wait3A_75 = arith.constant 0 : i32
      %dma_wait3A_76 = tpu.memref_slice %arg8[%dma_wait3A_74, %dma_wait3A_75] : memref<40x128xi32, #tpu.memory_space<vmem>> -> memref<2x128xi32, #tpu.memory_space<vmem>>
      %dma_wait3A_77 = arith.constant 0 : i32
      %dma_wait3A_78 = tpu.memref_slice %arg4[%add3A_72, %dma_wait3A_77] : memref<1250x128xi32, #tpu.memory_space<hbm>> -> memref<2x128xi32, #tpu.memory_space<hbm>>
      %dma_wait3A_79 = tpu.memref_slice %arg12[%dma_wait3A_73] : memref<3x!tpu.dma_semaphore, #tpu.memory_space<semaphore_mem>> -> memref<1x!tpu.dma_semaphore, #tpu.memory_space<semaphore_mem>>
      %dma_wait3A_80 = tpu.memref_squeeze %dma_wait3A_79 : memref<1x!tpu.dma_semaphore, #tpu.memory_space<semaphore_mem>> -> memref<!tpu.dma_semaphore, #tpu.memory_space<semaphore_mem>>
      %dma_wait3A_81 = arith.constant 8 : i32
      %dma_wait3A_82 = arith.constant 0 : i32
      %dma_wait3A_83 = tpu.memref_slice %arg8[%dma_wait3A_81, %dma_wait3A_82] : memref<40x128xi32, #tpu.memory_space<vmem>> -> memref<2x128xi32, #tpu.memory_space<vmem>>
      %dma_wait3A_84 = arith.constant 0 : i32
      %dma_wait3A_85 = tpu.memref_slice %arg4[%add3A_72, %dma_wait3A_84] : memref<1250x128xi32, #tpu.memory_space<hbm>> -> memref<2x128xi32, #tpu.memory_space<hbm>>
      tpu.wait_dma2 semaphore(%dma_wait3A_80 : memref<!tpu.dma_semaphore, #tpu.memory_space<semaphore_mem>>) src(%dma_wait3A_85 : memref<2x128xi32, #tpu.memory_space<hbm>>) dst(%dma_wait3A_83 : memref<2x128xi32, #tpu.memory_space<vmem>>)
    } else {
    }
    %dma_wait3A = arith.constant 2 : i32
    %dma_wait3A_42 = tpu.memref_slice %arg12[%dma_wait3A] : memref<3x!tpu.dma_semaphore, #tpu.memory_space<semaphore_mem>> -> memref<1x!tpu.dma_semaphore, #tpu.memory_space<semaphore_mem>>
    %dma_wait3A_43 = tpu.memref_squeeze %dma_wait3A_42 : memref<1x!tpu.dma_semaphore, #tpu.memory_space<semaphore_mem>> -> memref<!tpu.dma_semaphore, #tpu.memory_space<semaphore_mem>>
    %dma_wait3A_44 = arith.constant 0 : i32
    %dma_wait3A_45 = tpu.memref_slice %arg10[%multiple_of3A, %dma_wait3A_44] : memref<10240x128xf32, #tpu.memory_space<vmem_shared>> -> memref<640x128xf32, #tpu.memory_space<vmem_shared>>
    %dma_wait3A_46 = arith.constant 0 : i32
    %dma_wait3A_47 = tpu.memref_slice %arg5[%multiple_of3A, %dma_wait3A_46] : memref<10240x128xf32, #tpu.memory_space<hbm>> -> memref<640x128xf32, #tpu.memory_space<hbm>>
    tpu.wait_dma2 semaphore(%dma_wait3A_43 : memref<!tpu.dma_semaphore, #tpu.memory_space<semaphore_mem>>) src(%dma_wait3A_47 : memref<640x128xf32, #tpu.memory_space<hbm>>) dst(%dma_wait3A_45 : memref<640x128xf32, #tpu.memory_space<vmem_shared>>)
    %barrier3A = arith.constant 0 : index
    tpu.barrier barrier_id(%barrier3A)
    %while3A = arith.constant 0 : i32
    %while3A_48 = arith.constant 0 : i32
    %while3A_49 = arith.subi %select_n3A, %while3A_48 : i32
    %while3A_50 = arith.addi %while3A_48, %while3A_49 : i32
    %while3A_51 = arith.constant 1 : i32
    %while3A_52 = arith.divsi %while3A_49, %while3A_51 : i32
    %while3A_53 = arith.muli %while3A_52, %while3A_51 : i32
    %while3A_54 = arith.addi %while3A_48, %while3A_53 : i32
    %while3A_55 = arith.constant 1 : i32
    scf.for %while3A_58 = %while3A_48 to %while3A_54 step %while3A_55  : i32 {
      %rem3A = arith.constant 2 : i32
      %rem3A_59 = arith.remsi %while3A_58, %rem3A : i32
      %add3A_60 = arith.constant 1 : i32
      %add3A_61 = arith.addi %while3A_58, %add3A_60 : i32
      %rem3A_62 = arith.constant 2 : i32
      %rem3A_63 = arith.remsi %add3A_61, %rem3A_62 : i32
      %add3A_64 = arith.constant 1 : i32
      %add3A_65 = arith.addi %while3A_58, %add3A_64 : i32
      %lt3A = arith.cmpi slt, %add3A_65, %select_n3A : i32
      %convert_element_type3A_66 = arith.extui %lt3A : i1 to i32
      %cond3A_67 = arith.constant 0 : i32
      %cond3A_68 = arith.cmpi ne, %convert_element_type3A_66, %cond3A_67 : i32
      scf.if %cond3A_68 {
        %add3A_81 = arith.constant 1 : i32
        %add3A_82 = arith.addi %while3A_58, %add3A_81 : i32
        %dma_start3A_83 = arith.constant 0 : i32
        %dma_start3A_84 = arith.constant 0 : i32
        %dma_start3A_85 = tpu.memref_slice %arg9[%rem3A_63, %dma_start3A_83, %dma_start3A_84] : memref<2x128x128xf32, #tpu.memory_space<vmem>> -> memref<1x128x128xf32, #tpu.memory_space<vmem>>
        %dma_start3A_86 = tpu.memref_squeeze %dma_start3A_85 : memref<1x128x128xf32, #tpu.memory_space<vmem>> -> memref<128x128xf32, #tpu.memory_space<vmem>>
        %dma_start3A_87 = arith.constant 0 : i32
        %dma_start3A_88 = tpu.memref_slice %arg7[%add3A_82, %dma_start3A_87] : memref<40x128xi32, #tpu.memory_space<vmem>> -> memref<1x128xi32, #tpu.memory_space<vmem>>
        %dma_start3A_89 = tpu.memref_squeeze %dma_start3A_88 : memref<1x128xi32, #tpu.memory_space<vmem>> -> memref<128xi32, #tpu.memory_space<vmem>>
        %dma_start3A_90 = arith.constant 0 : i32
        %dma_start3A_91 = arith.constant 0 : i32
        %dma_start3A_92 = tpu.memref_slice %arg2[%dma_start3A_90, %dma_start3A_91] : memref<10240x128xf32, #tpu.memory_space<hbm>> -> memref<10240x128xf32, #tpu.memory_space<hbm>>
        %dma_start3A_93 = tpu.memref_slice %arg11[%rem3A_63] : memref<2x!tpu.dma_semaphore, #tpu.memory_space<semaphore_mem>> -> memref<1x!tpu.dma_semaphore, #tpu.memory_space<semaphore_mem>>
        %dma_start3A_94 = tpu.memref_squeeze %dma_start3A_93 : memref<1x!tpu.dma_semaphore, #tpu.memory_space<semaphore_mem>> -> memref<!tpu.dma_semaphore, #tpu.memory_space<semaphore_mem>>
        tpu.enqueue_indirect_dma source(%dma_start3A_92 : memref<10240x128xf32, #tpu.memory_space<hbm>>) target(%dma_start3A_86 : memref<128x128xf32, #tpu.memory_space<vmem>>) offsets(%dma_start3A_89 : memref<128xi32, #tpu.memory_space<vmem>>) semaphore(%dma_start3A_94 : memref<!tpu.dma_semaphore, #tpu.memory_space<semaphore_mem>>)
      } else {
      }
      %dma_wait3A_69 = arith.constant 0 : i32
      %dma_wait3A_70 = arith.constant 0 : i32
      %dma_wait3A_71 = tpu.memref_slice %arg9[%rem3A_59, %dma_wait3A_69, %dma_wait3A_70] : memref<2x128x128xf32, #tpu.memory_space<vmem>> -> memref<1x128x128xf32, #tpu.memory_space<vmem>>
      %dma_wait3A_72 = tpu.memref_squeeze %dma_wait3A_71 : memref<1x128x128xf32, #tpu.memory_space<vmem>> -> memref<128x128xf32, #tpu.memory_space<vmem>>
      %dma_wait3A_73 = arith.constant 0 : i32
      %dma_wait3A_74 = tpu.memref_slice %arg7[%while3A_58, %dma_wait3A_73] : memref<40x128xi32, #tpu.memory_space<vmem>> -> memref<1x128xi32, #tpu.memory_space<vmem>>
      %dma_wait3A_75 = tpu.memref_squeeze %dma_wait3A_74 : memref<1x128xi32, #tpu.memory_space<vmem>> -> memref<128xi32, #tpu.memory_space<vmem>>
      %dma_wait3A_76 = arith.constant 0 : i32
      %dma_wait3A_77 = arith.constant 0 : i32
      %dma_wait3A_78 = tpu.memref_slice %arg2[%dma_wait3A_76, %dma_wait3A_77] : memref<10240x128xf32, #tpu.memory_space<hbm>> -> memref<10240x128xf32, #tpu.memory_space<hbm>>
      %dma_wait3A_79 = tpu.memref_slice %arg11[%rem3A_59] : memref<2x!tpu.dma_semaphore, #tpu.memory_space<semaphore_mem>> -> memref<1x!tpu.dma_semaphore, #tpu.memory_space<semaphore_mem>>
      %dma_wait3A_80 = tpu.memref_squeeze %dma_wait3A_79 : memref<1x!tpu.dma_semaphore, #tpu.memory_space<semaphore_mem>> -> memref<!tpu.dma_semaphore, #tpu.memory_space<semaphore_mem>>
      tpu.wait_indirect_dma semaphore(%dma_wait3A_80 : memref<!tpu.dma_semaphore, #tpu.memory_space<semaphore_mem>>) src(%dma_wait3A_78 : memref<10240x128xf32, #tpu.memory_space<hbm>>) dst(%dma_wait3A_72 : memref<128x128xf32, #tpu.memory_space<vmem>>)
      "tpu.region"() ({
        %run_scoped3A = tpu.sem_alloc : memref<!tpu.dma_semaphore, #tpu.memory_space<semaphore_mem>>
        %dma_start3A_81 = arith.constant 0 : i32
        %dma_start3A_82 = arith.constant 0 : i32
        %dma_start3A_83 = tpu.memref_slice %arg9[%rem3A_59, %dma_start3A_81, %dma_start3A_82] : memref<2x128x128xf32, #tpu.memory_space<vmem>> -> memref<1x128x128xf32, #tpu.memory_space<vmem>>
        %dma_start3A_84 = tpu.memref_squeeze %dma_start3A_83 : memref<1x128x128xf32, #tpu.memory_space<vmem>> -> memref<128x128xf32, #tpu.memory_space<vmem>>
        %dma_start3A_85 = arith.constant 0 : i32
        %dma_start3A_86 = tpu.memref_slice %arg8[%while3A_58, %dma_start3A_85] : memref<40x128xi32, #tpu.memory_space<vmem>> -> memref<1x128xi32, #tpu.memory_space<vmem>>
        %dma_start3A_87 = tpu.memref_squeeze %dma_start3A_86 : memref<1x128xi32, #tpu.memory_space<vmem>> -> memref<128xi32, #tpu.memory_space<vmem>>
        %dma_start3A_88 = arith.constant 0 : i32
        %dma_start3A_89 = arith.constant 0 : i32
        %dma_start3A_90 = tpu.memref_slice %arg10[%dma_start3A_88, %dma_start3A_89] : memref<10240x128xf32, #tpu.memory_space<vmem_shared>> -> memref<10240x128xf32, #tpu.memory_space<vmem_shared>>
        tpu.enqueue_indirect_dma source(%dma_start3A_84 : memref<128x128xf32, #tpu.memory_space<vmem>>) target(%dma_start3A_90 : memref<10240x128xf32, #tpu.memory_space<vmem_shared>>) offsets(%dma_start3A_87 : memref<128xi32, #tpu.memory_space<vmem>>) semaphore(%run_scoped3A : memref<!tpu.dma_semaphore, #tpu.memory_space<semaphore_mem>>) {add = true}
        %dma_wait3A_91 = arith.constant 0 : i32
        %dma_wait3A_92 = arith.constant 0 : i32
        %dma_wait3A_93 = tpu.memref_slice %arg9[%rem3A_59, %dma_wait3A_91, %dma_wait3A_92] : memref<2x128x128xf32, #tpu.memory_space<vmem>> -> memref<1x128x128xf32, #tpu.memory_space<vmem>>
        %dma_wait3A_94 = tpu.memref_squeeze %dma_wait3A_93 : memref<1x128x128xf32, #tpu.memory_space<vmem>> -> memref<128x128xf32, #tpu.memory_space<vmem>>
        %dma_wait3A_95 = arith.constant 0 : i32
        %dma_wait3A_96 = tpu.memref_slice %arg8[%while3A_58, %dma_wait3A_95] : memref<40x128xi32, #tpu.memory_space<vmem>> -> memref<1x128xi32, #tpu.memory_space<vmem>>
        %dma_wait3A_97 = tpu.memref_squeeze %dma_wait3A_96 : memref<1x128xi32, #tpu.memory_space<vmem>> -> memref<128xi32, #tpu.memory_space<vmem>>
        %dma_wait3A_98 = arith.constant 0 : i32
        %dma_wait3A_99 = arith.constant 0 : i32
        %dma_wait3A_100 = tpu.memref_slice %arg10[%dma_wait3A_98, %dma_wait3A_99] : memref<10240x128xf32, #tpu.memory_space<vmem_shared>> -> memref<10240x128xf32, #tpu.memory_space<vmem_shared>>
        tpu.wait_indirect_dma semaphore(%run_scoped3A : memref<!tpu.dma_semaphore, #tpu.memory_space<semaphore_mem>>) src(%dma_wait3A_94 : memref<128x128xf32, #tpu.memory_space<vmem>>) dst(%dma_wait3A_100 : memref<10240x128xf32, #tpu.memory_space<vmem_shared>>)
        tpu.yield
      }) : () -> ()
    }
    %while3A_56 = arith.constant 1 : i32
    scf.for %while3A_58 = %while3A_54 to %while3A_50 step %while3A_56  : i32 {
      %rem3A = arith.constant 2 : i32
      %rem3A_59 = arith.remsi %while3A_58, %rem3A : i32
      %add3A_60 = arith.constant 1 : i32
      %add3A_61 = arith.addi %while3A_58, %add3A_60 : i32
      %rem3A_62 = arith.constant 2 : i32
      %rem3A_63 = arith.remsi %add3A_61, %rem3A_62 : i32
      %add3A_64 = arith.constant 1 : i32
      %add3A_65 = arith.addi %while3A_58, %add3A_64 : i32
      %lt3A = arith.cmpi slt, %add3A_65, %select_n3A : i32
      %convert_element_type3A_66 = arith.extui %lt3A : i1 to i32
      %cond3A_67 = arith.constant 0 : i32
      %cond3A_68 = arith.cmpi ne, %convert_element_type3A_66, %cond3A_67 : i32
      scf.if %cond3A_68 {
        %add3A_81 = arith.constant 1 : i32
        %add3A_82 = arith.addi %while3A_58, %add3A_81 : i32
        %dma_start3A_83 = arith.constant 0 : i32
        %dma_start3A_84 = arith.constant 0 : i32
        %dma_start3A_85 = tpu.memref_slice %arg9[%rem3A_63, %dma_start3A_83, %dma_start3A_84] : memref<2x128x128xf32, #tpu.memory_space<vmem>> -> memref<1x128x128xf32, #tpu.memory_space<vmem>>
        %dma_start3A_86 = tpu.memref_squeeze %dma_start3A_85 : memref<1x128x128xf32, #tpu.memory_space<vmem>> -> memref<128x128xf32, #tpu.memory_space<vmem>>
        %dma_start3A_87 = arith.constant 0 : i32
        %dma_start3A_88 = tpu.memref_slice %arg7[%add3A_82, %dma_start3A_87] : memref<40x128xi32, #tpu.memory_space<vmem>> -> memref<1x128xi32, #tpu.memory_space<vmem>>
        %dma_start3A_89 = tpu.memref_squeeze %dma_start3A_88 : memref<1x128xi32, #tpu.memory_space<vmem>> -> memref<128xi32, #tpu.memory_space<vmem>>
        %dma_start3A_90 = arith.constant 0 : i32
        %dma_start3A_91 = arith.constant 0 : i32
        %dma_start3A_92 = tpu.memref_slice %arg2[%dma_start3A_90, %dma_start3A_91] : memref<10240x128xf32, #tpu.memory_space<hbm>> -> memref<10240x128xf32, #tpu.memory_space<hbm>>
        %dma_start3A_93 = tpu.memref_slice %arg11[%rem3A_63] : memref<2x!tpu.dma_semaphore, #tpu.memory_space<semaphore_mem>> -> memref<1x!tpu.dma_semaphore, #tpu.memory_space<semaphore_mem>>
        %dma_start3A_94 = tpu.memref_squeeze %dma_start3A_93 : memref<1x!tpu.dma_semaphore, #tpu.memory_space<semaphore_mem>> -> memref<!tpu.dma_semaphore, #tpu.memory_space<semaphore_mem>>
        tpu.enqueue_indirect_dma source(%dma_start3A_92 : memref<10240x128xf32, #tpu.memory_space<hbm>>) target(%dma_start3A_86 : memref<128x128xf32, #tpu.memory_space<vmem>>) offsets(%dma_start3A_89 : memref<128xi32, #tpu.memory_space<vmem>>) semaphore(%dma_start3A_94 : memref<!tpu.dma_semaphore, #tpu.memory_space<semaphore_mem>>)
      } else {
      }
      %dma_wait3A_69 = arith.constant 0 : i32
      %dma_wait3A_70 = arith.constant 0 : i32
      %dma_wait3A_71 = tpu.memref_slice %arg9[%rem3A_59, %dma_wait3A_69, %dma_wait3A_70] : memref<2x128x128xf32, #tpu.memory_space<vmem>> -> memref<1x128x128xf32, #tpu.memory_space<vmem>>
      %dma_wait3A_72 = tpu.memref_squeeze %dma_wait3A_71 : memref<1x128x128xf32, #tpu.memory_space<vmem>> -> memref<128x128xf32, #tpu.memory_space<vmem>>
      %dma_wait3A_73 = arith.constant 0 : i32
      %dma_wait3A_74 = tpu.memref_slice %arg7[%while3A_58, %dma_wait3A_73] : memref<40x128xi32, #tpu.memory_space<vmem>> -> memref<1x128xi32, #tpu.memory_space<vmem>>
      %dma_wait3A_75 = tpu.memref_squeeze %dma_wait3A_74 : memref<1x128xi32, #tpu.memory_space<vmem>> -> memref<128xi32, #tpu.memory_space<vmem>>
      %dma_wait3A_76 = arith.constant 0 : i32
      %dma_wait3A_77 = arith.constant 0 : i32
      %dma_wait3A_78 = tpu.memref_slice %arg2[%dma_wait3A_76, %dma_wait3A_77] : memref<10240x128xf32, #tpu.memory_space<hbm>> -> memref<10240x128xf32, #tpu.memory_space<hbm>>
      %dma_wait3A_79 = tpu.memref_slice %arg11[%rem3A_59] : memref<2x!tpu.dma_semaphore, #tpu.memory_space<semaphore_mem>> -> memref<1x!tpu.dma_semaphore, #tpu.memory_space<semaphore_mem>>
      %dma_wait3A_80 = tpu.memref_squeeze %dma_wait3A_79 : memref<1x!tpu.dma_semaphore, #tpu.memory_space<semaphore_mem>> -> memref<!tpu.dma_semaphore, #tpu.memory_space<semaphore_mem>>
      tpu.wait_indirect_dma semaphore(%dma_wait3A_80 : memref<!tpu.dma_semaphore, #tpu.memory_space<semaphore_mem>>) src(%dma_wait3A_78 : memref<10240x128xf32, #tpu.memory_space<hbm>>) dst(%dma_wait3A_72 : memref<128x128xf32, #tpu.memory_space<vmem>>)
      "tpu.region"() ({
        %run_scoped3A = tpu.sem_alloc : memref<!tpu.dma_semaphore, #tpu.memory_space<semaphore_mem>>
        %dma_start3A_81 = arith.constant 0 : i32
        %dma_start3A_82 = arith.constant 0 : i32
        %dma_start3A_83 = tpu.memref_slice %arg9[%rem3A_59, %dma_start3A_81, %dma_start3A_82] : memref<2x128x128xf32, #tpu.memory_space<vmem>> -> memref<1x128x128xf32, #tpu.memory_space<vmem>>
        %dma_start3A_84 = tpu.memref_squeeze %dma_start3A_83 : memref<1x128x128xf32, #tpu.memory_space<vmem>> -> memref<128x128xf32, #tpu.memory_space<vmem>>
        %dma_start3A_85 = arith.constant 0 : i32
        %dma_start3A_86 = tpu.memref_slice %arg8[%while3A_58, %dma_start3A_85] : memref<40x128xi32, #tpu.memory_space<vmem>> -> memref<1x128xi32, #tpu.memory_space<vmem>>
        %dma_start3A_87 = tpu.memref_squeeze %dma_start3A_86 : memref<1x128xi32, #tpu.memory_space<vmem>> -> memref<128xi32, #tpu.memory_space<vmem>>
        %dma_start3A_88 = arith.constant 0 : i32
        %dma_start3A_89 = arith.constant 0 : i32
        %dma_start3A_90 = tpu.memref_slice %arg10[%dma_start3A_88, %dma_start3A_89] : memref<10240x128xf32, #tpu.memory_space<vmem_shared>> -> memref<10240x128xf32, #tpu.memory_space<vmem_shared>>
        tpu.enqueue_indirect_dma source(%dma_start3A_84 : memref<128x128xf32, #tpu.memory_space<vmem>>) target(%dma_start3A_90 : memref<10240x128xf32, #tpu.memory_space<vmem_shared>>) offsets(%dma_start3A_87 : memref<128xi32, #tpu.memory_space<vmem>>) semaphore(%run_scoped3A : memref<!tpu.dma_semaphore, #tpu.memory_space<semaphore_mem>>) {add = true}
        %dma_wait3A_91 = arith.constant 0 : i32
        %dma_wait3A_92 = arith.constant 0 : i32
        %dma_wait3A_93 = tpu.memref_slice %arg9[%rem3A_59, %dma_wait3A_91, %dma_wait3A_92] : memref<2x128x128xf32, #tpu.memory_space<vmem>> -> memref<1x128x128xf32, #tpu.memory_space<vmem>>
        %dma_wait3A_94 = tpu.memref_squeeze %dma_wait3A_93 : memref<1x128x128xf32, #tpu.memory_space<vmem>> -> memref<128x128xf32, #tpu.memory_space<vmem>>
        %dma_wait3A_95 = arith.constant 0 : i32
        %dma_wait3A_96 = tpu.memref_slice %arg8[%while3A_58, %dma_wait3A_95] : memref<40x128xi32, #tpu.memory_space<vmem>> -> memref<1x128xi32, #tpu.memory_space<vmem>>
        %dma_wait3A_97 = tpu.memref_squeeze %dma_wait3A_96 : memref<1x128xi32, #tpu.memory_space<vmem>> -> memref<128xi32, #tpu.memory_space<vmem>>
        %dma_wait3A_98 = arith.constant 0 : i32
        %dma_wait3A_99 = arith.constant 0 : i32
        %dma_wait3A_100 = tpu.memref_slice %arg10[%dma_wait3A_98, %dma_wait3A_99] : memref<10240x128xf32, #tpu.memory_space<vmem_shared>> -> memref<10240x128xf32, #tpu.memory_space<vmem_shared>>
        tpu.wait_indirect_dma semaphore(%run_scoped3A : memref<!tpu.dma_semaphore, #tpu.memory_space<semaphore_mem>>) src(%dma_wait3A_94 : memref<128x128xf32, #tpu.memory_space<vmem>>) dst(%dma_wait3A_100 : memref<10240x128xf32, #tpu.memory_space<vmem_shared>>)
        tpu.yield
      }) : () -> ()
    }
    %barrier3A_57 = arith.constant 0 : index
    tpu.barrier barrier_id(%barrier3A_57)
    "tpu.region"() ({
      %run_scoped3A = tpu.sem_alloc : memref<!tpu.dma_semaphore, #tpu.memory_space<semaphore_mem>>
      %dma_start3A_58 = arith.constant 0 : i32
      %dma_start3A_59 = tpu.memref_slice %arg6[%arg0, %multiple_of3A, %dma_start3A_58] : memref<2x10240x128xf32, #tpu.memory_space<hbm>> -> memref<1x640x128xf32, #tpu.memory_space<hbm>>
      %dma_start3A_60 = tpu.memref_squeeze %dma_start3A_59 : memref<1x640x128xf32, #tpu.memory_space<hbm>> -> memref<640x128xf32, #tpu.memory_space<hbm>>
      %dma_start3A_61 = arith.constant 0 : i32
      %dma_start3A_62 = tpu.memref_slice %arg10[%multiple_of3A, %dma_start3A_61] : memref<10240x128xf32, #tpu.memory_space<vmem_shared>> -> memref<640x128xf32, #tpu.memory_space<vmem_shared>>
      tpu.enqueue_dma source(%dma_start3A_62 : memref<640x128xf32, #tpu.memory_space<vmem_shared>>) target(%dma_start3A_60 : memref<640x128xf32, #tpu.memory_space<hbm>>) target_semaphore(%run_scoped3A : memref<!tpu.dma_semaphore, #tpu.memory_space<semaphore_mem>>)
      %dma_wait3A_63 = arith.constant 0 : i32
      %dma_wait3A_64 = tpu.memref_slice %arg6[%arg0, %multiple_of3A, %dma_wait3A_63] : memref<2x10240x128xf32, #tpu.memory_space<hbm>> -> memref<1x640x128xf32, #tpu.memory_space<hbm>>
      %dma_wait3A_65 = tpu.memref_squeeze %dma_wait3A_64 : memref<1x640x128xf32, #tpu.memory_space<hbm>> -> memref<640x128xf32, #tpu.memory_space<hbm>>
      %dma_wait3A_66 = arith.constant 0 : i32
      %dma_wait3A_67 = tpu.memref_slice %arg10[%multiple_of3A, %dma_wait3A_66] : memref<10240x128xf32, #tpu.memory_space<vmem_shared>> -> memref<640x128xf32, #tpu.memory_space<vmem_shared>>
      tpu.wait_dma2 semaphore(%run_scoped3A : memref<!tpu.dma_semaphore, #tpu.memory_space<semaphore_mem>>) src(%dma_wait3A_67 : memref<640x128xf32, #tpu.memory_space<vmem_shared>>) dst(%dma_wait3A_65 : memref<640x128xf32, #tpu.memory_space<hbm>>)
      tpu.yield
    }) : () -> ()
    return
  }
}

#map = affine_map<(d0, d1) -> (0, 0)>
module attributes {stable_mosaic.version = 14 : i64} {
  func.func @deg(%arg0: i32, %arg1: i32, %arg2: memref<1250x128xi32, #tpu.memory_space<hbm>>, %arg3: memref<32x10240xf32, #tpu.memory_space<hbm>>, %arg4: memref<40x128xi32, #tpu.memory_space<vmem>>, %arg5: memref<10240xf32, #tpu.memory_space<vmem>>) attributes {dimension_semantics = [#tpu.dimension_semantics<core_parallel>, #tpu.dimension_semantics<subcore_parallel>], iteration_bounds = array<i64: 2, 16>, scalar_prefetch = 0 : i64, scratch_operands = 2 : i64, tpu.core_type = #tpu.core_type<sc_vector_subcore>, window_params = [{transform_indices = #map}, {transform_indices = #map}]} {
    %mul3A = arith.constant 16 : i32
    %mul3A_0 = arith.muli %arg0, %mul3A : i32
    %add3A = arith.addi %mul3A_0, %arg1 : i32
    %eq3A = arith.constant 31 : i32
    %eq3A_1 = arith.cmpi eq, %add3A, %eq3A : i32
    %jit3A = arith.constant 10 : i32
    %jit3A_2 = arith.constant 40 : i32
    %select_n3A = arith.select %eq3A_1, %jit3A, %jit3A_2 : i32
    %mul3A_3 = arith.constant 40 : i32
    %mul3A_4 = arith.muli %add3A, %mul3A_3 : i32
    %multiple_of3A = tpu.assume_multiple %mul3A_4, 8 : i32
    %not3A = arith.constant true
    %not3A_5 = arith.xori %eq3A_1, %not3A : i1
    %convert_element_type3A = arith.extui %not3A_5 : i1 to i32
    %cond3A = arith.constant 0 : i32
    %cond3A_6 = arith.cmpi ne, %convert_element_type3A, %cond3A : i32
    scf.if %cond3A_6 {
      "tpu.region"() ({
        %run_scoped3A = tpu.sem_alloc : memref<!tpu.dma_semaphore, #tpu.memory_space<semaphore_mem>>
        %dma_start3A = arith.constant 0 : i32
        %dma_start3A_27 = tpu.memref_slice %arg2[%multiple_of3A, %dma_start3A] : memref<1250x128xi32, #tpu.memory_space<hbm>> -> memref<40x128xi32, #tpu.memory_space<hbm>>
        %dma_start3A_28 = arith.constant 0 : i32
        %dma_start3A_29 = tpu.memref_slice %arg2[%multiple_of3A, %dma_start3A_28] : memref<1250x128xi32, #tpu.memory_space<hbm>> -> memref<40x128xi32, #tpu.memory_space<hbm>>
        tpu.enqueue_dma source(%dma_start3A_29 : memref<40x128xi32, #tpu.memory_space<hbm>>) target(%arg4 : memref<40x128xi32, #tpu.memory_space<vmem>>) target_semaphore(%run_scoped3A : memref<!tpu.dma_semaphore, #tpu.memory_space<semaphore_mem>>)
        %dma_wait3A = arith.constant 0 : i32
        %dma_wait3A_30 = tpu.memref_slice %arg2[%multiple_of3A, %dma_wait3A] : memref<1250x128xi32, #tpu.memory_space<hbm>> -> memref<40x128xi32, #tpu.memory_space<hbm>>
        %dma_wait3A_31 = arith.constant 0 : i32
        %dma_wait3A_32 = tpu.memref_slice %arg2[%multiple_of3A, %dma_wait3A_31] : memref<1250x128xi32, #tpu.memory_space<hbm>> -> memref<40x128xi32, #tpu.memory_space<hbm>>
        tpu.wait_dma2 semaphore(%run_scoped3A : memref<!tpu.dma_semaphore, #tpu.memory_space<semaphore_mem>>) src(%dma_wait3A_32 : memref<40x128xi32, #tpu.memory_space<hbm>>) dst(%arg4 : memref<40x128xi32, #tpu.memory_space<vmem>>)
        tpu.yield
      }) : () -> ()
    } else {
    }
    %convert_element_type3A_7 = arith.extui %eq3A_1 : i1 to i32
    %cond3A_8 = arith.constant 0 : i32
    %cond3A_9 = arith.cmpi ne, %convert_element_type3A_7, %cond3A_8 : i32
    scf.if %cond3A_9 {
      "tpu.region"() ({
        %run_scoped3A = tpu.sem_alloc : memref<!tpu.dma_semaphore, #tpu.memory_space<semaphore_mem>>
        %dma_start3A = arith.constant 0 : i32
        %dma_start3A_29 = arith.constant 0 : i32
        %dma_start3A_30 = tpu.memref_slice %arg4[%dma_start3A, %dma_start3A_29] : memref<40x128xi32, #tpu.memory_space<vmem>> -> memref<8x128xi32, #tpu.memory_space<vmem>>
        %dma_start3A_31 = arith.constant 0 : i32
        %dma_start3A_32 = tpu.memref_slice %arg2[%multiple_of3A, %dma_start3A_31] : memref<1250x128xi32, #tpu.memory_space<hbm>> -> memref<8x128xi32, #tpu.memory_space<hbm>>
        %dma_start3A_33 = arith.constant 0 : i32
        %dma_start3A_34 = arith.constant 0 : i32
        %dma_start3A_35 = tpu.memref_slice %arg4[%dma_start3A_33, %dma_start3A_34] : memref<40x128xi32, #tpu.memory_space<vmem>> -> memref<8x128xi32, #tpu.memory_space<vmem>>
        %dma_start3A_36 = arith.constant 0 : i32
        %dma_start3A_37 = tpu.memref_slice %arg2[%multiple_of3A, %dma_start3A_36] : memref<1250x128xi32, #tpu.memory_space<hbm>> -> memref<8x128xi32, #tpu.memory_space<hbm>>
        tpu.enqueue_dma source(%dma_start3A_37 : memref<8x128xi32, #tpu.memory_space<hbm>>) target(%dma_start3A_35 : memref<8x128xi32, #tpu.memory_space<vmem>>) target_semaphore(%run_scoped3A : memref<!tpu.dma_semaphore, #tpu.memory_space<semaphore_mem>>)
        %dma_wait3A = arith.constant 0 : i32
        %dma_wait3A_38 = arith.constant 0 : i32
        %dma_wait3A_39 = tpu.memref_slice %arg4[%dma_wait3A, %dma_wait3A_38] : memref<40x128xi32, #tpu.memory_space<vmem>> -> memref<8x128xi32, #tpu.memory_space<vmem>>
        %dma_wait3A_40 = arith.constant 0 : i32
        %dma_wait3A_41 = tpu.memref_slice %arg2[%multiple_of3A, %dma_wait3A_40] : memref<1250x128xi32, #tpu.memory_space<hbm>> -> memref<8x128xi32, #tpu.memory_space<hbm>>
        %dma_wait3A_42 = arith.constant 0 : i32
        %dma_wait3A_43 = arith.constant 0 : i32
        %dma_wait3A_44 = tpu.memref_slice %arg4[%dma_wait3A_42, %dma_wait3A_43] : memref<40x128xi32, #tpu.memory_space<vmem>> -> memref<8x128xi32, #tpu.memory_space<vmem>>
        %dma_wait3A_45 = arith.constant 0 : i32
        %dma_wait3A_46 = tpu.memref_slice %arg2[%multiple_of3A, %dma_wait3A_45] : memref<1250x128xi32, #tpu.memory_space<hbm>> -> memref<8x128xi32, #tpu.memory_space<hbm>>
        tpu.wait_dma2 semaphore(%run_scoped3A : memref<!tpu.dma_semaphore, #tpu.memory_space<semaphore_mem>>) src(%dma_wait3A_46 : memref<8x128xi32, #tpu.memory_space<hbm>>) dst(%dma_wait3A_44 : memref<8x128xi32, #tpu.memory_space<vmem>>)
        tpu.yield
      }) : () -> ()
      %add3A_27 = arith.constant 8 : i32
      %add3A_28 = arith.addi %multiple_of3A, %add3A_27 : i32
      "tpu.region"() ({
        %run_scoped3A = tpu.sem_alloc : memref<!tpu.dma_semaphore, #tpu.memory_space<semaphore_mem>>
        %dma_start3A = arith.constant 8 : i32
        %dma_start3A_29 = arith.constant 0 : i32
        %dma_start3A_30 = tpu.memref_slice %arg4[%dma_start3A, %dma_start3A_29] : memref<40x128xi32, #tpu.memory_space<vmem>> -> memref<2x128xi32, #tpu.memory_space<vmem>>
        %dma_start3A_31 = arith.constant 0 : i32
        %dma_start3A_32 = tpu.memref_slice %arg2[%add3A_28, %dma_start3A_31] : memref<1250x128xi32, #tpu.memory_space<hbm>> -> memref<2x128xi32, #tpu.memory_space<hbm>>
        %dma_start3A_33 = arith.constant 8 : i32
        %dma_start3A_34 = arith.constant 0 : i32
        %dma_start3A_35 = tpu.memref_slice %arg4[%dma_start3A_33, %dma_start3A_34] : memref<40x128xi32, #tpu.memory_space<vmem>> -> memref<2x128xi32, #tpu.memory_space<vmem>>
        %dma_start3A_36 = arith.constant 0 : i32
        %dma_start3A_37 = tpu.memref_slice %arg2[%add3A_28, %dma_start3A_36] : memref<1250x128xi32, #tpu.memory_space<hbm>> -> memref<2x128xi32, #tpu.memory_space<hbm>>
        tpu.enqueue_dma source(%dma_start3A_37 : memref<2x128xi32, #tpu.memory_space<hbm>>) target(%dma_start3A_35 : memref<2x128xi32, #tpu.memory_space<vmem>>) target_semaphore(%run_scoped3A : memref<!tpu.dma_semaphore, #tpu.memory_space<semaphore_mem>>)
        %dma_wait3A = arith.constant 8 : i32
        %dma_wait3A_38 = arith.constant 0 : i32
        %dma_wait3A_39 = tpu.memref_slice %arg4[%dma_wait3A, %dma_wait3A_38] : memref<40x128xi32, #tpu.memory_space<vmem>> -> memref<2x128xi32, #tpu.memory_space<vmem>>
        %dma_wait3A_40 = arith.constant 0 : i32
        %dma_wait3A_41 = tpu.memref_slice %arg2[%add3A_28, %dma_wait3A_40] : memref<1250x128xi32, #tpu.memory_space<hbm>> -> memref<2x128xi32, #tpu.memory_space<hbm>>
        %dma_wait3A_42 = arith.constant 8 : i32
        %dma_wait3A_43 = arith.constant 0 : i32
        %dma_wait3A_44 = tpu.memref_slice %arg4[%dma_wait3A_42, %dma_wait3A_43] : memref<40x128xi32, #tpu.memory_space<vmem>> -> memref<2x128xi32, #tpu.memory_space<vmem>>
        %dma_wait3A_45 = arith.constant 0 : i32
        %dma_wait3A_46 = tpu.memref_slice %arg2[%add3A_28, %dma_wait3A_45] : memref<1250x128xi32, #tpu.memory_space<hbm>> -> memref<2x128xi32, #tpu.memory_space<hbm>>
        tpu.wait_dma2 semaphore(%run_scoped3A : memref<!tpu.dma_semaphore, #tpu.memory_space<semaphore_mem>>) src(%dma_wait3A_46 : memref<2x128xi32, #tpu.memory_space<hbm>>) dst(%dma_wait3A_44 : memref<2x128xi32, #tpu.memory_space<vmem>>)
        tpu.yield
      }) : () -> ()
    } else {
    }
    %broadcast_in_dim3A = arith.constant 0.000000e+00 : f32
    %broadcast_in_dim3A_10 = vector.broadcast %broadcast_in_dim3A : f32 to vector<16xf32>
    %scan3A = arith.constant 0 : i32
    %scan3A_11 = arith.constant 0 : i32
    %scan3A_12 = arith.constant 640 : i32
    %scan3A_13 = arith.addi %scan3A_11, %scan3A_12 : i32
    %scan3A_14 = arith.constant 1 : i32
    scf.for %scan3A_27 = %scan3A_11 to %scan3A_13 step %scan3A_14  : i32 {
      %mul3A_28 = arith.constant 16 : i32
      %mul3A_29 = arith.muli %scan3A_27, %mul3A_28 : i32
      %swap3A = arith.index_cast %mul3A_29 : i32 to index
      %swap3A_30 = tpu.vector_load %arg5[%swap3A] {strides = array<i32>} : memref<10240xf32, #tpu.memory_space<vmem>>, vector<16xf32>,
      tpu.vector_store %arg5[%swap3A], %broadcast_in_dim3A_10 {strides = array<i32>} : memref<10240xf32, #tpu.memory_space<vmem>>, vector<16xf32>,
    }
    %scan3A_15 = arith.constant 640 : i32
    %broadcast_in_dim3A_16 = arith.constant 1.000000e+00 : f32
    %broadcast_in_dim3A_17 = vector.broadcast %broadcast_in_dim3A_16 : f32 to vector<16xf32>
    %while3A = arith.constant 0 : i32
    %while3A_18 = arith.constant 0 : i32
    %while3A_19 = arith.subi %select_n3A, %while3A_18 : i32
    %while3A_20 = arith.addi %while3A_18, %while3A_19 : i32
    %while3A_21 = arith.constant 1 : i32
    %while3A_22 = arith.divsi %while3A_19, %while3A_21 : i32
    %while3A_23 = arith.muli %while3A_22, %while3A_21 : i32
    %while3A_24 = arith.addi %while3A_18, %while3A_23 : i32
    %while3A_25 = arith.constant 1 : i32
    scf.for %while3A_27 = %while3A_18 to %while3A_24 step %while3A_25  : i32 {
      %get3A = arith.index_cast %while3A_27 : i32 to index
      %get3A_28 = arith.constant 0 : index
      %get3A_29 = tpu.vector_load %arg4[%get3A, %get3A_28] {strides = array<i32>} : memref<40x128xi32, #tpu.memory_space<vmem>>, vector<16xi32>,
      tpu.vector_store_idx %arg5[%get3A_29], %broadcast_in_dim3A_17 {add = true} : memref<10240xf32, #tpu.memory_space<vmem>>[vector<16xi32>], vector<16xf32>,
      %get3A_30 = arith.index_cast %while3A_27 : i32 to index
      %get3A_31 = arith.constant 16 : index
      %get3A_32 = tpu.vector_load %arg4[%get3A_30, %get3A_31] {strides = array<i32>} : memref<40x128xi32, #tpu.memory_space<vmem>>, vector<16xi32>,
      tpu.vector_store_idx %arg5[%get3A_32], %broadcast_in_dim3A_17 {add = true} : memref<10240xf32, #tpu.memory_space<vmem>>[vector<16xi32>], vector<16xf32>,
      %get3A_33 = arith.index_cast %while3A_27 : i32 to index
      %get3A_34 = arith.constant 32 : index
      %get3A_35 = tpu.vector_load %arg4[%get3A_33, %get3A_34] {strides = array<i32>} : memref<40x128xi32, #tpu.memory_space<vmem>>, vector<16xi32>,
      tpu.vector_store_idx %arg5[%get3A_35], %broadcast_in_dim3A_17 {add = true} : memref<10240xf32, #tpu.memory_space<vmem>>[vector<16xi32>], vector<16xf32>,
      %get3A_36 = arith.index_cast %while3A_27 : i32 to index
      %get3A_37 = arith.constant 48 : index
      %get3A_38 = tpu.vector_load %arg4[%get3A_36, %get3A_37] {strides = array<i32>} : memref<40x128xi32, #tpu.memory_space<vmem>>, vector<16xi32>,
      tpu.vector_store_idx %arg5[%get3A_38], %broadcast_in_dim3A_17 {add = true} : memref<10240xf32, #tpu.memory_space<vmem>>[vector<16xi32>], vector<16xf32>,
      %get3A_39 = arith.index_cast %while3A_27 : i32 to index
      %get3A_40 = arith.constant 64 : index
      %get3A_41 = tpu.vector_load %arg4[%get3A_39, %get3A_40] {strides = array<i32>} : memref<40x128xi32, #tpu.memory_space<vmem>>, vector<16xi32>,
      tpu.vector_store_idx %arg5[%get3A_41], %broadcast_in_dim3A_17 {add = true} : memref<10240xf32, #tpu.memory_space<vmem>>[vector<16xi32>], vector<16xf32>,
      %get3A_42 = arith.index_cast %while3A_27 : i32 to index
      %get3A_43 = arith.constant 80 : index
      %get3A_44 = tpu.vector_load %arg4[%get3A_42, %get3A_43] {strides = array<i32>} : memref<40x128xi32, #tpu.memory_space<vmem>>, vector<16xi32>,
      tpu.vector_store_idx %arg5[%get3A_44], %broadcast_in_dim3A_17 {add = true} : memref<10240xf32, #tpu.memory_space<vmem>>[vector<16xi32>], vector<16xf32>,
      %get3A_45 = arith.index_cast %while3A_27 : i32 to index
      %get3A_46 = arith.constant 96 : index
      %get3A_47 = tpu.vector_load %arg4[%get3A_45, %get3A_46] {strides = array<i32>} : memref<40x128xi32, #tpu.memory_space<vmem>>, vector<16xi32>,
      tpu.vector_store_idx %arg5[%get3A_47], %broadcast_in_dim3A_17 {add = true} : memref<10240xf32, #tpu.memory_space<vmem>>[vector<16xi32>], vector<16xf32>,
      %get3A_48 = arith.index_cast %while3A_27 : i32 to index
      %get3A_49 = arith.constant 112 : index
      %get3A_50 = tpu.vector_load %arg4[%get3A_48, %get3A_49] {strides = array<i32>} : memref<40x128xi32, #tpu.memory_space<vmem>>, vector<16xi32>,
      tpu.vector_store_idx %arg5[%get3A_50], %broadcast_in_dim3A_17 {add = true} : memref<10240xf32, #tpu.memory_space<vmem>>[vector<16xi32>], vector<16xf32>,
    }
    %while3A_26 = arith.constant 1 : i32
    scf.for %while3A_27 = %while3A_24 to %while3A_20 step %while3A_26  : i32 {
      %get3A = arith.index_cast %while3A_27 : i32 to index
      %get3A_28 = arith.constant 0 : index
      %get3A_29 = tpu.vector_load %arg4[%get3A, %get3A_28] {strides = array<i32>} : memref<40x128xi32, #tpu.memory_space<vmem>>, vector<16xi32>,
      tpu.vector_store_idx %arg5[%get3A_29], %broadcast_in_dim3A_17 {add = true} : memref<10240xf32, #tpu.memory_space<vmem>>[vector<16xi32>], vector<16xf32>,
      %get3A_30 = arith.index_cast %while3A_27 : i32 to index
      %get3A_31 = arith.constant 16 : index
      %get3A_32 = tpu.vector_load %arg4[%get3A_30, %get3A_31] {strides = array<i32>} : memref<40x128xi32, #tpu.memory_space<vmem>>, vector<16xi32>,
      tpu.vector_store_idx %arg5[%get3A_32], %broadcast_in_dim3A_17 {add = true} : memref<10240xf32, #tpu.memory_space<vmem>>[vector<16xi32>], vector<16xf32>,
      %get3A_33 = arith.index_cast %while3A_27 : i32 to index
      %get3A_34 = arith.constant 32 : index
      %get3A_35 = tpu.vector_load %arg4[%get3A_33, %get3A_34] {strides = array<i32>} : memref<40x128xi32, #tpu.memory_space<vmem>>, vector<16xi32>,
      tpu.vector_store_idx %arg5[%get3A_35], %broadcast_in_dim3A_17 {add = true} : memref<10240xf32, #tpu.memory_space<vmem>>[vector<16xi32>], vector<16xf32>,
      %get3A_36 = arith.index_cast %while3A_27 : i32 to index
      %get3A_37 = arith.constant 48 : index
      %get3A_38 = tpu.vector_load %arg4[%get3A_36, %get3A_37] {strides = array<i32>} : memref<40x128xi32, #tpu.memory_space<vmem>>, vector<16xi32>,
      tpu.vector_store_idx %arg5[%get3A_38], %broadcast_in_dim3A_17 {add = true} : memref<10240xf32, #tpu.memory_space<vmem>>[vector<16xi32>], vector<16xf32>,
      %get3A_39 = arith.index_cast %while3A_27 : i32 to index
      %get3A_40 = arith.constant 64 : index
      %get3A_41 = tpu.vector_load %arg4[%get3A_39, %get3A_40] {strides = array<i32>} : memref<40x128xi32, #tpu.memory_space<vmem>>, vector<16xi32>,
      tpu.vector_store_idx %arg5[%get3A_41], %broadcast_in_dim3A_17 {add = true} : memref<10240xf32, #tpu.memory_space<vmem>>[vector<16xi32>], vector<16xf32>,
      %get3A_42 = arith.index_cast %while3A_27 : i32 to index
      %get3A_43 = arith.constant 80 : index
      %get3A_44 = tpu.vector_load %arg4[%get3A_42, %get3A_43] {strides = array<i32>} : memref<40x128xi32, #tpu.memory_space<vmem>>, vector<16xi32>,
      tpu.vector_store_idx %arg5[%get3A_44], %broadcast_in_dim3A_17 {add = true} : memref<10240xf32, #tpu.memory_space<vmem>>[vector<16xi32>], vector<16xf32>,
      %get3A_45 = arith.index_cast %while3A_27 : i32 to index
      %get3A_46 = arith.constant 96 : index
      %get3A_47 = tpu.vector_load %arg4[%get3A_45, %get3A_46] {strides = array<i32>} : memref<40x128xi32, #tpu.memory_space<vmem>>, vector<16xi32>,
      tpu.vector_store_idx %arg5[%get3A_47], %broadcast_in_dim3A_17 {add = true} : memref<10240xf32, #tpu.memory_space<vmem>>[vector<16xi32>], vector<16xf32>,
      %get3A_48 = arith.index_cast %while3A_27 : i32 to index
      %get3A_49 = arith.constant 112 : index
      %get3A_50 = tpu.vector_load %arg4[%get3A_48, %get3A_49] {strides = array<i32>} : memref<40x128xi32, #tpu.memory_space<vmem>>, vector<16xi32>,
      tpu.vector_store_idx %arg5[%get3A_50], %broadcast_in_dim3A_17 {add = true} : memref<10240xf32, #tpu.memory_space<vmem>>[vector<16xi32>], vector<16xf32>,
    }
    "tpu.region"() ({
      %run_scoped3A = tpu.sem_alloc : memref<!tpu.dma_semaphore, #tpu.memory_space<semaphore_mem>>
      %dma_start3A = arith.constant 0 : i32
      %dma_start3A_27 = tpu.memref_slice %arg3[%add3A, %dma_start3A] : memref<32x10240xf32, #tpu.memory_space<hbm>> -> memref<1x10240xf32, #tpu.memory_space<hbm>>
      %dma_start3A_28 = tpu.memref_squeeze %dma_start3A_27 : memref<1x10240xf32, #tpu.memory_space<hbm>> -> memref<10240xf32, #tpu.memory_space<hbm>>
      %dma_start3A_29 = arith.constant 0 : i32
      %dma_start3A_30 = tpu.memref_slice %arg3[%add3A, %dma_start3A_29] : memref<32x10240xf32, #tpu.memory_space<hbm>> -> memref<1x10240xf32, #tpu.memory_space<hbm>>
      %dma_start3A_31 = tpu.memref_squeeze %dma_start3A_30 : memref<1x10240xf32, #tpu.memory_space<hbm>> -> memref<10240xf32, #tpu.memory_space<hbm>>
      tpu.enqueue_dma source(%arg5 : memref<10240xf32, #tpu.memory_space<vmem>>) target(%dma_start3A_31 : memref<10240xf32, #tpu.memory_space<hbm>>) target_semaphore(%run_scoped3A : memref<!tpu.dma_semaphore, #tpu.memory_space<semaphore_mem>>)
      %dma_wait3A = arith.constant 0 : i32
      %dma_wait3A_32 = tpu.memref_slice %arg3[%add3A, %dma_wait3A] : memref<32x10240xf32, #tpu.memory_space<hbm>> -> memref<1x10240xf32, #tpu.memory_space<hbm>>
      %dma_wait3A_33 = tpu.memref_squeeze %dma_wait3A_32 : memref<1x10240xf32, #tpu.memory_space<hbm>> -> memref<10240xf32, #tpu.memory_space<hbm>>
      %dma_wait3A_34 = arith.constant 0 : i32
      %dma_wait3A_35 = tpu.memref_slice %arg3[%add3A, %dma_wait3A_34] : memref<32x10240xf32, #tpu.memory_space<hbm>> -> memref<1x10240xf32, #tpu.memory_space<hbm>>
      %dma_wait3A_36 = tpu.memref_squeeze %dma_wait3A_35 : memref<1x10240xf32, #tpu.memory_space<hbm>> -> memref<10240xf32, #tpu.memory_space<hbm>>
      tpu.wait_dma2 semaphore(%run_scoped3A : memref<!tpu.dma_semaphore, #tpu.memory_space<semaphore_mem>>) src(%arg5 : memref<10240xf32, #tpu.memory_space<vmem>>) dst(%dma_wait3A_36 : memref<10240xf32, #tpu.memory_space<hbm>>)
      tpu.yield
    }) : () -> ()
    return
  }
}

#map = affine_map<(d0, d1) -> (0, 0)>
#map1 = affine_map<(d0, d1) -> (0, 0, 0)>
module attributes {stable_mosaic.version = 14 : i64} {
  func.func @agg(%arg0: i32, %arg1: i32, %arg2: memref<10240x128xf32, #tpu.memory_space<hbm>>, %arg3: memref<1250x128xi32, #tpu.memory_space<hbm>>, %arg4: memref<1250x128xi32, #tpu.memory_space<hbm>>, %arg5: memref<10240x128xf32, #tpu.memory_space<hbm>>, %arg6: memref<2x10240x128xf32, #tpu.memory_space<hbm>>, %arg7: memref<40x128xi32, #tpu.memory_space<vmem>>, %arg8: memref<40x128xi32, #tpu.memory_space<vmem>>, %arg9: memref<2x128x128xf32, #tpu.memory_space<vmem>>, %arg10: memref<10240x128xf32, #tpu.memory_space<vmem_shared>>, %arg11: memref<2x!tpu.dma_semaphore, #tpu.memory_space<semaphore_mem>>, %arg12: memref<3x!tpu.dma_semaphore, #tpu.memory_space<semaphore_mem>>) attributes {dimension_semantics = [#tpu.dimension_semantics<core_parallel>, #tpu.dimension_semantics<subcore_parallel>], iteration_bounds = array<i64: 2, 16>, scalar_prefetch = 0 : i64, scratch_operands = 6 : i64, tpu.core_type = #tpu.core_type<sc_vector_subcore>, window_params = [{transform_indices = #map}, {transform_indices = #map}, {transform_indices = #map}, {transform_indices = #map}, {transform_indices = #map1}]} {
    %mul3A = arith.constant 16 : i32
    %mul3A_0 = arith.muli %arg0, %mul3A : i32
    %add3A = arith.addi %mul3A_0, %arg1 : i32
    %mul3A_1 = arith.constant 640 : i32
    %mul3A_2 = arith.muli %arg1, %mul3A_1 : i32
    %multiple_of3A = tpu.assume_multiple %mul3A_2, 8 : i32
    %eq3A = arith.constant 31 : i32
    %eq3A_3 = arith.cmpi eq, %add3A, %eq3A : i32
    %jit3A = arith.constant 10 : i32
    %jit3A_4 = arith.constant 40 : i32
    %select_n3A = arith.select %eq3A_3, %jit3A, %jit3A_4 : i32
    %mul3A_5 = arith.constant 40 : i32
    %mul3A_6 = arith.muli %add3A, %mul3A_5 : i32
    %multiple_of3A_7 = tpu.assume_multiple %mul3A_6, 8 : i32
    %dma_start3A = arith.constant 2 : i32
    %dma_start3A_8 = tpu.memref_slice %arg12[%dma_start3A] : memref<3x!tpu.dma_semaphore, #tpu.memory_space<semaphore_mem>> -> memref<1x!tpu.dma_semaphore, #tpu.memory_space<semaphore_mem>>
    %dma_start3A_9 = tpu.memref_squeeze %dma_start3A_8 : memref<1x!tpu.dma_semaphore, #tpu.memory_space<semaphore_mem>> -> memref<!tpu.dma_semaphore, #tpu.memory_space<semaphore_mem>>
    %dma_start3A_10 = arith.constant 0 : i32
    %dma_start3A_11 = tpu.memref_slice %arg10[%multiple_of3A, %dma_start3A_10] : memref<10240x128xf32, #tpu.memory_space<vmem_shared>> -> memref<640x128xf32, #tpu.memory_space<vmem_shared>>
    %dma_start3A_12 = arith.constant 0 : i32
    %dma_start3A_13 = tpu.memref_slice %arg5[%multiple_of3A, %dma_start3A_12] : memref<10240x128xf32, #tpu.memory_space<hbm>> -> memref<640x128xf32, #tpu.memory_space<hbm>>
    tpu.enqueue_dma source(%dma_start3A_13 : memref<640x128xf32, #tpu.memory_space<hbm>>) target(%dma_start3A_11 : memref<640x128xf32, #tpu.memory_space<vmem_shared>>) target_semaphore(%dma_start3A_9 : memref<!tpu.dma_semaphore, #tpu.memory_space<semaphore_mem>>)
    %not3A = arith.constant true
    %not3A_14 = arith.xori %eq3A_3, %not3A : i1
    %convert_element_type3A = arith.extui %not3A_14 : i1 to i32
    %cond3A = arith.constant 0 : i32
    %cond3A_15 = arith.cmpi ne, %convert_element_type3A, %cond3A : i32
    scf.if %cond3A_15 {
      %dma_start3A_58 = arith.constant 0 : i32
      %dma_start3A_59 = arith.constant 0 : i32
      %dma_start3A_60 = tpu.memref_slice %arg3[%multiple_of3A_7, %dma_start3A_59] : memref<1250x128xi32, #tpu.memory_space<hbm>> -> memref<40x128xi32, #tpu.memory_space<hbm>>
      %dma_start3A_61 = tpu.memref_slice %arg12[%dma_start3A_58] : memref<3x!tpu.dma_semaphore, #tpu.memory_space<semaphore_mem>> -> memref<1x!tpu.dma_semaphore, #tpu.memory_space<semaphore_mem>>
      %dma_start3A_62 = tpu.memref_squeeze %dma_start3A_61 : memref<1x!tpu.dma_semaphore, #tpu.memory_space<semaphore_mem>> -> memref<!tpu.dma_semaphore, #tpu.memory_space<semaphore_mem>>
      %dma_start3A_63 = arith.constant 0 : i32
      %dma_start3A_64 = tpu.memref_slice %arg3[%multiple_of3A_7, %dma_start3A_63] : memref<1250x128xi32, #tpu.memory_space<hbm>> -> memref<40x128xi32, #tpu.memory_space<hbm>>
      tpu.enqueue_dma source(%dma_start3A_64 : memref<40x128xi32, #tpu.memory_space<hbm>>) target(%arg7 : memref<40x128xi32, #tpu.memory_space<vmem>>) target_semaphore(%dma_start3A_62 : memref<!tpu.dma_semaphore, #tpu.memory_space<semaphore_mem>>)
      %dma_start3A_65 = arith.constant 1 : i32
      %dma_start3A_66 = arith.constant 0 : i32
      %dma_start3A_67 = tpu.memref_slice %arg4[%multiple_of3A_7, %dma_start3A_66] : memref<1250x128xi32, #tpu.memory_space<hbm>> -> memref<40x128xi32, #tpu.memory_space<hbm>>
      %dma_start3A_68 = tpu.memref_slice %arg12[%dma_start3A_65] : memref<3x!tpu.dma_semaphore, #tpu.memory_space<semaphore_mem>> -> memref<1x!tpu.dma_semaphore, #tpu.memory_space<semaphore_mem>>
      %dma_start3A_69 = tpu.memref_squeeze %dma_start3A_68 : memref<1x!tpu.dma_semaphore, #tpu.memory_space<semaphore_mem>> -> memref<!tpu.dma_semaphore, #tpu.memory_space<semaphore_mem>>
      %dma_start3A_70 = arith.constant 0 : i32
      %dma_start3A_71 = tpu.memref_slice %arg4[%multiple_of3A_7, %dma_start3A_70] : memref<1250x128xi32, #tpu.memory_space<hbm>> -> memref<40x128xi32, #tpu.memory_space<hbm>>
      tpu.enqueue_dma source(%dma_start3A_71 : memref<40x128xi32, #tpu.memory_space<hbm>>) target(%arg8 : memref<40x128xi32, #tpu.memory_space<vmem>>) target_semaphore(%dma_start3A_69 : memref<!tpu.dma_semaphore, #tpu.memory_space<semaphore_mem>>)
      %dma_wait3A_72 = arith.constant 0 : i32
      %dma_wait3A_73 = arith.constant 0 : i32
      %dma_wait3A_74 = tpu.memref_slice %arg3[%multiple_of3A_7, %dma_wait3A_73] : memref<1250x128xi32, #tpu.memory_space<hbm>> -> memref<40x128xi32, #tpu.memory_space<hbm>>
      %dma_wait3A_75 = tpu.memref_slice %arg12[%dma_wait3A_72] : memref<3x!tpu.dma_semaphore, #tpu.memory_space<semaphore_mem>> -> memref<1x!tpu.dma_semaphore, #tpu.memory_space<semaphore_mem>>
      %dma_wait3A_76 = tpu.memref_squeeze %dma_wait3A_75 : memref<1x!tpu.dma_semaphore, #tpu.memory_space<semaphore_mem>> -> memref<!tpu.dma_semaphore, #tpu.memory_space<semaphore_mem>>
      %dma_wait3A_77 = arith.constant 0 : i32
      %dma_wait3A_78 = tpu.memref_slice %arg3[%multiple_of3A_7, %dma_wait3A_77] : memref<1250x128xi32, #tpu.memory_space<hbm>> -> memref<40x128xi32, #tpu.memory_space<hbm>>
      tpu.wait_dma2 semaphore(%dma_wait3A_76 : memref<!tpu.dma_semaphore, #tpu.memory_space<semaphore_mem>>) src(%dma_wait3A_78 : memref<40x128xi32, #tpu.memory_space<hbm>>) dst(%arg7 : memref<40x128xi32, #tpu.memory_space<vmem>>)
    } else {
    }
    %convert_element_type3A_16 = arith.extui %eq3A_3 : i1 to i32
    %cond3A_17 = arith.constant 0 : i32
    %cond3A_18 = arith.cmpi ne, %convert_element_type3A_16, %cond3A_17 : i32
    scf.if %cond3A_18 {
      %dma_start3A_58 = arith.constant 0 : i32
      %dma_start3A_59 = arith.constant 0 : i32
      %dma_start3A_60 = arith.constant 0 : i32
      %dma_start3A_61 = tpu.memref_slice %arg7[%dma_start3A_59, %dma_start3A_60] : memref<40x128xi32, #tpu.memory_space<vmem>> -> memref<8x128xi32, #tpu.memory_space<vmem>>
      %dma_start3A_62 = arith.constant 0 : i32
      %dma_start3A_63 = tpu.memref_slice %arg3[%multiple_of3A_7, %dma_start3A_62] : memref<1250x128xi32, #tpu.memory_space<hbm>> -> memref<8x128xi32, #tpu.memory_space<hbm>>
      %dma_start3A_64 = tpu.memref_slice %arg12[%dma_start3A_58] : memref<3x!tpu.dma_semaphore, #tpu.memory_space<semaphore_mem>> -> memref<1x!tpu.dma_semaphore, #tpu.memory_space<semaphore_mem>>
      %dma_start3A_65 = tpu.memref_squeeze %dma_start3A_64 : memref<1x!tpu.dma_semaphore, #tpu.memory_space<semaphore_mem>> -> memref<!tpu.dma_semaphore, #tpu.memory_space<semaphore_mem>>
      %dma_start3A_66 = arith.constant 0 : i32
      %dma_start3A_67 = arith.constant 0 : i32
      %dma_start3A_68 = tpu.memref_slice %arg7[%dma_start3A_66, %dma_start3A_67] : memref<40x128xi32, #tpu.memory_space<vmem>> -> memref<8x128xi32, #tpu.memory_space<vmem>>
      %dma_start3A_69 = arith.constant 0 : i32
      %dma_start3A_70 = tpu.memref_slice %arg3[%multiple_of3A_7, %dma_start3A_69] : memref<1250x128xi32, #tpu.memory_space<hbm>> -> memref<8x128xi32, #tpu.memory_space<hbm>>
      tpu.enqueue_dma source(%dma_start3A_70 : memref<8x128xi32, #tpu.memory_space<hbm>>) target(%dma_start3A_68 : memref<8x128xi32, #tpu.memory_space<vmem>>) target_semaphore(%dma_start3A_65 : memref<!tpu.dma_semaphore, #tpu.memory_space<semaphore_mem>>)
      %add3A_71 = arith.constant 8 : i32
      %add3A_72 = arith.addi %multiple_of3A_7, %add3A_71 : i32
      %dma_start3A_73 = arith.constant 0 : i32
      %dma_start3A_74 = arith.constant 8 : i32
      %dma_start3A_75 = arith.constant 0 : i32
      %dma_start3A_76 = tpu.memref_slice %arg7[%dma_start3A_74, %dma_start3A_75] : memref<40x128xi32, #tpu.memory_space<vmem>> -> memref<2x128xi32, #tpu.memory_space<vmem>>
      %dma_start3A_77 = arith.constant 0 : i32
      %dma_start3A_78 = tpu.memref_slice %arg3[%add3A_72, %dma_start3A_77] : memref<1250x128xi32, #tpu.memory_space<hbm>> -> memref<2x128xi32, #tpu.memory_space<hbm>>
      %dma_start3A_79 = tpu.memref_slice %arg12[%dma_start3A_73] : memref<3x!tpu.dma_semaphore, #tpu.memory_space<semaphore_mem>> -> memref<1x!tpu.dma_semaphore, #tpu.memory_space<semaphore_mem>>
      %dma_start3A_80 = tpu.memref_squeeze %dma_start3A_79 : memref<1x!tpu.dma_semaphore, #tpu.memory_space<semaphore_mem>> -> memref<!tpu.dma_semaphore, #tpu.memory_space<semaphore_mem>>
      %dma_start3A_81 = arith.constant 8 : i32
      %dma_start3A_82 = arith.constant 0 : i32
      %dma_start3A_83 = tpu.memref_slice %arg7[%dma_start3A_81, %dma_start3A_82] : memref<40x128xi32, #tpu.memory_space<vmem>> -> memref<2x128xi32, #tpu.memory_space<vmem>>
      %dma_start3A_84 = arith.constant 0 : i32
      %dma_start3A_85 = tpu.memref_slice %arg3[%add3A_72, %dma_start3A_84] : memref<1250x128xi32, #tpu.memory_space<hbm>> -> memref<2x128xi32, #tpu.memory_space<hbm>>
      tpu.enqueue_dma source(%dma_start3A_85 : memref<2x128xi32, #tpu.memory_space<hbm>>) target(%dma_start3A_83 : memref<2x128xi32, #tpu.memory_space<vmem>>) target_semaphore(%dma_start3A_80 : memref<!tpu.dma_semaphore, #tpu.memory_space<semaphore_mem>>)
      %dma_start3A_86 = arith.constant 1 : i32
      %dma_start3A_87 = arith.constant 0 : i32
      %dma_start3A_88 = arith.constant 0 : i32
      %dma_start3A_89 = tpu.memref_slice %arg8[%dma_start3A_87, %dma_start3A_88] : memref<40x128xi32, #tpu.memory_space<vmem>> -> memref<8x128xi32, #tpu.memory_space<vmem>>
      %dma_start3A_90 = arith.constant 0 : i32
      %dma_start3A_91 = tpu.memref_slice %arg4[%multiple_of3A_7, %dma_start3A_90] : memref<1250x128xi32, #tpu.memory_space<hbm>> -> memref<8x128xi32, #tpu.memory_space<hbm>>
      %dma_start3A_92 = tpu.memref_slice %arg12[%dma_start3A_86] : memref<3x!tpu.dma_semaphore, #tpu.memory_space<semaphore_mem>> -> memref<1x!tpu.dma_semaphore, #tpu.memory_space<semaphore_mem>>
      %dma_start3A_93 = tpu.memref_squeeze %dma_start3A_92 : memref<1x!tpu.dma_semaphore, #tpu.memory_space<semaphore_mem>> -> memref<!tpu.dma_semaphore, #tpu.memory_space<semaphore_mem>>
      %dma_start3A_94 = arith.constant 0 : i32
      %dma_start3A_95 = arith.constant 0 : i32
      %dma_start3A_96 = tpu.memref_slice %arg8[%dma_start3A_94, %dma_start3A_95] : memref<40x128xi32, #tpu.memory_space<vmem>> -> memref<8x128xi32, #tpu.memory_space<vmem>>
      %dma_start3A_97 = arith.constant 0 : i32
      %dma_start3A_98 = tpu.memref_slice %arg4[%multiple_of3A_7, %dma_start3A_97] : memref<1250x128xi32, #tpu.memory_space<hbm>> -> memref<8x128xi32, #tpu.memory_space<hbm>>
      tpu.enqueue_dma source(%dma_start3A_98 : memref<8x128xi32, #tpu.memory_space<hbm>>) target(%dma_start3A_96 : memref<8x128xi32, #tpu.memory_space<vmem>>) target_semaphore(%dma_start3A_93 : memref<!tpu.dma_semaphore, #tpu.memory_space<semaphore_mem>>)
      %add3A_99 = arith.constant 8 : i32
      %add3A_100 = arith.addi %multiple_of3A_7, %add3A_99 : i32
      %dma_start3A_101 = arith.constant 1 : i32
      %dma_start3A_102 = arith.constant 8 : i32
      %dma_start3A_103 = arith.constant 0 : i32
      %dma_start3A_104 = tpu.memref_slice %arg8[%dma_start3A_102, %dma_start3A_103] : memref<40x128xi32, #tpu.memory_space<vmem>> -> memref<2x128xi32, #tpu.memory_space<vmem>>
      %dma_start3A_105 = arith.constant 0 : i32
      %dma_start3A_106 = tpu.memref_slice %arg4[%add3A_100, %dma_start3A_105] : memref<1250x128xi32, #tpu.memory_space<hbm>> -> memref<2x128xi32, #tpu.memory_space<hbm>>
      %dma_start3A_107 = tpu.memref_slice %arg12[%dma_start3A_101] : memref<3x!tpu.dma_semaphore, #tpu.memory_space<semaphore_mem>> -> memref<1x!tpu.dma_semaphore, #tpu.memory_space<semaphore_mem>>
      %dma_start3A_108 = tpu.memref_squeeze %dma_start3A_107 : memref<1x!tpu.dma_semaphore, #tpu.memory_space<semaphore_mem>> -> memref<!tpu.dma_semaphore, #tpu.memory_space<semaphore_mem>>
      %dma_start3A_109 = arith.constant 8 : i32
      %dma_start3A_110 = arith.constant 0 : i32
      %dma_start3A_111 = tpu.memref_slice %arg8[%dma_start3A_109, %dma_start3A_110] : memref<40x128xi32, #tpu.memory_space<vmem>> -> memref<2x128xi32, #tpu.memory_space<vmem>>
      %dma_start3A_112 = arith.constant 0 : i32
      %dma_start3A_113 = tpu.memref_slice %arg4[%add3A_100, %dma_start3A_112] : memref<1250x128xi32, #tpu.memory_space<hbm>> -> memref<2x128xi32, #tpu.memory_space<hbm>>
      tpu.enqueue_dma source(%dma_start3A_113 : memref<2x128xi32, #tpu.memory_space<hbm>>) target(%dma_start3A_111 : memref<2x128xi32, #tpu.memory_space<vmem>>) target_semaphore(%dma_start3A_108 : memref<!tpu.dma_semaphore, #tpu.memory_space<semaphore_mem>>)
      %dma_wait3A_114 = arith.constant 0 : i32
      %dma_wait3A_115 = arith.constant 0 : i32
      %dma_wait3A_116 = arith.constant 0 : i32
      %dma_wait3A_117 = tpu.memref_slice %arg7[%dma_wait3A_115, %dma_wait3A_116] : memref<40x128xi32, #tpu.memory_space<vmem>> -> memref<8x128xi32, #tpu.memory_space<vmem>>
      %dma_wait3A_118 = arith.constant 0 : i32
      %dma_wait3A_119 = tpu.memref_slice %arg3[%multiple_of3A_7, %dma_wait3A_118] : memref<1250x128xi32, #tpu.memory_space<hbm>> -> memref<8x128xi32, #tpu.memory_space<hbm>>
      %dma_wait3A_120 = tpu.memref_slice %arg12[%dma_wait3A_114] : memref<3x!tpu.dma_semaphore, #tpu.memory_space<semaphore_mem>> -> memref<1x!tpu.dma_semaphore, #tpu.memory_space<semaphore_mem>>
      %dma_wait3A_121 = tpu.memref_squeeze %dma_wait3A_120 : memref<1x!tpu.dma_semaphore, #tpu.memory_space<semaphore_mem>> -> memref<!tpu.dma_semaphore, #tpu.memory_space<semaphore_mem>>
      %dma_wait3A_122 = arith.constant 0 : i32
      %dma_wait3A_123 = arith.constant 0 : i32
      %dma_wait3A_124 = tpu.memref_slice %arg7[%dma_wait3A_122, %dma_wait3A_123] : memref<40x128xi32, #tpu.memory_space<vmem>> -> memref<8x128xi32, #tpu.memory_space<vmem>>
      %dma_wait3A_125 = arith.constant 0 : i32
      %dma_wait3A_126 = tpu.memref_slice %arg3[%multiple_of3A_7, %dma_wait3A_125] : memref<1250x128xi32, #tpu.memory_space<hbm>> -> memref<8x128xi32, #tpu.memory_space<hbm>>
      tpu.wait_dma2 semaphore(%dma_wait3A_121 : memref<!tpu.dma_semaphore, #tpu.memory_space<semaphore_mem>>) src(%dma_wait3A_126 : memref<8x128xi32, #tpu.memory_space<hbm>>) dst(%dma_wait3A_124 : memref<8x128xi32, #tpu.memory_space<vmem>>)
      %add3A_127 = arith.constant 8 : i32
      %add3A_128 = arith.addi %multiple_of3A_7, %add3A_127 : i32
      %dma_wait3A_129 = arith.constant 0 : i32
      %dma_wait3A_130 = arith.constant 8 : i32
      %dma_wait3A_131 = arith.constant 0 : i32
      %dma_wait3A_132 = tpu.memref_slice %arg7[%dma_wait3A_130, %dma_wait3A_131] : memref<40x128xi32, #tpu.memory_space<vmem>> -> memref<2x128xi32, #tpu.memory_space<vmem>>
      %dma_wait3A_133 = arith.constant 0 : i32
      %dma_wait3A_134 = tpu.memref_slice %arg3[%add3A_128, %dma_wait3A_133] : memref<1250x128xi32, #tpu.memory_space<hbm>> -> memref<2x128xi32, #tpu.memory_space<hbm>>
      %dma_wait3A_135 = tpu.memref_slice %arg12[%dma_wait3A_129] : memref<3x!tpu.dma_semaphore, #tpu.memory_space<semaphore_mem>> -> memref<1x!tpu.dma_semaphore, #tpu.memory_space<semaphore_mem>>
      %dma_wait3A_136 = tpu.memref_squeeze %dma_wait3A_135 : memref<1x!tpu.dma_semaphore, #tpu.memory_space<semaphore_mem>> -> memref<!tpu.dma_semaphore, #tpu.memory_space<semaphore_mem>>
      %dma_wait3A_137 = arith.constant 8 : i32
      %dma_wait3A_138 = arith.constant 0 : i32
      %dma_wait3A_139 = tpu.memref_slice %arg7[%dma_wait3A_137, %dma_wait3A_138] : memref<40x128xi32, #tpu.memory_space<vmem>> -> memref<2x128xi32, #tpu.memory_space<vmem>>
      %dma_wait3A_140 = arith.constant 0 : i32
      %dma_wait3A_141 = tpu.memref_slice %arg3[%add3A_128, %dma_wait3A_140] : memref<1250x128xi32, #tpu.memory_space<hbm>> -> memref<2x128xi32, #tpu.memory_space<hbm>>
      tpu.wait_dma2 semaphore(%dma_wait3A_136 : memref<!tpu.dma_semaphore, #tpu.memory_space<semaphore_mem>>) src(%dma_wait3A_141 : memref<2x128xi32, #tpu.memory_space<hbm>>) dst(%dma_wait3A_139 : memref<2x128xi32, #tpu.memory_space<vmem>>)
    } else {
    }
    %dma_start3A_19 = arith.constant 0 : i32
    %dma_start3A_20 = arith.constant 0 : i32
    %dma_start3A_21 = arith.constant 0 : i32
    %dma_start3A_22 = arith.constant 0 : i32
    %dma_start3A_23 = arith.constant 0 : i32
    %dma_start3A_24 = tpu.memref_slice %arg9[%dma_start3A_20, %dma_start3A_22, %dma_start3A_23] : memref<2x128x128xf32, #tpu.memory_space<vmem>> -> memref<1x128x128xf32, #tpu.memory_space<vmem>>
    %dma_start3A_25 = tpu.memref_squeeze %dma_start3A_24 : memref<1x128x128xf32, #tpu.memory_space<vmem>> -> memref<128x128xf32, #tpu.memory_space<vmem>>
    %dma_start3A_26 = arith.constant 0 : i32
    %dma_start3A_27 = tpu.memref_slice %arg7[%dma_start3A_19, %dma_start3A_26] : memref<40x128xi32, #tpu.memory_space<vmem>> -> memref<1x128xi32, #tpu.memory_space<vmem>>
    %dma_start3A_28 = tpu.memref_squeeze %dma_start3A_27 : memref<1x128xi32, #tpu.memory_space<vmem>> -> memref<128xi32, #tpu.memory_space<vmem>>
    %dma_start3A_29 = arith.constant 0 : i32
    %dma_start3A_30 = arith.constant 0 : i32
    %dma_start3A_31 = tpu.memref_slice %arg2[%dma_start3A_29, %dma_start3A_30] : memref<10240x128xf32, #tpu.memory_space<hbm>> -> memref<10240x128xf32, #tpu.memory_space<hbm>>
    %dma_start3A_32 = tpu.memref_slice %arg11[%dma_start3A_21] : memref<2x!tpu.dma_semaphore, #tpu.memory_space<semaphore_mem>> -> memref<1x!tpu.dma_semaphore, #tpu.memory_space<semaphore_mem>>
    %dma_start3A_33 = tpu.memref_squeeze %dma_start3A_32 : memref<1x!tpu.dma_semaphore, #tpu.memory_space<semaphore_mem>> -> memref<!tpu.dma_semaphore, #tpu.memory_space<semaphore_mem>>
    tpu.enqueue_indirect_dma source(%dma_start3A_31 : memref<10240x128xf32, #tpu.memory_space<hbm>>) target(%dma_start3A_25 : memref<128x128xf32, #tpu.memory_space<vmem>>) offsets(%dma_start3A_28 : memref<128xi32, #tpu.memory_space<vmem>>) semaphore(%dma_start3A_33 : memref<!tpu.dma_semaphore, #tpu.memory_space<semaphore_mem>>)
    %not3A_34 = arith.constant true
    %not3A_35 = arith.xori %eq3A_3, %not3A_34 : i1
    %convert_element_type3A_36 = arith.extui %not3A_35 : i1 to i32
    %cond3A_37 = arith.constant 0 : i32
    %cond3A_38 = arith.cmpi ne, %convert_element_type3A_36, %cond3A_37 : i32
    scf.if %cond3A_38 {
      %dma_wait3A_58 = arith.constant 1 : i32
      %dma_wait3A_59 = arith.constant 0 : i32
      %dma_wait3A_60 = tpu.memref_slice %arg4[%multiple_of3A_7, %dma_wait3A_59] : memref<1250x128xi32, #tpu.memory_space<hbm>> -> memref<40x128xi32, #tpu.memory_space<hbm>>
      %dma_wait3A_61 = tpu.memref_slice %arg12[%dma_wait3A_58] : memref<3x!tpu.dma_semaphore, #tpu.memory_space<semaphore_mem>> -> memref<1x!tpu.dma_semaphore, #tpu.memory_space<semaphore_mem>>
      %dma_wait3A_62 = tpu.memref_squeeze %dma_wait3A_61 : memref<1x!tpu.dma_semaphore, #tpu.memory_space<semaphore_mem>> -> memref<!tpu.dma_semaphore, #tpu.memory_space<semaphore_mem>>
      %dma_wait3A_63 = arith.constant 0 : i32
      %dma_wait3A_64 = tpu.memref_slice %arg4[%multiple_of3A_7, %dma_wait3A_63] : memref<1250x128xi32, #tpu.memory_space<hbm>> -> memref<40x128xi32, #tpu.memory_space<hbm>>
      tpu.wait_dma2 semaphore(%dma_wait3A_62 : memref<!tpu.dma_semaphore, #tpu.memory_space<semaphore_mem>>) src(%dma_wait3A_64 : memref<40x128xi32, #tpu.memory_space<hbm>>) dst(%arg8 : memref<40x128xi32, #tpu.memory_space<vmem>>)
    } else {
    }
    %convert_element_type3A_39 = arith.extui %eq3A_3 : i1 to i32
    %cond3A_40 = arith.constant 0 : i32
    %cond3A_41 = arith.cmpi ne, %convert_element_type3A_39, %cond3A_40 : i32
    scf.if %cond3A_41 {
      %dma_wait3A_58 = arith.constant 1 : i32
      %dma_wait3A_59 = arith.constant 0 : i32
      %dma_wait3A_60 = arith.constant 0 : i32
      %dma_wait3A_61 = tpu.memref_slice %arg8[%dma_wait3A_59, %dma_wait3A_60] : memref<40x128xi32, #tpu.memory_space<vmem>> -> memref<8x128xi32, #tpu.memory_space<vmem>>
      %dma_wait3A_62 = arith.constant 0 : i32
      %dma_wait3A_63 = tpu.memref_slice %arg4[%multiple_of3A_7, %dma_wait3A_62] : memref<1250x128xi32, #tpu.memory_space<hbm>> -> memref<8x128xi32, #tpu.memory_space<hbm>>
      %dma_wait3A_64 = tpu.memref_slice %arg12[%dma_wait3A_58] : memref<3x!tpu.dma_semaphore, #tpu.memory_space<semaphore_mem>> -> memref<1x!tpu.dma_semaphore, #tpu.memory_space<semaphore_mem>>
      %dma_wait3A_65 = tpu.memref_squeeze %dma_wait3A_64 : memref<1x!tpu.dma_semaphore, #tpu.memory_space<semaphore_mem>> -> memref<!tpu.dma_semaphore, #tpu.memory_space<semaphore_mem>>
      %dma_wait3A_66 = arith.constant 0 : i32
      %dma_wait3A_67 = arith.constant 0 : i32
      %dma_wait3A_68 = tpu.memref_slice %arg8[%dma_wait3A_66, %dma_wait3A_67] : memref<40x128xi32, #tpu.memory_space<vmem>> -> memref<8x128xi32, #tpu.memory_space<vmem>>
      %dma_wait3A_69 = arith.constant 0 : i32
      %dma_wait3A_70 = tpu.memref_slice %arg4[%multiple_of3A_7, %dma_wait3A_69] : memref<1250x128xi32, #tpu.memory_space<hbm>> -> memref<8x128xi32, #tpu.memory_space<hbm>>
      tpu.wait_dma2 semaphore(%dma_wait3A_65 : memref<!tpu.dma_semaphore, #tpu.memory_space<semaphore_mem>>) src(%dma_wait3A_70 : memref<8x128xi32, #tpu.memory_space<hbm>>) dst(%dma_wait3A_68 : memref<8x128xi32, #tpu.memory_space<vmem>>)
      %add3A_71 = arith.constant 8 : i32
      %add3A_72 = arith.addi %multiple_of3A_7, %add3A_71 : i32
      %dma_wait3A_73 = arith.constant 1 : i32
      %dma_wait3A_74 = arith.constant 8 : i32
      %dma_wait3A_75 = arith.constant 0 : i32
      %dma_wait3A_76 = tpu.memref_slice %arg8[%dma_wait3A_74, %dma_wait3A_75] : memref<40x128xi32, #tpu.memory_space<vmem>> -> memref<2x128xi32, #tpu.memory_space<vmem>>
      %dma_wait3A_77 = arith.constant 0 : i32
      %dma_wait3A_78 = tpu.memref_slice %arg4[%add3A_72, %dma_wait3A_77] : memref<1250x128xi32, #tpu.memory_space<hbm>> -> memref<2x128xi32, #tpu.memory_space<hbm>>
      %dma_wait3A_79 = tpu.memref_slice %arg12[%dma_wait3A_73] : memref<3x!tpu.dma_semaphore, #tpu.memory_space<semaphore_mem>> -> memref<1x!tpu.dma_semaphore, #tpu.memory_space<semaphore_mem>>
      %dma_wait3A_80 = tpu.memref_squeeze %dma_wait3A_79 : memref<1x!tpu.dma_semaphore, #tpu.memory_space<semaphore_mem>> -> memref<!tpu.dma_semaphore, #tpu.memory_space<semaphore_mem>>
      %dma_wait3A_81 = arith.constant 8 : i32
      %dma_wait3A_82 = arith.constant 0 : i32
      %dma_wait3A_83 = tpu.memref_slice %arg8[%dma_wait3A_81, %dma_wait3A_82] : memref<40x128xi32, #tpu.memory_space<vmem>> -> memref<2x128xi32, #tpu.memory_space<vmem>>
      %dma_wait3A_84 = arith.constant 0 : i32
      %dma_wait3A_85 = tpu.memref_slice %arg4[%add3A_72, %dma_wait3A_84] : memref<1250x128xi32, #tpu.memory_space<hbm>> -> memref<2x128xi32, #tpu.memory_space<hbm>>
      tpu.wait_dma2 semaphore(%dma_wait3A_80 : memref<!tpu.dma_semaphore, #tpu.memory_space<semaphore_mem>>) src(%dma_wait3A_85 : memref<2x128xi32, #tpu.memory_space<hbm>>) dst(%dma_wait3A_83 : memref<2x128xi32, #tpu.memory_space<vmem>>)
    } else {
    }
    %dma_wait3A = arith.constant 2 : i32
    %dma_wait3A_42 = tpu.memref_slice %arg12[%dma_wait3A] : memref<3x!tpu.dma_semaphore, #tpu.memory_space<semaphore_mem>> -> memref<1x!tpu.dma_semaphore, #tpu.memory_space<semaphore_mem>>
    %dma_wait3A_43 = tpu.memref_squeeze %dma_wait3A_42 : memref<1x!tpu.dma_semaphore, #tpu.memory_space<semaphore_mem>> -> memref<!tpu.dma_semaphore, #tpu.memory_space<semaphore_mem>>
    %dma_wait3A_44 = arith.constant 0 : i32
    %dma_wait3A_45 = tpu.memref_slice %arg10[%multiple_of3A, %dma_wait3A_44] : memref<10240x128xf32, #tpu.memory_space<vmem_shared>> -> memref<640x128xf32, #tpu.memory_space<vmem_shared>>
    %dma_wait3A_46 = arith.constant 0 : i32
    %dma_wait3A_47 = tpu.memref_slice %arg5[%multiple_of3A, %dma_wait3A_46] : memref<10240x128xf32, #tpu.memory_space<hbm>> -> memref<640x128xf32, #tpu.memory_space<hbm>>
    tpu.wait_dma2 semaphore(%dma_wait3A_43 : memref<!tpu.dma_semaphore, #tpu.memory_space<semaphore_mem>>) src(%dma_wait3A_47 : memref<640x128xf32, #tpu.memory_space<hbm>>) dst(%dma_wait3A_45 : memref<640x128xf32, #tpu.memory_space<vmem_shared>>)
    %barrier3A = arith.constant 0 : index
    tpu.barrier barrier_id(%barrier3A)
    %while3A = arith.constant 0 : i32
    %while3A_48 = arith.constant 0 : i32
    %while3A_49 = arith.subi %select_n3A, %while3A_48 : i32
    %while3A_50 = arith.addi %while3A_48, %while3A_49 : i32
    %while3A_51 = arith.constant 1 : i32
    %while3A_52 = arith.divsi %while3A_49, %while3A_51 : i32
    %while3A_53 = arith.muli %while3A_52, %while3A_51 : i32
    %while3A_54 = arith.addi %while3A_48, %while3A_53 : i32
    %while3A_55 = arith.constant 1 : i32
    scf.for %while3A_58 = %while3A_48 to %while3A_54 step %while3A_55  : i32 {
      %rem3A = arith.constant 2 : i32
      %rem3A_59 = arith.remsi %while3A_58, %rem3A : i32
      %add3A_60 = arith.constant 1 : i32
      %add3A_61 = arith.addi %while3A_58, %add3A_60 : i32
      %rem3A_62 = arith.constant 2 : i32
      %rem3A_63 = arith.remsi %add3A_61, %rem3A_62 : i32
      %add3A_64 = arith.constant 1 : i32
      %add3A_65 = arith.addi %while3A_58, %add3A_64 : i32
      %lt3A = arith.cmpi slt, %add3A_65, %select_n3A : i32
      %convert_element_type3A_66 = arith.extui %lt3A : i1 to i32
      %cond3A_67 = arith.constant 0 : i32
      %cond3A_68 = arith.cmpi ne, %convert_element_type3A_66, %cond3A_67 : i32
      scf.if %cond3A_68 {
        %add3A_81 = arith.constant 1 : i32
        %add3A_82 = arith.addi %while3A_58, %add3A_81 : i32
        %dma_start3A_83 = arith.constant 0 : i32
        %dma_start3A_84 = arith.constant 0 : i32
        %dma_start3A_85 = tpu.memref_slice %arg9[%rem3A_63, %dma_start3A_83, %dma_start3A_84] : memref<2x128x128xf32, #tpu.memory_space<vmem>> -> memref<1x128x128xf32, #tpu.memory_space<vmem>>
        %dma_start3A_86 = tpu.memref_squeeze %dma_start3A_85 : memref<1x128x128xf32, #tpu.memory_space<vmem>> -> memref<128x128xf32, #tpu.memory_space<vmem>>
        %dma_start3A_87 = arith.constant 0 : i32
        %dma_start3A_88 = tpu.memref_slice %arg7[%add3A_82, %dma_start3A_87] : memref<40x128xi32, #tpu.memory_space<vmem>> -> memref<1x128xi32, #tpu.memory_space<vmem>>
        %dma_start3A_89 = tpu.memref_squeeze %dma_start3A_88 : memref<1x128xi32, #tpu.memory_space<vmem>> -> memref<128xi32, #tpu.memory_space<vmem>>
        %dma_start3A_90 = arith.constant 0 : i32
        %dma_start3A_91 = arith.constant 0 : i32
        %dma_start3A_92 = tpu.memref_slice %arg2[%dma_start3A_90, %dma_start3A_91] : memref<10240x128xf32, #tpu.memory_space<hbm>> -> memref<10240x128xf32, #tpu.memory_space<hbm>>
        %dma_start3A_93 = tpu.memref_slice %arg11[%rem3A_63] : memref<2x!tpu.dma_semaphore, #tpu.memory_space<semaphore_mem>> -> memref<1x!tpu.dma_semaphore, #tpu.memory_space<semaphore_mem>>
        %dma_start3A_94 = tpu.memref_squeeze %dma_start3A_93 : memref<1x!tpu.dma_semaphore, #tpu.memory_space<semaphore_mem>> -> memref<!tpu.dma_semaphore, #tpu.memory_space<semaphore_mem>>
        tpu.enqueue_indirect_dma source(%dma_start3A_92 : memref<10240x128xf32, #tpu.memory_space<hbm>>) target(%dma_start3A_86 : memref<128x128xf32, #tpu.memory_space<vmem>>) offsets(%dma_start3A_89 : memref<128xi32, #tpu.memory_space<vmem>>) semaphore(%dma_start3A_94 : memref<!tpu.dma_semaphore, #tpu.memory_space<semaphore_mem>>)
      } else {
      }
      %dma_wait3A_69 = arith.constant 0 : i32
      %dma_wait3A_70 = arith.constant 0 : i32
      %dma_wait3A_71 = tpu.memref_slice %arg9[%rem3A_59, %dma_wait3A_69, %dma_wait3A_70] : memref<2x128x128xf32, #tpu.memory_space<vmem>> -> memref<1x128x128xf32, #tpu.memory_space<vmem>>
      %dma_wait3A_72 = tpu.memref_squeeze %dma_wait3A_71 : memref<1x128x128xf32, #tpu.memory_space<vmem>> -> memref<128x128xf32, #tpu.memory_space<vmem>>
      %dma_wait3A_73 = arith.constant 0 : i32
      %dma_wait3A_74 = tpu.memref_slice %arg7[%while3A_58, %dma_wait3A_73] : memref<40x128xi32, #tpu.memory_space<vmem>> -> memref<1x128xi32, #tpu.memory_space<vmem>>
      %dma_wait3A_75 = tpu.memref_squeeze %dma_wait3A_74 : memref<1x128xi32, #tpu.memory_space<vmem>> -> memref<128xi32, #tpu.memory_space<vmem>>
      %dma_wait3A_76 = arith.constant 0 : i32
      %dma_wait3A_77 = arith.constant 0 : i32
      %dma_wait3A_78 = tpu.memref_slice %arg2[%dma_wait3A_76, %dma_wait3A_77] : memref<10240x128xf32, #tpu.memory_space<hbm>> -> memref<10240x128xf32, #tpu.memory_space<hbm>>
      %dma_wait3A_79 = tpu.memref_slice %arg11[%rem3A_59] : memref<2x!tpu.dma_semaphore, #tpu.memory_space<semaphore_mem>> -> memref<1x!tpu.dma_semaphore, #tpu.memory_space<semaphore_mem>>
      %dma_wait3A_80 = tpu.memref_squeeze %dma_wait3A_79 : memref<1x!tpu.dma_semaphore, #tpu.memory_space<semaphore_mem>> -> memref<!tpu.dma_semaphore, #tpu.memory_space<semaphore_mem>>
      tpu.wait_indirect_dma semaphore(%dma_wait3A_80 : memref<!tpu.dma_semaphore, #tpu.memory_space<semaphore_mem>>) src(%dma_wait3A_78 : memref<10240x128xf32, #tpu.memory_space<hbm>>) dst(%dma_wait3A_72 : memref<128x128xf32, #tpu.memory_space<vmem>>)
      "tpu.region"() ({
        %run_scoped3A = tpu.sem_alloc : memref<!tpu.dma_semaphore, #tpu.memory_space<semaphore_mem>>
        %dma_start3A_81 = arith.constant 0 : i32
        %dma_start3A_82 = arith.constant 0 : i32
        %dma_start3A_83 = tpu.memref_slice %arg9[%rem3A_59, %dma_start3A_81, %dma_start3A_82] : memref<2x128x128xf32, #tpu.memory_space<vmem>> -> memref<1x128x128xf32, #tpu.memory_space<vmem>>
        %dma_start3A_84 = tpu.memref_squeeze %dma_start3A_83 : memref<1x128x128xf32, #tpu.memory_space<vmem>> -> memref<128x128xf32, #tpu.memory_space<vmem>>
        %dma_start3A_85 = arith.constant 0 : i32
        %dma_start3A_86 = tpu.memref_slice %arg8[%while3A_58, %dma_start3A_85] : memref<40x128xi32, #tpu.memory_space<vmem>> -> memref<1x128xi32, #tpu.memory_space<vmem>>
        %dma_start3A_87 = tpu.memref_squeeze %dma_start3A_86 : memref<1x128xi32, #tpu.memory_space<vmem>> -> memref<128xi32, #tpu.memory_space<vmem>>
        %dma_start3A_88 = arith.constant 0 : i32
        %dma_start3A_89 = arith.constant 0 : i32
        %dma_start3A_90 = tpu.memref_slice %arg10[%dma_start3A_88, %dma_start3A_89] : memref<10240x128xf32, #tpu.memory_space<vmem_shared>> -> memref<10240x128xf32, #tpu.memory_space<vmem_shared>>
        tpu.enqueue_indirect_dma source(%dma_start3A_84 : memref<128x128xf32, #tpu.memory_space<vmem>>) target(%dma_start3A_90 : memref<10240x128xf32, #tpu.memory_space<vmem_shared>>) offsets(%dma_start3A_87 : memref<128xi32, #tpu.memory_space<vmem>>) semaphore(%run_scoped3A : memref<!tpu.dma_semaphore, #tpu.memory_space<semaphore_mem>>) {add = true}
        %dma_wait3A_91 = arith.constant 0 : i32
        %dma_wait3A_92 = arith.constant 0 : i32
        %dma_wait3A_93 = tpu.memref_slice %arg9[%rem3A_59, %dma_wait3A_91, %dma_wait3A_92] : memref<2x128x128xf32, #tpu.memory_space<vmem>> -> memref<1x128x128xf32, #tpu.memory_space<vmem>>
        %dma_wait3A_94 = tpu.memref_squeeze %dma_wait3A_93 : memref<1x128x128xf32, #tpu.memory_space<vmem>> -> memref<128x128xf32, #tpu.memory_space<vmem>>
        %dma_wait3A_95 = arith.constant 0 : i32
        %dma_wait3A_96 = tpu.memref_slice %arg8[%while3A_58, %dma_wait3A_95] : memref<40x128xi32, #tpu.memory_space<vmem>> -> memref<1x128xi32, #tpu.memory_space<vmem>>
        %dma_wait3A_97 = tpu.memref_squeeze %dma_wait3A_96 : memref<1x128xi32, #tpu.memory_space<vmem>> -> memref<128xi32, #tpu.memory_space<vmem>>
        %dma_wait3A_98 = arith.constant 0 : i32
        %dma_wait3A_99 = arith.constant 0 : i32
        %dma_wait3A_100 = tpu.memref_slice %arg10[%dma_wait3A_98, %dma_wait3A_99] : memref<10240x128xf32, #tpu.memory_space<vmem_shared>> -> memref<10240x128xf32, #tpu.memory_space<vmem_shared>>
        tpu.wait_indirect_dma semaphore(%run_scoped3A : memref<!tpu.dma_semaphore, #tpu.memory_space<semaphore_mem>>) src(%dma_wait3A_94 : memref<128x128xf32, #tpu.memory_space<vmem>>) dst(%dma_wait3A_100 : memref<10240x128xf32, #tpu.memory_space<vmem_shared>>)
        tpu.yield
      }) : () -> ()
    }
    %while3A_56 = arith.constant 1 : i32
    scf.for %while3A_58 = %while3A_54 to %while3A_50 step %while3A_56  : i32 {
      %rem3A = arith.constant 2 : i32
      %rem3A_59 = arith.remsi %while3A_58, %rem3A : i32
      %add3A_60 = arith.constant 1 : i32
      %add3A_61 = arith.addi %while3A_58, %add3A_60 : i32
      %rem3A_62 = arith.constant 2 : i32
      %rem3A_63 = arith.remsi %add3A_61, %rem3A_62 : i32
      %add3A_64 = arith.constant 1 : i32
      %add3A_65 = arith.addi %while3A_58, %add3A_64 : i32
      %lt3A = arith.cmpi slt, %add3A_65, %select_n3A : i32
      %convert_element_type3A_66 = arith.extui %lt3A : i1 to i32
      %cond3A_67 = arith.constant 0 : i32
      %cond3A_68 = arith.cmpi ne, %convert_element_type3A_66, %cond3A_67 : i32
      scf.if %cond3A_68 {
        %add3A_81 = arith.constant 1 : i32
        %add3A_82 = arith.addi %while3A_58, %add3A_81 : i32
        %dma_start3A_83 = arith.constant 0 : i32
        %dma_start3A_84 = arith.constant 0 : i32
        %dma_start3A_85 = tpu.memref_slice %arg9[%rem3A_63, %dma_start3A_83, %dma_start3A_84] : memref<2x128x128xf32, #tpu.memory_space<vmem>> -> memref<1x128x128xf32, #tpu.memory_space<vmem>>
        %dma_start3A_86 = tpu.memref_squeeze %dma_start3A_85 : memref<1x128x128xf32, #tpu.memory_space<vmem>> -> memref<128x128xf32, #tpu.memory_space<vmem>>
        %dma_start3A_87 = arith.constant 0 : i32
        %dma_start3A_88 = tpu.memref_slice %arg7[%add3A_82, %dma_start3A_87] : memref<40x128xi32, #tpu.memory_space<vmem>> -> memref<1x128xi32, #tpu.memory_space<vmem>>
        %dma_start3A_89 = tpu.memref_squeeze %dma_start3A_88 : memref<1x128xi32, #tpu.memory_space<vmem>> -> memref<128xi32, #tpu.memory_space<vmem>>
        %dma_start3A_90 = arith.constant 0 : i32
        %dma_start3A_91 = arith.constant 0 : i32
        %dma_start3A_92 = tpu.memref_slice %arg2[%dma_start3A_90, %dma_start3A_91] : memref<10240x128xf32, #tpu.memory_space<hbm>> -> memref<10240x128xf32, #tpu.memory_space<hbm>>
        %dma_start3A_93 = tpu.memref_slice %arg11[%rem3A_63] : memref<2x!tpu.dma_semaphore, #tpu.memory_space<semaphore_mem>> -> memref<1x!tpu.dma_semaphore, #tpu.memory_space<semaphore_mem>>
        %dma_start3A_94 = tpu.memref_squeeze %dma_start3A_93 : memref<1x!tpu.dma_semaphore, #tpu.memory_space<semaphore_mem>> -> memref<!tpu.dma_semaphore, #tpu.memory_space<semaphore_mem>>
        tpu.enqueue_indirect_dma source(%dma_start3A_92 : memref<10240x128xf32, #tpu.memory_space<hbm>>) target(%dma_start3A_86 : memref<128x128xf32, #tpu.memory_space<vmem>>) offsets(%dma_start3A_89 : memref<128xi32, #tpu.memory_space<vmem>>) semaphore(%dma_start3A_94 : memref<!tpu.dma_semaphore, #tpu.memory_space<semaphore_mem>>)
      } else {
      }
      %dma_wait3A_69 = arith.constant 0 : i32
      %dma_wait3A_70 = arith.constant 0 : i32
      %dma_wait3A_71 = tpu.memref_slice %arg9[%rem3A_59, %dma_wait3A_69, %dma_wait3A_70] : memref<2x128x128xf32, #tpu.memory_space<vmem>> -> memref<1x128x128xf32, #tpu.memory_space<vmem>>
      %dma_wait3A_72 = tpu.memref_squeeze %dma_wait3A_71 : memref<1x128x128xf32, #tpu.memory_space<vmem>> -> memref<128x128xf32, #tpu.memory_space<vmem>>
      %dma_wait3A_73 = arith.constant 0 : i32
      %dma_wait3A_74 = tpu.memref_slice %arg7[%while3A_58, %dma_wait3A_73] : memref<40x128xi32, #tpu.memory_space<vmem>> -> memref<1x128xi32, #tpu.memory_space<vmem>>
      %dma_wait3A_75 = tpu.memref_squeeze %dma_wait3A_74 : memref<1x128xi32, #tpu.memory_space<vmem>> -> memref<128xi32, #tpu.memory_space<vmem>>
      %dma_wait3A_76 = arith.constant 0 : i32
      %dma_wait3A_77 = arith.constant 0 : i32
      %dma_wait3A_78 = tpu.memref_slice %arg2[%dma_wait3A_76, %dma_wait3A_77] : memref<10240x128xf32, #tpu.memory_space<hbm>> -> memref<10240x128xf32, #tpu.memory_space<hbm>>
      %dma_wait3A_79 = tpu.memref_slice %arg11[%rem3A_59] : memref<2x!tpu.dma_semaphore, #tpu.memory_space<semaphore_mem>> -> memref<1x!tpu.dma_semaphore, #tpu.memory_space<semaphore_mem>>
      %dma_wait3A_80 = tpu.memref_squeeze %dma_wait3A_79 : memref<1x!tpu.dma_semaphore, #tpu.memory_space<semaphore_mem>> -> memref<!tpu.dma_semaphore, #tpu.memory_space<semaphore_mem>>
      tpu.wait_indirect_dma semaphore(%dma_wait3A_80 : memref<!tpu.dma_semaphore, #tpu.memory_space<semaphore_mem>>) src(%dma_wait3A_78 : memref<10240x128xf32, #tpu.memory_space<hbm>>) dst(%dma_wait3A_72 : memref<128x128xf32, #tpu.memory_space<vmem>>)
      "tpu.region"() ({
        %run_scoped3A = tpu.sem_alloc : memref<!tpu.dma_semaphore, #tpu.memory_space<semaphore_mem>>
        %dma_start3A_81 = arith.constant 0 : i32
        %dma_start3A_82 = arith.constant 0 : i32
        %dma_start3A_83 = tpu.memref_slice %arg9[%rem3A_59, %dma_start3A_81, %dma_start3A_82] : memref<2x128x128xf32, #tpu.memory_space<vmem>> -> memref<1x128x128xf32, #tpu.memory_space<vmem>>
        %dma_start3A_84 = tpu.memref_squeeze %dma_start3A_83 : memref<1x128x128xf32, #tpu.memory_space<vmem>> -> memref<128x128xf32, #tpu.memory_space<vmem>>
        %dma_start3A_85 = arith.constant 0 : i32
        %dma_start3A_86 = tpu.memref_slice %arg8[%while3A_58, %dma_start3A_85] : memref<40x128xi32, #tpu.memory_space<vmem>> -> memref<1x128xi32, #tpu.memory_space<vmem>>
        %dma_start3A_87 = tpu.memref_squeeze %dma_start3A_86 : memref<1x128xi32, #tpu.memory_space<vmem>> -> memref<128xi32, #tpu.memory_space<vmem>>
        %dma_start3A_88 = arith.constant 0 : i32
        %dma_start3A_89 = arith.constant 0 : i32
        %dma_start3A_90 = tpu.memref_slice %arg10[%dma_start3A_88, %dma_start3A_89] : memref<10240x128xf32, #tpu.memory_space<vmem_shared>> -> memref<10240x128xf32, #tpu.memory_space<vmem_shared>>
        tpu.enqueue_indirect_dma source(%dma_start3A_84 : memref<128x128xf32, #tpu.memory_space<vmem>>) target(%dma_start3A_90 : memref<10240x128xf32, #tpu.memory_space<vmem_shared>>) offsets(%dma_start3A_87 : memref<128xi32, #tpu.memory_space<vmem>>) semaphore(%run_scoped3A : memref<!tpu.dma_semaphore, #tpu.memory_space<semaphore_mem>>) {add = true}
        %dma_wait3A_91 = arith.constant 0 : i32
        %dma_wait3A_92 = arith.constant 0 : i32
        %dma_wait3A_93 = tpu.memref_slice %arg9[%rem3A_59, %dma_wait3A_91, %dma_wait3A_92] : memref<2x128x128xf32, #tpu.memory_space<vmem>> -> memref<1x128x128xf32, #tpu.memory_space<vmem>>
        %dma_wait3A_94 = tpu.memref_squeeze %dma_wait3A_93 : memref<1x128x128xf32, #tpu.memory_space<vmem>> -> memref<128x128xf32, #tpu.memory_space<vmem>>
        %dma_wait3A_95 = arith.constant 0 : i32
        %dma_wait3A_96 = tpu.memref_slice %arg8[%while3A_58, %dma_wait3A_95] : memref<40x128xi32, #tpu.memory_space<vmem>> -> memref<1x128xi32, #tpu.memory_space<vmem>>
        %dma_wait3A_97 = tpu.memref_squeeze %dma_wait3A_96 : memref<1x128xi32, #tpu.memory_space<vmem>> -> memref<128xi32, #tpu.memory_space<vmem>>
        %dma_wait3A_98 = arith.constant 0 : i32
        %dma_wait3A_99 = arith.constant 0 : i32
        %dma_wait3A_100 = tpu.memref_slice %arg10[%dma_wait3A_98, %dma_wait3A_99] : memref<10240x128xf32, #tpu.memory_space<vmem_shared>> -> memref<10240x128xf32, #tpu.memory_space<vmem_shared>>
        tpu.wait_indirect_dma semaphore(%run_scoped3A : memref<!tpu.dma_semaphore, #tpu.memory_space<semaphore_mem>>) src(%dma_wait3A_94 : memref<128x128xf32, #tpu.memory_space<vmem>>) dst(%dma_wait3A_100 : memref<10240x128xf32, #tpu.memory_space<vmem_shared>>)
        tpu.yield
      }) : () -> ()
    }
    %barrier3A_57 = arith.constant 0 : index
    tpu.barrier barrier_id(%barrier3A_57)
    "tpu.region"() ({
      %run_scoped3A = tpu.sem_alloc : memref<!tpu.dma_semaphore, #tpu.memory_space<semaphore_mem>>
      %dma_start3A_58 = arith.constant 0 : i32
      %dma_start3A_59 = tpu.memref_slice %arg6[%arg0, %multiple_of3A, %dma_start3A_58] : memref<2x10240x128xf32, #tpu.memory_space<hbm>> -> memref<1x640x128xf32, #tpu.memory_space<hbm>>
      %dma_start3A_60 = tpu.memref_squeeze %dma_start3A_59 : memref<1x640x128xf32, #tpu.memory_space<hbm>> -> memref<640x128xf32, #tpu.memory_space<hbm>>
      %dma_start3A_61 = arith.constant 0 : i32
      %dma_start3A_62 = tpu.memref_slice %arg10[%multiple_of3A, %dma_start3A_61] : memref<10240x128xf32, #tpu.memory_space<vmem_shared>> -> memref<640x128xf32, #tpu.memory_space<vmem_shared>>
      tpu.enqueue_dma source(%dma_start3A_62 : memref<640x128xf32, #tpu.memory_space<vmem_shared>>) target(%dma_start3A_60 : memref<640x128xf32, #tpu.memory_space<hbm>>) target_semaphore(%run_scoped3A : memref<!tpu.dma_semaphore, #tpu.memory_space<semaphore_mem>>)
      %dma_wait3A_63 = arith.constant 0 : i32
      %dma_wait3A_64 = tpu.memref_slice %arg6[%arg0, %multiple_of3A, %dma_wait3A_63] : memref<2x10240x128xf32, #tpu.memory_space<hbm>> -> memref<1x640x128xf32, #tpu.memory_space<hbm>>
      %dma_wait3A_65 = tpu.memref_squeeze %dma_wait3A_64 : memref<1x640x128xf32, #tpu.memory_space<hbm>> -> memref<640x128xf32, #tpu.memory_space<hbm>>
      %dma_wait3A_66 = arith.constant 0 : i32
      %dma_wait3A_67 = tpu.memref_slice %arg10[%multiple_of3A, %dma_wait3A_66] : memref<10240x128xf32, #tpu.memory_space<vmem_shared>> -> memref<640x128xf32, #tpu.memory_space<vmem_shared>>
      tpu.wait_dma2 semaphore(%run_scoped3A : memref<!tpu.dma_semaphore, #tpu.memory_space<semaphore_mem>>) src(%dma_wait3A_67 : memref<640x128xf32, #tpu.memory_space<vmem_shared>>) dst(%dma_wait3A_65 : memref<640x128xf32, #tpu.memory_space<hbm>>)
      tpu.yield
    }) : () -> ()
    return
  }
}

#map = affine_map<(d0, d1) -> (0, 0)>
#map1 = affine_map<(d0, d1) -> (0, 0, 0)>
module attributes {stable_mosaic.version = 14 : i64} {
  func.func @agg(%arg0: i32, %arg1: i32, %arg2: memref<10240x128xf32, #tpu.memory_space<hbm>>, %arg3: memref<1250x128xi32, #tpu.memory_space<hbm>>, %arg4: memref<1250x128xi32, #tpu.memory_space<hbm>>, %arg5: memref<10240x128xf32, #tpu.memory_space<hbm>>, %arg6: memref<2x10240x128xf32, #tpu.memory_space<hbm>>, %arg7: memref<40x128xi32, #tpu.memory_space<vmem>>, %arg8: memref<40x128xi32, #tpu.memory_space<vmem>>, %arg9: memref<2x128x128xf32, #tpu.memory_space<vmem>>, %arg10: memref<10240x128xf32, #tpu.memory_space<vmem_shared>>, %arg11: memref<2x!tpu.dma_semaphore, #tpu.memory_space<semaphore_mem>>, %arg12: memref<3x!tpu.dma_semaphore, #tpu.memory_space<semaphore_mem>>) attributes {dimension_semantics = [#tpu.dimension_semantics<core_parallel>, #tpu.dimension_semantics<subcore_parallel>], iteration_bounds = array<i64: 2, 16>, scalar_prefetch = 0 : i64, scratch_operands = 6 : i64, tpu.core_type = #tpu.core_type<sc_vector_subcore>, window_params = [{transform_indices = #map}, {transform_indices = #map}, {transform_indices = #map}, {transform_indices = #map}, {transform_indices = #map1}]} {
    %mul3A = arith.constant 16 : i32
    %mul3A_0 = arith.muli %arg0, %mul3A : i32
    %add3A = arith.addi %mul3A_0, %arg1 : i32
    %mul3A_1 = arith.constant 640 : i32
    %mul3A_2 = arith.muli %arg1, %mul3A_1 : i32
    %multiple_of3A = tpu.assume_multiple %mul3A_2, 8 : i32
    %eq3A = arith.constant 31 : i32
    %eq3A_3 = arith.cmpi eq, %add3A, %eq3A : i32
    %jit3A = arith.constant 10 : i32
    %jit3A_4 = arith.constant 40 : i32
    %select_n3A = arith.select %eq3A_3, %jit3A, %jit3A_4 : i32
    %mul3A_5 = arith.constant 40 : i32
    %mul3A_6 = arith.muli %add3A, %mul3A_5 : i32
    %multiple_of3A_7 = tpu.assume_multiple %mul3A_6, 8 : i32
    %dma_start3A = arith.constant 2 : i32
    %dma_start3A_8 = tpu.memref_slice %arg12[%dma_start3A] : memref<3x!tpu.dma_semaphore, #tpu.memory_space<semaphore_mem>> -> memref<1x!tpu.dma_semaphore, #tpu.memory_space<semaphore_mem>>
    %dma_start3A_9 = tpu.memref_squeeze %dma_start3A_8 : memref<1x!tpu.dma_semaphore, #tpu.memory_space<semaphore_mem>> -> memref<!tpu.dma_semaphore, #tpu.memory_space<semaphore_mem>>
    %dma_start3A_10 = arith.constant 0 : i32
    %dma_start3A_11 = tpu.memref_slice %arg10[%multiple_of3A, %dma_start3A_10] : memref<10240x128xf32, #tpu.memory_space<vmem_shared>> -> memref<640x128xf32, #tpu.memory_space<vmem_shared>>
    %dma_start3A_12 = arith.constant 0 : i32
    %dma_start3A_13 = tpu.memref_slice %arg5[%multiple_of3A, %dma_start3A_12] : memref<10240x128xf32, #tpu.memory_space<hbm>> -> memref<640x128xf32, #tpu.memory_space<hbm>>
    tpu.enqueue_dma source(%dma_start3A_13 : memref<640x128xf32, #tpu.memory_space<hbm>>) target(%dma_start3A_11 : memref<640x128xf32, #tpu.memory_space<vmem_shared>>) target_semaphore(%dma_start3A_9 : memref<!tpu.dma_semaphore, #tpu.memory_space<semaphore_mem>>)
    %not3A = arith.constant true
    %not3A_14 = arith.xori %eq3A_3, %not3A : i1
    %convert_element_type3A = arith.extui %not3A_14 : i1 to i32
    %cond3A = arith.constant 0 : i32
    %cond3A_15 = arith.cmpi ne, %convert_element_type3A, %cond3A : i32
    scf.if %cond3A_15 {
      %dma_start3A_58 = arith.constant 0 : i32
      %dma_start3A_59 = arith.constant 0 : i32
      %dma_start3A_60 = tpu.memref_slice %arg3[%multiple_of3A_7, %dma_start3A_59] : memref<1250x128xi32, #tpu.memory_space<hbm>> -> memref<40x128xi32, #tpu.memory_space<hbm>>
      %dma_start3A_61 = tpu.memref_slice %arg12[%dma_start3A_58] : memref<3x!tpu.dma_semaphore, #tpu.memory_space<semaphore_mem>> -> memref<1x!tpu.dma_semaphore, #tpu.memory_space<semaphore_mem>>
      %dma_start3A_62 = tpu.memref_squeeze %dma_start3A_61 : memref<1x!tpu.dma_semaphore, #tpu.memory_space<semaphore_mem>> -> memref<!tpu.dma_semaphore, #tpu.memory_space<semaphore_mem>>
      %dma_start3A_63 = arith.constant 0 : i32
      %dma_start3A_64 = tpu.memref_slice %arg3[%multiple_of3A_7, %dma_start3A_63] : memref<1250x128xi32, #tpu.memory_space<hbm>> -> memref<40x128xi32, #tpu.memory_space<hbm>>
      tpu.enqueue_dma source(%dma_start3A_64 : memref<40x128xi32, #tpu.memory_space<hbm>>) target(%arg7 : memref<40x128xi32, #tpu.memory_space<vmem>>) target_semaphore(%dma_start3A_62 : memref<!tpu.dma_semaphore, #tpu.memory_space<semaphore_mem>>)
      %dma_start3A_65 = arith.constant 1 : i32
      %dma_start3A_66 = arith.constant 0 : i32
      %dma_start3A_67 = tpu.memref_slice %arg4[%multiple_of3A_7, %dma_start3A_66] : memref<1250x128xi32, #tpu.memory_space<hbm>> -> memref<40x128xi32, #tpu.memory_space<hbm>>
      %dma_start3A_68 = tpu.memref_slice %arg12[%dma_start3A_65] : memref<3x!tpu.dma_semaphore, #tpu.memory_space<semaphore_mem>> -> memref<1x!tpu.dma_semaphore, #tpu.memory_space<semaphore_mem>>
      %dma_start3A_69 = tpu.memref_squeeze %dma_start3A_68 : memref<1x!tpu.dma_semaphore, #tpu.memory_space<semaphore_mem>> -> memref<!tpu.dma_semaphore, #tpu.memory_space<semaphore_mem>>
      %dma_start3A_70 = arith.constant 0 : i32
      %dma_start3A_71 = tpu.memref_slice %arg4[%multiple_of3A_7, %dma_start3A_70] : memref<1250x128xi32, #tpu.memory_space<hbm>> -> memref<40x128xi32, #tpu.memory_space<hbm>>
      tpu.enqueue_dma source(%dma_start3A_71 : memref<40x128xi32, #tpu.memory_space<hbm>>) target(%arg8 : memref<40x128xi32, #tpu.memory_space<vmem>>) target_semaphore(%dma_start3A_69 : memref<!tpu.dma_semaphore, #tpu.memory_space<semaphore_mem>>)
      %dma_wait3A_72 = arith.constant 0 : i32
      %dma_wait3A_73 = arith.constant 0 : i32
      %dma_wait3A_74 = tpu.memref_slice %arg3[%multiple_of3A_7, %dma_wait3A_73] : memref<1250x128xi32, #tpu.memory_space<hbm>> -> memref<40x128xi32, #tpu.memory_space<hbm>>
      %dma_wait3A_75 = tpu.memref_slice %arg12[%dma_wait3A_72] : memref<3x!tpu.dma_semaphore, #tpu.memory_space<semaphore_mem>> -> memref<1x!tpu.dma_semaphore, #tpu.memory_space<semaphore_mem>>
      %dma_wait3A_76 = tpu.memref_squeeze %dma_wait3A_75 : memref<1x!tpu.dma_semaphore, #tpu.memory_space<semaphore_mem>> -> memref<!tpu.dma_semaphore, #tpu.memory_space<semaphore_mem>>
      %dma_wait3A_77 = arith.constant 0 : i32
      %dma_wait3A_78 = tpu.memref_slice %arg3[%multiple_of3A_7, %dma_wait3A_77] : memref<1250x128xi32, #tpu.memory_space<hbm>> -> memref<40x128xi32, #tpu.memory_space<hbm>>
      tpu.wait_dma2 semaphore(%dma_wait3A_76 : memref<!tpu.dma_semaphore, #tpu.memory_space<semaphore_mem>>) src(%dma_wait3A_78 : memref<40x128xi32, #tpu.memory_space<hbm>>) dst(%arg7 : memref<40x128xi32, #tpu.memory_space<vmem>>)
    } else {
    }
    %convert_element_type3A_16 = arith.extui %eq3A_3 : i1 to i32
    %cond3A_17 = arith.constant 0 : i32
    %cond3A_18 = arith.cmpi ne, %convert_element_type3A_16, %cond3A_17 : i32
    scf.if %cond3A_18 {
      %dma_start3A_58 = arith.constant 0 : i32
      %dma_start3A_59 = arith.constant 0 : i32
      %dma_start3A_60 = arith.constant 0 : i32
      %dma_start3A_61 = tpu.memref_slice %arg7[%dma_start3A_59, %dma_start3A_60] : memref<40x128xi32, #tpu.memory_space<vmem>> -> memref<8x128xi32, #tpu.memory_space<vmem>>
      %dma_start3A_62 = arith.constant 0 : i32
      %dma_start3A_63 = tpu.memref_slice %arg3[%multiple_of3A_7, %dma_start3A_62] : memref<1250x128xi32, #tpu.memory_space<hbm>> -> memref<8x128xi32, #tpu.memory_space<hbm>>
      %dma_start3A_64 = tpu.memref_slice %arg12[%dma_start3A_58] : memref<3x!tpu.dma_semaphore, #tpu.memory_space<semaphore_mem>> -> memref<1x!tpu.dma_semaphore, #tpu.memory_space<semaphore_mem>>
      %dma_start3A_65 = tpu.memref_squeeze %dma_start3A_64 : memref<1x!tpu.dma_semaphore, #tpu.memory_space<semaphore_mem>> -> memref<!tpu.dma_semaphore, #tpu.memory_space<semaphore_mem>>
      %dma_start3A_66 = arith.constant 0 : i32
      %dma_start3A_67 = arith.constant 0 : i32
      %dma_start3A_68 = tpu.memref_slice %arg7[%dma_start3A_66, %dma_start3A_67] : memref<40x128xi32, #tpu.memory_space<vmem>> -> memref<8x128xi32, #tpu.memory_space<vmem>>
      %dma_start3A_69 = arith.constant 0 : i32
      %dma_start3A_70 = tpu.memref_slice %arg3[%multiple_of3A_7, %dma_start3A_69] : memref<1250x128xi32, #tpu.memory_space<hbm>> -> memref<8x128xi32, #tpu.memory_space<hbm>>
      tpu.enqueue_dma source(%dma_start3A_70 : memref<8x128xi32, #tpu.memory_space<hbm>>) target(%dma_start3A_68 : memref<8x128xi32, #tpu.memory_space<vmem>>) target_semaphore(%dma_start3A_65 : memref<!tpu.dma_semaphore, #tpu.memory_space<semaphore_mem>>)
      %add3A_71 = arith.constant 8 : i32
      %add3A_72 = arith.addi %multiple_of3A_7, %add3A_71 : i32
      %dma_start3A_73 = arith.constant 0 : i32
      %dma_start3A_74 = arith.constant 8 : i32
      %dma_start3A_75 = arith.constant 0 : i32
      %dma_start3A_76 = tpu.memref_slice %arg7[%dma_start3A_74, %dma_start3A_75] : memref<40x128xi32, #tpu.memory_space<vmem>> -> memref<2x128xi32, #tpu.memory_space<vmem>>
      %dma_start3A_77 = arith.constant 0 : i32
      %dma_start3A_78 = tpu.memref_slice %arg3[%add3A_72, %dma_start3A_77] : memref<1250x128xi32, #tpu.memory_space<hbm>> -> memref<2x128xi32, #tpu.memory_space<hbm>>
      %dma_start3A_79 = tpu.memref_slice %arg12[%dma_start3A_73] : memref<3x!tpu.dma_semaphore, #tpu.memory_space<semaphore_mem>> -> memref<1x!tpu.dma_semaphore, #tpu.memory_space<semaphore_mem>>
      %dma_start3A_80 = tpu.memref_squeeze %dma_start3A_79 : memref<1x!tpu.dma_semaphore, #tpu.memory_space<semaphore_mem>> -> memref<!tpu.dma_semaphore, #tpu.memory_space<semaphore_mem>>
      %dma_start3A_81 = arith.constant 8 : i32
      %dma_start3A_82 = arith.constant 0 : i32
      %dma_start3A_83 = tpu.memref_slice %arg7[%dma_start3A_81, %dma_start3A_82] : memref<40x128xi32, #tpu.memory_space<vmem>> -> memref<2x128xi32, #tpu.memory_space<vmem>>
      %dma_start3A_84 = arith.constant 0 : i32
      %dma_start3A_85 = tpu.memref_slice %arg3[%add3A_72, %dma_start3A_84] : memref<1250x128xi32, #tpu.memory_space<hbm>> -> memref<2x128xi32, #tpu.memory_space<hbm>>
      tpu.enqueue_dma source(%dma_start3A_85 : memref<2x128xi32, #tpu.memory_space<hbm>>) target(%dma_start3A_83 : memref<2x128xi32, #tpu.memory_space<vmem>>) target_semaphore(%dma_start3A_80 : memref<!tpu.dma_semaphore, #tpu.memory_space<semaphore_mem>>)
      %dma_start3A_86 = arith.constant 1 : i32
      %dma_start3A_87 = arith.constant 0 : i32
      %dma_start3A_88 = arith.constant 0 : i32
      %dma_start3A_89 = tpu.memref_slice %arg8[%dma_start3A_87, %dma_start3A_88] : memref<40x128xi32, #tpu.memory_space<vmem>> -> memref<8x128xi32, #tpu.memory_space<vmem>>
      %dma_start3A_90 = arith.constant 0 : i32
      %dma_start3A_91 = tpu.memref_slice %arg4[%multiple_of3A_7, %dma_start3A_90] : memref<1250x128xi32, #tpu.memory_space<hbm>> -> memref<8x128xi32, #tpu.memory_space<hbm>>
      %dma_start3A_92 = tpu.memref_slice %arg12[%dma_start3A_86] : memref<3x!tpu.dma_semaphore, #tpu.memory_space<semaphore_mem>> -> memref<1x!tpu.dma_semaphore, #tpu.memory_space<semaphore_mem>>
      %dma_start3A_93 = tpu.memref_squeeze %dma_start3A_92 : memref<1x!tpu.dma_semaphore, #tpu.memory_space<semaphore_mem>> -> memref<!tpu.dma_semaphore, #tpu.memory_space<semaphore_mem>>
      %dma_start3A_94 = arith.constant 0 : i32
      %dma_start3A_95 = arith.constant 0 : i32
      %dma_start3A_96 = tpu.memref_slice %arg8[%dma_start3A_94, %dma_start3A_95] : memref<40x128xi32, #tpu.memory_space<vmem>> -> memref<8x128xi32, #tpu.memory_space<vmem>>
      %dma_start3A_97 = arith.constant 0 : i32
      %dma_start3A_98 = tpu.memref_slice %arg4[%multiple_of3A_7, %dma_start3A_97] : memref<1250x128xi32, #tpu.memory_space<hbm>> -> memref<8x128xi32, #tpu.memory_space<hbm>>
      tpu.enqueue_dma source(%dma_start3A_98 : memref<8x128xi32, #tpu.memory_space<hbm>>) target(%dma_start3A_96 : memref<8x128xi32, #tpu.memory_space<vmem>>) target_semaphore(%dma_start3A_93 : memref<!tpu.dma_semaphore, #tpu.memory_space<semaphore_mem>>)
      %add3A_99 = arith.constant 8 : i32
      %add3A_100 = arith.addi %multiple_of3A_7, %add3A_99 : i32
      %dma_start3A_101 = arith.constant 1 : i32
      %dma_start3A_102 = arith.constant 8 : i32
      %dma_start3A_103 = arith.constant 0 : i32
      %dma_start3A_104 = tpu.memref_slice %arg8[%dma_start3A_102, %dma_start3A_103] : memref<40x128xi32, #tpu.memory_space<vmem>> -> memref<2x128xi32, #tpu.memory_space<vmem>>
      %dma_start3A_105 = arith.constant 0 : i32
      %dma_start3A_106 = tpu.memref_slice %arg4[%add3A_100, %dma_start3A_105] : memref<1250x128xi32, #tpu.memory_space<hbm>> -> memref<2x128xi32, #tpu.memory_space<hbm>>
      %dma_start3A_107 = tpu.memref_slice %arg12[%dma_start3A_101] : memref<3x!tpu.dma_semaphore, #tpu.memory_space<semaphore_mem>> -> memref<1x!tpu.dma_semaphore, #tpu.memory_space<semaphore_mem>>
      %dma_start3A_108 = tpu.memref_squeeze %dma_start3A_107 : memref<1x!tpu.dma_semaphore, #tpu.memory_space<semaphore_mem>> -> memref<!tpu.dma_semaphore, #tpu.memory_space<semaphore_mem>>
      %dma_start3A_109 = arith.constant 8 : i32
      %dma_start3A_110 = arith.constant 0 : i32
      %dma_start3A_111 = tpu.memref_slice %arg8[%dma_start3A_109, %dma_start3A_110] : memref<40x128xi32, #tpu.memory_space<vmem>> -> memref<2x128xi32, #tpu.memory_space<vmem>>
      %dma_start3A_112 = arith.constant 0 : i32
      %dma_start3A_113 = tpu.memref_slice %arg4[%add3A_100, %dma_start3A_112] : memref<1250x128xi32, #tpu.memory_space<hbm>> -> memref<2x128xi32, #tpu.memory_space<hbm>>
      tpu.enqueue_dma source(%dma_start3A_113 : memref<2x128xi32, #tpu.memory_space<hbm>>) target(%dma_start3A_111 : memref<2x128xi32, #tpu.memory_space<vmem>>) target_semaphore(%dma_start3A_108 : memref<!tpu.dma_semaphore, #tpu.memory_space<semaphore_mem>>)
      %dma_wait3A_114 = arith.constant 0 : i32
      %dma_wait3A_115 = arith.constant 0 : i32
      %dma_wait3A_116 = arith.constant 0 : i32
      %dma_wait3A_117 = tpu.memref_slice %arg7[%dma_wait3A_115, %dma_wait3A_116] : memref<40x128xi32, #tpu.memory_space<vmem>> -> memref<8x128xi32, #tpu.memory_space<vmem>>
      %dma_wait3A_118 = arith.constant 0 : i32
      %dma_wait3A_119 = tpu.memref_slice %arg3[%multiple_of3A_7, %dma_wait3A_118] : memref<1250x128xi32, #tpu.memory_space<hbm>> -> memref<8x128xi32, #tpu.memory_space<hbm>>
      %dma_wait3A_120 = tpu.memref_slice %arg12[%dma_wait3A_114] : memref<3x!tpu.dma_semaphore, #tpu.memory_space<semaphore_mem>> -> memref<1x!tpu.dma_semaphore, #tpu.memory_space<semaphore_mem>>
      %dma_wait3A_121 = tpu.memref_squeeze %dma_wait3A_120 : memref<1x!tpu.dma_semaphore, #tpu.memory_space<semaphore_mem>> -> memref<!tpu.dma_semaphore, #tpu.memory_space<semaphore_mem>>
      %dma_wait3A_122 = arith.constant 0 : i32
      %dma_wait3A_123 = arith.constant 0 : i32
      %dma_wait3A_124 = tpu.memref_slice %arg7[%dma_wait3A_122, %dma_wait3A_123] : memref<40x128xi32, #tpu.memory_space<vmem>> -> memref<8x128xi32, #tpu.memory_space<vmem>>
      %dma_wait3A_125 = arith.constant 0 : i32
      %dma_wait3A_126 = tpu.memref_slice %arg3[%multiple_of3A_7, %dma_wait3A_125] : memref<1250x128xi32, #tpu.memory_space<hbm>> -> memref<8x128xi32, #tpu.memory_space<hbm>>
      tpu.wait_dma2 semaphore(%dma_wait3A_121 : memref<!tpu.dma_semaphore, #tpu.memory_space<semaphore_mem>>) src(%dma_wait3A_126 : memref<8x128xi32, #tpu.memory_space<hbm>>) dst(%dma_wait3A_124 : memref<8x128xi32, #tpu.memory_space<vmem>>)
      %add3A_127 = arith.constant 8 : i32
      %add3A_128 = arith.addi %multiple_of3A_7, %add3A_127 : i32
      %dma_wait3A_129 = arith.constant 0 : i32
      %dma_wait3A_130 = arith.constant 8 : i32
      %dma_wait3A_131 = arith.constant 0 : i32
      %dma_wait3A_132 = tpu.memref_slice %arg7[%dma_wait3A_130, %dma_wait3A_131] : memref<40x128xi32, #tpu.memory_space<vmem>> -> memref<2x128xi32, #tpu.memory_space<vmem>>
      %dma_wait3A_133 = arith.constant 0 : i32
      %dma_wait3A_134 = tpu.memref_slice %arg3[%add3A_128, %dma_wait3A_133] : memref<1250x128xi32, #tpu.memory_space<hbm>> -> memref<2x128xi32, #tpu.memory_space<hbm>>
      %dma_wait3A_135 = tpu.memref_slice %arg12[%dma_wait3A_129] : memref<3x!tpu.dma_semaphore, #tpu.memory_space<semaphore_mem>> -> memref<1x!tpu.dma_semaphore, #tpu.memory_space<semaphore_mem>>
      %dma_wait3A_136 = tpu.memref_squeeze %dma_wait3A_135 : memref<1x!tpu.dma_semaphore, #tpu.memory_space<semaphore_mem>> -> memref<!tpu.dma_semaphore, #tpu.memory_space<semaphore_mem>>
      %dma_wait3A_137 = arith.constant 8 : i32
      %dma_wait3A_138 = arith.constant 0 : i32
      %dma_wait3A_139 = tpu.memref_slice %arg7[%dma_wait3A_137, %dma_wait3A_138] : memref<40x128xi32, #tpu.memory_space<vmem>> -> memref<2x128xi32, #tpu.memory_space<vmem>>
      %dma_wait3A_140 = arith.constant 0 : i32
      %dma_wait3A_141 = tpu.memref_slice %arg3[%add3A_128, %dma_wait3A_140] : memref<1250x128xi32, #tpu.memory_space<hbm>> -> memref<2x128xi32, #tpu.memory_space<hbm>>
      tpu.wait_dma2 semaphore(%dma_wait3A_136 : memref<!tpu.dma_semaphore, #tpu.memory_space<semaphore_mem>>) src(%dma_wait3A_141 : memref<2x128xi32, #tpu.memory_space<hbm>>) dst(%dma_wait3A_139 : memref<2x128xi32, #tpu.memory_space<vmem>>)
    } else {
    }
    %dma_start3A_19 = arith.constant 0 : i32
    %dma_start3A_20 = arith.constant 0 : i32
    %dma_start3A_21 = arith.constant 0 : i32
    %dma_start3A_22 = arith.constant 0 : i32
    %dma_start3A_23 = arith.constant 0 : i32
    %dma_start3A_24 = tpu.memref_slice %arg9[%dma_start3A_20, %dma_start3A_22, %dma_start3A_23] : memref<2x128x128xf32, #tpu.memory_space<vmem>> -> memref<1x128x128xf32, #tpu.memory_space<vmem>>
    %dma_start3A_25 = tpu.memref_squeeze %dma_start3A_24 : memref<1x128x128xf32, #tpu.memory_space<vmem>> -> memref<128x128xf32, #tpu.memory_space<vmem>>
    %dma_start3A_26 = arith.constant 0 : i32
    %dma_start3A_27 = tpu.memref_slice %arg7[%dma_start3A_19, %dma_start3A_26] : memref<40x128xi32, #tpu.memory_space<vmem>> -> memref<1x128xi32, #tpu.memory_space<vmem>>
    %dma_start3A_28 = tpu.memref_squeeze %dma_start3A_27 : memref<1x128xi32, #tpu.memory_space<vmem>> -> memref<128xi32, #tpu.memory_space<vmem>>
    %dma_start3A_29 = arith.constant 0 : i32
    %dma_start3A_30 = arith.constant 0 : i32
    %dma_start3A_31 = tpu.memref_slice %arg2[%dma_start3A_29, %dma_start3A_30] : memref<10240x128xf32, #tpu.memory_space<hbm>> -> memref<10240x128xf32, #tpu.memory_space<hbm>>
    %dma_start3A_32 = tpu.memref_slice %arg11[%dma_start3A_21] : memref<2x!tpu.dma_semaphore, #tpu.memory_space<semaphore_mem>> -> memref<1x!tpu.dma_semaphore, #tpu.memory_space<semaphore_mem>>
    %dma_start3A_33 = tpu.memref_squeeze %dma_start3A_32 : memref<1x!tpu.dma_semaphore, #tpu.memory_space<semaphore_mem>> -> memref<!tpu.dma_semaphore, #tpu.memory_space<semaphore_mem>>
    tpu.enqueue_indirect_dma source(%dma_start3A_31 : memref<10240x128xf32, #tpu.memory_space<hbm>>) target(%dma_start3A_25 : memref<128x128xf32, #tpu.memory_space<vmem>>) offsets(%dma_start3A_28 : memref<128xi32, #tpu.memory_space<vmem>>) semaphore(%dma_start3A_33 : memref<!tpu.dma_semaphore, #tpu.memory_space<semaphore_mem>>)
    %not3A_34 = arith.constant true
    %not3A_35 = arith.xori %eq3A_3, %not3A_34 : i1
    %convert_element_type3A_36 = arith.extui %not3A_35 : i1 to i32
    %cond3A_37 = arith.constant 0 : i32
    %cond3A_38 = arith.cmpi ne, %convert_element_type3A_36, %cond3A_37 : i32
    scf.if %cond3A_38 {
      %dma_wait3A_58 = arith.constant 1 : i32
      %dma_wait3A_59 = arith.constant 0 : i32
      %dma_wait3A_60 = tpu.memref_slice %arg4[%multiple_of3A_7, %dma_wait3A_59] : memref<1250x128xi32, #tpu.memory_space<hbm>> -> memref<40x128xi32, #tpu.memory_space<hbm>>
      %dma_wait3A_61 = tpu.memref_slice %arg12[%dma_wait3A_58] : memref<3x!tpu.dma_semaphore, #tpu.memory_space<semaphore_mem>> -> memref<1x!tpu.dma_semaphore, #tpu.memory_space<semaphore_mem>>
      %dma_wait3A_62 = tpu.memref_squeeze %dma_wait3A_61 : memref<1x!tpu.dma_semaphore, #tpu.memory_space<semaphore_mem>> -> memref<!tpu.dma_semaphore, #tpu.memory_space<semaphore_mem>>
      %dma_wait3A_63 = arith.constant 0 : i32
      %dma_wait3A_64 = tpu.memref_slice %arg4[%multiple_of3A_7, %dma_wait3A_63] : memref<1250x128xi32, #tpu.memory_space<hbm>> -> memref<40x128xi32, #tpu.memory_space<hbm>>
      tpu.wait_dma2 semaphore(%dma_wait3A_62 : memref<!tpu.dma_semaphore, #tpu.memory_space<semaphore_mem>>) src(%dma_wait3A_64 : memref<40x128xi32, #tpu.memory_space<hbm>>) dst(%arg8 : memref<40x128xi32, #tpu.memory_space<vmem>>)
    } else {
    }
    %convert_element_type3A_39 = arith.extui %eq3A_3 : i1 to i32
    %cond3A_40 = arith.constant 0 : i32
    %cond3A_41 = arith.cmpi ne, %convert_element_type3A_39, %cond3A_40 : i32
    scf.if %cond3A_41 {
      %dma_wait3A_58 = arith.constant 1 : i32
      %dma_wait3A_59 = arith.constant 0 : i32
      %dma_wait3A_60 = arith.constant 0 : i32
      %dma_wait3A_61 = tpu.memref_slice %arg8[%dma_wait3A_59, %dma_wait3A_60] : memref<40x128xi32, #tpu.memory_space<vmem>> -> memref<8x128xi32, #tpu.memory_space<vmem>>
      %dma_wait3A_62 = arith.constant 0 : i32
      %dma_wait3A_63 = tpu.memref_slice %arg4[%multiple_of3A_7, %dma_wait3A_62] : memref<1250x128xi32, #tpu.memory_space<hbm>> -> memref<8x128xi32, #tpu.memory_space<hbm>>
      %dma_wait3A_64 = tpu.memref_slice %arg12[%dma_wait3A_58] : memref<3x!tpu.dma_semaphore, #tpu.memory_space<semaphore_mem>> -> memref<1x!tpu.dma_semaphore, #tpu.memory_space<semaphore_mem>>
      %dma_wait3A_65 = tpu.memref_squeeze %dma_wait3A_64 : memref<1x!tpu.dma_semaphore, #tpu.memory_space<semaphore_mem>> -> memref<!tpu.dma_semaphore, #tpu.memory_space<semaphore_mem>>
      %dma_wait3A_66 = arith.constant 0 : i32
      %dma_wait3A_67 = arith.constant 0 : i32
      %dma_wait3A_68 = tpu.memref_slice %arg8[%dma_wait3A_66, %dma_wait3A_67] : memref<40x128xi32, #tpu.memory_space<vmem>> -> memref<8x128xi32, #tpu.memory_space<vmem>>
      %dma_wait3A_69 = arith.constant 0 : i32
      %dma_wait3A_70 = tpu.memref_slice %arg4[%multiple_of3A_7, %dma_wait3A_69] : memref<1250x128xi32, #tpu.memory_space<hbm>> -> memref<8x128xi32, #tpu.memory_space<hbm>>
      tpu.wait_dma2 semaphore(%dma_wait3A_65 : memref<!tpu.dma_semaphore, #tpu.memory_space<semaphore_mem>>) src(%dma_wait3A_70 : memref<8x128xi32, #tpu.memory_space<hbm>>) dst(%dma_wait3A_68 : memref<8x128xi32, #tpu.memory_space<vmem>>)
      %add3A_71 = arith.constant 8 : i32
      %add3A_72 = arith.addi %multiple_of3A_7, %add3A_71 : i32
      %dma_wait3A_73 = arith.constant 1 : i32
      %dma_wait3A_74 = arith.constant 8 : i32
      %dma_wait3A_75 = arith.constant 0 : i32
      %dma_wait3A_76 = tpu.memref_slice %arg8[%dma_wait3A_74, %dma_wait3A_75] : memref<40x128xi32, #tpu.memory_space<vmem>> -> memref<2x128xi32, #tpu.memory_space<vmem>>
      %dma_wait3A_77 = arith.constant 0 : i32
      %dma_wait3A_78 = tpu.memref_slice %arg4[%add3A_72, %dma_wait3A_77] : memref<1250x128xi32, #tpu.memory_space<hbm>> -> memref<2x128xi32, #tpu.memory_space<hbm>>
      %dma_wait3A_79 = tpu.memref_slice %arg12[%dma_wait3A_73] : memref<3x!tpu.dma_semaphore, #tpu.memory_space<semaphore_mem>> -> memref<1x!tpu.dma_semaphore, #tpu.memory_space<semaphore_mem>>
      %dma_wait3A_80 = tpu.memref_squeeze %dma_wait3A_79 : memref<1x!tpu.dma_semaphore, #tpu.memory_space<semaphore_mem>> -> memref<!tpu.dma_semaphore, #tpu.memory_space<semaphore_mem>>
      %dma_wait3A_81 = arith.constant 8 : i32
      %dma_wait3A_82 = arith.constant 0 : i32
      %dma_wait3A_83 = tpu.memref_slice %arg8[%dma_wait3A_81, %dma_wait3A_82] : memref<40x128xi32, #tpu.memory_space<vmem>> -> memref<2x128xi32, #tpu.memory_space<vmem>>
      %dma_wait3A_84 = arith.constant 0 : i32
      %dma_wait3A_85 = tpu.memref_slice %arg4[%add3A_72, %dma_wait3A_84] : memref<1250x128xi32, #tpu.memory_space<hbm>> -> memref<2x128xi32, #tpu.memory_space<hbm>>
      tpu.wait_dma2 semaphore(%dma_wait3A_80 : memref<!tpu.dma_semaphore, #tpu.memory_space<semaphore_mem>>) src(%dma_wait3A_85 : memref<2x128xi32, #tpu.memory_space<hbm>>) dst(%dma_wait3A_83 : memref<2x128xi32, #tpu.memory_space<vmem>>)
    } else {
    }
    %dma_wait3A = arith.constant 2 : i32
    %dma_wait3A_42 = tpu.memref_slice %arg12[%dma_wait3A] : memref<3x!tpu.dma_semaphore, #tpu.memory_space<semaphore_mem>> -> memref<1x!tpu.dma_semaphore, #tpu.memory_space<semaphore_mem>>
    %dma_wait3A_43 = tpu.memref_squeeze %dma_wait3A_42 : memref<1x!tpu.dma_semaphore, #tpu.memory_space<semaphore_mem>> -> memref<!tpu.dma_semaphore, #tpu.memory_space<semaphore_mem>>
    %dma_wait3A_44 = arith.constant 0 : i32
    %dma_wait3A_45 = tpu.memref_slice %arg10[%multiple_of3A, %dma_wait3A_44] : memref<10240x128xf32, #tpu.memory_space<vmem_shared>> -> memref<640x128xf32, #tpu.memory_space<vmem_shared>>
    %dma_wait3A_46 = arith.constant 0 : i32
    %dma_wait3A_47 = tpu.memref_slice %arg5[%multiple_of3A, %dma_wait3A_46] : memref<10240x128xf32, #tpu.memory_space<hbm>> -> memref<640x128xf32, #tpu.memory_space<hbm>>
    tpu.wait_dma2 semaphore(%dma_wait3A_43 : memref<!tpu.dma_semaphore, #tpu.memory_space<semaphore_mem>>) src(%dma_wait3A_47 : memref<640x128xf32, #tpu.memory_space<hbm>>) dst(%dma_wait3A_45 : memref<640x128xf32, #tpu.memory_space<vmem_shared>>)
    %barrier3A = arith.constant 0 : index
    tpu.barrier barrier_id(%barrier3A)
    %while3A = arith.constant 0 : i32
    %while3A_48 = arith.constant 0 : i32
    %while3A_49 = arith.subi %select_n3A, %while3A_48 : i32
    %while3A_50 = arith.addi %while3A_48, %while3A_49 : i32
    %while3A_51 = arith.constant 1 : i32
    %while3A_52 = arith.divsi %while3A_49, %while3A_51 : i32
    %while3A_53 = arith.muli %while3A_52, %while3A_51 : i32
    %while3A_54 = arith.addi %while3A_48, %while3A_53 : i32
    %while3A_55 = arith.constant 1 : i32
    scf.for %while3A_58 = %while3A_48 to %while3A_54 step %while3A_55  : i32 {
      %rem3A = arith.constant 2 : i32
      %rem3A_59 = arith.remsi %while3A_58, %rem3A : i32
      %add3A_60 = arith.constant 1 : i32
      %add3A_61 = arith.addi %while3A_58, %add3A_60 : i32
      %rem3A_62 = arith.constant 2 : i32
      %rem3A_63 = arith.remsi %add3A_61, %rem3A_62 : i32
      %add3A_64 = arith.constant 1 : i32
      %add3A_65 = arith.addi %while3A_58, %add3A_64 : i32
      %lt3A = arith.cmpi slt, %add3A_65, %select_n3A : i32
      %convert_element_type3A_66 = arith.extui %lt3A : i1 to i32
      %cond3A_67 = arith.constant 0 : i32
      %cond3A_68 = arith.cmpi ne, %convert_element_type3A_66, %cond3A_67 : i32
      scf.if %cond3A_68 {
        %add3A_81 = arith.constant 1 : i32
        %add3A_82 = arith.addi %while3A_58, %add3A_81 : i32
        %dma_start3A_83 = arith.constant 0 : i32
        %dma_start3A_84 = arith.constant 0 : i32
        %dma_start3A_85 = tpu.memref_slice %arg9[%rem3A_63, %dma_start3A_83, %dma_start3A_84] : memref<2x128x128xf32, #tpu.memory_space<vmem>> -> memref<1x128x128xf32, #tpu.memory_space<vmem>>
        %dma_start3A_86 = tpu.memref_squeeze %dma_start3A_85 : memref<1x128x128xf32, #tpu.memory_space<vmem>> -> memref<128x128xf32, #tpu.memory_space<vmem>>
        %dma_start3A_87 = arith.constant 0 : i32
        %dma_start3A_88 = tpu.memref_slice %arg7[%add3A_82, %dma_start3A_87] : memref<40x128xi32, #tpu.memory_space<vmem>> -> memref<1x128xi32, #tpu.memory_space<vmem>>
        %dma_start3A_89 = tpu.memref_squeeze %dma_start3A_88 : memref<1x128xi32, #tpu.memory_space<vmem>> -> memref<128xi32, #tpu.memory_space<vmem>>
        %dma_start3A_90 = arith.constant 0 : i32
        %dma_start3A_91 = arith.constant 0 : i32
        %dma_start3A_92 = tpu.memref_slice %arg2[%dma_start3A_90, %dma_start3A_91] : memref<10240x128xf32, #tpu.memory_space<hbm>> -> memref<10240x128xf32, #tpu.memory_space<hbm>>
        %dma_start3A_93 = tpu.memref_slice %arg11[%rem3A_63] : memref<2x!tpu.dma_semaphore, #tpu.memory_space<semaphore_mem>> -> memref<1x!tpu.dma_semaphore, #tpu.memory_space<semaphore_mem>>
        %dma_start3A_94 = tpu.memref_squeeze %dma_start3A_93 : memref<1x!tpu.dma_semaphore, #tpu.memory_space<semaphore_mem>> -> memref<!tpu.dma_semaphore, #tpu.memory_space<semaphore_mem>>
        tpu.enqueue_indirect_dma source(%dma_start3A_92 : memref<10240x128xf32, #tpu.memory_space<hbm>>) target(%dma_start3A_86 : memref<128x128xf32, #tpu.memory_space<vmem>>) offsets(%dma_start3A_89 : memref<128xi32, #tpu.memory_space<vmem>>) semaphore(%dma_start3A_94 : memref<!tpu.dma_semaphore, #tpu.memory_space<semaphore_mem>>)
      } else {
      }
      %dma_wait3A_69 = arith.constant 0 : i32
      %dma_wait3A_70 = arith.constant 0 : i32
      %dma_wait3A_71 = tpu.memref_slice %arg9[%rem3A_59, %dma_wait3A_69, %dma_wait3A_70] : memref<2x128x128xf32, #tpu.memory_space<vmem>> -> memref<1x128x128xf32, #tpu.memory_space<vmem>>
      %dma_wait3A_72 = tpu.memref_squeeze %dma_wait3A_71 : memref<1x128x128xf32, #tpu.memory_space<vmem>> -> memref<128x128xf32, #tpu.memory_space<vmem>>
      %dma_wait3A_73 = arith.constant 0 : i32
      %dma_wait3A_74 = tpu.memref_slice %arg7[%while3A_58, %dma_wait3A_73] : memref<40x128xi32, #tpu.memory_space<vmem>> -> memref<1x128xi32, #tpu.memory_space<vmem>>
      %dma_wait3A_75 = tpu.memref_squeeze %dma_wait3A_74 : memref<1x128xi32, #tpu.memory_space<vmem>> -> memref<128xi32, #tpu.memory_space<vmem>>
      %dma_wait3A_76 = arith.constant 0 : i32
      %dma_wait3A_77 = arith.constant 0 : i32
      %dma_wait3A_78 = tpu.memref_slice %arg2[%dma_wait3A_76, %dma_wait3A_77] : memref<10240x128xf32, #tpu.memory_space<hbm>> -> memref<10240x128xf32, #tpu.memory_space<hbm>>
      %dma_wait3A_79 = tpu.memref_slice %arg11[%rem3A_59] : memref<2x!tpu.dma_semaphore, #tpu.memory_space<semaphore_mem>> -> memref<1x!tpu.dma_semaphore, #tpu.memory_space<semaphore_mem>>
      %dma_wait3A_80 = tpu.memref_squeeze %dma_wait3A_79 : memref<1x!tpu.dma_semaphore, #tpu.memory_space<semaphore_mem>> -> memref<!tpu.dma_semaphore, #tpu.memory_space<semaphore_mem>>
      tpu.wait_indirect_dma semaphore(%dma_wait3A_80 : memref<!tpu.dma_semaphore, #tpu.memory_space<semaphore_mem>>) src(%dma_wait3A_78 : memref<10240x128xf32, #tpu.memory_space<hbm>>) dst(%dma_wait3A_72 : memref<128x128xf32, #tpu.memory_space<vmem>>)
      "tpu.region"() ({
        %run_scoped3A = tpu.sem_alloc : memref<!tpu.dma_semaphore, #tpu.memory_space<semaphore_mem>>
        %dma_start3A_81 = arith.constant 0 : i32
        %dma_start3A_82 = arith.constant 0 : i32
        %dma_start3A_83 = tpu.memref_slice %arg9[%rem3A_59, %dma_start3A_81, %dma_start3A_82] : memref<2x128x128xf32, #tpu.memory_space<vmem>> -> memref<1x128x128xf32, #tpu.memory_space<vmem>>
        %dma_start3A_84 = tpu.memref_squeeze %dma_start3A_83 : memref<1x128x128xf32, #tpu.memory_space<vmem>> -> memref<128x128xf32, #tpu.memory_space<vmem>>
        %dma_start3A_85 = arith.constant 0 : i32
        %dma_start3A_86 = tpu.memref_slice %arg8[%while3A_58, %dma_start3A_85] : memref<40x128xi32, #tpu.memory_space<vmem>> -> memref<1x128xi32, #tpu.memory_space<vmem>>
        %dma_start3A_87 = tpu.memref_squeeze %dma_start3A_86 : memref<1x128xi32, #tpu.memory_space<vmem>> -> memref<128xi32, #tpu.memory_space<vmem>>
        %dma_start3A_88 = arith.constant 0 : i32
        %dma_start3A_89 = arith.constant 0 : i32
        %dma_start3A_90 = tpu.memref_slice %arg10[%dma_start3A_88, %dma_start3A_89] : memref<10240x128xf32, #tpu.memory_space<vmem_shared>> -> memref<10240x128xf32, #tpu.memory_space<vmem_shared>>
        tpu.enqueue_indirect_dma source(%dma_start3A_84 : memref<128x128xf32, #tpu.memory_space<vmem>>) target(%dma_start3A_90 : memref<10240x128xf32, #tpu.memory_space<vmem_shared>>) offsets(%dma_start3A_87 : memref<128xi32, #tpu.memory_space<vmem>>) semaphore(%run_scoped3A : memref<!tpu.dma_semaphore, #tpu.memory_space<semaphore_mem>>) {add = true}
        %dma_wait3A_91 = arith.constant 0 : i32
        %dma_wait3A_92 = arith.constant 0 : i32
        %dma_wait3A_93 = tpu.memref_slice %arg9[%rem3A_59, %dma_wait3A_91, %dma_wait3A_92] : memref<2x128x128xf32, #tpu.memory_space<vmem>> -> memref<1x128x128xf32, #tpu.memory_space<vmem>>
        %dma_wait3A_94 = tpu.memref_squeeze %dma_wait3A_93 : memref<1x128x128xf32, #tpu.memory_space<vmem>> -> memref<128x128xf32, #tpu.memory_space<vmem>>
        %dma_wait3A_95 = arith.constant 0 : i32
        %dma_wait3A_96 = tpu.memref_slice %arg8[%while3A_58, %dma_wait3A_95] : memref<40x128xi32, #tpu.memory_space<vmem>> -> memref<1x128xi32, #tpu.memory_space<vmem>>
        %dma_wait3A_97 = tpu.memref_squeeze %dma_wait3A_96 : memref<1x128xi32, #tpu.memory_space<vmem>> -> memref<128xi32, #tpu.memory_space<vmem>>
        %dma_wait3A_98 = arith.constant 0 : i32
        %dma_wait3A_99 = arith.constant 0 : i32
        %dma_wait3A_100 = tpu.memref_slice %arg10[%dma_wait3A_98, %dma_wait3A_99] : memref<10240x128xf32, #tpu.memory_space<vmem_shared>> -> memref<10240x128xf32, #tpu.memory_space<vmem_shared>>
        tpu.wait_indirect_dma semaphore(%run_scoped3A : memref<!tpu.dma_semaphore, #tpu.memory_space<semaphore_mem>>) src(%dma_wait3A_94 : memref<128x128xf32, #tpu.memory_space<vmem>>) dst(%dma_wait3A_100 : memref<10240x128xf32, #tpu.memory_space<vmem_shared>>)
        tpu.yield
      }) : () -> ()
    }
    %while3A_56 = arith.constant 1 : i32
    scf.for %while3A_58 = %while3A_54 to %while3A_50 step %while3A_56  : i32 {
      %rem3A = arith.constant 2 : i32
      %rem3A_59 = arith.remsi %while3A_58, %rem3A : i32
      %add3A_60 = arith.constant 1 : i32
      %add3A_61 = arith.addi %while3A_58, %add3A_60 : i32
      %rem3A_62 = arith.constant 2 : i32
      %rem3A_63 = arith.remsi %add3A_61, %rem3A_62 : i32
      %add3A_64 = arith.constant 1 : i32
      %add3A_65 = arith.addi %while3A_58, %add3A_64 : i32
      %lt3A = arith.cmpi slt, %add3A_65, %select_n3A : i32
      %convert_element_type3A_66 = arith.extui %lt3A : i1 to i32
      %cond3A_67 = arith.constant 0 : i32
      %cond3A_68 = arith.cmpi ne, %convert_element_type3A_66, %cond3A_67 : i32
      scf.if %cond3A_68 {
        %add3A_81 = arith.constant 1 : i32
        %add3A_82 = arith.addi %while3A_58, %add3A_81 : i32
        %dma_start3A_83 = arith.constant 0 : i32
        %dma_start3A_84 = arith.constant 0 : i32
        %dma_start3A_85 = tpu.memref_slice %arg9[%rem3A_63, %dma_start3A_83, %dma_start3A_84] : memref<2x128x128xf32, #tpu.memory_space<vmem>> -> memref<1x128x128xf32, #tpu.memory_space<vmem>>
        %dma_start3A_86 = tpu.memref_squeeze %dma_start3A_85 : memref<1x128x128xf32, #tpu.memory_space<vmem>> -> memref<128x128xf32, #tpu.memory_space<vmem>>
        %dma_start3A_87 = arith.constant 0 : i32
        %dma_start3A_88 = tpu.memref_slice %arg7[%add3A_82, %dma_start3A_87] : memref<40x128xi32, #tpu.memory_space<vmem>> -> memref<1x128xi32, #tpu.memory_space<vmem>>
        %dma_start3A_89 = tpu.memref_squeeze %dma_start3A_88 : memref<1x128xi32, #tpu.memory_space<vmem>> -> memref<128xi32, #tpu.memory_space<vmem>>
        %dma_start3A_90 = arith.constant 0 : i32
        %dma_start3A_91 = arith.constant 0 : i32
        %dma_start3A_92 = tpu.memref_slice %arg2[%dma_start3A_90, %dma_start3A_91] : memref<10240x128xf32, #tpu.memory_space<hbm>> -> memref<10240x128xf32, #tpu.memory_space<hbm>>
        %dma_start3A_93 = tpu.memref_slice %arg11[%rem3A_63] : memref<2x!tpu.dma_semaphore, #tpu.memory_space<semaphore_mem>> -> memref<1x!tpu.dma_semaphore, #tpu.memory_space<semaphore_mem>>
        %dma_start3A_94 = tpu.memref_squeeze %dma_start3A_93 : memref<1x!tpu.dma_semaphore, #tpu.memory_space<semaphore_mem>> -> memref<!tpu.dma_semaphore, #tpu.memory_space<semaphore_mem>>
        tpu.enqueue_indirect_dma source(%dma_start3A_92 : memref<10240x128xf32, #tpu.memory_space<hbm>>) target(%dma_start3A_86 : memref<128x128xf32, #tpu.memory_space<vmem>>) offsets(%dma_start3A_89 : memref<128xi32, #tpu.memory_space<vmem>>) semaphore(%dma_start3A_94 : memref<!tpu.dma_semaphore, #tpu.memory_space<semaphore_mem>>)
      } else {
      }
      %dma_wait3A_69 = arith.constant 0 : i32
      %dma_wait3A_70 = arith.constant 0 : i32
      %dma_wait3A_71 = tpu.memref_slice %arg9[%rem3A_59, %dma_wait3A_69, %dma_wait3A_70] : memref<2x128x128xf32, #tpu.memory_space<vmem>> -> memref<1x128x128xf32, #tpu.memory_space<vmem>>
      %dma_wait3A_72 = tpu.memref_squeeze %dma_wait3A_71 : memref<1x128x128xf32, #tpu.memory_space<vmem>> -> memref<128x128xf32, #tpu.memory_space<vmem>>
      %dma_wait3A_73 = arith.constant 0 : i32
      %dma_wait3A_74 = tpu.memref_slice %arg7[%while3A_58, %dma_wait3A_73] : memref<40x128xi32, #tpu.memory_space<vmem>> -> memref<1x128xi32, #tpu.memory_space<vmem>>
      %dma_wait3A_75 = tpu.memref_squeeze %dma_wait3A_74 : memref<1x128xi32, #tpu.memory_space<vmem>> -> memref<128xi32, #tpu.memory_space<vmem>>
      %dma_wait3A_76 = arith.constant 0 : i32
      %dma_wait3A_77 = arith.constant 0 : i32
      %dma_wait3A_78 = tpu.memref_slice %arg2[%dma_wait3A_76, %dma_wait3A_77] : memref<10240x128xf32, #tpu.memory_space<hbm>> -> memref<10240x128xf32, #tpu.memory_space<hbm>>
      %dma_wait3A_79 = tpu.memref_slice %arg11[%rem3A_59] : memref<2x!tpu.dma_semaphore, #tpu.memory_space<semaphore_mem>> -> memref<1x!tpu.dma_semaphore, #tpu.memory_space<semaphore_mem>>
      %dma_wait3A_80 = tpu.memref_squeeze %dma_wait3A_79 : memref<1x!tpu.dma_semaphore, #tpu.memory_space<semaphore_mem>> -> memref<!tpu.dma_semaphore, #tpu.memory_space<semaphore_mem>>
      tpu.wait_indirect_dma semaphore(%dma_wait3A_80 : memref<!tpu.dma_semaphore, #tpu.memory_space<semaphore_mem>>) src(%dma_wait3A_78 : memref<10240x128xf32, #tpu.memory_space<hbm>>) dst(%dma_wait3A_72 : memref<128x128xf32, #tpu.memory_space<vmem>>)
      "tpu.region"() ({
        %run_scoped3A = tpu.sem_alloc : memref<!tpu.dma_semaphore, #tpu.memory_space<semaphore_mem>>
        %dma_start3A_81 = arith.constant 0 : i32
        %dma_start3A_82 = arith.constant 0 : i32
        %dma_start3A_83 = tpu.memref_slice %arg9[%rem3A_59, %dma_start3A_81, %dma_start3A_82] : memref<2x128x128xf32, #tpu.memory_space<vmem>> -> memref<1x128x128xf32, #tpu.memory_space<vmem>>
        %dma_start3A_84 = tpu.memref_squeeze %dma_start3A_83 : memref<1x128x128xf32, #tpu.memory_space<vmem>> -> memref<128x128xf32, #tpu.memory_space<vmem>>
        %dma_start3A_85 = arith.constant 0 : i32
        %dma_start3A_86 = tpu.memref_slice %arg8[%while3A_58, %dma_start3A_85] : memref<40x128xi32, #tpu.memory_space<vmem>> -> memref<1x128xi32, #tpu.memory_space<vmem>>
        %dma_start3A_87 = tpu.memref_squeeze %dma_start3A_86 : memref<1x128xi32, #tpu.memory_space<vmem>> -> memref<128xi32, #tpu.memory_space<vmem>>
        %dma_start3A_88 = arith.constant 0 : i32
        %dma_start3A_89 = arith.constant 0 : i32
        %dma_start3A_90 = tpu.memref_slice %arg10[%dma_start3A_88, %dma_start3A_89] : memref<10240x128xf32, #tpu.memory_space<vmem_shared>> -> memref<10240x128xf32, #tpu.memory_space<vmem_shared>>
        tpu.enqueue_indirect_dma source(%dma_start3A_84 : memref<128x128xf32, #tpu.memory_space<vmem>>) target(%dma_start3A_90 : memref<10240x128xf32, #tpu.memory_space<vmem_shared>>) offsets(%dma_start3A_87 : memref<128xi32, #tpu.memory_space<vmem>>) semaphore(%run_scoped3A : memref<!tpu.dma_semaphore, #tpu.memory_space<semaphore_mem>>) {add = true}
        %dma_wait3A_91 = arith.constant 0 : i32
        %dma_wait3A_92 = arith.constant 0 : i32
        %dma_wait3A_93 = tpu.memref_slice %arg9[%rem3A_59, %dma_wait3A_91, %dma_wait3A_92] : memref<2x128x128xf32, #tpu.memory_space<vmem>> -> memref<1x128x128xf32, #tpu.memory_space<vmem>>
        %dma_wait3A_94 = tpu.memref_squeeze %dma_wait3A_93 : memref<1x128x128xf32, #tpu.memory_space<vmem>> -> memref<128x128xf32, #tpu.memory_space<vmem>>
        %dma_wait3A_95 = arith.constant 0 : i32
        %dma_wait3A_96 = tpu.memref_slice %arg8[%while3A_58, %dma_wait3A_95] : memref<40x128xi32, #tpu.memory_space<vmem>> -> memref<1x128xi32, #tpu.memory_space<vmem>>
        %dma_wait3A_97 = tpu.memref_squeeze %dma_wait3A_96 : memref<1x128xi32, #tpu.memory_space<vmem>> -> memref<128xi32, #tpu.memory_space<vmem>>
        %dma_wait3A_98 = arith.constant 0 : i32
        %dma_wait3A_99 = arith.constant 0 : i32
        %dma_wait3A_100 = tpu.memref_slice %arg10[%dma_wait3A_98, %dma_wait3A_99] : memref<10240x128xf32, #tpu.memory_space<vmem_shared>> -> memref<10240x128xf32, #tpu.memory_space<vmem_shared>>
        tpu.wait_indirect_dma semaphore(%run_scoped3A : memref<!tpu.dma_semaphore, #tpu.memory_space<semaphore_mem>>) src(%dma_wait3A_94 : memref<128x128xf32, #tpu.memory_space<vmem>>) dst(%dma_wait3A_100 : memref<10240x128xf32, #tpu.memory_space<vmem_shared>>)
        tpu.yield
      }) : () -> ()
    }
    %barrier3A_57 = arith.constant 0 : index
    tpu.barrier barrier_id(%barrier3A_57)
    "tpu.region"() ({
      %run_scoped3A = tpu.sem_alloc : memref<!tpu.dma_semaphore, #tpu.memory_space<semaphore_mem>>
      %dma_start3A_58 = arith.constant 0 : i32
      %dma_start3A_59 = tpu.memref_slice %arg6[%arg0, %multiple_of3A, %dma_start3A_58] : memref<2x10240x128xf32, #tpu.memory_space<hbm>> -> memref<1x640x128xf32, #tpu.memory_space<hbm>>
      %dma_start3A_60 = tpu.memref_squeeze %dma_start3A_59 : memref<1x640x128xf32, #tpu.memory_space<hbm>> -> memref<640x128xf32, #tpu.memory_space<hbm>>
      %dma_start3A_61 = arith.constant 0 : i32
      %dma_start3A_62 = tpu.memref_slice %arg10[%multiple_of3A, %dma_start3A_61] : memref<10240x128xf32, #tpu.memory_space<vmem_shared>> -> memref<640x128xf32, #tpu.memory_space<vmem_shared>>
      tpu.enqueue_dma source(%dma_start3A_62 : memref<640x128xf32, #tpu.memory_space<vmem_shared>>) target(%dma_start3A_60 : memref<640x128xf32, #tpu.memory_space<hbm>>) target_semaphore(%run_scoped3A : memref<!tpu.dma_semaphore, #tpu.memory_space<semaphore_mem>>)
      %dma_wait3A_63 = arith.constant 0 : i32
      %dma_wait3A_64 = tpu.memref_slice %arg6[%arg0, %multiple_of3A, %dma_wait3A_63] : memref<2x10240x128xf32, #tpu.memory_space<hbm>> -> memref<1x640x128xf32, #tpu.memory_space<hbm>>
      %dma_wait3A_65 = tpu.memref_squeeze %dma_wait3A_64 : memref<1x640x128xf32, #tpu.memory_space<hbm>> -> memref<640x128xf32, #tpu.memory_space<hbm>>
      %dma_wait3A_66 = arith.constant 0 : i32
      %dma_wait3A_67 = tpu.memref_slice %arg10[%multiple_of3A, %dma_wait3A_66] : memref<10240x128xf32, #tpu.memory_space<vmem_shared>> -> memref<640x128xf32, #tpu.memory_space<vmem_shared>>
      tpu.wait_dma2 semaphore(%run_scoped3A : memref<!tpu.dma_semaphore, #tpu.memory_space<semaphore_mem>>) src(%dma_wait3A_67 : memref<640x128xf32, #tpu.memory_space<vmem_shared>>) dst(%dma_wait3A_65 : memref<640x128xf32, #tpu.memory_space<hbm>>)
      tpu.yield
    }) : () -> ()
    return
  }
}

#map = affine_map<(d0, d1) -> (0, 0)>
#map1 = affine_map<(d0, d1) -> (0, 0, 0)>
module attributes {stable_mosaic.version = 14 : i64} {
  func.func @agg(%arg0: i32, %arg1: i32, %arg2: memref<10240x128xf32, #tpu.memory_space<hbm>>, %arg3: memref<1250x128xi32, #tpu.memory_space<hbm>>, %arg4: memref<1250x128xi32, #tpu.memory_space<hbm>>, %arg5: memref<10240x128xf32, #tpu.memory_space<hbm>>, %arg6: memref<2x10240x128xf32, #tpu.memory_space<hbm>>, %arg7: memref<40x128xi32, #tpu.memory_space<vmem>>, %arg8: memref<40x128xi32, #tpu.memory_space<vmem>>, %arg9: memref<2x128x128xf32, #tpu.memory_space<vmem>>, %arg10: memref<10240x128xf32, #tpu.memory_space<vmem_shared>>, %arg11: memref<2x!tpu.dma_semaphore, #tpu.memory_space<semaphore_mem>>, %arg12: memref<3x!tpu.dma_semaphore, #tpu.memory_space<semaphore_mem>>) attributes {dimension_semantics = [#tpu.dimension_semantics<core_parallel>, #tpu.dimension_semantics<subcore_parallel>], iteration_bounds = array<i64: 2, 16>, scalar_prefetch = 0 : i64, scratch_operands = 6 : i64, tpu.core_type = #tpu.core_type<sc_vector_subcore>, window_params = [{transform_indices = #map}, {transform_indices = #map}, {transform_indices = #map}, {transform_indices = #map}, {transform_indices = #map1}]} {
    %mul3A = arith.constant 16 : i32
    %mul3A_0 = arith.muli %arg0, %mul3A : i32
    %add3A = arith.addi %mul3A_0, %arg1 : i32
    %mul3A_1 = arith.constant 640 : i32
    %mul3A_2 = arith.muli %arg1, %mul3A_1 : i32
    %multiple_of3A = tpu.assume_multiple %mul3A_2, 8 : i32
    %eq3A = arith.constant 31 : i32
    %eq3A_3 = arith.cmpi eq, %add3A, %eq3A : i32
    %jit3A = arith.constant 10 : i32
    %jit3A_4 = arith.constant 40 : i32
    %select_n3A = arith.select %eq3A_3, %jit3A, %jit3A_4 : i32
    %mul3A_5 = arith.constant 40 : i32
    %mul3A_6 = arith.muli %add3A, %mul3A_5 : i32
    %multiple_of3A_7 = tpu.assume_multiple %mul3A_6, 8 : i32
    %dma_start3A = arith.constant 2 : i32
    %dma_start3A_8 = tpu.memref_slice %arg12[%dma_start3A] : memref<3x!tpu.dma_semaphore, #tpu.memory_space<semaphore_mem>> -> memref<1x!tpu.dma_semaphore, #tpu.memory_space<semaphore_mem>>
    %dma_start3A_9 = tpu.memref_squeeze %dma_start3A_8 : memref<1x!tpu.dma_semaphore, #tpu.memory_space<semaphore_mem>> -> memref<!tpu.dma_semaphore, #tpu.memory_space<semaphore_mem>>
    %dma_start3A_10 = arith.constant 0 : i32
    %dma_start3A_11 = tpu.memref_slice %arg10[%multiple_of3A, %dma_start3A_10] : memref<10240x128xf32, #tpu.memory_space<vmem_shared>> -> memref<640x128xf32, #tpu.memory_space<vmem_shared>>
    %dma_start3A_12 = arith.constant 0 : i32
    %dma_start3A_13 = tpu.memref_slice %arg5[%multiple_of3A, %dma_start3A_12] : memref<10240x128xf32, #tpu.memory_space<hbm>> -> memref<640x128xf32, #tpu.memory_space<hbm>>
    tpu.enqueue_dma source(%dma_start3A_13 : memref<640x128xf32, #tpu.memory_space<hbm>>) target(%dma_start3A_11 : memref<640x128xf32, #tpu.memory_space<vmem_shared>>) target_semaphore(%dma_start3A_9 : memref<!tpu.dma_semaphore, #tpu.memory_space<semaphore_mem>>)
    %not3A = arith.constant true
    %not3A_14 = arith.xori %eq3A_3, %not3A : i1
    %convert_element_type3A = arith.extui %not3A_14 : i1 to i32
    %cond3A = arith.constant 0 : i32
    %cond3A_15 = arith.cmpi ne, %convert_element_type3A, %cond3A : i32
    scf.if %cond3A_15 {
      %dma_start3A_58 = arith.constant 0 : i32
      %dma_start3A_59 = arith.constant 0 : i32
      %dma_start3A_60 = tpu.memref_slice %arg3[%multiple_of3A_7, %dma_start3A_59] : memref<1250x128xi32, #tpu.memory_space<hbm>> -> memref<40x128xi32, #tpu.memory_space<hbm>>
      %dma_start3A_61 = tpu.memref_slice %arg12[%dma_start3A_58] : memref<3x!tpu.dma_semaphore, #tpu.memory_space<semaphore_mem>> -> memref<1x!tpu.dma_semaphore, #tpu.memory_space<semaphore_mem>>
      %dma_start3A_62 = tpu.memref_squeeze %dma_start3A_61 : memref<1x!tpu.dma_semaphore, #tpu.memory_space<semaphore_mem>> -> memref<!tpu.dma_semaphore, #tpu.memory_space<semaphore_mem>>
      %dma_start3A_63 = arith.constant 0 : i32
      %dma_start3A_64 = tpu.memref_slice %arg3[%multiple_of3A_7, %dma_start3A_63] : memref<1250x128xi32, #tpu.memory_space<hbm>> -> memref<40x128xi32, #tpu.memory_space<hbm>>
      tpu.enqueue_dma source(%dma_start3A_64 : memref<40x128xi32, #tpu.memory_space<hbm>>) target(%arg7 : memref<40x128xi32, #tpu.memory_space<vmem>>) target_semaphore(%dma_start3A_62 : memref<!tpu.dma_semaphore, #tpu.memory_space<semaphore_mem>>)
      %dma_start3A_65 = arith.constant 1 : i32
      %dma_start3A_66 = arith.constant 0 : i32
      %dma_start3A_67 = tpu.memref_slice %arg4[%multiple_of3A_7, %dma_start3A_66] : memref<1250x128xi32, #tpu.memory_space<hbm>> -> memref<40x128xi32, #tpu.memory_space<hbm>>
      %dma_start3A_68 = tpu.memref_slice %arg12[%dma_start3A_65] : memref<3x!tpu.dma_semaphore, #tpu.memory_space<semaphore_mem>> -> memref<1x!tpu.dma_semaphore, #tpu.memory_space<semaphore_mem>>
      %dma_start3A_69 = tpu.memref_squeeze %dma_start3A_68 : memref<1x!tpu.dma_semaphore, #tpu.memory_space<semaphore_mem>> -> memref<!tpu.dma_semaphore, #tpu.memory_space<semaphore_mem>>
      %dma_start3A_70 = arith.constant 0 : i32
      %dma_start3A_71 = tpu.memref_slice %arg4[%multiple_of3A_7, %dma_start3A_70] : memref<1250x128xi32, #tpu.memory_space<hbm>> -> memref<40x128xi32, #tpu.memory_space<hbm>>
      tpu.enqueue_dma source(%dma_start3A_71 : memref<40x128xi32, #tpu.memory_space<hbm>>) target(%arg8 : memref<40x128xi32, #tpu.memory_space<vmem>>) target_semaphore(%dma_start3A_69 : memref<!tpu.dma_semaphore, #tpu.memory_space<semaphore_mem>>)
      %dma_wait3A_72 = arith.constant 0 : i32
      %dma_wait3A_73 = arith.constant 0 : i32
      %dma_wait3A_74 = tpu.memref_slice %arg3[%multiple_of3A_7, %dma_wait3A_73] : memref<1250x128xi32, #tpu.memory_space<hbm>> -> memref<40x128xi32, #tpu.memory_space<hbm>>
      %dma_wait3A_75 = tpu.memref_slice %arg12[%dma_wait3A_72] : memref<3x!tpu.dma_semaphore, #tpu.memory_space<semaphore_mem>> -> memref<1x!tpu.dma_semaphore, #tpu.memory_space<semaphore_mem>>
      %dma_wait3A_76 = tpu.memref_squeeze %dma_wait3A_75 : memref<1x!tpu.dma_semaphore, #tpu.memory_space<semaphore_mem>> -> memref<!tpu.dma_semaphore, #tpu.memory_space<semaphore_mem>>
      %dma_wait3A_77 = arith.constant 0 : i32
      %dma_wait3A_78 = tpu.memref_slice %arg3[%multiple_of3A_7, %dma_wait3A_77] : memref<1250x128xi32, #tpu.memory_space<hbm>> -> memref<40x128xi32, #tpu.memory_space<hbm>>
      tpu.wait_dma2 semaphore(%dma_wait3A_76 : memref<!tpu.dma_semaphore, #tpu.memory_space<semaphore_mem>>) src(%dma_wait3A_78 : memref<40x128xi32, #tpu.memory_space<hbm>>) dst(%arg7 : memref<40x128xi32, #tpu.memory_space<vmem>>)
    } else {
    }
    %convert_element_type3A_16 = arith.extui %eq3A_3 : i1 to i32
    %cond3A_17 = arith.constant 0 : i32
    %cond3A_18 = arith.cmpi ne, %convert_element_type3A_16, %cond3A_17 : i32
    scf.if %cond3A_18 {
      %dma_start3A_58 = arith.constant 0 : i32
      %dma_start3A_59 = arith.constant 0 : i32
      %dma_start3A_60 = arith.constant 0 : i32
      %dma_start3A_61 = tpu.memref_slice %arg7[%dma_start3A_59, %dma_start3A_60] : memref<40x128xi32, #tpu.memory_space<vmem>> -> memref<8x128xi32, #tpu.memory_space<vmem>>
      %dma_start3A_62 = arith.constant 0 : i32
      %dma_start3A_63 = tpu.memref_slice %arg3[%multiple_of3A_7, %dma_start3A_62] : memref<1250x128xi32, #tpu.memory_space<hbm>> -> memref<8x128xi32, #tpu.memory_space<hbm>>
      %dma_start3A_64 = tpu.memref_slice %arg12[%dma_start3A_58] : memref<3x!tpu.dma_semaphore, #tpu.memory_space<semaphore_mem>> -> memref<1x!tpu.dma_semaphore, #tpu.memory_space<semaphore_mem>>
      %dma_start3A_65 = tpu.memref_squeeze %dma_start3A_64 : memref<1x!tpu.dma_semaphore, #tpu.memory_space<semaphore_mem>> -> memref<!tpu.dma_semaphore, #tpu.memory_space<semaphore_mem>>
      %dma_start3A_66 = arith.constant 0 : i32
      %dma_start3A_67 = arith.constant 0 : i32
      %dma_start3A_68 = tpu.memref_slice %arg7[%dma_start3A_66, %dma_start3A_67] : memref<40x128xi32, #tpu.memory_space<vmem>> -> memref<8x128xi32, #tpu.memory_space<vmem>>
      %dma_start3A_69 = arith.constant 0 : i32
      %dma_start3A_70 = tpu.memref_slice %arg3[%multiple_of3A_7, %dma_start3A_69] : memref<1250x128xi32, #tpu.memory_space<hbm>> -> memref<8x128xi32, #tpu.memory_space<hbm>>
      tpu.enqueue_dma source(%dma_start3A_70 : memref<8x128xi32, #tpu.memory_space<hbm>>) target(%dma_start3A_68 : memref<8x128xi32, #tpu.memory_space<vmem>>) target_semaphore(%dma_start3A_65 : memref<!tpu.dma_semaphore, #tpu.memory_space<semaphore_mem>>)
      %add3A_71 = arith.constant 8 : i32
      %add3A_72 = arith.addi %multiple_of3A_7, %add3A_71 : i32
      %dma_start3A_73 = arith.constant 0 : i32
      %dma_start3A_74 = arith.constant 8 : i32
      %dma_start3A_75 = arith.constant 0 : i32
      %dma_start3A_76 = tpu.memref_slice %arg7[%dma_start3A_74, %dma_start3A_75] : memref<40x128xi32, #tpu.memory_space<vmem>> -> memref<2x128xi32, #tpu.memory_space<vmem>>
      %dma_start3A_77 = arith.constant 0 : i32
      %dma_start3A_78 = tpu.memref_slice %arg3[%add3A_72, %dma_start3A_77] : memref<1250x128xi32, #tpu.memory_space<hbm>> -> memref<2x128xi32, #tpu.memory_space<hbm>>
      %dma_start3A_79 = tpu.memref_slice %arg12[%dma_start3A_73] : memref<3x!tpu.dma_semaphore, #tpu.memory_space<semaphore_mem>> -> memref<1x!tpu.dma_semaphore, #tpu.memory_space<semaphore_mem>>
      %dma_start3A_80 = tpu.memref_squeeze %dma_start3A_79 : memref<1x!tpu.dma_semaphore, #tpu.memory_space<semaphore_mem>> -> memref<!tpu.dma_semaphore, #tpu.memory_space<semaphore_mem>>
      %dma_start3A_81 = arith.constant 8 : i32
      %dma_start3A_82 = arith.constant 0 : i32
      %dma_start3A_83 = tpu.memref_slice %arg7[%dma_start3A_81, %dma_start3A_82] : memref<40x128xi32, #tpu.memory_space<vmem>> -> memref<2x128xi32, #tpu.memory_space<vmem>>
      %dma_start3A_84 = arith.constant 0 : i32
      %dma_start3A_85 = tpu.memref_slice %arg3[%add3A_72, %dma_start3A_84] : memref<1250x128xi32, #tpu.memory_space<hbm>> -> memref<2x128xi32, #tpu.memory_space<hbm>>
      tpu.enqueue_dma source(%dma_start3A_85 : memref<2x128xi32, #tpu.memory_space<hbm>>) target(%dma_start3A_83 : memref<2x128xi32, #tpu.memory_space<vmem>>) target_semaphore(%dma_start3A_80 : memref<!tpu.dma_semaphore, #tpu.memory_space<semaphore_mem>>)
      %dma_start3A_86 = arith.constant 1 : i32
      %dma_start3A_87 = arith.constant 0 : i32
      %dma_start3A_88 = arith.constant 0 : i32
      %dma_start3A_89 = tpu.memref_slice %arg8[%dma_start3A_87, %dma_start3A_88] : memref<40x128xi32, #tpu.memory_space<vmem>> -> memref<8x128xi32, #tpu.memory_space<vmem>>
      %dma_start3A_90 = arith.constant 0 : i32
      %dma_start3A_91 = tpu.memref_slice %arg4[%multiple_of3A_7, %dma_start3A_90] : memref<1250x128xi32, #tpu.memory_space<hbm>> -> memref<8x128xi32, #tpu.memory_space<hbm>>
      %dma_start3A_92 = tpu.memref_slice %arg12[%dma_start3A_86] : memref<3x!tpu.dma_semaphore, #tpu.memory_space<semaphore_mem>> -> memref<1x!tpu.dma_semaphore, #tpu.memory_space<semaphore_mem>>
      %dma_start3A_93 = tpu.memref_squeeze %dma_start3A_92 : memref<1x!tpu.dma_semaphore, #tpu.memory_space<semaphore_mem>> -> memref<!tpu.dma_semaphore, #tpu.memory_space<semaphore_mem>>
      %dma_start3A_94 = arith.constant 0 : i32
      %dma_start3A_95 = arith.constant 0 : i32
      %dma_start3A_96 = tpu.memref_slice %arg8[%dma_start3A_94, %dma_start3A_95] : memref<40x128xi32, #tpu.memory_space<vmem>> -> memref<8x128xi32, #tpu.memory_space<vmem>>
      %dma_start3A_97 = arith.constant 0 : i32
      %dma_start3A_98 = tpu.memref_slice %arg4[%multiple_of3A_7, %dma_start3A_97] : memref<1250x128xi32, #tpu.memory_space<hbm>> -> memref<8x128xi32, #tpu.memory_space<hbm>>
      tpu.enqueue_dma source(%dma_start3A_98 : memref<8x128xi32, #tpu.memory_space<hbm>>) target(%dma_start3A_96 : memref<8x128xi32, #tpu.memory_space<vmem>>) target_semaphore(%dma_start3A_93 : memref<!tpu.dma_semaphore, #tpu.memory_space<semaphore_mem>>)
      %add3A_99 = arith.constant 8 : i32
      %add3A_100 = arith.addi %multiple_of3A_7, %add3A_99 : i32
      %dma_start3A_101 = arith.constant 1 : i32
      %dma_start3A_102 = arith.constant 8 : i32
      %dma_start3A_103 = arith.constant 0 : i32
      %dma_start3A_104 = tpu.memref_slice %arg8[%dma_start3A_102, %dma_start3A_103] : memref<40x128xi32, #tpu.memory_space<vmem>> -> memref<2x128xi32, #tpu.memory_space<vmem>>
      %dma_start3A_105 = arith.constant 0 : i32
      %dma_start3A_106 = tpu.memref_slice %arg4[%add3A_100, %dma_start3A_105] : memref<1250x128xi32, #tpu.memory_space<hbm>> -> memref<2x128xi32, #tpu.memory_space<hbm>>
      %dma_start3A_107 = tpu.memref_slice %arg12[%dma_start3A_101] : memref<3x!tpu.dma_semaphore, #tpu.memory_space<semaphore_mem>> -> memref<1x!tpu.dma_semaphore, #tpu.memory_space<semaphore_mem>>
      %dma_start3A_108 = tpu.memref_squeeze %dma_start3A_107 : memref<1x!tpu.dma_semaphore, #tpu.memory_space<semaphore_mem>> -> memref<!tpu.dma_semaphore, #tpu.memory_space<semaphore_mem>>
      %dma_start3A_109 = arith.constant 8 : i32
      %dma_start3A_110 = arith.constant 0 : i32
      %dma_start3A_111 = tpu.memref_slice %arg8[%dma_start3A_109, %dma_start3A_110] : memref<40x128xi32, #tpu.memory_space<vmem>> -> memref<2x128xi32, #tpu.memory_space<vmem>>
      %dma_start3A_112 = arith.constant 0 : i32
      %dma_start3A_113 = tpu.memref_slice %arg4[%add3A_100, %dma_start3A_112] : memref<1250x128xi32, #tpu.memory_space<hbm>> -> memref<2x128xi32, #tpu.memory_space<hbm>>
      tpu.enqueue_dma source(%dma_start3A_113 : memref<2x128xi32, #tpu.memory_space<hbm>>) target(%dma_start3A_111 : memref<2x128xi32, #tpu.memory_space<vmem>>) target_semaphore(%dma_start3A_108 : memref<!tpu.dma_semaphore, #tpu.memory_space<semaphore_mem>>)
      %dma_wait3A_114 = arith.constant 0 : i32
      %dma_wait3A_115 = arith.constant 0 : i32
      %dma_wait3A_116 = arith.constant 0 : i32
      %dma_wait3A_117 = tpu.memref_slice %arg7[%dma_wait3A_115, %dma_wait3A_116] : memref<40x128xi32, #tpu.memory_space<vmem>> -> memref<8x128xi32, #tpu.memory_space<vmem>>
      %dma_wait3A_118 = arith.constant 0 : i32
      %dma_wait3A_119 = tpu.memref_slice %arg3[%multiple_of3A_7, %dma_wait3A_118] : memref<1250x128xi32, #tpu.memory_space<hbm>> -> memref<8x128xi32, #tpu.memory_space<hbm>>
      %dma_wait3A_120 = tpu.memref_slice %arg12[%dma_wait3A_114] : memref<3x!tpu.dma_semaphore, #tpu.memory_space<semaphore_mem>> -> memref<1x!tpu.dma_semaphore, #tpu.memory_space<semaphore_mem>>
      %dma_wait3A_121 = tpu.memref_squeeze %dma_wait3A_120 : memref<1x!tpu.dma_semaphore, #tpu.memory_space<semaphore_mem>> -> memref<!tpu.dma_semaphore, #tpu.memory_space<semaphore_mem>>
      %dma_wait3A_122 = arith.constant 0 : i32
      %dma_wait3A_123 = arith.constant 0 : i32
      %dma_wait3A_124 = tpu.memref_slice %arg7[%dma_wait3A_122, %dma_wait3A_123] : memref<40x128xi32, #tpu.memory_space<vmem>> -> memref<8x128xi32, #tpu.memory_space<vmem>>
      %dma_wait3A_125 = arith.constant 0 : i32
      %dma_wait3A_126 = tpu.memref_slice %arg3[%multiple_of3A_7, %dma_wait3A_125] : memref<1250x128xi32, #tpu.memory_space<hbm>> -> memref<8x128xi32, #tpu.memory_space<hbm>>
      tpu.wait_dma2 semaphore(%dma_wait3A_121 : memref<!tpu.dma_semaphore, #tpu.memory_space<semaphore_mem>>) src(%dma_wait3A_126 : memref<8x128xi32, #tpu.memory_space<hbm>>) dst(%dma_wait3A_124 : memref<8x128xi32, #tpu.memory_space<vmem>>)
      %add3A_127 = arith.constant 8 : i32
      %add3A_128 = arith.addi %multiple_of3A_7, %add3A_127 : i32
      %dma_wait3A_129 = arith.constant 0 : i32
      %dma_wait3A_130 = arith.constant 8 : i32
      %dma_wait3A_131 = arith.constant 0 : i32
      %dma_wait3A_132 = tpu.memref_slice %arg7[%dma_wait3A_130, %dma_wait3A_131] : memref<40x128xi32, #tpu.memory_space<vmem>> -> memref<2x128xi32, #tpu.memory_space<vmem>>
      %dma_wait3A_133 = arith.constant 0 : i32
      %dma_wait3A_134 = tpu.memref_slice %arg3[%add3A_128, %dma_wait3A_133] : memref<1250x128xi32, #tpu.memory_space<hbm>> -> memref<2x128xi32, #tpu.memory_space<hbm>>
      %dma_wait3A_135 = tpu.memref_slice %arg12[%dma_wait3A_129] : memref<3x!tpu.dma_semaphore, #tpu.memory_space<semaphore_mem>> -> memref<1x!tpu.dma_semaphore, #tpu.memory_space<semaphore_mem>>
      %dma_wait3A_136 = tpu.memref_squeeze %dma_wait3A_135 : memref<1x!tpu.dma_semaphore, #tpu.memory_space<semaphore_mem>> -> memref<!tpu.dma_semaphore, #tpu.memory_space<semaphore_mem>>
      %dma_wait3A_137 = arith.constant 8 : i32
      %dma_wait3A_138 = arith.constant 0 : i32
      %dma_wait3A_139 = tpu.memref_slice %arg7[%dma_wait3A_137, %dma_wait3A_138] : memref<40x128xi32, #tpu.memory_space<vmem>> -> memref<2x128xi32, #tpu.memory_space<vmem>>
      %dma_wait3A_140 = arith.constant 0 : i32
      %dma_wait3A_141 = tpu.memref_slice %arg3[%add3A_128, %dma_wait3A_140] : memref<1250x128xi32, #tpu.memory_space<hbm>> -> memref<2x128xi32, #tpu.memory_space<hbm>>
      tpu.wait_dma2 semaphore(%dma_wait3A_136 : memref<!tpu.dma_semaphore, #tpu.memory_space<semaphore_mem>>) src(%dma_wait3A_141 : memref<2x128xi32, #tpu.memory_space<hbm>>) dst(%dma_wait3A_139 : memref<2x128xi32, #tpu.memory_space<vmem>>)
    } else {
    }
    %dma_start3A_19 = arith.constant 0 : i32
    %dma_start3A_20 = arith.constant 0 : i32
    %dma_start3A_21 = arith.constant 0 : i32
    %dma_start3A_22 = arith.constant 0 : i32
    %dma_start3A_23 = arith.constant 0 : i32
    %dma_start3A_24 = tpu.memref_slice %arg9[%dma_start3A_20, %dma_start3A_22, %dma_start3A_23] : memref<2x128x128xf32, #tpu.memory_space<vmem>> -> memref<1x128x128xf32, #tpu.memory_space<vmem>>
    %dma_start3A_25 = tpu.memref_squeeze %dma_start3A_24 : memref<1x128x128xf32, #tpu.memory_space<vmem>> -> memref<128x128xf32, #tpu.memory_space<vmem>>
    %dma_start3A_26 = arith.constant 0 : i32
    %dma_start3A_27 = tpu.memref_slice %arg7[%dma_start3A_19, %dma_start3A_26] : memref<40x128xi32, #tpu.memory_space<vmem>> -> memref<1x128xi32, #tpu.memory_space<vmem>>
    %dma_start3A_28 = tpu.memref_squeeze %dma_start3A_27 : memref<1x128xi32, #tpu.memory_space<vmem>> -> memref<128xi32, #tpu.memory_space<vmem>>
    %dma_start3A_29 = arith.constant 0 : i32
    %dma_start3A_30 = arith.constant 0 : i32
    %dma_start3A_31 = tpu.memref_slice %arg2[%dma_start3A_29, %dma_start3A_30] : memref<10240x128xf32, #tpu.memory_space<hbm>> -> memref<10240x128xf32, #tpu.memory_space<hbm>>
    %dma_start3A_32 = tpu.memref_slice %arg11[%dma_start3A_21] : memref<2x!tpu.dma_semaphore, #tpu.memory_space<semaphore_mem>> -> memref<1x!tpu.dma_semaphore, #tpu.memory_space<semaphore_mem>>
    %dma_start3A_33 = tpu.memref_squeeze %dma_start3A_32 : memref<1x!tpu.dma_semaphore, #tpu.memory_space<semaphore_mem>> -> memref<!tpu.dma_semaphore, #tpu.memory_space<semaphore_mem>>
    tpu.enqueue_indirect_dma source(%dma_start3A_31 : memref<10240x128xf32, #tpu.memory_space<hbm>>) target(%dma_start3A_25 : memref<128x128xf32, #tpu.memory_space<vmem>>) offsets(%dma_start3A_28 : memref<128xi32, #tpu.memory_space<vmem>>) semaphore(%dma_start3A_33 : memref<!tpu.dma_semaphore, #tpu.memory_space<semaphore_mem>>)
    %not3A_34 = arith.constant true
    %not3A_35 = arith.xori %eq3A_3, %not3A_34 : i1
    %convert_element_type3A_36 = arith.extui %not3A_35 : i1 to i32
    %cond3A_37 = arith.constant 0 : i32
    %cond3A_38 = arith.cmpi ne, %convert_element_type3A_36, %cond3A_37 : i32
    scf.if %cond3A_38 {
      %dma_wait3A_58 = arith.constant 1 : i32
      %dma_wait3A_59 = arith.constant 0 : i32
      %dma_wait3A_60 = tpu.memref_slice %arg4[%multiple_of3A_7, %dma_wait3A_59] : memref<1250x128xi32, #tpu.memory_space<hbm>> -> memref<40x128xi32, #tpu.memory_space<hbm>>
      %dma_wait3A_61 = tpu.memref_slice %arg12[%dma_wait3A_58] : memref<3x!tpu.dma_semaphore, #tpu.memory_space<semaphore_mem>> -> memref<1x!tpu.dma_semaphore, #tpu.memory_space<semaphore_mem>>
      %dma_wait3A_62 = tpu.memref_squeeze %dma_wait3A_61 : memref<1x!tpu.dma_semaphore, #tpu.memory_space<semaphore_mem>> -> memref<!tpu.dma_semaphore, #tpu.memory_space<semaphore_mem>>
      %dma_wait3A_63 = arith.constant 0 : i32
      %dma_wait3A_64 = tpu.memref_slice %arg4[%multiple_of3A_7, %dma_wait3A_63] : memref<1250x128xi32, #tpu.memory_space<hbm>> -> memref<40x128xi32, #tpu.memory_space<hbm>>
      tpu.wait_dma2 semaphore(%dma_wait3A_62 : memref<!tpu.dma_semaphore, #tpu.memory_space<semaphore_mem>>) src(%dma_wait3A_64 : memref<40x128xi32, #tpu.memory_space<hbm>>) dst(%arg8 : memref<40x128xi32, #tpu.memory_space<vmem>>)
    } else {
    }
    %convert_element_type3A_39 = arith.extui %eq3A_3 : i1 to i32
    %cond3A_40 = arith.constant 0 : i32
    %cond3A_41 = arith.cmpi ne, %convert_element_type3A_39, %cond3A_40 : i32
    scf.if %cond3A_41 {
      %dma_wait3A_58 = arith.constant 1 : i32
      %dma_wait3A_59 = arith.constant 0 : i32
      %dma_wait3A_60 = arith.constant 0 : i32
      %dma_wait3A_61 = tpu.memref_slice %arg8[%dma_wait3A_59, %dma_wait3A_60] : memref<40x128xi32, #tpu.memory_space<vmem>> -> memref<8x128xi32, #tpu.memory_space<vmem>>
      %dma_wait3A_62 = arith.constant 0 : i32
      %dma_wait3A_63 = tpu.memref_slice %arg4[%multiple_of3A_7, %dma_wait3A_62] : memref<1250x128xi32, #tpu.memory_space<hbm>> -> memref<8x128xi32, #tpu.memory_space<hbm>>
      %dma_wait3A_64 = tpu.memref_slice %arg12[%dma_wait3A_58] : memref<3x!tpu.dma_semaphore, #tpu.memory_space<semaphore_mem>> -> memref<1x!tpu.dma_semaphore, #tpu.memory_space<semaphore_mem>>
      %dma_wait3A_65 = tpu.memref_squeeze %dma_wait3A_64 : memref<1x!tpu.dma_semaphore, #tpu.memory_space<semaphore_mem>> -> memref<!tpu.dma_semaphore, #tpu.memory_space<semaphore_mem>>
      %dma_wait3A_66 = arith.constant 0 : i32
      %dma_wait3A_67 = arith.constant 0 : i32
      %dma_wait3A_68 = tpu.memref_slice %arg8[%dma_wait3A_66, %dma_wait3A_67] : memref<40x128xi32, #tpu.memory_space<vmem>> -> memref<8x128xi32, #tpu.memory_space<vmem>>
      %dma_wait3A_69 = arith.constant 0 : i32
      %dma_wait3A_70 = tpu.memref_slice %arg4[%multiple_of3A_7, %dma_wait3A_69] : memref<1250x128xi32, #tpu.memory_space<hbm>> -> memref<8x128xi32, #tpu.memory_space<hbm>>
      tpu.wait_dma2 semaphore(%dma_wait3A_65 : memref<!tpu.dma_semaphore, #tpu.memory_space<semaphore_mem>>) src(%dma_wait3A_70 : memref<8x128xi32, #tpu.memory_space<hbm>>) dst(%dma_wait3A_68 : memref<8x128xi32, #tpu.memory_space<vmem>>)
      %add3A_71 = arith.constant 8 : i32
      %add3A_72 = arith.addi %multiple_of3A_7, %add3A_71 : i32
      %dma_wait3A_73 = arith.constant 1 : i32
      %dma_wait3A_74 = arith.constant 8 : i32
      %dma_wait3A_75 = arith.constant 0 : i32
      %dma_wait3A_76 = tpu.memref_slice %arg8[%dma_wait3A_74, %dma_wait3A_75] : memref<40x128xi32, #tpu.memory_space<vmem>> -> memref<2x128xi32, #tpu.memory_space<vmem>>
      %dma_wait3A_77 = arith.constant 0 : i32
      %dma_wait3A_78 = tpu.memref_slice %arg4[%add3A_72, %dma_wait3A_77] : memref<1250x128xi32, #tpu.memory_space<hbm>> -> memref<2x128xi32, #tpu.memory_space<hbm>>
      %dma_wait3A_79 = tpu.memref_slice %arg12[%dma_wait3A_73] : memref<3x!tpu.dma_semaphore, #tpu.memory_space<semaphore_mem>> -> memref<1x!tpu.dma_semaphore, #tpu.memory_space<semaphore_mem>>
      %dma_wait3A_80 = tpu.memref_squeeze %dma_wait3A_79 : memref<1x!tpu.dma_semaphore, #tpu.memory_space<semaphore_mem>> -> memref<!tpu.dma_semaphore, #tpu.memory_space<semaphore_mem>>
      %dma_wait3A_81 = arith.constant 8 : i32
      %dma_wait3A_82 = arith.constant 0 : i32
      %dma_wait3A_83 = tpu.memref_slice %arg8[%dma_wait3A_81, %dma_wait3A_82] : memref<40x128xi32, #tpu.memory_space<vmem>> -> memref<2x128xi32, #tpu.memory_space<vmem>>
      %dma_wait3A_84 = arith.constant 0 : i32
      %dma_wait3A_85 = tpu.memref_slice %arg4[%add3A_72, %dma_wait3A_84] : memref<1250x128xi32, #tpu.memory_space<hbm>> -> memref<2x128xi32, #tpu.memory_space<hbm>>
      tpu.wait_dma2 semaphore(%dma_wait3A_80 : memref<!tpu.dma_semaphore, #tpu.memory_space<semaphore_mem>>) src(%dma_wait3A_85 : memref<2x128xi32, #tpu.memory_space<hbm>>) dst(%dma_wait3A_83 : memref<2x128xi32, #tpu.memory_space<vmem>>)
    } else {
    }
    %dma_wait3A = arith.constant 2 : i32
    %dma_wait3A_42 = tpu.memref_slice %arg12[%dma_wait3A] : memref<3x!tpu.dma_semaphore, #tpu.memory_space<semaphore_mem>> -> memref<1x!tpu.dma_semaphore, #tpu.memory_space<semaphore_mem>>
    %dma_wait3A_43 = tpu.memref_squeeze %dma_wait3A_42 : memref<1x!tpu.dma_semaphore, #tpu.memory_space<semaphore_mem>> -> memref<!tpu.dma_semaphore, #tpu.memory_space<semaphore_mem>>
    %dma_wait3A_44 = arith.constant 0 : i32
    %dma_wait3A_45 = tpu.memref_slice %arg10[%multiple_of3A, %dma_wait3A_44] : memref<10240x128xf32, #tpu.memory_space<vmem_shared>> -> memref<640x128xf32, #tpu.memory_space<vmem_shared>>
    %dma_wait3A_46 = arith.constant 0 : i32
    %dma_wait3A_47 = tpu.memref_slice %arg5[%multiple_of3A, %dma_wait3A_46] : memref<10240x128xf32, #tpu.memory_space<hbm>> -> memref<640x128xf32, #tpu.memory_space<hbm>>
    tpu.wait_dma2 semaphore(%dma_wait3A_43 : memref<!tpu.dma_semaphore, #tpu.memory_space<semaphore_mem>>) src(%dma_wait3A_47 : memref<640x128xf32, #tpu.memory_space<hbm>>) dst(%dma_wait3A_45 : memref<640x128xf32, #tpu.memory_space<vmem_shared>>)
    %barrier3A = arith.constant 0 : index
    tpu.barrier barrier_id(%barrier3A)
    %while3A = arith.constant 0 : i32
    %while3A_48 = arith.constant 0 : i32
    %while3A_49 = arith.subi %select_n3A, %while3A_48 : i32
    %while3A_50 = arith.addi %while3A_48, %while3A_49 : i32
    %while3A_51 = arith.constant 1 : i32
    %while3A_52 = arith.divsi %while3A_49, %while3A_51 : i32
    %while3A_53 = arith.muli %while3A_52, %while3A_51 : i32
    %while3A_54 = arith.addi %while3A_48, %while3A_53 : i32
    %while3A_55 = arith.constant 1 : i32
    scf.for %while3A_58 = %while3A_48 to %while3A_54 step %while3A_55  : i32 {
      %rem3A = arith.constant 2 : i32
      %rem3A_59 = arith.remsi %while3A_58, %rem3A : i32
      %add3A_60 = arith.constant 1 : i32
      %add3A_61 = arith.addi %while3A_58, %add3A_60 : i32
      %rem3A_62 = arith.constant 2 : i32
      %rem3A_63 = arith.remsi %add3A_61, %rem3A_62 : i32
      %add3A_64 = arith.constant 1 : i32
      %add3A_65 = arith.addi %while3A_58, %add3A_64 : i32
      %lt3A = arith.cmpi slt, %add3A_65, %select_n3A : i32
      %convert_element_type3A_66 = arith.extui %lt3A : i1 to i32
      %cond3A_67 = arith.constant 0 : i32
      %cond3A_68 = arith.cmpi ne, %convert_element_type3A_66, %cond3A_67 : i32
      scf.if %cond3A_68 {
        %add3A_81 = arith.constant 1 : i32
        %add3A_82 = arith.addi %while3A_58, %add3A_81 : i32
        %dma_start3A_83 = arith.constant 0 : i32
        %dma_start3A_84 = arith.constant 0 : i32
        %dma_start3A_85 = tpu.memref_slice %arg9[%rem3A_63, %dma_start3A_83, %dma_start3A_84] : memref<2x128x128xf32, #tpu.memory_space<vmem>> -> memref<1x128x128xf32, #tpu.memory_space<vmem>>
        %dma_start3A_86 = tpu.memref_squeeze %dma_start3A_85 : memref<1x128x128xf32, #tpu.memory_space<vmem>> -> memref<128x128xf32, #tpu.memory_space<vmem>>
        %dma_start3A_87 = arith.constant 0 : i32
        %dma_start3A_88 = tpu.memref_slice %arg7[%add3A_82, %dma_start3A_87] : memref<40x128xi32, #tpu.memory_space<vmem>> -> memref<1x128xi32, #tpu.memory_space<vmem>>
        %dma_start3A_89 = tpu.memref_squeeze %dma_start3A_88 : memref<1x128xi32, #tpu.memory_space<vmem>> -> memref<128xi32, #tpu.memory_space<vmem>>
        %dma_start3A_90 = arith.constant 0 : i32
        %dma_start3A_91 = arith.constant 0 : i32
        %dma_start3A_92 = tpu.memref_slice %arg2[%dma_start3A_90, %dma_start3A_91] : memref<10240x128xf32, #tpu.memory_space<hbm>> -> memref<10240x128xf32, #tpu.memory_space<hbm>>
        %dma_start3A_93 = tpu.memref_slice %arg11[%rem3A_63] : memref<2x!tpu.dma_semaphore, #tpu.memory_space<semaphore_mem>> -> memref<1x!tpu.dma_semaphore, #tpu.memory_space<semaphore_mem>>
        %dma_start3A_94 = tpu.memref_squeeze %dma_start3A_93 : memref<1x!tpu.dma_semaphore, #tpu.memory_space<semaphore_mem>> -> memref<!tpu.dma_semaphore, #tpu.memory_space<semaphore_mem>>
        tpu.enqueue_indirect_dma source(%dma_start3A_92 : memref<10240x128xf32, #tpu.memory_space<hbm>>) target(%dma_start3A_86 : memref<128x128xf32, #tpu.memory_space<vmem>>) offsets(%dma_start3A_89 : memref<128xi32, #tpu.memory_space<vmem>>) semaphore(%dma_start3A_94 : memref<!tpu.dma_semaphore, #tpu.memory_space<semaphore_mem>>)
      } else {
      }
      %dma_wait3A_69 = arith.constant 0 : i32
      %dma_wait3A_70 = arith.constant 0 : i32
      %dma_wait3A_71 = tpu.memref_slice %arg9[%rem3A_59, %dma_wait3A_69, %dma_wait3A_70] : memref<2x128x128xf32, #tpu.memory_space<vmem>> -> memref<1x128x128xf32, #tpu.memory_space<vmem>>
      %dma_wait3A_72 = tpu.memref_squeeze %dma_wait3A_71 : memref<1x128x128xf32, #tpu.memory_space<vmem>> -> memref<128x128xf32, #tpu.memory_space<vmem>>
      %dma_wait3A_73 = arith.constant 0 : i32
      %dma_wait3A_74 = tpu.memref_slice %arg7[%while3A_58, %dma_wait3A_73] : memref<40x128xi32, #tpu.memory_space<vmem>> -> memref<1x128xi32, #tpu.memory_space<vmem>>
      %dma_wait3A_75 = tpu.memref_squeeze %dma_wait3A_74 : memref<1x128xi32, #tpu.memory_space<vmem>> -> memref<128xi32, #tpu.memory_space<vmem>>
      %dma_wait3A_76 = arith.constant 0 : i32
      %dma_wait3A_77 = arith.constant 0 : i32
      %dma_wait3A_78 = tpu.memref_slice %arg2[%dma_wait3A_76, %dma_wait3A_77] : memref<10240x128xf32, #tpu.memory_space<hbm>> -> memref<10240x128xf32, #tpu.memory_space<hbm>>
      %dma_wait3A_79 = tpu.memref_slice %arg11[%rem3A_59] : memref<2x!tpu.dma_semaphore, #tpu.memory_space<semaphore_mem>> -> memref<1x!tpu.dma_semaphore, #tpu.memory_space<semaphore_mem>>
      %dma_wait3A_80 = tpu.memref_squeeze %dma_wait3A_79 : memref<1x!tpu.dma_semaphore, #tpu.memory_space<semaphore_mem>> -> memref<!tpu.dma_semaphore, #tpu.memory_space<semaphore_mem>>
      tpu.wait_indirect_dma semaphore(%dma_wait3A_80 : memref<!tpu.dma_semaphore, #tpu.memory_space<semaphore_mem>>) src(%dma_wait3A_78 : memref<10240x128xf32, #tpu.memory_space<hbm>>) dst(%dma_wait3A_72 : memref<128x128xf32, #tpu.memory_space<vmem>>)
      "tpu.region"() ({
        %run_scoped3A = tpu.sem_alloc : memref<!tpu.dma_semaphore, #tpu.memory_space<semaphore_mem>>
        %dma_start3A_81 = arith.constant 0 : i32
        %dma_start3A_82 = arith.constant 0 : i32
        %dma_start3A_83 = tpu.memref_slice %arg9[%rem3A_59, %dma_start3A_81, %dma_start3A_82] : memref<2x128x128xf32, #tpu.memory_space<vmem>> -> memref<1x128x128xf32, #tpu.memory_space<vmem>>
        %dma_start3A_84 = tpu.memref_squeeze %dma_start3A_83 : memref<1x128x128xf32, #tpu.memory_space<vmem>> -> memref<128x128xf32, #tpu.memory_space<vmem>>
        %dma_start3A_85 = arith.constant 0 : i32
        %dma_start3A_86 = tpu.memref_slice %arg8[%while3A_58, %dma_start3A_85] : memref<40x128xi32, #tpu.memory_space<vmem>> -> memref<1x128xi32, #tpu.memory_space<vmem>>
        %dma_start3A_87 = tpu.memref_squeeze %dma_start3A_86 : memref<1x128xi32, #tpu.memory_space<vmem>> -> memref<128xi32, #tpu.memory_space<vmem>>
        %dma_start3A_88 = arith.constant 0 : i32
        %dma_start3A_89 = arith.constant 0 : i32
        %dma_start3A_90 = tpu.memref_slice %arg10[%dma_start3A_88, %dma_start3A_89] : memref<10240x128xf32, #tpu.memory_space<vmem_shared>> -> memref<10240x128xf32, #tpu.memory_space<vmem_shared>>
        tpu.enqueue_indirect_dma source(%dma_start3A_84 : memref<128x128xf32, #tpu.memory_space<vmem>>) target(%dma_start3A_90 : memref<10240x128xf32, #tpu.memory_space<vmem_shared>>) offsets(%dma_start3A_87 : memref<128xi32, #tpu.memory_space<vmem>>) semaphore(%run_scoped3A : memref<!tpu.dma_semaphore, #tpu.memory_space<semaphore_mem>>) {add = true}
        %dma_wait3A_91 = arith.constant 0 : i32
        %dma_wait3A_92 = arith.constant 0 : i32
        %dma_wait3A_93 = tpu.memref_slice %arg9[%rem3A_59, %dma_wait3A_91, %dma_wait3A_92] : memref<2x128x128xf32, #tpu.memory_space<vmem>> -> memref<1x128x128xf32, #tpu.memory_space<vmem>>
        %dma_wait3A_94 = tpu.memref_squeeze %dma_wait3A_93 : memref<1x128x128xf32, #tpu.memory_space<vmem>> -> memref<128x128xf32, #tpu.memory_space<vmem>>
        %dma_wait3A_95 = arith.constant 0 : i32
        %dma_wait3A_96 = tpu.memref_slice %arg8[%while3A_58, %dma_wait3A_95] : memref<40x128xi32, #tpu.memory_space<vmem>> -> memref<1x128xi32, #tpu.memory_space<vmem>>
        %dma_wait3A_97 = tpu.memref_squeeze %dma_wait3A_96 : memref<1x128xi32, #tpu.memory_space<vmem>> -> memref<128xi32, #tpu.memory_space<vmem>>
        %dma_wait3A_98 = arith.constant 0 : i32
        %dma_wait3A_99 = arith.constant 0 : i32
        %dma_wait3A_100 = tpu.memref_slice %arg10[%dma_wait3A_98, %dma_wait3A_99] : memref<10240x128xf32, #tpu.memory_space<vmem_shared>> -> memref<10240x128xf32, #tpu.memory_space<vmem_shared>>
        tpu.wait_indirect_dma semaphore(%run_scoped3A : memref<!tpu.dma_semaphore, #tpu.memory_space<semaphore_mem>>) src(%dma_wait3A_94 : memref<128x128xf32, #tpu.memory_space<vmem>>) dst(%dma_wait3A_100 : memref<10240x128xf32, #tpu.memory_space<vmem_shared>>)
        tpu.yield
      }) : () -> ()
    }
    %while3A_56 = arith.constant 1 : i32
    scf.for %while3A_58 = %while3A_54 to %while3A_50 step %while3A_56  : i32 {
      %rem3A = arith.constant 2 : i32
      %rem3A_59 = arith.remsi %while3A_58, %rem3A : i32
      %add3A_60 = arith.constant 1 : i32
      %add3A_61 = arith.addi %while3A_58, %add3A_60 : i32
      %rem3A_62 = arith.constant 2 : i32
      %rem3A_63 = arith.remsi %add3A_61, %rem3A_62 : i32
      %add3A_64 = arith.constant 1 : i32
      %add3A_65 = arith.addi %while3A_58, %add3A_64 : i32
      %lt3A = arith.cmpi slt, %add3A_65, %select_n3A : i32
      %convert_element_type3A_66 = arith.extui %lt3A : i1 to i32
      %cond3A_67 = arith.constant 0 : i32
      %cond3A_68 = arith.cmpi ne, %convert_element_type3A_66, %cond3A_67 : i32
      scf.if %cond3A_68 {
        %add3A_81 = arith.constant 1 : i32
        %add3A_82 = arith.addi %while3A_58, %add3A_81 : i32
        %dma_start3A_83 = arith.constant 0 : i32
        %dma_start3A_84 = arith.constant 0 : i32
        %dma_start3A_85 = tpu.memref_slice %arg9[%rem3A_63, %dma_start3A_83, %dma_start3A_84] : memref<2x128x128xf32, #tpu.memory_space<vmem>> -> memref<1x128x128xf32, #tpu.memory_space<vmem>>
        %dma_start3A_86 = tpu.memref_squeeze %dma_start3A_85 : memref<1x128x128xf32, #tpu.memory_space<vmem>> -> memref<128x128xf32, #tpu.memory_space<vmem>>
        %dma_start3A_87 = arith.constant 0 : i32
        %dma_start3A_88 = tpu.memref_slice %arg7[%add3A_82, %dma_start3A_87] : memref<40x128xi32, #tpu.memory_space<vmem>> -> memref<1x128xi32, #tpu.memory_space<vmem>>
        %dma_start3A_89 = tpu.memref_squeeze %dma_start3A_88 : memref<1x128xi32, #tpu.memory_space<vmem>> -> memref<128xi32, #tpu.memory_space<vmem>>
        %dma_start3A_90 = arith.constant 0 : i32
        %dma_start3A_91 = arith.constant 0 : i32
        %dma_start3A_92 = tpu.memref_slice %arg2[%dma_start3A_90, %dma_start3A_91] : memref<10240x128xf32, #tpu.memory_space<hbm>> -> memref<10240x128xf32, #tpu.memory_space<hbm>>
        %dma_start3A_93 = tpu.memref_slice %arg11[%rem3A_63] : memref<2x!tpu.dma_semaphore, #tpu.memory_space<semaphore_mem>> -> memref<1x!tpu.dma_semaphore, #tpu.memory_space<semaphore_mem>>
        %dma_start3A_94 = tpu.memref_squeeze %dma_start3A_93 : memref<1x!tpu.dma_semaphore, #tpu.memory_space<semaphore_mem>> -> memref<!tpu.dma_semaphore, #tpu.memory_space<semaphore_mem>>
        tpu.enqueue_indirect_dma source(%dma_start3A_92 : memref<10240x128xf32, #tpu.memory_space<hbm>>) target(%dma_start3A_86 : memref<128x128xf32, #tpu.memory_space<vmem>>) offsets(%dma_start3A_89 : memref<128xi32, #tpu.memory_space<vmem>>) semaphore(%dma_start3A_94 : memref<!tpu.dma_semaphore, #tpu.memory_space<semaphore_mem>>)
      } else {
      }
      %dma_wait3A_69 = arith.constant 0 : i32
      %dma_wait3A_70 = arith.constant 0 : i32
      %dma_wait3A_71 = tpu.memref_slice %arg9[%rem3A_59, %dma_wait3A_69, %dma_wait3A_70] : memref<2x128x128xf32, #tpu.memory_space<vmem>> -> memref<1x128x128xf32, #tpu.memory_space<vmem>>
      %dma_wait3A_72 = tpu.memref_squeeze %dma_wait3A_71 : memref<1x128x128xf32, #tpu.memory_space<vmem>> -> memref<128x128xf32, #tpu.memory_space<vmem>>
      %dma_wait3A_73 = arith.constant 0 : i32
      %dma_wait3A_74 = tpu.memref_slice %arg7[%while3A_58, %dma_wait3A_73] : memref<40x128xi32, #tpu.memory_space<vmem>> -> memref<1x128xi32, #tpu.memory_space<vmem>>
      %dma_wait3A_75 = tpu.memref_squeeze %dma_wait3A_74 : memref<1x128xi32, #tpu.memory_space<vmem>> -> memref<128xi32, #tpu.memory_space<vmem>>
      %dma_wait3A_76 = arith.constant 0 : i32
      %dma_wait3A_77 = arith.constant 0 : i32
      %dma_wait3A_78 = tpu.memref_slice %arg2[%dma_wait3A_76, %dma_wait3A_77] : memref<10240x128xf32, #tpu.memory_space<hbm>> -> memref<10240x128xf32, #tpu.memory_space<hbm>>
      %dma_wait3A_79 = tpu.memref_slice %arg11[%rem3A_59] : memref<2x!tpu.dma_semaphore, #tpu.memory_space<semaphore_mem>> -> memref<1x!tpu.dma_semaphore, #tpu.memory_space<semaphore_mem>>
      %dma_wait3A_80 = tpu.memref_squeeze %dma_wait3A_79 : memref<1x!tpu.dma_semaphore, #tpu.memory_space<semaphore_mem>> -> memref<!tpu.dma_semaphore, #tpu.memory_space<semaphore_mem>>
      tpu.wait_indirect_dma semaphore(%dma_wait3A_80 : memref<!tpu.dma_semaphore, #tpu.memory_space<semaphore_mem>>) src(%dma_wait3A_78 : memref<10240x128xf32, #tpu.memory_space<hbm>>) dst(%dma_wait3A_72 : memref<128x128xf32, #tpu.memory_space<vmem>>)
      "tpu.region"() ({
        %run_scoped3A = tpu.sem_alloc : memref<!tpu.dma_semaphore, #tpu.memory_space<semaphore_mem>>
        %dma_start3A_81 = arith.constant 0 : i32
        %dma_start3A_82 = arith.constant 0 : i32
        %dma_start3A_83 = tpu.memref_slice %arg9[%rem3A_59, %dma_start3A_81, %dma_start3A_82] : memref<2x128x128xf32, #tpu.memory_space<vmem>> -> memref<1x128x128xf32, #tpu.memory_space<vmem>>
        %dma_start3A_84 = tpu.memref_squeeze %dma_start3A_83 : memref<1x128x128xf32, #tpu.memory_space<vmem>> -> memref<128x128xf32, #tpu.memory_space<vmem>>
        %dma_start3A_85 = arith.constant 0 : i32
        %dma_start3A_86 = tpu.memref_slice %arg8[%while3A_58, %dma_start3A_85] : memref<40x128xi32, #tpu.memory_space<vmem>> -> memref<1x128xi32, #tpu.memory_space<vmem>>
        %dma_start3A_87 = tpu.memref_squeeze %dma_start3A_86 : memref<1x128xi32, #tpu.memory_space<vmem>> -> memref<128xi32, #tpu.memory_space<vmem>>
        %dma_start3A_88 = arith.constant 0 : i32
        %dma_start3A_89 = arith.constant 0 : i32
        %dma_start3A_90 = tpu.memref_slice %arg10[%dma_start3A_88, %dma_start3A_89] : memref<10240x128xf32, #tpu.memory_space<vmem_shared>> -> memref<10240x128xf32, #tpu.memory_space<vmem_shared>>
        tpu.enqueue_indirect_dma source(%dma_start3A_84 : memref<128x128xf32, #tpu.memory_space<vmem>>) target(%dma_start3A_90 : memref<10240x128xf32, #tpu.memory_space<vmem_shared>>) offsets(%dma_start3A_87 : memref<128xi32, #tpu.memory_space<vmem>>) semaphore(%run_scoped3A : memref<!tpu.dma_semaphore, #tpu.memory_space<semaphore_mem>>) {add = true}
        %dma_wait3A_91 = arith.constant 0 : i32
        %dma_wait3A_92 = arith.constant 0 : i32
        %dma_wait3A_93 = tpu.memref_slice %arg9[%rem3A_59, %dma_wait3A_91, %dma_wait3A_92] : memref<2x128x128xf32, #tpu.memory_space<vmem>> -> memref<1x128x128xf32, #tpu.memory_space<vmem>>
        %dma_wait3A_94 = tpu.memref_squeeze %dma_wait3A_93 : memref<1x128x128xf32, #tpu.memory_space<vmem>> -> memref<128x128xf32, #tpu.memory_space<vmem>>
        %dma_wait3A_95 = arith.constant 0 : i32
        %dma_wait3A_96 = tpu.memref_slice %arg8[%while3A_58, %dma_wait3A_95] : memref<40x128xi32, #tpu.memory_space<vmem>> -> memref<1x128xi32, #tpu.memory_space<vmem>>
        %dma_wait3A_97 = tpu.memref_squeeze %dma_wait3A_96 : memref<1x128xi32, #tpu.memory_space<vmem>> -> memref<128xi32, #tpu.memory_space<vmem>>
        %dma_wait3A_98 = arith.constant 0 : i32
        %dma_wait3A_99 = arith.constant 0 : i32
        %dma_wait3A_100 = tpu.memref_slice %arg10[%dma_wait3A_98, %dma_wait3A_99] : memref<10240x128xf32, #tpu.memory_space<vmem_shared>> -> memref<10240x128xf32, #tpu.memory_space<vmem_shared>>
        tpu.wait_indirect_dma semaphore(%run_scoped3A : memref<!tpu.dma_semaphore, #tpu.memory_space<semaphore_mem>>) src(%dma_wait3A_94 : memref<128x128xf32, #tpu.memory_space<vmem>>) dst(%dma_wait3A_100 : memref<10240x128xf32, #tpu.memory_space<vmem_shared>>)
        tpu.yield
      }) : () -> ()
    }
    %barrier3A_57 = arith.constant 0 : index
    tpu.barrier barrier_id(%barrier3A_57)
    "tpu.region"() ({
      %run_scoped3A = tpu.sem_alloc : memref<!tpu.dma_semaphore, #tpu.memory_space<semaphore_mem>>
      %dma_start3A_58 = arith.constant 0 : i32
      %dma_start3A_59 = tpu.memref_slice %arg6[%arg0, %multiple_of3A, %dma_start3A_58] : memref<2x10240x128xf32, #tpu.memory_space<hbm>> -> memref<1x640x128xf32, #tpu.memory_space<hbm>>
      %dma_start3A_60 = tpu.memref_squeeze %dma_start3A_59 : memref<1x640x128xf32, #tpu.memory_space<hbm>> -> memref<640x128xf32, #tpu.memory_space<hbm>>
      %dma_start3A_61 = arith.constant 0 : i32
      %dma_start3A_62 = tpu.memref_slice %arg10[%multiple_of3A, %dma_start3A_61] : memref<10240x128xf32, #tpu.memory_space<vmem_shared>> -> memref<640x128xf32, #tpu.memory_space<vmem_shared>>
      tpu.enqueue_dma source(%dma_start3A_62 : memref<640x128xf32, #tpu.memory_space<vmem_shared>>) target(%dma_start3A_60 : memref<640x128xf32, #tpu.memory_space<hbm>>) target_semaphore(%run_scoped3A : memref<!tpu.dma_semaphore, #tpu.memory_space<semaphore_mem>>)
      %dma_wait3A_63 = arith.constant 0 : i32
      %dma_wait3A_64 = tpu.memref_slice %arg6[%arg0, %multiple_of3A, %dma_wait3A_63] : memref<2x10240x128xf32, #tpu.memory_space<hbm>> -> memref<1x640x128xf32, #tpu.memory_space<hbm>>
      %dma_wait3A_65 = tpu.memref_squeeze %dma_wait3A_64 : memref<1x640x128xf32, #tpu.memory_space<hbm>> -> memref<640x128xf32, #tpu.memory_space<hbm>>
      %dma_wait3A_66 = arith.constant 0 : i32
      %dma_wait3A_67 = tpu.memref_slice %arg10[%multiple_of3A, %dma_wait3A_66] : memref<10240x128xf32, #tpu.memory_space<vmem_shared>> -> memref<640x128xf32, #tpu.memory_space<vmem_shared>>
      tpu.wait_dma2 semaphore(%run_scoped3A : memref<!tpu.dma_semaphore, #tpu.memory_space<semaphore_mem>>) src(%dma_wait3A_67 : memref<640x128xf32, #tpu.memory_space<vmem_shared>>) dst(%dma_wait3A_65 : memref<640x128xf32, #tpu.memory_space<hbm>>)
      tpu.yield
    }) : () -> ()
    return
  }
}

#map = affine_map<(d0, d1) -> (0, 0)>
#map1 = affine_map<(d0, d1) -> (0, 0, 0)>
module attributes {stable_mosaic.version = 14 : i64} {
  func.func @agg(%arg0: i32, %arg1: i32, %arg2: memref<10240x128xf32, #tpu.memory_space<hbm>>, %arg3: memref<1250x128xi32, #tpu.memory_space<hbm>>, %arg4: memref<1250x128xi32, #tpu.memory_space<hbm>>, %arg5: memref<10240x128xf32, #tpu.memory_space<hbm>>, %arg6: memref<2x10240x128xf32, #tpu.memory_space<hbm>>, %arg7: memref<40x128xi32, #tpu.memory_space<vmem>>, %arg8: memref<40x128xi32, #tpu.memory_space<vmem>>, %arg9: memref<2x128x128xf32, #tpu.memory_space<vmem>>, %arg10: memref<10240x128xf32, #tpu.memory_space<vmem_shared>>, %arg11: memref<2x!tpu.dma_semaphore, #tpu.memory_space<semaphore_mem>>, %arg12: memref<3x!tpu.dma_semaphore, #tpu.memory_space<semaphore_mem>>) attributes {dimension_semantics = [#tpu.dimension_semantics<core_parallel>, #tpu.dimension_semantics<subcore_parallel>], iteration_bounds = array<i64: 2, 16>, scalar_prefetch = 0 : i64, scratch_operands = 6 : i64, tpu.core_type = #tpu.core_type<sc_vector_subcore>, window_params = [{transform_indices = #map}, {transform_indices = #map}, {transform_indices = #map}, {transform_indices = #map}, {transform_indices = #map1}]} {
    %mul3A = arith.constant 16 : i32
    %mul3A_0 = arith.muli %arg0, %mul3A : i32
    %add3A = arith.addi %mul3A_0, %arg1 : i32
    %mul3A_1 = arith.constant 640 : i32
    %mul3A_2 = arith.muli %arg1, %mul3A_1 : i32
    %multiple_of3A = tpu.assume_multiple %mul3A_2, 8 : i32
    %eq3A = arith.constant 31 : i32
    %eq3A_3 = arith.cmpi eq, %add3A, %eq3A : i32
    %jit3A = arith.constant 10 : i32
    %jit3A_4 = arith.constant 40 : i32
    %select_n3A = arith.select %eq3A_3, %jit3A, %jit3A_4 : i32
    %mul3A_5 = arith.constant 40 : i32
    %mul3A_6 = arith.muli %add3A, %mul3A_5 : i32
    %multiple_of3A_7 = tpu.assume_multiple %mul3A_6, 8 : i32
    %dma_start3A = arith.constant 2 : i32
    %dma_start3A_8 = tpu.memref_slice %arg12[%dma_start3A] : memref<3x!tpu.dma_semaphore, #tpu.memory_space<semaphore_mem>> -> memref<1x!tpu.dma_semaphore, #tpu.memory_space<semaphore_mem>>
    %dma_start3A_9 = tpu.memref_squeeze %dma_start3A_8 : memref<1x!tpu.dma_semaphore, #tpu.memory_space<semaphore_mem>> -> memref<!tpu.dma_semaphore, #tpu.memory_space<semaphore_mem>>
    %dma_start3A_10 = arith.constant 0 : i32
    %dma_start3A_11 = tpu.memref_slice %arg10[%multiple_of3A, %dma_start3A_10] : memref<10240x128xf32, #tpu.memory_space<vmem_shared>> -> memref<640x128xf32, #tpu.memory_space<vmem_shared>>
    %dma_start3A_12 = arith.constant 0 : i32
    %dma_start3A_13 = tpu.memref_slice %arg5[%multiple_of3A, %dma_start3A_12] : memref<10240x128xf32, #tpu.memory_space<hbm>> -> memref<640x128xf32, #tpu.memory_space<hbm>>
    tpu.enqueue_dma source(%dma_start3A_13 : memref<640x128xf32, #tpu.memory_space<hbm>>) target(%dma_start3A_11 : memref<640x128xf32, #tpu.memory_space<vmem_shared>>) target_semaphore(%dma_start3A_9 : memref<!tpu.dma_semaphore, #tpu.memory_space<semaphore_mem>>)
    %not3A = arith.constant true
    %not3A_14 = arith.xori %eq3A_3, %not3A : i1
    %convert_element_type3A = arith.extui %not3A_14 : i1 to i32
    %cond3A = arith.constant 0 : i32
    %cond3A_15 = arith.cmpi ne, %convert_element_type3A, %cond3A : i32
    scf.if %cond3A_15 {
      %dma_start3A_58 = arith.constant 0 : i32
      %dma_start3A_59 = arith.constant 0 : i32
      %dma_start3A_60 = tpu.memref_slice %arg3[%multiple_of3A_7, %dma_start3A_59] : memref<1250x128xi32, #tpu.memory_space<hbm>> -> memref<40x128xi32, #tpu.memory_space<hbm>>
      %dma_start3A_61 = tpu.memref_slice %arg12[%dma_start3A_58] : memref<3x!tpu.dma_semaphore, #tpu.memory_space<semaphore_mem>> -> memref<1x!tpu.dma_semaphore, #tpu.memory_space<semaphore_mem>>
      %dma_start3A_62 = tpu.memref_squeeze %dma_start3A_61 : memref<1x!tpu.dma_semaphore, #tpu.memory_space<semaphore_mem>> -> memref<!tpu.dma_semaphore, #tpu.memory_space<semaphore_mem>>
      %dma_start3A_63 = arith.constant 0 : i32
      %dma_start3A_64 = tpu.memref_slice %arg3[%multiple_of3A_7, %dma_start3A_63] : memref<1250x128xi32, #tpu.memory_space<hbm>> -> memref<40x128xi32, #tpu.memory_space<hbm>>
      tpu.enqueue_dma source(%dma_start3A_64 : memref<40x128xi32, #tpu.memory_space<hbm>>) target(%arg7 : memref<40x128xi32, #tpu.memory_space<vmem>>) target_semaphore(%dma_start3A_62 : memref<!tpu.dma_semaphore, #tpu.memory_space<semaphore_mem>>)
      %dma_start3A_65 = arith.constant 1 : i32
      %dma_start3A_66 = arith.constant 0 : i32
      %dma_start3A_67 = tpu.memref_slice %arg4[%multiple_of3A_7, %dma_start3A_66] : memref<1250x128xi32, #tpu.memory_space<hbm>> -> memref<40x128xi32, #tpu.memory_space<hbm>>
      %dma_start3A_68 = tpu.memref_slice %arg12[%dma_start3A_65] : memref<3x!tpu.dma_semaphore, #tpu.memory_space<semaphore_mem>> -> memref<1x!tpu.dma_semaphore, #tpu.memory_space<semaphore_mem>>
      %dma_start3A_69 = tpu.memref_squeeze %dma_start3A_68 : memref<1x!tpu.dma_semaphore, #tpu.memory_space<semaphore_mem>> -> memref<!tpu.dma_semaphore, #tpu.memory_space<semaphore_mem>>
      %dma_start3A_70 = arith.constant 0 : i32
      %dma_start3A_71 = tpu.memref_slice %arg4[%multiple_of3A_7, %dma_start3A_70] : memref<1250x128xi32, #tpu.memory_space<hbm>> -> memref<40x128xi32, #tpu.memory_space<hbm>>
      tpu.enqueue_dma source(%dma_start3A_71 : memref<40x128xi32, #tpu.memory_space<hbm>>) target(%arg8 : memref<40x128xi32, #tpu.memory_space<vmem>>) target_semaphore(%dma_start3A_69 : memref<!tpu.dma_semaphore, #tpu.memory_space<semaphore_mem>>)
      %dma_wait3A_72 = arith.constant 0 : i32
      %dma_wait3A_73 = arith.constant 0 : i32
      %dma_wait3A_74 = tpu.memref_slice %arg3[%multiple_of3A_7, %dma_wait3A_73] : memref<1250x128xi32, #tpu.memory_space<hbm>> -> memref<40x128xi32, #tpu.memory_space<hbm>>
      %dma_wait3A_75 = tpu.memref_slice %arg12[%dma_wait3A_72] : memref<3x!tpu.dma_semaphore, #tpu.memory_space<semaphore_mem>> -> memref<1x!tpu.dma_semaphore, #tpu.memory_space<semaphore_mem>>
      %dma_wait3A_76 = tpu.memref_squeeze %dma_wait3A_75 : memref<1x!tpu.dma_semaphore, #tpu.memory_space<semaphore_mem>> -> memref<!tpu.dma_semaphore, #tpu.memory_space<semaphore_mem>>
      %dma_wait3A_77 = arith.constant 0 : i32
      %dma_wait3A_78 = tpu.memref_slice %arg3[%multiple_of3A_7, %dma_wait3A_77] : memref<1250x128xi32, #tpu.memory_space<hbm>> -> memref<40x128xi32, #tpu.memory_space<hbm>>
      tpu.wait_dma2 semaphore(%dma_wait3A_76 : memref<!tpu.dma_semaphore, #tpu.memory_space<semaphore_mem>>) src(%dma_wait3A_78 : memref<40x128xi32, #tpu.memory_space<hbm>>) dst(%arg7 : memref<40x128xi32, #tpu.memory_space<vmem>>)
    } else {
    }
    %convert_element_type3A_16 = arith.extui %eq3A_3 : i1 to i32
    %cond3A_17 = arith.constant 0 : i32
    %cond3A_18 = arith.cmpi ne, %convert_element_type3A_16, %cond3A_17 : i32
    scf.if %cond3A_18 {
      %dma_start3A_58 = arith.constant 0 : i32
      %dma_start3A_59 = arith.constant 0 : i32
      %dma_start3A_60 = arith.constant 0 : i32
      %dma_start3A_61 = tpu.memref_slice %arg7[%dma_start3A_59, %dma_start3A_60] : memref<40x128xi32, #tpu.memory_space<vmem>> -> memref<8x128xi32, #tpu.memory_space<vmem>>
      %dma_start3A_62 = arith.constant 0 : i32
      %dma_start3A_63 = tpu.memref_slice %arg3[%multiple_of3A_7, %dma_start3A_62] : memref<1250x128xi32, #tpu.memory_space<hbm>> -> memref<8x128xi32, #tpu.memory_space<hbm>>
      %dma_start3A_64 = tpu.memref_slice %arg12[%dma_start3A_58] : memref<3x!tpu.dma_semaphore, #tpu.memory_space<semaphore_mem>> -> memref<1x!tpu.dma_semaphore, #tpu.memory_space<semaphore_mem>>
      %dma_start3A_65 = tpu.memref_squeeze %dma_start3A_64 : memref<1x!tpu.dma_semaphore, #tpu.memory_space<semaphore_mem>> -> memref<!tpu.dma_semaphore, #tpu.memory_space<semaphore_mem>>
      %dma_start3A_66 = arith.constant 0 : i32
      %dma_start3A_67 = arith.constant 0 : i32
      %dma_start3A_68 = tpu.memref_slice %arg7[%dma_start3A_66, %dma_start3A_67] : memref<40x128xi32, #tpu.memory_space<vmem>> -> memref<8x128xi32, #tpu.memory_space<vmem>>
      %dma_start3A_69 = arith.constant 0 : i32
      %dma_start3A_70 = tpu.memref_slice %arg3[%multiple_of3A_7, %dma_start3A_69] : memref<1250x128xi32, #tpu.memory_space<hbm>> -> memref<8x128xi32, #tpu.memory_space<hbm>>
      tpu.enqueue_dma source(%dma_start3A_70 : memref<8x128xi32, #tpu.memory_space<hbm>>) target(%dma_start3A_68 : memref<8x128xi32, #tpu.memory_space<vmem>>) target_semaphore(%dma_start3A_65 : memref<!tpu.dma_semaphore, #tpu.memory_space<semaphore_mem>>)
      %add3A_71 = arith.constant 8 : i32
      %add3A_72 = arith.addi %multiple_of3A_7, %add3A_71 : i32
      %dma_start3A_73 = arith.constant 0 : i32
      %dma_start3A_74 = arith.constant 8 : i32
      %dma_start3A_75 = arith.constant 0 : i32
      %dma_start3A_76 = tpu.memref_slice %arg7[%dma_start3A_74, %dma_start3A_75] : memref<40x128xi32, #tpu.memory_space<vmem>> -> memref<2x128xi32, #tpu.memory_space<vmem>>
      %dma_start3A_77 = arith.constant 0 : i32
      %dma_start3A_78 = tpu.memref_slice %arg3[%add3A_72, %dma_start3A_77] : memref<1250x128xi32, #tpu.memory_space<hbm>> -> memref<2x128xi32, #tpu.memory_space<hbm>>
      %dma_start3A_79 = tpu.memref_slice %arg12[%dma_start3A_73] : memref<3x!tpu.dma_semaphore, #tpu.memory_space<semaphore_mem>> -> memref<1x!tpu.dma_semaphore, #tpu.memory_space<semaphore_mem>>
      %dma_start3A_80 = tpu.memref_squeeze %dma_start3A_79 : memref<1x!tpu.dma_semaphore, #tpu.memory_space<semaphore_mem>> -> memref<!tpu.dma_semaphore, #tpu.memory_space<semaphore_mem>>
      %dma_start3A_81 = arith.constant 8 : i32
      %dma_start3A_82 = arith.constant 0 : i32
      %dma_start3A_83 = tpu.memref_slice %arg7[%dma_start3A_81, %dma_start3A_82] : memref<40x128xi32, #tpu.memory_space<vmem>> -> memref<2x128xi32, #tpu.memory_space<vmem>>
      %dma_start3A_84 = arith.constant 0 : i32
      %dma_start3A_85 = tpu.memref_slice %arg3[%add3A_72, %dma_start3A_84] : memref<1250x128xi32, #tpu.memory_space<hbm>> -> memref<2x128xi32, #tpu.memory_space<hbm>>
      tpu.enqueue_dma source(%dma_start3A_85 : memref<2x128xi32, #tpu.memory_space<hbm>>) target(%dma_start3A_83 : memref<2x128xi32, #tpu.memory_space<vmem>>) target_semaphore(%dma_start3A_80 : memref<!tpu.dma_semaphore, #tpu.memory_space<semaphore_mem>>)
      %dma_start3A_86 = arith.constant 1 : i32
      %dma_start3A_87 = arith.constant 0 : i32
      %dma_start3A_88 = arith.constant 0 : i32
      %dma_start3A_89 = tpu.memref_slice %arg8[%dma_start3A_87, %dma_start3A_88] : memref<40x128xi32, #tpu.memory_space<vmem>> -> memref<8x128xi32, #tpu.memory_space<vmem>>
      %dma_start3A_90 = arith.constant 0 : i32
      %dma_start3A_91 = tpu.memref_slice %arg4[%multiple_of3A_7, %dma_start3A_90] : memref<1250x128xi32, #tpu.memory_space<hbm>> -> memref<8x128xi32, #tpu.memory_space<hbm>>
      %dma_start3A_92 = tpu.memref_slice %arg12[%dma_start3A_86] : memref<3x!tpu.dma_semaphore, #tpu.memory_space<semaphore_mem>> -> memref<1x!tpu.dma_semaphore, #tpu.memory_space<semaphore_mem>>
      %dma_start3A_93 = tpu.memref_squeeze %dma_start3A_92 : memref<1x!tpu.dma_semaphore, #tpu.memory_space<semaphore_mem>> -> memref<!tpu.dma_semaphore, #tpu.memory_space<semaphore_mem>>
      %dma_start3A_94 = arith.constant 0 : i32
      %dma_start3A_95 = arith.constant 0 : i32
      %dma_start3A_96 = tpu.memref_slice %arg8[%dma_start3A_94, %dma_start3A_95] : memref<40x128xi32, #tpu.memory_space<vmem>> -> memref<8x128xi32, #tpu.memory_space<vmem>>
      %dma_start3A_97 = arith.constant 0 : i32
      %dma_start3A_98 = tpu.memref_slice %arg4[%multiple_of3A_7, %dma_start3A_97] : memref<1250x128xi32, #tpu.memory_space<hbm>> -> memref<8x128xi32, #tpu.memory_space<hbm>>
      tpu.enqueue_dma source(%dma_start3A_98 : memref<8x128xi32, #tpu.memory_space<hbm>>) target(%dma_start3A_96 : memref<8x128xi32, #tpu.memory_space<vmem>>) target_semaphore(%dma_start3A_93 : memref<!tpu.dma_semaphore, #tpu.memory_space<semaphore_mem>>)
      %add3A_99 = arith.constant 8 : i32
      %add3A_100 = arith.addi %multiple_of3A_7, %add3A_99 : i32
      %dma_start3A_101 = arith.constant 1 : i32
      %dma_start3A_102 = arith.constant 8 : i32
      %dma_start3A_103 = arith.constant 0 : i32
      %dma_start3A_104 = tpu.memref_slice %arg8[%dma_start3A_102, %dma_start3A_103] : memref<40x128xi32, #tpu.memory_space<vmem>> -> memref<2x128xi32, #tpu.memory_space<vmem>>
      %dma_start3A_105 = arith.constant 0 : i32
      %dma_start3A_106 = tpu.memref_slice %arg4[%add3A_100, %dma_start3A_105] : memref<1250x128xi32, #tpu.memory_space<hbm>> -> memref<2x128xi32, #tpu.memory_space<hbm>>
      %dma_start3A_107 = tpu.memref_slice %arg12[%dma_start3A_101] : memref<3x!tpu.dma_semaphore, #tpu.memory_space<semaphore_mem>> -> memref<1x!tpu.dma_semaphore, #tpu.memory_space<semaphore_mem>>
      %dma_start3A_108 = tpu.memref_squeeze %dma_start3A_107 : memref<1x!tpu.dma_semaphore, #tpu.memory_space<semaphore_mem>> -> memref<!tpu.dma_semaphore, #tpu.memory_space<semaphore_mem>>
      %dma_start3A_109 = arith.constant 8 : i32
      %dma_start3A_110 = arith.constant 0 : i32
      %dma_start3A_111 = tpu.memref_slice %arg8[%dma_start3A_109, %dma_start3A_110] : memref<40x128xi32, #tpu.memory_space<vmem>> -> memref<2x128xi32, #tpu.memory_space<vmem>>
      %dma_start3A_112 = arith.constant 0 : i32
      %dma_start3A_113 = tpu.memref_slice %arg4[%add3A_100, %dma_start3A_112] : memref<1250x128xi32, #tpu.memory_space<hbm>> -> memref<2x128xi32, #tpu.memory_space<hbm>>
      tpu.enqueue_dma source(%dma_start3A_113 : memref<2x128xi32, #tpu.memory_space<hbm>>) target(%dma_start3A_111 : memref<2x128xi32, #tpu.memory_space<vmem>>) target_semaphore(%dma_start3A_108 : memref<!tpu.dma_semaphore, #tpu.memory_space<semaphore_mem>>)
      %dma_wait3A_114 = arith.constant 0 : i32
      %dma_wait3A_115 = arith.constant 0 : i32
      %dma_wait3A_116 = arith.constant 0 : i32
      %dma_wait3A_117 = tpu.memref_slice %arg7[%dma_wait3A_115, %dma_wait3A_116] : memref<40x128xi32, #tpu.memory_space<vmem>> -> memref<8x128xi32, #tpu.memory_space<vmem>>
      %dma_wait3A_118 = arith.constant 0 : i32
      %dma_wait3A_119 = tpu.memref_slice %arg3[%multiple_of3A_7, %dma_wait3A_118] : memref<1250x128xi32, #tpu.memory_space<hbm>> -> memref<8x128xi32, #tpu.memory_space<hbm>>
      %dma_wait3A_120 = tpu.memref_slice %arg12[%dma_wait3A_114] : memref<3x!tpu.dma_semaphore, #tpu.memory_space<semaphore_mem>> -> memref<1x!tpu.dma_semaphore, #tpu.memory_space<semaphore_mem>>
      %dma_wait3A_121 = tpu.memref_squeeze %dma_wait3A_120 : memref<1x!tpu.dma_semaphore, #tpu.memory_space<semaphore_mem>> -> memref<!tpu.dma_semaphore, #tpu.memory_space<semaphore_mem>>
      %dma_wait3A_122 = arith.constant 0 : i32
      %dma_wait3A_123 = arith.constant 0 : i32
      %dma_wait3A_124 = tpu.memref_slice %arg7[%dma_wait3A_122, %dma_wait3A_123] : memref<40x128xi32, #tpu.memory_space<vmem>> -> memref<8x128xi32, #tpu.memory_space<vmem>>
      %dma_wait3A_125 = arith.constant 0 : i32
      %dma_wait3A_126 = tpu.memref_slice %arg3[%multiple_of3A_7, %dma_wait3A_125] : memref<1250x128xi32, #tpu.memory_space<hbm>> -> memref<8x128xi32, #tpu.memory_space<hbm>>
      tpu.wait_dma2 semaphore(%dma_wait3A_121 : memref<!tpu.dma_semaphore, #tpu.memory_space<semaphore_mem>>) src(%dma_wait3A_126 : memref<8x128xi32, #tpu.memory_space<hbm>>) dst(%dma_wait3A_124 : memref<8x128xi32, #tpu.memory_space<vmem>>)
      %add3A_127 = arith.constant 8 : i32
      %add3A_128 = arith.addi %multiple_of3A_7, %add3A_127 : i32
      %dma_wait3A_129 = arith.constant 0 : i32
      %dma_wait3A_130 = arith.constant 8 : i32
      %dma_wait3A_131 = arith.constant 0 : i32
      %dma_wait3A_132 = tpu.memref_slice %arg7[%dma_wait3A_130, %dma_wait3A_131] : memref<40x128xi32, #tpu.memory_space<vmem>> -> memref<2x128xi32, #tpu.memory_space<vmem>>
      %dma_wait3A_133 = arith.constant 0 : i32
      %dma_wait3A_134 = tpu.memref_slice %arg3[%add3A_128, %dma_wait3A_133] : memref<1250x128xi32, #tpu.memory_space<hbm>> -> memref<2x128xi32, #tpu.memory_space<hbm>>
      %dma_wait3A_135 = tpu.memref_slice %arg12[%dma_wait3A_129] : memref<3x!tpu.dma_semaphore, #tpu.memory_space<semaphore_mem>> -> memref<1x!tpu.dma_semaphore, #tpu.memory_space<semaphore_mem>>
      %dma_wait3A_136 = tpu.memref_squeeze %dma_wait3A_135 : memref<1x!tpu.dma_semaphore, #tpu.memory_space<semaphore_mem>> -> memref<!tpu.dma_semaphore, #tpu.memory_space<semaphore_mem>>
      %dma_wait3A_137 = arith.constant 8 : i32
      %dma_wait3A_138 = arith.constant 0 : i32
      %dma_wait3A_139 = tpu.memref_slice %arg7[%dma_wait3A_137, %dma_wait3A_138] : memref<40x128xi32, #tpu.memory_space<vmem>> -> memref<2x128xi32, #tpu.memory_space<vmem>>
      %dma_wait3A_140 = arith.constant 0 : i32
      %dma_wait3A_141 = tpu.memref_slice %arg3[%add3A_128, %dma_wait3A_140] : memref<1250x128xi32, #tpu.memory_space<hbm>> -> memref<2x128xi32, #tpu.memory_space<hbm>>
      tpu.wait_dma2 semaphore(%dma_wait3A_136 : memref<!tpu.dma_semaphore, #tpu.memory_space<semaphore_mem>>) src(%dma_wait3A_141 : memref<2x128xi32, #tpu.memory_space<hbm>>) dst(%dma_wait3A_139 : memref<2x128xi32, #tpu.memory_space<vmem>>)
    } else {
    }
    %dma_start3A_19 = arith.constant 0 : i32
    %dma_start3A_20 = arith.constant 0 : i32
    %dma_start3A_21 = arith.constant 0 : i32
    %dma_start3A_22 = arith.constant 0 : i32
    %dma_start3A_23 = arith.constant 0 : i32
    %dma_start3A_24 = tpu.memref_slice %arg9[%dma_start3A_20, %dma_start3A_22, %dma_start3A_23] : memref<2x128x128xf32, #tpu.memory_space<vmem>> -> memref<1x128x128xf32, #tpu.memory_space<vmem>>
    %dma_start3A_25 = tpu.memref_squeeze %dma_start3A_24 : memref<1x128x128xf32, #tpu.memory_space<vmem>> -> memref<128x128xf32, #tpu.memory_space<vmem>>
    %dma_start3A_26 = arith.constant 0 : i32
    %dma_start3A_27 = tpu.memref_slice %arg7[%dma_start3A_19, %dma_start3A_26] : memref<40x128xi32, #tpu.memory_space<vmem>> -> memref<1x128xi32, #tpu.memory_space<vmem>>
    %dma_start3A_28 = tpu.memref_squeeze %dma_start3A_27 : memref<1x128xi32, #tpu.memory_space<vmem>> -> memref<128xi32, #tpu.memory_space<vmem>>
    %dma_start3A_29 = arith.constant 0 : i32
    %dma_start3A_30 = arith.constant 0 : i32
    %dma_start3A_31 = tpu.memref_slice %arg2[%dma_start3A_29, %dma_start3A_30] : memref<10240x128xf32, #tpu.memory_space<hbm>> -> memref<10240x128xf32, #tpu.memory_space<hbm>>
    %dma_start3A_32 = tpu.memref_slice %arg11[%dma_start3A_21] : memref<2x!tpu.dma_semaphore, #tpu.memory_space<semaphore_mem>> -> memref<1x!tpu.dma_semaphore, #tpu.memory_space<semaphore_mem>>
    %dma_start3A_33 = tpu.memref_squeeze %dma_start3A_32 : memref<1x!tpu.dma_semaphore, #tpu.memory_space<semaphore_mem>> -> memref<!tpu.dma_semaphore, #tpu.memory_space<semaphore_mem>>
    tpu.enqueue_indirect_dma source(%dma_start3A_31 : memref<10240x128xf32, #tpu.memory_space<hbm>>) target(%dma_start3A_25 : memref<128x128xf32, #tpu.memory_space<vmem>>) offsets(%dma_start3A_28 : memref<128xi32, #tpu.memory_space<vmem>>) semaphore(%dma_start3A_33 : memref<!tpu.dma_semaphore, #tpu.memory_space<semaphore_mem>>)
    %not3A_34 = arith.constant true
    %not3A_35 = arith.xori %eq3A_3, %not3A_34 : i1
    %convert_element_type3A_36 = arith.extui %not3A_35 : i1 to i32
    %cond3A_37 = arith.constant 0 : i32
    %cond3A_38 = arith.cmpi ne, %convert_element_type3A_36, %cond3A_37 : i32
    scf.if %cond3A_38 {
      %dma_wait3A_58 = arith.constant 1 : i32
      %dma_wait3A_59 = arith.constant 0 : i32
      %dma_wait3A_60 = tpu.memref_slice %arg4[%multiple_of3A_7, %dma_wait3A_59] : memref<1250x128xi32, #tpu.memory_space<hbm>> -> memref<40x128xi32, #tpu.memory_space<hbm>>
      %dma_wait3A_61 = tpu.memref_slice %arg12[%dma_wait3A_58] : memref<3x!tpu.dma_semaphore, #tpu.memory_space<semaphore_mem>> -> memref<1x!tpu.dma_semaphore, #tpu.memory_space<semaphore_mem>>
      %dma_wait3A_62 = tpu.memref_squeeze %dma_wait3A_61 : memref<1x!tpu.dma_semaphore, #tpu.memory_space<semaphore_mem>> -> memref<!tpu.dma_semaphore, #tpu.memory_space<semaphore_mem>>
      %dma_wait3A_63 = arith.constant 0 : i32
      %dma_wait3A_64 = tpu.memref_slice %arg4[%multiple_of3A_7, %dma_wait3A_63] : memref<1250x128xi32, #tpu.memory_space<hbm>> -> memref<40x128xi32, #tpu.memory_space<hbm>>
      tpu.wait_dma2 semaphore(%dma_wait3A_62 : memref<!tpu.dma_semaphore, #tpu.memory_space<semaphore_mem>>) src(%dma_wait3A_64 : memref<40x128xi32, #tpu.memory_space<hbm>>) dst(%arg8 : memref<40x128xi32, #tpu.memory_space<vmem>>)
    } else {
    }
    %convert_element_type3A_39 = arith.extui %eq3A_3 : i1 to i32
    %cond3A_40 = arith.constant 0 : i32
    %cond3A_41 = arith.cmpi ne, %convert_element_type3A_39, %cond3A_40 : i32
    scf.if %cond3A_41 {
      %dma_wait3A_58 = arith.constant 1 : i32
      %dma_wait3A_59 = arith.constant 0 : i32
      %dma_wait3A_60 = arith.constant 0 : i32
      %dma_wait3A_61 = tpu.memref_slice %arg8[%dma_wait3A_59, %dma_wait3A_60] : memref<40x128xi32, #tpu.memory_space<vmem>> -> memref<8x128xi32, #tpu.memory_space<vmem>>
      %dma_wait3A_62 = arith.constant 0 : i32
      %dma_wait3A_63 = tpu.memref_slice %arg4[%multiple_of3A_7, %dma_wait3A_62] : memref<1250x128xi32, #tpu.memory_space<hbm>> -> memref<8x128xi32, #tpu.memory_space<hbm>>
      %dma_wait3A_64 = tpu.memref_slice %arg12[%dma_wait3A_58] : memref<3x!tpu.dma_semaphore, #tpu.memory_space<semaphore_mem>> -> memref<1x!tpu.dma_semaphore, #tpu.memory_space<semaphore_mem>>
      %dma_wait3A_65 = tpu.memref_squeeze %dma_wait3A_64 : memref<1x!tpu.dma_semaphore, #tpu.memory_space<semaphore_mem>> -> memref<!tpu.dma_semaphore, #tpu.memory_space<semaphore_mem>>
      %dma_wait3A_66 = arith.constant 0 : i32
      %dma_wait3A_67 = arith.constant 0 : i32
      %dma_wait3A_68 = tpu.memref_slice %arg8[%dma_wait3A_66, %dma_wait3A_67] : memref<40x128xi32, #tpu.memory_space<vmem>> -> memref<8x128xi32, #tpu.memory_space<vmem>>
      %dma_wait3A_69 = arith.constant 0 : i32
      %dma_wait3A_70 = tpu.memref_slice %arg4[%multiple_of3A_7, %dma_wait3A_69] : memref<1250x128xi32, #tpu.memory_space<hbm>> -> memref<8x128xi32, #tpu.memory_space<hbm>>
      tpu.wait_dma2 semaphore(%dma_wait3A_65 : memref<!tpu.dma_semaphore, #tpu.memory_space<semaphore_mem>>) src(%dma_wait3A_70 : memref<8x128xi32, #tpu.memory_space<hbm>>) dst(%dma_wait3A_68 : memref<8x128xi32, #tpu.memory_space<vmem>>)
      %add3A_71 = arith.constant 8 : i32
      %add3A_72 = arith.addi %multiple_of3A_7, %add3A_71 : i32
      %dma_wait3A_73 = arith.constant 1 : i32
      %dma_wait3A_74 = arith.constant 8 : i32
      %dma_wait3A_75 = arith.constant 0 : i32
      %dma_wait3A_76 = tpu.memref_slice %arg8[%dma_wait3A_74, %dma_wait3A_75] : memref<40x128xi32, #tpu.memory_space<vmem>> -> memref<2x128xi32, #tpu.memory_space<vmem>>
      %dma_wait3A_77 = arith.constant 0 : i32
      %dma_wait3A_78 = tpu.memref_slice %arg4[%add3A_72, %dma_wait3A_77] : memref<1250x128xi32, #tpu.memory_space<hbm>> -> memref<2x128xi32, #tpu.memory_space<hbm>>
      %dma_wait3A_79 = tpu.memref_slice %arg12[%dma_wait3A_73] : memref<3x!tpu.dma_semaphore, #tpu.memory_space<semaphore_mem>> -> memref<1x!tpu.dma_semaphore, #tpu.memory_space<semaphore_mem>>
      %dma_wait3A_80 = tpu.memref_squeeze %dma_wait3A_79 : memref<1x!tpu.dma_semaphore, #tpu.memory_space<semaphore_mem>> -> memref<!tpu.dma_semaphore, #tpu.memory_space<semaphore_mem>>
      %dma_wait3A_81 = arith.constant 8 : i32
      %dma_wait3A_82 = arith.constant 0 : i32
      %dma_wait3A_83 = tpu.memref_slice %arg8[%dma_wait3A_81, %dma_wait3A_82] : memref<40x128xi32, #tpu.memory_space<vmem>> -> memref<2x128xi32, #tpu.memory_space<vmem>>
      %dma_wait3A_84 = arith.constant 0 : i32
      %dma_wait3A_85 = tpu.memref_slice %arg4[%add3A_72, %dma_wait3A_84] : memref<1250x128xi32, #tpu.memory_space<hbm>> -> memref<2x128xi32, #tpu.memory_space<hbm>>
      tpu.wait_dma2 semaphore(%dma_wait3A_80 : memref<!tpu.dma_semaphore, #tpu.memory_space<semaphore_mem>>) src(%dma_wait3A_85 : memref<2x128xi32, #tpu.memory_space<hbm>>) dst(%dma_wait3A_83 : memref<2x128xi32, #tpu.memory_space<vmem>>)
    } else {
    }
    %dma_wait3A = arith.constant 2 : i32
    %dma_wait3A_42 = tpu.memref_slice %arg12[%dma_wait3A] : memref<3x!tpu.dma_semaphore, #tpu.memory_space<semaphore_mem>> -> memref<1x!tpu.dma_semaphore, #tpu.memory_space<semaphore_mem>>
    %dma_wait3A_43 = tpu.memref_squeeze %dma_wait3A_42 : memref<1x!tpu.dma_semaphore, #tpu.memory_space<semaphore_mem>> -> memref<!tpu.dma_semaphore, #tpu.memory_space<semaphore_mem>>
    %dma_wait3A_44 = arith.constant 0 : i32
    %dma_wait3A_45 = tpu.memref_slice %arg10[%multiple_of3A, %dma_wait3A_44] : memref<10240x128xf32, #tpu.memory_space<vmem_shared>> -> memref<640x128xf32, #tpu.memory_space<vmem_shared>>
    %dma_wait3A_46 = arith.constant 0 : i32
    %dma_wait3A_47 = tpu.memref_slice %arg5[%multiple_of3A, %dma_wait3A_46] : memref<10240x128xf32, #tpu.memory_space<hbm>> -> memref<640x128xf32, #tpu.memory_space<hbm>>
    tpu.wait_dma2 semaphore(%dma_wait3A_43 : memref<!tpu.dma_semaphore, #tpu.memory_space<semaphore_mem>>) src(%dma_wait3A_47 : memref<640x128xf32, #tpu.memory_space<hbm>>) dst(%dma_wait3A_45 : memref<640x128xf32, #tpu.memory_space<vmem_shared>>)
    %barrier3A = arith.constant 0 : index
    tpu.barrier barrier_id(%barrier3A)
    %while3A = arith.constant 0 : i32
    %while3A_48 = arith.constant 0 : i32
    %while3A_49 = arith.subi %select_n3A, %while3A_48 : i32
    %while3A_50 = arith.addi %while3A_48, %while3A_49 : i32
    %while3A_51 = arith.constant 1 : i32
    %while3A_52 = arith.divsi %while3A_49, %while3A_51 : i32
    %while3A_53 = arith.muli %while3A_52, %while3A_51 : i32
    %while3A_54 = arith.addi %while3A_48, %while3A_53 : i32
    %while3A_55 = arith.constant 1 : i32
    scf.for %while3A_58 = %while3A_48 to %while3A_54 step %while3A_55  : i32 {
      %rem3A = arith.constant 2 : i32
      %rem3A_59 = arith.remsi %while3A_58, %rem3A : i32
      %add3A_60 = arith.constant 1 : i32
      %add3A_61 = arith.addi %while3A_58, %add3A_60 : i32
      %rem3A_62 = arith.constant 2 : i32
      %rem3A_63 = arith.remsi %add3A_61, %rem3A_62 : i32
      %add3A_64 = arith.constant 1 : i32
      %add3A_65 = arith.addi %while3A_58, %add3A_64 : i32
      %lt3A = arith.cmpi slt, %add3A_65, %select_n3A : i32
      %convert_element_type3A_66 = arith.extui %lt3A : i1 to i32
      %cond3A_67 = arith.constant 0 : i32
      %cond3A_68 = arith.cmpi ne, %convert_element_type3A_66, %cond3A_67 : i32
      scf.if %cond3A_68 {
        %add3A_81 = arith.constant 1 : i32
        %add3A_82 = arith.addi %while3A_58, %add3A_81 : i32
        %dma_start3A_83 = arith.constant 0 : i32
        %dma_start3A_84 = arith.constant 0 : i32
        %dma_start3A_85 = tpu.memref_slice %arg9[%rem3A_63, %dma_start3A_83, %dma_start3A_84] : memref<2x128x128xf32, #tpu.memory_space<vmem>> -> memref<1x128x128xf32, #tpu.memory_space<vmem>>
        %dma_start3A_86 = tpu.memref_squeeze %dma_start3A_85 : memref<1x128x128xf32, #tpu.memory_space<vmem>> -> memref<128x128xf32, #tpu.memory_space<vmem>>
        %dma_start3A_87 = arith.constant 0 : i32
        %dma_start3A_88 = tpu.memref_slice %arg7[%add3A_82, %dma_start3A_87] : memref<40x128xi32, #tpu.memory_space<vmem>> -> memref<1x128xi32, #tpu.memory_space<vmem>>
        %dma_start3A_89 = tpu.memref_squeeze %dma_start3A_88 : memref<1x128xi32, #tpu.memory_space<vmem>> -> memref<128xi32, #tpu.memory_space<vmem>>
        %dma_start3A_90 = arith.constant 0 : i32
        %dma_start3A_91 = arith.constant 0 : i32
        %dma_start3A_92 = tpu.memref_slice %arg2[%dma_start3A_90, %dma_start3A_91] : memref<10240x128xf32, #tpu.memory_space<hbm>> -> memref<10240x128xf32, #tpu.memory_space<hbm>>
        %dma_start3A_93 = tpu.memref_slice %arg11[%rem3A_63] : memref<2x!tpu.dma_semaphore, #tpu.memory_space<semaphore_mem>> -> memref<1x!tpu.dma_semaphore, #tpu.memory_space<semaphore_mem>>
        %dma_start3A_94 = tpu.memref_squeeze %dma_start3A_93 : memref<1x!tpu.dma_semaphore, #tpu.memory_space<semaphore_mem>> -> memref<!tpu.dma_semaphore, #tpu.memory_space<semaphore_mem>>
        tpu.enqueue_indirect_dma source(%dma_start3A_92 : memref<10240x128xf32, #tpu.memory_space<hbm>>) target(%dma_start3A_86 : memref<128x128xf32, #tpu.memory_space<vmem>>) offsets(%dma_start3A_89 : memref<128xi32, #tpu.memory_space<vmem>>) semaphore(%dma_start3A_94 : memref<!tpu.dma_semaphore, #tpu.memory_space<semaphore_mem>>)
      } else {
      }
      %dma_wait3A_69 = arith.constant 0 : i32
      %dma_wait3A_70 = arith.constant 0 : i32
      %dma_wait3A_71 = tpu.memref_slice %arg9[%rem3A_59, %dma_wait3A_69, %dma_wait3A_70] : memref<2x128x128xf32, #tpu.memory_space<vmem>> -> memref<1x128x128xf32, #tpu.memory_space<vmem>>
      %dma_wait3A_72 = tpu.memref_squeeze %dma_wait3A_71 : memref<1x128x128xf32, #tpu.memory_space<vmem>> -> memref<128x128xf32, #tpu.memory_space<vmem>>
      %dma_wait3A_73 = arith.constant 0 : i32
      %dma_wait3A_74 = tpu.memref_slice %arg7[%while3A_58, %dma_wait3A_73] : memref<40x128xi32, #tpu.memory_space<vmem>> -> memref<1x128xi32, #tpu.memory_space<vmem>>
      %dma_wait3A_75 = tpu.memref_squeeze %dma_wait3A_74 : memref<1x128xi32, #tpu.memory_space<vmem>> -> memref<128xi32, #tpu.memory_space<vmem>>
      %dma_wait3A_76 = arith.constant 0 : i32
      %dma_wait3A_77 = arith.constant 0 : i32
      %dma_wait3A_78 = tpu.memref_slice %arg2[%dma_wait3A_76, %dma_wait3A_77] : memref<10240x128xf32, #tpu.memory_space<hbm>> -> memref<10240x128xf32, #tpu.memory_space<hbm>>
      %dma_wait3A_79 = tpu.memref_slice %arg11[%rem3A_59] : memref<2x!tpu.dma_semaphore, #tpu.memory_space<semaphore_mem>> -> memref<1x!tpu.dma_semaphore, #tpu.memory_space<semaphore_mem>>
      %dma_wait3A_80 = tpu.memref_squeeze %dma_wait3A_79 : memref<1x!tpu.dma_semaphore, #tpu.memory_space<semaphore_mem>> -> memref<!tpu.dma_semaphore, #tpu.memory_space<semaphore_mem>>
      tpu.wait_indirect_dma semaphore(%dma_wait3A_80 : memref<!tpu.dma_semaphore, #tpu.memory_space<semaphore_mem>>) src(%dma_wait3A_78 : memref<10240x128xf32, #tpu.memory_space<hbm>>) dst(%dma_wait3A_72 : memref<128x128xf32, #tpu.memory_space<vmem>>)
      "tpu.region"() ({
        %run_scoped3A = tpu.sem_alloc : memref<!tpu.dma_semaphore, #tpu.memory_space<semaphore_mem>>
        %dma_start3A_81 = arith.constant 0 : i32
        %dma_start3A_82 = arith.constant 0 : i32
        %dma_start3A_83 = tpu.memref_slice %arg9[%rem3A_59, %dma_start3A_81, %dma_start3A_82] : memref<2x128x128xf32, #tpu.memory_space<vmem>> -> memref<1x128x128xf32, #tpu.memory_space<vmem>>
        %dma_start3A_84 = tpu.memref_squeeze %dma_start3A_83 : memref<1x128x128xf32, #tpu.memory_space<vmem>> -> memref<128x128xf32, #tpu.memory_space<vmem>>
        %dma_start3A_85 = arith.constant 0 : i32
        %dma_start3A_86 = tpu.memref_slice %arg8[%while3A_58, %dma_start3A_85] : memref<40x128xi32, #tpu.memory_space<vmem>> -> memref<1x128xi32, #tpu.memory_space<vmem>>
        %dma_start3A_87 = tpu.memref_squeeze %dma_start3A_86 : memref<1x128xi32, #tpu.memory_space<vmem>> -> memref<128xi32, #tpu.memory_space<vmem>>
        %dma_start3A_88 = arith.constant 0 : i32
        %dma_start3A_89 = arith.constant 0 : i32
        %dma_start3A_90 = tpu.memref_slice %arg10[%dma_start3A_88, %dma_start3A_89] : memref<10240x128xf32, #tpu.memory_space<vmem_shared>> -> memref<10240x128xf32, #tpu.memory_space<vmem_shared>>
        tpu.enqueue_indirect_dma source(%dma_start3A_84 : memref<128x128xf32, #tpu.memory_space<vmem>>) target(%dma_start3A_90 : memref<10240x128xf32, #tpu.memory_space<vmem_shared>>) offsets(%dma_start3A_87 : memref<128xi32, #tpu.memory_space<vmem>>) semaphore(%run_scoped3A : memref<!tpu.dma_semaphore, #tpu.memory_space<semaphore_mem>>) {add = true}
        %dma_wait3A_91 = arith.constant 0 : i32
        %dma_wait3A_92 = arith.constant 0 : i32
        %dma_wait3A_93 = tpu.memref_slice %arg9[%rem3A_59, %dma_wait3A_91, %dma_wait3A_92] : memref<2x128x128xf32, #tpu.memory_space<vmem>> -> memref<1x128x128xf32, #tpu.memory_space<vmem>>
        %dma_wait3A_94 = tpu.memref_squeeze %dma_wait3A_93 : memref<1x128x128xf32, #tpu.memory_space<vmem>> -> memref<128x128xf32, #tpu.memory_space<vmem>>
        %dma_wait3A_95 = arith.constant 0 : i32
        %dma_wait3A_96 = tpu.memref_slice %arg8[%while3A_58, %dma_wait3A_95] : memref<40x128xi32, #tpu.memory_space<vmem>> -> memref<1x128xi32, #tpu.memory_space<vmem>>
        %dma_wait3A_97 = tpu.memref_squeeze %dma_wait3A_96 : memref<1x128xi32, #tpu.memory_space<vmem>> -> memref<128xi32, #tpu.memory_space<vmem>>
        %dma_wait3A_98 = arith.constant 0 : i32
        %dma_wait3A_99 = arith.constant 0 : i32
        %dma_wait3A_100 = tpu.memref_slice %arg10[%dma_wait3A_98, %dma_wait3A_99] : memref<10240x128xf32, #tpu.memory_space<vmem_shared>> -> memref<10240x128xf32, #tpu.memory_space<vmem_shared>>
        tpu.wait_indirect_dma semaphore(%run_scoped3A : memref<!tpu.dma_semaphore, #tpu.memory_space<semaphore_mem>>) src(%dma_wait3A_94 : memref<128x128xf32, #tpu.memory_space<vmem>>) dst(%dma_wait3A_100 : memref<10240x128xf32, #tpu.memory_space<vmem_shared>>)
        tpu.yield
      }) : () -> ()
    }
    %while3A_56 = arith.constant 1 : i32
    scf.for %while3A_58 = %while3A_54 to %while3A_50 step %while3A_56  : i32 {
      %rem3A = arith.constant 2 : i32
      %rem3A_59 = arith.remsi %while3A_58, %rem3A : i32
      %add3A_60 = arith.constant 1 : i32
      %add3A_61 = arith.addi %while3A_58, %add3A_60 : i32
      %rem3A_62 = arith.constant 2 : i32
      %rem3A_63 = arith.remsi %add3A_61, %rem3A_62 : i32
      %add3A_64 = arith.constant 1 : i32
      %add3A_65 = arith.addi %while3A_58, %add3A_64 : i32
      %lt3A = arith.cmpi slt, %add3A_65, %select_n3A : i32
      %convert_element_type3A_66 = arith.extui %lt3A : i1 to i32
      %cond3A_67 = arith.constant 0 : i32
      %cond3A_68 = arith.cmpi ne, %convert_element_type3A_66, %cond3A_67 : i32
      scf.if %cond3A_68 {
        %add3A_81 = arith.constant 1 : i32
        %add3A_82 = arith.addi %while3A_58, %add3A_81 : i32
        %dma_start3A_83 = arith.constant 0 : i32
        %dma_start3A_84 = arith.constant 0 : i32
        %dma_start3A_85 = tpu.memref_slice %arg9[%rem3A_63, %dma_start3A_83, %dma_start3A_84] : memref<2x128x128xf32, #tpu.memory_space<vmem>> -> memref<1x128x128xf32, #tpu.memory_space<vmem>>
        %dma_start3A_86 = tpu.memref_squeeze %dma_start3A_85 : memref<1x128x128xf32, #tpu.memory_space<vmem>> -> memref<128x128xf32, #tpu.memory_space<vmem>>
        %dma_start3A_87 = arith.constant 0 : i32
        %dma_start3A_88 = tpu.memref_slice %arg7[%add3A_82, %dma_start3A_87] : memref<40x128xi32, #tpu.memory_space<vmem>> -> memref<1x128xi32, #tpu.memory_space<vmem>>
        %dma_start3A_89 = tpu.memref_squeeze %dma_start3A_88 : memref<1x128xi32, #tpu.memory_space<vmem>> -> memref<128xi32, #tpu.memory_space<vmem>>
        %dma_start3A_90 = arith.constant 0 : i32
        %dma_start3A_91 = arith.constant 0 : i32
        %dma_start3A_92 = tpu.memref_slice %arg2[%dma_start3A_90, %dma_start3A_91] : memref<10240x128xf32, #tpu.memory_space<hbm>> -> memref<10240x128xf32, #tpu.memory_space<hbm>>
        %dma_start3A_93 = tpu.memref_slice %arg11[%rem3A_63] : memref<2x!tpu.dma_semaphore, #tpu.memory_space<semaphore_mem>> -> memref<1x!tpu.dma_semaphore, #tpu.memory_space<semaphore_mem>>
        %dma_start3A_94 = tpu.memref_squeeze %dma_start3A_93 : memref<1x!tpu.dma_semaphore, #tpu.memory_space<semaphore_mem>> -> memref<!tpu.dma_semaphore, #tpu.memory_space<semaphore_mem>>
        tpu.enqueue_indirect_dma source(%dma_start3A_92 : memref<10240x128xf32, #tpu.memory_space<hbm>>) target(%dma_start3A_86 : memref<128x128xf32, #tpu.memory_space<vmem>>) offsets(%dma_start3A_89 : memref<128xi32, #tpu.memory_space<vmem>>) semaphore(%dma_start3A_94 : memref<!tpu.dma_semaphore, #tpu.memory_space<semaphore_mem>>)
      } else {
      }
      %dma_wait3A_69 = arith.constant 0 : i32
      %dma_wait3A_70 = arith.constant 0 : i32
      %dma_wait3A_71 = tpu.memref_slice %arg9[%rem3A_59, %dma_wait3A_69, %dma_wait3A_70] : memref<2x128x128xf32, #tpu.memory_space<vmem>> -> memref<1x128x128xf32, #tpu.memory_space<vmem>>
      %dma_wait3A_72 = tpu.memref_squeeze %dma_wait3A_71 : memref<1x128x128xf32, #tpu.memory_space<vmem>> -> memref<128x128xf32, #tpu.memory_space<vmem>>
      %dma_wait3A_73 = arith.constant 0 : i32
      %dma_wait3A_74 = tpu.memref_slice %arg7[%while3A_58, %dma_wait3A_73] : memref<40x128xi32, #tpu.memory_space<vmem>> -> memref<1x128xi32, #tpu.memory_space<vmem>>
      %dma_wait3A_75 = tpu.memref_squeeze %dma_wait3A_74 : memref<1x128xi32, #tpu.memory_space<vmem>> -> memref<128xi32, #tpu.memory_space<vmem>>
      %dma_wait3A_76 = arith.constant 0 : i32
      %dma_wait3A_77 = arith.constant 0 : i32
      %dma_wait3A_78 = tpu.memref_slice %arg2[%dma_wait3A_76, %dma_wait3A_77] : memref<10240x128xf32, #tpu.memory_space<hbm>> -> memref<10240x128xf32, #tpu.memory_space<hbm>>
      %dma_wait3A_79 = tpu.memref_slice %arg11[%rem3A_59] : memref<2x!tpu.dma_semaphore, #tpu.memory_space<semaphore_mem>> -> memref<1x!tpu.dma_semaphore, #tpu.memory_space<semaphore_mem>>
      %dma_wait3A_80 = tpu.memref_squeeze %dma_wait3A_79 : memref<1x!tpu.dma_semaphore, #tpu.memory_space<semaphore_mem>> -> memref<!tpu.dma_semaphore, #tpu.memory_space<semaphore_mem>>
      tpu.wait_indirect_dma semaphore(%dma_wait3A_80 : memref<!tpu.dma_semaphore, #tpu.memory_space<semaphore_mem>>) src(%dma_wait3A_78 : memref<10240x128xf32, #tpu.memory_space<hbm>>) dst(%dma_wait3A_72 : memref<128x128xf32, #tpu.memory_space<vmem>>)
      "tpu.region"() ({
        %run_scoped3A = tpu.sem_alloc : memref<!tpu.dma_semaphore, #tpu.memory_space<semaphore_mem>>
        %dma_start3A_81 = arith.constant 0 : i32
        %dma_start3A_82 = arith.constant 0 : i32
        %dma_start3A_83 = tpu.memref_slice %arg9[%rem3A_59, %dma_start3A_81, %dma_start3A_82] : memref<2x128x128xf32, #tpu.memory_space<vmem>> -> memref<1x128x128xf32, #tpu.memory_space<vmem>>
        %dma_start3A_84 = tpu.memref_squeeze %dma_start3A_83 : memref<1x128x128xf32, #tpu.memory_space<vmem>> -> memref<128x128xf32, #tpu.memory_space<vmem>>
        %dma_start3A_85 = arith.constant 0 : i32
        %dma_start3A_86 = tpu.memref_slice %arg8[%while3A_58, %dma_start3A_85] : memref<40x128xi32, #tpu.memory_space<vmem>> -> memref<1x128xi32, #tpu.memory_space<vmem>>
        %dma_start3A_87 = tpu.memref_squeeze %dma_start3A_86 : memref<1x128xi32, #tpu.memory_space<vmem>> -> memref<128xi32, #tpu.memory_space<vmem>>
        %dma_start3A_88 = arith.constant 0 : i32
        %dma_start3A_89 = arith.constant 0 : i32
        %dma_start3A_90 = tpu.memref_slice %arg10[%dma_start3A_88, %dma_start3A_89] : memref<10240x128xf32, #tpu.memory_space<vmem_shared>> -> memref<10240x128xf32, #tpu.memory_space<vmem_shared>>
        tpu.enqueue_indirect_dma source(%dma_start3A_84 : memref<128x128xf32, #tpu.memory_space<vmem>>) target(%dma_start3A_90 : memref<10240x128xf32, #tpu.memory_space<vmem_shared>>) offsets(%dma_start3A_87 : memref<128xi32, #tpu.memory_space<vmem>>) semaphore(%run_scoped3A : memref<!tpu.dma_semaphore, #tpu.memory_space<semaphore_mem>>) {add = true}
        %dma_wait3A_91 = arith.constant 0 : i32
        %dma_wait3A_92 = arith.constant 0 : i32
        %dma_wait3A_93 = tpu.memref_slice %arg9[%rem3A_59, %dma_wait3A_91, %dma_wait3A_92] : memref<2x128x128xf32, #tpu.memory_space<vmem>> -> memref<1x128x128xf32, #tpu.memory_space<vmem>>
        %dma_wait3A_94 = tpu.memref_squeeze %dma_wait3A_93 : memref<1x128x128xf32, #tpu.memory_space<vmem>> -> memref<128x128xf32, #tpu.memory_space<vmem>>
        %dma_wait3A_95 = arith.constant 0 : i32
        %dma_wait3A_96 = tpu.memref_slice %arg8[%while3A_58, %dma_wait3A_95] : memref<40x128xi32, #tpu.memory_space<vmem>> -> memref<1x128xi32, #tpu.memory_space<vmem>>
        %dma_wait3A_97 = tpu.memref_squeeze %dma_wait3A_96 : memref<1x128xi32, #tpu.memory_space<vmem>> -> memref<128xi32, #tpu.memory_space<vmem>>
        %dma_wait3A_98 = arith.constant 0 : i32
        %dma_wait3A_99 = arith.constant 0 : i32
        %dma_wait3A_100 = tpu.memref_slice %arg10[%dma_wait3A_98, %dma_wait3A_99] : memref<10240x128xf32, #tpu.memory_space<vmem_shared>> -> memref<10240x128xf32, #tpu.memory_space<vmem_shared>>
        tpu.wait_indirect_dma semaphore(%run_scoped3A : memref<!tpu.dma_semaphore, #tpu.memory_space<semaphore_mem>>) src(%dma_wait3A_94 : memref<128x128xf32, #tpu.memory_space<vmem>>) dst(%dma_wait3A_100 : memref<10240x128xf32, #tpu.memory_space<vmem_shared>>)
        tpu.yield
      }) : () -> ()
    }
    %barrier3A_57 = arith.constant 0 : index
    tpu.barrier barrier_id(%barrier3A_57)
    "tpu.region"() ({
      %run_scoped3A = tpu.sem_alloc : memref<!tpu.dma_semaphore, #tpu.memory_space<semaphore_mem>>
      %dma_start3A_58 = arith.constant 0 : i32
      %dma_start3A_59 = tpu.memref_slice %arg6[%arg0, %multiple_of3A, %dma_start3A_58] : memref<2x10240x128xf32, #tpu.memory_space<hbm>> -> memref<1x640x128xf32, #tpu.memory_space<hbm>>
      %dma_start3A_60 = tpu.memref_squeeze %dma_start3A_59 : memref<1x640x128xf32, #tpu.memory_space<hbm>> -> memref<640x128xf32, #tpu.memory_space<hbm>>
      %dma_start3A_61 = arith.constant 0 : i32
      %dma_start3A_62 = tpu.memref_slice %arg10[%multiple_of3A, %dma_start3A_61] : memref<10240x128xf32, #tpu.memory_space<vmem_shared>> -> memref<640x128xf32, #tpu.memory_space<vmem_shared>>
      tpu.enqueue_dma source(%dma_start3A_62 : memref<640x128xf32, #tpu.memory_space<vmem_shared>>) target(%dma_start3A_60 : memref<640x128xf32, #tpu.memory_space<hbm>>) target_semaphore(%run_scoped3A : memref<!tpu.dma_semaphore, #tpu.memory_space<semaphore_mem>>)
      %dma_wait3A_63 = arith.constant 0 : i32
      %dma_wait3A_64 = tpu.memref_slice %arg6[%arg0, %multiple_of3A, %dma_wait3A_63] : memref<2x10240x128xf32, #tpu.memory_space<hbm>> -> memref<1x640x128xf32, #tpu.memory_space<hbm>>
      %dma_wait3A_65 = tpu.memref_squeeze %dma_wait3A_64 : memref<1x640x128xf32, #tpu.memory_space<hbm>> -> memref<640x128xf32, #tpu.memory_space<hbm>>
      %dma_wait3A_66 = arith.constant 0 : i32
      %dma_wait3A_67 = tpu.memref_slice %arg10[%multiple_of3A, %dma_wait3A_66] : memref<10240x128xf32, #tpu.memory_space<vmem_shared>> -> memref<640x128xf32, #tpu.memory_space<vmem_shared>>
      tpu.wait_dma2 semaphore(%run_scoped3A : memref<!tpu.dma_semaphore, #tpu.memory_space<semaphore_mem>>) src(%dma_wait3A_67 : memref<640x128xf32, #tpu.memory_space<vmem_shared>>) dst(%dma_wait3A_65 : memref<640x128xf32, #tpu.memory_space<hbm>>)
      tpu.yield
    }) : () -> ()
    return
  }
}

module attributes {stable_mosaic.version = 14 : i64} {
  func.func @_k1b_body(%arg0: i32, %arg1: memref<2048x128xf32, #tpu.memory_space<vmem>>, %arg2: memref<32x2048xf32, #tpu.memory_space<vmem>>, %arg3: memref<2048x128xf32, #tpu.memory_space<vmem>>, %arg4: memref<2048x16xf32, #tpu.memory_space<vmem>>) attributes {dimension_semantics = [#tpu.dimension_semantics<arbitrary>], iteration_bounds = array<i64: 5>, scalar_prefetch = 0 : i64, scratch_operands = 0 : i64, tpu.core_type = #tpu.core_type<tc>, window_params = [{transform_indices = @transform_0, window_bounds = array<i64: 2048, 128>}, {transform_indices = @transform_1, window_bounds = array<i64: 32, 2048>}, {transform_indices = @transform_2, window_bounds = array<i64: 2048, 128>}, {transform_indices = @transform_3, window_bounds = array<i64: 2048, 16>}]} {
    %get3A = arith.constant 0 : index
    %get3A_0 = arith.constant 0 : index
    %get3A_1 = vector.load %arg2[%get3A, %get3A_0] : memref<32x2048xf32, #tpu.memory_space<vmem>>, vector<32x2048xf32>
    %reduce_sum3A = arith.constant dense<0.000000e+00> : vector<2048xf32>
    %reduce_sum3A_2 = vector.multi_reduction <add>, %get3A_1, %reduce_sum3A [0] : vector<32x2048xf32> to vector<2048xf32>
    %broadcast_in_dim3A = vector.shape_cast %reduce_sum3A_2 : vector<2048xf32> to vector<2048x1xf32>
    %add3A = arith.constant 1.000000e+00 : f32
    %add3A_3 = vector.broadcast %add3A : f32 to vector<2048x1xf32>
    %add3A_4 = arith.addf %broadcast_in_dim3A, %add3A_3 : vector<2048x1xf32>
    %rsqrt3A = math.rsqrt %add3A_4 : vector<2048x1xf32>
    %get3A_5 = arith.constant 0 : index
    %get3A_6 = arith.constant 0 : index
    %get3A_7 = vector.load %arg1[%get3A_5, %get3A_6] : memref<2048x128xf32, #tpu.memory_space<vmem>>, vector<2048x128xf32>
    %mul3A = vector.broadcast %rsqrt3A : vector<2048x1xf32> to vector<2048x128xf32>
    %mul3A_8 = arith.mulf %get3A_7, %mul3A : vector<2048x128xf32>
    %swap3A = arith.constant 0 : index
    %swap3A_9 = arith.constant 0 : index
    %swap3A_10 = vector.load %arg3[%swap3A, %swap3A_9] : memref<2048x128xf32, #tpu.memory_space<vmem>>, vector<2048x128xf32>
    tpu.vector_store %arg3[%swap3A, %swap3A_9], %mul3A_8 {strides = array<i32>} : memref<2048x128xf32, #tpu.memory_space<vmem>>, vector<2048x128xf32>,
    %broadcast_in_dim3A_11 = vector.shape_cast %rsqrt3A : vector<2048x1xf32> to vector<2048x1xf32>
    %broadcast_in_dim3A_12 = vector.broadcast %broadcast_in_dim3A_11 : vector<2048x1xf32> to vector<2048x16xf32>
    %swap3A_13 = arith.constant 0 : index
    %swap3A_14 = arith.constant 0 : index
    %swap3A_15 = vector.load %arg4[%swap3A_13, %swap3A_14] : memref<2048x16xf32, #tpu.memory_space<vmem>>, vector<2048x16xf32>
    tpu.vector_store %arg4[%swap3A_13, %swap3A_14], %broadcast_in_dim3A_12 {strides = array<i32>} : memref<2048x16xf32, #tpu.memory_space<vmem>>, vector<2048x16xf32>,
    return
  }
  func.func @transform_0(%arg0: i32) -> (i32, i32) {
    %c0_i32 = arith.constant 0 : i32
    %c0_i32_0 = arith.constant 0 : i32
    return %arg0, %c0_i32 : i32, i32
  }
  func.func @transform_1(%arg0: i32) -> (i32, i32) {
    %c0_i32 = arith.constant 0 : i32
    %c0_i32_0 = arith.constant 0 : i32
    return %c0_i32, %arg0 : i32, i32
  }
  func.func @transform_2(%arg0: i32) -> (i32, i32) {
    %c0_i32 = arith.constant 0 : i32
    %c0_i32_0 = arith.constant 0 : i32
    return %arg0, %c0_i32 : i32, i32
  }
  func.func @transform_3(%arg0: i32) -> (i32, i32) {
    %c0_i32 = arith.constant 0 : i32
    %c0_i32_0 = arith.constant 0 : i32
    return %arg0, %c0_i32 : i32, i32
  }
}

module attributes {stable_mosaic.version = 14 : i64} {
  func.func @_k1a_body(%arg0: i32, %arg1: memref<2000x500xf32, #tpu.memory_space<vmem>>, %arg2: memref<500x128xf32, #tpu.memory_space<vmem>>, %arg3: memref<2000x128xf32, #tpu.memory_space<vmem>>) attributes {dimension_semantics = [#tpu.dimension_semantics<arbitrary>], iteration_bounds = array<i64: 5>, scalar_prefetch = 0 : i64, scratch_operands = 0 : i64, tpu.core_type = #tpu.core_type<tc>, window_params = [{transform_indices = @transform_0, window_bounds = array<i64: 2000, 500>}, {pipeline_mode = #tpu.pipeline_mode<synchronous>, transform_indices = @transform_1, window_bounds = array<i64: 500, 128>}, {transform_indices = @transform_2, window_bounds = array<i64: 2000, 128>}]} {
    %get3A = arith.constant 0 : index
    %get3A_0 = arith.constant 0 : index
    %get3A_1 = vector.load %arg1[%get3A, %get3A_0] : memref<2000x500xf32, #tpu.memory_space<vmem>>, vector<2000x500xf32>
    %get3A_2 = arith.constant 0 : index
    %get3A_3 = arith.constant 0 : index
    %get3A_4 = vector.load %arg2[%get3A_2, %get3A_3] : memref<500x128xf32, #tpu.memory_space<vmem>>, vector<500x128xf32>
    %dot_general3A = arith.constant dense<0.000000e+00> : vector<2000x128xf32>
    %dot_general3A_5 = tpu.matmul %get3A_1, %get3A_4, %dot_general3A {dimension_numbers = #tpu.dot_dimension_numbers<[1], [0], [0], [1], [0, 0, 1, 1], [], []>, transpose_lhs_hint = false} : vector<2000x500xf32>, vector<500x128xf32>, vector<2000x128xf32> -> vector<2000x128xf32>
    %swap3A = arith.constant 0 : index
    %swap3A_6 = arith.constant 0 : index
    %swap3A_7 = vector.load %arg3[%swap3A, %swap3A_6] : memref<2000x128xf32, #tpu.memory_space<vmem>>, vector<2000x128xf32>
    tpu.vector_store %arg3[%swap3A, %swap3A_6], %dot_general3A_5 {strides = array<i32>} : memref<2000x128xf32, #tpu.memory_space<vmem>>, vector<2000x128xf32>,
    return
  }
  func.func @transform_0(%arg0: i32) -> (i32, i32) {
    %c0_i32 = arith.constant 0 : i32
    %c0_i32_0 = arith.constant 0 : i32
    return %arg0, %c0_i32 : i32, i32
  }
  func.func @transform_1(%arg0: i32) -> (i32, i32) {
    %c0_i32 = arith.constant 0 : i32
    %c0_i32_0 = arith.constant 0 : i32
    %c0_i32_1 = arith.constant 0 : i32
    return %c0_i32, %c0_i32_0 : i32, i32
  }
  func.func @transform_2(%arg0: i32) -> (i32, i32) {
    %c0_i32 = arith.constant 0 : i32
    %c0_i32_0 = arith.constant 0 : i32
    return %arg0, %c0_i32 : i32, i32
  }
}

module attributes {stable_mosaic.version = 14 : i64} {
  func.func @_kc_body(%arg0: i32, %arg1: memref<2x2048x128xf32, #tpu.memory_space<vmem>>, %arg2: memref<2048x128xf32, #tpu.memory_space<vmem>>, %arg3: memref<2048x16xf32, #tpu.memory_space<vmem>>, %arg4: memref<1x128xf32, #tpu.memory_space<vmem>>, %arg5: memref<128x128xf32, #tpu.memory_space<vmem>>, %arg6: memref<2048x128xf32, #tpu.memory_space<vmem>>) attributes {dimension_semantics = [#tpu.dimension_semantics<arbitrary>], iteration_bounds = array<i64: 5>, scalar_prefetch = 0 : i64, scratch_operands = 0 : i64, tpu.core_type = #tpu.core_type<tc>, window_params = [{transform_indices = @transform_0, window_bounds = array<i64: 2, 2048, 128>}, {transform_indices = @transform_1, window_bounds = array<i64: 2048, 128>}, {transform_indices = @transform_2, window_bounds = array<i64: 2048, 16>}, {pipeline_mode = #tpu.pipeline_mode<synchronous>, transform_indices = @transform_3, window_bounds = array<i64: 1, 128>}, {pipeline_mode = #tpu.pipeline_mode<synchronous>, transform_indices = @transform_4, window_bounds = array<i64: 128, 128>}, {transform_indices = @transform_5, window_bounds = array<i64: 2048, 128>}]} {
    %get3A = arith.constant 0 : index
    %get3A_0 = arith.constant 0 : index
    %get3A_1 = vector.load %arg3[%get3A, %get3A_0] : memref<2048x16xf32, #tpu.memory_space<vmem>>, vector<2048x1xf32>
    %get3A_2 = arith.constant 0 : index
    %get3A_3 = arith.constant 0 : index
    %get3A_4 = arith.constant 0 : index
    %get3A_5 = vector.load %arg1[%get3A_2, %get3A_3, %get3A_4] : memref<2x2048x128xf32, #tpu.memory_space<vmem>>, vector<1x2048x128xf32>
    %get3A_6 = vector.shape_cast %get3A_5 : vector<1x2048x128xf32> to vector<2048x128xf32>
    %get3A_7 = arith.constant 1 : index
    %get3A_8 = arith.constant 0 : index
    %get3A_9 = arith.constant 0 : index
    %get3A_10 = vector.load %arg1[%get3A_7, %get3A_8, %get3A_9] : memref<2x2048x128xf32, #tpu.memory_space<vmem>>, vector<1x2048x128xf32>
    %get3A_11 = vector.shape_cast %get3A_10 : vector<1x2048x128xf32> to vector<2048x128xf32>
    %add3A = arith.addf %get3A_6, %get3A_11 : vector<2048x128xf32>
    %get3A_12 = arith.constant 0 : index
    %get3A_13 = arith.constant 0 : index
    %get3A_14 = vector.load %arg2[%get3A_12, %get3A_13] : memref<2048x128xf32, #tpu.memory_space<vmem>>, vector<2048x128xf32>
    %add3A_15 = arith.addf %add3A, %get3A_14 : vector<2048x128xf32>
    %mul3A = vector.broadcast %get3A_1 : vector<2048x1xf32> to vector<2048x128xf32>
    %mul3A_16 = arith.mulf %mul3A, %add3A_15 : vector<2048x128xf32>
    %get3A_17 = arith.constant 0 : index
    %get3A_18 = arith.constant 0 : index
    %get3A_19 = vector.load %arg4[%get3A_17, %get3A_18] : memref<1x128xf32, #tpu.memory_space<vmem>>, vector<1x128xf32>
    %add3A_20 = vector.broadcast %get3A_19 : vector<1x128xf32> to vector<2048x128xf32>
    %add3A_21 = arith.addf %mul3A_16, %add3A_20 : vector<2048x128xf32>
    %max3A = arith.constant 0.000000e+00 : f32
    %max3A_22 = vector.broadcast %max3A : f32 to vector<2048x128xf32>
    %max3A_23 = arith.maximumf %add3A_21, %max3A_22 : vector<2048x128xf32>
    %get3A_24 = arith.constant 0 : index
    %get3A_25 = arith.constant 0 : index
    %get3A_26 = vector.load %arg5[%get3A_24, %get3A_25] : memref<128x128xf32, #tpu.memory_space<vmem>>, vector<128x128xf32>
    %dot_general3A = arith.constant dense<0.000000e+00> : vector<2048x128xf32>
    %dot_general3A_27 = tpu.matmul %max3A_23, %get3A_26, %dot_general3A {dimension_numbers = #tpu.dot_dimension_numbers<[1], [0], [0], [1], [0, 0, 1, 1], [], []>, transpose_lhs_hint = false} : vector<2048x128xf32>, vector<128x128xf32>, vector<2048x128xf32> -> vector<2048x128xf32>
    %mul3A_28 = vector.broadcast %get3A_1 : vector<2048x1xf32> to vector<2048x128xf32>
    %mul3A_29 = arith.mulf %dot_general3A_27, %mul3A_28 : vector<2048x128xf32>
    %swap3A = arith.constant 0 : index
    %swap3A_30 = arith.constant 0 : index
    %swap3A_31 = vector.load %arg6[%swap3A, %swap3A_30] : memref<2048x128xf32, #tpu.memory_space<vmem>>, vector<2048x128xf32>
    tpu.vector_store %arg6[%swap3A, %swap3A_30], %mul3A_29 {strides = array<i32>} : memref<2048x128xf32, #tpu.memory_space<vmem>>, vector<2048x128xf32>,
    return
  }
  func.func @transform_0(%arg0: i32) -> (i32, i32, i32) {
    %c0_i32 = arith.constant 0 : i32
    %c0_i32_0 = arith.constant 0 : i32
    %c0_i32_1 = arith.constant 0 : i32
    return %c0_i32, %arg0, %c0_i32_0 : i32, i32, i32
  }
  func.func @transform_1(%arg0: i32) -> (i32, i32) {
    %c0_i32 = arith.constant 0 : i32
    %c0_i32_0 = arith.constant 0 : i32
    return %arg0, %c0_i32 : i32, i32
  }
  func.func @transform_2(%arg0: i32) -> (i32, i32) {
    %c0_i32 = arith.constant 0 : i32
    %c0_i32_0 = arith.constant 0 : i32
    return %arg0, %c0_i32 : i32, i32
  }
  func.func @transform_3(%arg0: i32) -> (i32, i32) {
    %c0_i32 = arith.constant 0 : i32
    %c0_i32_0 = arith.constant 0 : i32
    %c0_i32_1 = arith.constant 0 : i32
    return %c0_i32, %c0_i32_0 : i32, i32
  }
  func.func @transform_4(%arg0: i32) -> (i32, i32) {
    %c0_i32 = arith.constant 0 : i32
    %c0_i32_0 = arith.constant 0 : i32
    %c0_i32_1 = arith.constant 0 : i32
    return %c0_i32, %c0_i32_0 : i32, i32
  }
  func.func @transform_5(%arg0: i32) -> (i32, i32) {
    %c0_i32 = arith.constant 0 : i32
    %c0_i32_0 = arith.constant 0 : i32
    return %arg0, %c0_i32 : i32, i32
  }
}

module attributes {stable_mosaic.version = 14 : i64} {
  func.func @_kc4_body(%arg0: i32, %arg1: memref<2x2048x128xf32, #tpu.memory_space<vmem>>, %arg2: memref<2048x128xf32, #tpu.memory_space<vmem>>, %arg3: memref<2048x16xf32, #tpu.memory_space<vmem>>, %arg4: memref<1x128xf32, #tpu.memory_space<vmem>>, %arg5: memref<2048x128xf32, #tpu.memory_space<vmem>>) attributes {dimension_semantics = [#tpu.dimension_semantics<arbitrary>], iteration_bounds = array<i64: 5>, scalar_prefetch = 0 : i64, scratch_operands = 0 : i64, tpu.core_type = #tpu.core_type<tc>, window_params = [{transform_indices = @transform_0, window_bounds = array<i64: 2, 2048, 128>}, {transform_indices = @transform_1, window_bounds = array<i64: 2048, 128>}, {transform_indices = @transform_2, window_bounds = array<i64: 2048, 16>}, {pipeline_mode = #tpu.pipeline_mode<synchronous>, transform_indices = @transform_3, window_bounds = array<i64: 1, 128>}, {transform_indices = @transform_4, window_bounds = array<i64: 2048, 128>}]} {
    %get3A = arith.constant 0 : index
    %get3A_0 = arith.constant 0 : index
    %get3A_1 = vector.load %arg3[%get3A, %get3A_0] : memref<2048x16xf32, #tpu.memory_space<vmem>>, vector<2048x1xf32>
    %get3A_2 = arith.constant 0 : index
    %get3A_3 = arith.constant 0 : index
    %get3A_4 = arith.constant 0 : index
    %get3A_5 = vector.load %arg1[%get3A_2, %get3A_3, %get3A_4] : memref<2x2048x128xf32, #tpu.memory_space<vmem>>, vector<1x2048x128xf32>
    %get3A_6 = vector.shape_cast %get3A_5 : vector<1x2048x128xf32> to vector<2048x128xf32>
    %get3A_7 = arith.constant 1 : index
    %get3A_8 = arith.constant 0 : index
    %get3A_9 = arith.constant 0 : index
    %get3A_10 = vector.load %arg1[%get3A_7, %get3A_8, %get3A_9] : memref<2x2048x128xf32, #tpu.memory_space<vmem>>, vector<1x2048x128xf32>
    %get3A_11 = vector.shape_cast %get3A_10 : vector<1x2048x128xf32> to vector<2048x128xf32>
    %add3A = arith.addf %get3A_6, %get3A_11 : vector<2048x128xf32>
    %get3A_12 = arith.constant 0 : index
    %get3A_13 = arith.constant 0 : index
    %get3A_14 = vector.load %arg2[%get3A_12, %get3A_13] : memref<2048x128xf32, #tpu.memory_space<vmem>>, vector<2048x128xf32>
    %add3A_15 = arith.addf %add3A, %get3A_14 : vector<2048x128xf32>
    %mul3A = vector.broadcast %get3A_1 : vector<2048x1xf32> to vector<2048x128xf32>
    %mul3A_16 = arith.mulf %mul3A, %add3A_15 : vector<2048x128xf32>
    %get3A_17 = arith.constant 0 : index
    %get3A_18 = arith.constant 0 : index
    %get3A_19 = vector.load %arg4[%get3A_17, %get3A_18] : memref<1x128xf32, #tpu.memory_space<vmem>>, vector<1x128xf32>
    %add3A_20 = vector.broadcast %get3A_19 : vector<1x128xf32> to vector<2048x128xf32>
    %add3A_21 = arith.addf %mul3A_16, %add3A_20 : vector<2048x128xf32>
    %max3A = arith.constant 0.000000e+00 : f32
    %max3A_22 = vector.broadcast %max3A : f32 to vector<2048x128xf32>
    %max3A_23 = arith.maximumf %add3A_21, %max3A_22 : vector<2048x128xf32>
    %mul3A_24 = vector.broadcast %get3A_1 : vector<2048x1xf32> to vector<2048x128xf32>
    %mul3A_25 = arith.mulf %max3A_23, %mul3A_24 : vector<2048x128xf32>
    %swap3A = arith.constant 0 : index
    %swap3A_26 = arith.constant 0 : index
    %swap3A_27 = vector.load %arg5[%swap3A, %swap3A_26] : memref<2048x128xf32, #tpu.memory_space<vmem>>, vector<2048x128xf32>
    tpu.vector_store %arg5[%swap3A, %swap3A_26], %mul3A_25 {strides = array<i32>} : memref<2048x128xf32, #tpu.memory_space<vmem>>, vector<2048x128xf32>,
    return
  }
  func.func @transform_0(%arg0: i32) -> (i32, i32, i32) {
    %c0_i32 = arith.constant 0 : i32
    %c0_i32_0 = arith.constant 0 : i32
    %c0_i32_1 = arith.constant 0 : i32
    return %c0_i32, %arg0, %c0_i32_0 : i32, i32, i32
  }
  func.func @transform_1(%arg0: i32) -> (i32, i32) {
    %c0_i32 = arith.constant 0 : i32
    %c0_i32_0 = arith.constant 0 : i32
    return %arg0, %c0_i32 : i32, i32
  }
  func.func @transform_2(%arg0: i32) -> (i32, i32) {
    %c0_i32 = arith.constant 0 : i32
    %c0_i32_0 = arith.constant 0 : i32
    return %arg0, %c0_i32 : i32, i32
  }
  func.func @transform_3(%arg0: i32) -> (i32, i32) {
    %c0_i32 = arith.constant 0 : i32
    %c0_i32_0 = arith.constant 0 : i32
    %c0_i32_1 = arith.constant 0 : i32
    return %c0_i32, %c0_i32_0 : i32, i32
  }
  func.func @transform_4(%arg0: i32) -> (i32, i32) {
    %c0_i32 = arith.constant 0 : i32
    %c0_i32_0 = arith.constant 0 : i32
    return %arg0, %c0_i32 : i32, i32
  }
}

module attributes {stable_mosaic.version = 14 : i64} {
  func.func @_kf_body(%arg0: i32, %arg1: memref<2x2048x128xf32, #tpu.memory_space<vmem>>, %arg2: memref<2048x128xf32, #tpu.memory_space<vmem>>, %arg3: memref<2048x16xf32, #tpu.memory_space<vmem>>, %arg4: memref<1x16xf32, #tpu.memory_space<vmem>>, %arg5: memref<128x16xf32, #tpu.memory_space<vmem>>, %arg6: memref<2048x16xf32, #tpu.memory_space<vmem>>) attributes {dimension_semantics = [#tpu.dimension_semantics<arbitrary>], iteration_bounds = array<i64: 5>, scalar_prefetch = 0 : i64, scratch_operands = 0 : i64, tpu.core_type = #tpu.core_type<tc>, window_params = [{transform_indices = @transform_0, window_bounds = array<i64: 2, 2048, 128>}, {transform_indices = @transform_1, window_bounds = array<i64: 2048, 128>}, {transform_indices = @transform_2, window_bounds = array<i64: 2048, 16>}, {pipeline_mode = #tpu.pipeline_mode<synchronous>, transform_indices = @transform_3, window_bounds = array<i64: 1, 16>}, {pipeline_mode = #tpu.pipeline_mode<synchronous>, transform_indices = @transform_4, window_bounds = array<i64: 128, 16>}, {transform_indices = @transform_5, window_bounds = array<i64: 2048, 16>}]} {
    %get3A = arith.constant 0 : index
    %get3A_0 = arith.constant 0 : index
    %get3A_1 = vector.load %arg3[%get3A, %get3A_0] : memref<2048x16xf32, #tpu.memory_space<vmem>>, vector<2048x1xf32>
    %get3A_2 = arith.constant 0 : index
    %get3A_3 = arith.constant 0 : index
    %get3A_4 = arith.constant 0 : index
    %get3A_5 = vector.load %arg1[%get3A_2, %get3A_3, %get3A_4] : memref<2x2048x128xf32, #tpu.memory_space<vmem>>, vector<1x2048x128xf32>
    %get3A_6 = vector.shape_cast %get3A_5 : vector<1x2048x128xf32> to vector<2048x128xf32>
    %get3A_7 = arith.constant 1 : index
    %get3A_8 = arith.constant 0 : index
    %get3A_9 = arith.constant 0 : index
    %get3A_10 = vector.load %arg1[%get3A_7, %get3A_8, %get3A_9] : memref<2x2048x128xf32, #tpu.memory_space<vmem>>, vector<1x2048x128xf32>
    %get3A_11 = vector.shape_cast %get3A_10 : vector<1x2048x128xf32> to vector<2048x128xf32>
    %add3A = arith.addf %get3A_6, %get3A_11 : vector<2048x128xf32>
    %get3A_12 = arith.constant 0 : index
    %get3A_13 = arith.constant 0 : index
    %get3A_14 = vector.load %arg2[%get3A_12, %get3A_13] : memref<2048x128xf32, #tpu.memory_space<vmem>>, vector<2048x128xf32>
    %add3A_15 = arith.addf %add3A, %get3A_14 : vector<2048x128xf32>
    %mul3A = vector.broadcast %get3A_1 : vector<2048x1xf32> to vector<2048x128xf32>
    %mul3A_16 = arith.mulf %mul3A, %add3A_15 : vector<2048x128xf32>
    %get3A_17 = arith.constant 0 : index
    %get3A_18 = arith.constant 0 : index
    %get3A_19 = vector.load %arg5[%get3A_17, %get3A_18] : memref<128x16xf32, #tpu.memory_space<vmem>>, vector<128x16xf32>
    %dot_general3A = arith.constant dense<0.000000e+00> : vector<2048x16xf32>
    %dot_general3A_20 = tpu.matmul %mul3A_16, %get3A_19, %dot_general3A {dimension_numbers = #tpu.dot_dimension_numbers<[1], [0], [0], [1], [0, 0, 1, 1], [], []>, transpose_lhs_hint = false} : vector<2048x128xf32>, vector<128x16xf32>, vector<2048x16xf32> -> vector<2048x16xf32>
    %get3A_21 = arith.constant 0 : index
    %get3A_22 = arith.constant 0 : index
    %get3A_23 = vector.load %arg4[%get3A_21, %get3A_22] : memref<1x16xf32, #tpu.memory_space<vmem>>, vector<1x16xf32>
    %add3A_24 = vector.broadcast %get3A_23 : vector<1x16xf32> to vector<2048x16xf32>
    %add3A_25 = arith.addf %dot_general3A_20, %add3A_24 : vector<2048x16xf32>
    %swap3A = arith.constant 0 : index
    %swap3A_26 = arith.constant 0 : index
    %swap3A_27 = vector.load %arg6[%swap3A, %swap3A_26] : memref<2048x16xf32, #tpu.memory_space<vmem>>, vector<2048x16xf32>
    tpu.vector_store %arg6[%swap3A, %swap3A_26], %add3A_25 {strides = array<i32>} : memref<2048x16xf32, #tpu.memory_space<vmem>>, vector<2048x16xf32>,
    return
  }
  func.func @transform_0(%arg0: i32) -> (i32, i32, i32) {
    %c0_i32 = arith.constant 0 : i32
    %c0_i32_0 = arith.constant 0 : i32
    %c0_i32_1 = arith.constant 0 : i32
    return %c0_i32, %arg0, %c0_i32_0 : i32, i32, i32
  }
  func.func @transform_1(%arg0: i32) -> (i32, i32) {
    %c0_i32 = arith.constant 0 : i32
    %c0_i32_0 = arith.constant 0 : i32
    return %arg0, %c0_i32 : i32, i32
  }
  func.func @transform_2(%arg0: i32) -> (i32, i32) {
    %c0_i32 = arith.constant 0 : i32
    %c0_i32_0 = arith.constant 0 : i32
    return %arg0, %c0_i32 : i32, i32
  }
  func.func @transform_3(%arg0: i32) -> (i32, i32) {
    %c0_i32 = arith.constant 0 : i32
    %c0_i32_0 = arith.constant 0 : i32
    %c0_i32_1 = arith.constant 0 : i32
    return %c0_i32, %c0_i32_0 : i32, i32
  }
  func.func @transform_4(%arg0: i32) -> (i32, i32) {
    %c0_i32 = arith.constant 0 : i32
    %c0_i32_0 = arith.constant 0 : i32
    %c0_i32_1 = arith.constant 0 : i32
    return %c0_i32, %c0_i32_0 : i32, i32
  }
  func.func @transform_5(%arg0: i32) -> (i32, i32) {
    %c0_i32 = arith.constant 0 : i32
    %c0_i32_0 = arith.constant 0 : i32
    return %arg0, %c0_i32 : i32, i32
  }
}

</mosaic_0001>

<sc_bundles>
// kernel: kernel.15.cloned.1.call-start
scs
__scs_entry_jumppad:
0x0: {  	(pc) =	sbr.rel $0x88, $3  }
0x1: {  	(tag) =	ssettag $0x0;
	lr =	simm.s32 $0x1  }
0x2: {  	[smem:$0x3F95] =	sst lr;
	_ =	strace $0xD0000000  }
0x3: {  	_ = 	snop  }
0x4: {  	_ = 	snop  }
0x5: {  	_ = 	snop  }
0x6: {  	_ = 	snop  }
0x7: {  	_ = 	snop  }
__scs_overlays_trampoline_lowered:
0x8: {  	[smem:$0x3FA4] =	sst s0  }
0x9: {  	[smem:$0x3FA5] =	sst s1  }
0xa: {  	[smem:$0x3FA6] =	sst s2  }
0xb: {  	[smem:$0x3FA7] =	sst s3  }
0xc: {  	[smem:$0x3FA8] =	sst s4  }
0xd: {  	[smem:$0x3FA9] =	sst s5  }
0xe: {  	[smem:$0x3FAA] =	sst s6  }
0xf: {  	[smem:$0x3FAB] =	sst s7  }
0x10: {  	[smem:$0x3FAC] =	sst s8  }
0x11: {  	[smem:$0x3FAD] =	sst s9;
	s0 =	simm.s32 @!p0 $0x0  }
0x12: {  	s1 =	sld [smem:$0x3F93];
	s0 =	simm.s32 @p0 $0x1  }
0x13: {  	[smem:$0x3FAE] =	sst s0;
	s0 =	simm.s32 @!p1 $0x0  }
0x14: {  	s2 =	sld [smem:$0x3F92];
	s0 =	simm.s32 @p1 $0x1  }
0x15: {  	[smem:$0x3FAF] =	sst s0;
	s0 =	simm.s32 @!p2 $0x0  }
0x16: {  	s3 =	sld [smem:$0x3FDB];
	s0 =	simm.s32 @p2 $0x1  }
0x17: {  	s4 =	simm.s32 $0x1BF5;
	[smem:$0x3FB1] =	sst s0  }
0x18: {  	s0 =	sld [smem:$0x3F94];
	_ =	swait.ge [sflag:s4], $0x0  }
0x19: {  	s7 =	sld [smem:$0x3F95]  }
0x1a: {  	s8 =	sadd.s32 $0xFFFFE003, lr  }
0x1b: {  	s9 =	sadd.s32 $0xFFFFFEF7, lr;
	s5 =	simm.s32 $0xFFFFFFFF;
	p2 =	slt.u32 s8, $0xFFFFF086  }
0x1c: {  	p1 =	slt.u32 s9, $0xF7A;
	s5 =	simm.s32 @!p2 $0x0  }
0x1d: {  	s5 =	simm.s32 @p1 $0x1;
	p0 =	seq.s32 s7, s2  }
0x1e: {  	s7 =	smul.u32 @!p0 $0xF7A, s2;
	p2 =	seq.s32 @!p0 s5, $0x0  }
0x1f: {  	s9 =	smul.u32 $0xF7A, s1;
	s8 =	simm.s32 @!p0 $0x1BF5;
	p2 =	por !p2, p0  }
0x20: {  	[sflag:s8] =	ssyncset.s32 @!p0 $0xFFFFF086;
	s6 =	sadd.s32 @!p0 s3, s7;
	s7 =	simm.s32 @!p0 $0x108  }
0x21: {  	s3 =	sadd.s32 s3, s9;
	s6 =	sadd.s32 @!p0 $0x88, s6;
	s7 =	simm.s32 @p2 $0x1082  }
0x22: {  	[simem:s7], [sflag:s8] =	dma.local @!p0 [hbm:s6], $0xF7A  }
0x23: {  	s9 =	sor.u32 $0xD0000000, s2;
	s6 =	simm.s32 $0x108;
	_ =	swait.ge @!p0 [sflag:s8], $0x0  }
0x24: {  	s3 =	sadd.s32 $0x88, s3;
	s6 =	simm.s32 @!p1 $0x1082;
	[sflag:s4] =	ssyncset.s32 $0xFFFFF086  }
0x25: {  	[simem:s6], [sflag:s4] =	dma.local [hbm:s3], $0xF7A  }
0x26: {  	[smem:$0x3F95] =	sst s1;
	(tag) =	ssettag s2;
	_ =	strace s9  }
0x27: {  	s1 =	sld [smem:$0x3FA5]  }
0x28: {  	s2 =	sld [smem:$0x3FA6]  }
0x29: {  	s4 =	sld [smem:$0x3FA8]  }
0x2a: {  	p0 =	seq.s32 s5, $0x0;
	s5 =	sld [smem:$0x3FA9]  }
0x2b: {  	s6 =	sld [smem:$0x3FAA]  }
0x2c: {  	s7 =	sld [smem:$0x3FAB]  }
0x2d: {  	s3 =	simm.s32 $0x108;
	s8 =	sld [smem:$0x3FAC]  }
0x2e: {  	s3 =	simm.s32 @!p0 $0x1082;
	s9 =	sld [smem:$0x3FAD]  }
0x2f: {  	lr =	sadd.s32 s0, s3;
	s0 =	sld [smem:$0x3FA4]  }
0x30: {  	s3 =	sld [smem:$0x3FA7]  }
0x31: {  	[smem:$0x3FB0] =	sst s10  }
0x32: {  	s10 =	sld [smem:$0x3FAE];
	_ =	sdelay $0x3  }
0x33: {  	p0 =	seq.s32 s10, $0x1;
	s10 =	sld [smem:$0x3FB0];
	_ =	sdelay $0x3  }
0x34: {  	[smem:$0x3FB0] =	sst s10  }
0x35: {  	s10 =	sld [smem:$0x3FAF];
	_ =	sdelay $0x3  }
0x36: {  	p1 =	seq.s32 s10, $0x1;
	s10 =	sld [smem:$0x3FB0];
	_ =	sdelay $0x3  }
0x37: {  	[smem:$0x3FB0] =	sst s10  }
0x38: {  	s10 =	sld [smem:$0x3FB1]  }
0x39: {  	_ = 	snop;
	(pc) =	sbr.ind lr, $3  }
0x3a: {  	_ = 	snop  }
0x3b: {  	_ = 	snop  }
0x3c: {  	p2 =	seq.s32 s10, $0x1;
	s10 =	sld [smem:$0x3FB0]  }
0x3d: {  	_ =	shalt  }
0x3e: {  	_ =	shalt  }
0x3f: {  	_ =	shalt  }
0x40: {  	_ =	shalt  }
0x41: {  	_ =	shalt  }
0x42: {  	_ =	shalt  }
0x43: {  	_ =	shalt  }
0x44: {  	_ =	shalt  }
0x45: {  	_ =	shalt  }
0x46: {  	_ =	shalt  }
0x47: {  	_ =	shalt  }
0x48: {  	_ =	shalt  }
0x49: {  	_ =	shalt  }
0x4a: {  	_ =	shalt  }
0x4b: {  	_ =	shalt  }
0x4c: {  	_ =	shalt  }
0x4d: {  	_ =	shalt  }
0x4e: {  	_ =	shalt  }
0x4f: {  	_ =	shalt  }
0x50: {  	_ =	shalt  }
0x51: {  	_ =	shalt  }
0x52: {  	_ =	shalt  }
0x53: {  	_ =	shalt  }
0x54: {  	_ =	shalt  }
0x55: {  	_ =	shalt  }
0x56: {  	_ =	shalt  }
0x57: {  	_ =	shalt  }
0x58: {  	_ =	shalt  }
0x59: {  	_ =	shalt  }
0x5a: {  	_ =	shalt  }
0x5b: {  	_ =	shalt  }
0x5c: {  	_ =	shalt  }
0x5d: {  	_ =	shalt  }
0x5e: {  	_ =	shalt  }
0x5f: {  	_ =	shalt  }
0x60: {  	_ =	shalt  }
0x61: {  	_ =	shalt  }
0x62: {  	_ =	shalt  }
0x63: {  	_ =	shalt  }
0x64: {  	_ =	shalt  }
0x65: {  	_ =	shalt  }
0x66: {  	_ =	shalt  }
0x67: {  	_ =	shalt  }
0x68: {  	_ =	shalt  }
0x69: {  	_ =	shalt  }
0x6a: {  	_ =	shalt  }
0x6b: {  	_ =	shalt  }
0x6c: {  	_ =	shalt  }
0x6d: {  	_ =	shalt  }
0x6e: {  	_ =	shalt  }
0x6f: {  	_ =	shalt  }
0x70: {  	_ =	shalt  }
0x71: {  	_ =	shalt  }
0x72: {  	_ =	shalt  }
0x73: {  	_ =	shalt  }
0x74: {  	_ =	shalt  }
0x75: {  	_ =	shalt  }
0x76: {  	_ =	shalt  }
0x77: {  	_ =	shalt  }
0x78: {  	_ =	shalt  }
0x79: {  	_ =	shalt  }
0x7a: {  	_ =	shalt  }
0x7b: {  	_ =	shalt  }
0x7c: {  	_ =	shalt  }
0x7d: {  	_ =	shalt  }
0x7e: {  	_ =	shalt  }
0x7f: {  	_ =	shalt  }
0x80: {  	_ =	shalt  }
0x81: {  	_ =	shalt  }
0x82: {  	_ =	shalt  }
0x83: {  	_ =	shalt  }
0x84: {  	_ =	shalt  }
0x85: {  	_ =	shalt  }
0x86: {  	_ =	shalt  }
0x87: {  	_ =	shalt  }
.Lfunc_end0:
.L_simem_size_0:
called_computation_lowered:
.L_overlay_start_0:
0x88: {  	s2 =	sld [smem:$0x3FD9]  }
0x89: {  	s3 =	sld [smem:$0x3FFE];
	_ =	sdelay $0x1  }
0x8a: {  	s1 =	srdreg.scid  }
0x8b: {  	s0 =	sand.u32 $0x1, s1  }
0x8c: {  	s16 =	sshll.u32 s0, $0xA;
	s2 =	sadd.s32 s3, s2  }
0x8d: {  	s2 =	sadd.s32 s2, s16  }
0x8e: {  	[smem:$0x3FBC] =	sst s2  }
0x8f: {  	_ = 	snop  }
0x90: {  	(tm) =	ssettm $0x1  }
0x91: {  	s17 =	sld [smem:$0x3FFB];
	_ =	sdelay $0x3  }
0x92: {  	_ =	strace s17  }
0x93: {  	s2 =	sld [smem:$0x3FFC];
	_ =	sdelay $0x3  }
0x94: {  	_ =	strace s2  }
0x95: {  	s2 =	sld [smem:$0x3FFD];
	_ =	sdelay $0x3  }
0x96: {  	_ =	strace s2  }
0x97: {  	_ =	strace $0x8FFFFFFF  }
0x98: {  	s18 =	sld [smem:$0x3FDB];
	_ =	sdelay $0x1  }
0x99: {  	s19 =	simm.s32 $_scs_section_size  }
0x9a: {  	s4 =	simm.s32 $_size__tile_overlayer_lowered;
	s5 =	simm.s32 $_tile_overlayer_lowered  }
0x9b: {  	s22 =	simm.s32 $0x1BFF;
	s21 =	sshll.u32 s5, $0x1;
	s2 =	sadd.s32 s19, s18  }
0x9c: {  	s6 =	simm.s32 $0x0;
	s20 =	sshll.u32 s4, $0x1;
	s4 =	sadd.s32 s21, s2  }
0x9d: {  	[timem:s6], [sflag:s22] =	dma.local [hbm:s4], s20  }
0x9e: {  	_ =	swait.ge [sflag:s22], s20  }
0x9f: {  	s3 =	ssub.s32 $0x0, s20;
	[sflag:s22] =	ssyncset.done $0x0  }
0xa0: {  	[sflag:s22] =	ssyncadd.s32 s3;
	_ =	sdelay $0x1  }
0xa1: {  	s23 =	simm.s32 $0x1B8B  }
0xa2: {  	_ =	swait.ge [sflag:s23], $0x1  }
0xa3: {  	[sflag:s23] =	ssyncset.done $0x0  }
0xa4: {  	s25 =	simm.s32 $0x1B8E;
	s24 =	sld [smem:$0x3FFE];
	[sflag:s23] =	ssyncadd.s32 $0xFFFFFFFF  }
0xa5: {  	s26 =	simm.s32 $execute0_lowered;
	[smem:$0x3FD2] =	sst s25  }
0xa6: {  	s4 =	sshll.u32 s26, $0x1;
	_ =	strace $0x80000046;
	[dreg:$0x1] =	wrdreg $0xFFFFFFFF  }
0xa7: {  	s28 =	simm.s32 $_size_execute0_lowered;
	s2 =	sadd.s32 s2, s4;
	[dreg:$0x0] =	wrdreg $0x0  }
0xa8: {  	s4 =	sshll.u32 s28, $0x1;
	[dreg:$0x2] =	wrdreg s2  }
0xa9: {  	[dreg:$0x3] =	wrdreg s4  }
0xaa: {  	[dreg:$0x4] =	wrdreg $0xC0  }
0xab: {  	_ =	task [dreg:s6], $0x5FFFF  }
0xac: {  	[dreg:$0x1] =	wrdreg $0xFFFFFFFF  }
0xad: {  	[dreg:$0x0] =	wrdreg $0x60  }
0xae: {  	[dreg:$0x2] =	wrdreg s24  }
0xaf: {  	[dreg:$0x3] =	wrdreg $0x9  }
0xb0: {  	_ =	task.clear_ibuf [dreg:s6], $0x4FFFF;
	_ =	strace $0x90000046  }
0xb1: {  	s29 =	simm.s32 $0x9;
	_ =	strace $0x80000048  }
0xb2: {  	_ =	swait.ge [sflag:s29], $0x1  }
0xb3: {  	[sflag:s29] =	ssyncadd.s32 $0xFFFFFFFF  }
0xb4: {  	_ =	strace $0x90000048  }
0xb5: {  	_ =	sfence  }
0xb6: {  	s30 =	sld [smem:$0x0];
	_ =	sdelay $0x2  }
0xb7: {  	s31 =	sshll.u32 s1, $0xD;
	s1 =	sshrl.u32 s1, $0x2  }
0xb8: {  	s3 =	sand.u32 $0x4000, s31;
	s1 =	sadd.s32 s1, s30  }
0xb9: {  	s0 =	sor.u32 s3, s0;
	s1 =	sshll.u32 s1, $0x11  }
0xba: {  	s0 =	sor.u32 s1, s0  }
0xbb: {  	s0 =	sadd.s32 $0x8F2B, s0  }
0xbc: {  	[sflag:s0] =	ssyncadd.remote.s32 $0x1  }
0xbd: {  	_ =	sfence.sel $0xFFFF  }
0xbe: {  	[dreg:$0x0] =	wrdreg $0xFFFFFFFF;
	(pc) =	sbr.abs _section_cstart, $3  }
0xbf: {  	[dreg:$0x1] =	wrdreg $0xFFFFFFFF  }
0xc0: {  	_ =	task.clear_ibuf [dreg:s6], $0x2FFFF;
	_ =	strace $0x9FFFFFFF  }
0xc1: {  	(tm) =	ssettm $0x7FFFFFFF  }
tec
execute0_lowered:
.L_overlay_start_1:
0x0: {  	(tag) =	ssettag $0x1  }
0x1: {  	s0 =	srdreg.scid  }
0x2: {  	s6 =	rddreg [dreg:$0x0];
	s2 =	simm.s32 $0x0;
	s11 =	simm.s32 $0x400  }
0x3: {  	s12 =	simm.s32 $0x1;
	s3 =	sand.u32 $0x1, s0;
	s0 =	stileid.u32  }
0x4: {  	[smem:$0x7FF] =	sst s2;
	s1 =	sshll.u32 s3, $0x4;
	s7 =	sshll.u32 s0, $0x7  }
0x5: {  	s31 =	ssub.s32 $0x2, s3;
	s3 =	simm.s32 $0xA;
	s4 =	sor.u32 s0, s1  }
0x6: {  	s1 =	rddreg [dreg:$0x1];
	s5 =	sshrl.u32 s4, $0x3;
	s8 =	smul.u32 $0x280, s4  }
0x7: {  	s7 =	sand.u32 $0x380, s7;
	p0 =	seq.s32 s4, $0x1F;
	s5 =	smul.u32 $0x14000, s5  }
0x8: {  	_ =	strace $0x80000047;
	s9 =	sshrl.u32 s31, $0x1;
	s3 =	simm.s32 @!p0 $0x28  }
0x9: {  	s30 =	sadd.s32 s8, s6;
	s8 =	ssub.s32 s31, s9;
	s5 =	sor.u32 s7, s5  }
0xa: {  	s9 =	simm.s32 $0x1400;
	s4 =	sadd.s32 $0x8C00, s30;
	s5 =	sshrl.u32 s5, $0x3  }
0xb: {  	s8 =	smax.u32 s8, $0x1;
	s10 =	sadd.s32 s5, s6;
	s5 =	sadd.s32 $0xD980, s6  }
0xc: {  	v0 =	vimm.f32 $0.0e+00;
	v1 =	vimm.f32 $1.000000000e+00;
	s6 =	sadd.s32 $0xDA00, s6;
	s7 =	sadd.s32 $0xDC00, s10;
	s10 =	simm.s32 $0x80  }
.LBB2_1:
0xd: {  	s13 =	simm.s32 @p0 $0x0;
	s14 =	simm.s32 @p0 $0x1  }
0xe: {  	[tilespmem:s13], [sflag:$0x1] =	stream.linear.gather @p0 [hbm4b:s5+s13], $0x400, $0x38;
	[tilespmem:$0x3C00] =	vst v63  }
0xf: {  	_ =	swait.ge @p0 [sflag:s14], $0x400  }
0x10: {  	[sflag:s14] =	ssyncset.done @p0 $0x0  }
0x11: {  	s15 =	simm.s32 @p0 $0x400;
	[sflag:s14] =	ssyncadd.s32 @p0 $0xFFFFFC00  }
0x12: {  	[tilespmem:s15], [sflag:$0x1] =	stream.linear.gather @p0 [hbm4b:s6+s13], $0x100, $0x38;
	[tilespmem:$0x3C00] =	vst v63  }
0x13: {  	_ =	swait.ge @p0 [sflag:s14], $0x100  }
0x14: {  	[sflag:s14] =	ssyncset.done @p0 $0x0  }
0x15: {  	s13 =	simm.s32 @!p0 $0x0;
	[sflag:s14] =	ssyncadd.s32 @p0 $0xFFFFFF00  }
0x16: {  	[tilespmem:s13], [sflag:$0x1] =	stream.linear.gather @!p0 [hbm4b:s4+s13], $0x1400, $0x38;
	[tilespmem:$0x3C00] =	vst v63  }
0x17: {  	s13 =	simm.s32 @!p0 $0x1  }
0x18: {  	_ =	swait.ge @!p0 [sflag:s13], $0x1400  }
0x19: {  	[sflag:s13] =	ssyncset.done @!p0 $0x0  }
0x1a: {  	[sflag:s13] =	ssyncadd.s32 @!p0 $0xFFFFEC00;
	s13 =	simm.s32 $0x0  }
.LBB2_2:
0x1b: {  	p1 =	sne.s32 s13, $0x9FC0  }
.Ltmp0:
0x1c: {  	_ = 	snop;
	(pc) =	sbr.rel @p1 .LBB2_2-.Ltmp0, $3  }
0x1d: {  	_ =	sdelay $0x1  }
0x1e: {  	s14 =	sshra.s32 s13, $0x2  }
0x1f: {  	s13 =	sadd.s32 $0x40, s13;
	[tilespmem:s14+$0x1400] =	vst v0  }
0x20: {  	s13 =	simm.s32 $0x40;
	s14 =	smov.u32 s3  }
.LBB2_4:
0x21: {  	v2 =	vld [tilespmem:s13+$0xFFFFFFC0];
	_ =	sdelay $0x7  }
0x22: {  	[tilespmem:v2+s9+$0x0] =	vst.idx.add.f32.msk $0xffff, v1  }
0x23: {  	v2 =	vld [tilespmem:s13+$0xFFFFFFD0];
	_ =	sdelay $0x7  }
0x24: {  	[tilespmem:v2+s9+$0x0] =	vst.idx.add.f32.msk $0xffff, v1  }
0x25: {  	v2 =	vld [tilespmem:s13+$0xFFFFFFE0];
	_ =	sdelay $0x7  }
0x26: {  	[tilespmem:v2+s9+$0x0] =	vst.idx.add.f32.msk $0xffff, v1  }
0x27: {  	v2 =	vld [tilespmem:s13+$0xFFFFFFF0];
	_ =	sdelay $0x7  }
0x28: {  	[tilespmem:v2+s9+$0x0] =	vst.idx.add.f32.msk $0xffff, v1  }
0x29: {  	v2 =	vld [tilespmem:s13+$0x0];
	_ =	sdelay $0x7  }
0x2a: {  	[tilespmem:v2+s9+$0x0] =	vst.idx.add.f32.msk $0xffff, v1  }
0x2b: {  	v2 =	vld [tilespmem:s13+$0x10];
	_ =	sdelay $0x7  }
0x2c: {  	[tilespmem:v2+s9+$0x0] =	vst.idx.add.f32.msk $0xffff, v1  }
0x2d: {  	v2 =	vld [tilespmem:s13+$0x20];
	_ =	sdelay $0x7  }
0x2e: {  	[tilespmem:v2+s9+$0x0] =	vst.idx.add.f32.msk $0xffff, v1  }
0x2f: {  	v2 =	vld [tilespmem:s13+$0x30];
	_ =	sdelay $0x2  }
0x30: {  	p1 =	sne.s32 s14, $0x1  }
.Ltmp1:
0x31: {  	_ = 	snop;
	(pc) =	sbr.rel @p1 .LBB2_4-.Ltmp1, $2  }
0x32: {  	_ =	sdelay $0x2  }
0x33: {  	s14 =	sadd.s32 $0xFFFFFFFF, s14;
	s13 =	sadd.s32 $0x80, s13;
	[tilespmem:v2+s9+$0x0] =	vst.idx.add.f32.msk $0xffff, v1  }
0x34: {  	s2 =	sadd.s32 $0x1, s2  }
0x35: {  	p1 =	sne.s32 s2, s8  }
.Ltmp2:
0x36: {  	_ = 	snop;
	(pc) =	sbr.rel @p1 .LBB2_1-.Ltmp2, $4  }
0x37: {  	[hbm4b:s7+s10] =	stream.strided.scatter [tilespmem:s9], [sflag:$0x1], $0x2800, s11, s10, $0x38;
	[tilespmem:$0x3C00] =	vst v63  }
0x38: {  	_ =	swait.ge [sflag:s12], $0x2800  }
0x39: {  	[sflag:s12] =	ssyncset.done $0x0  }
0x3a: {  	[sflag:s12] =	ssyncadd.s32 $0xFFFFD800  }
0x3b: {  	_ =	sfence.sel $0x180000  }
0x3c: {  	[bflag:$0x0] =	sbarrier.arrive $0xFFFF  }
0x3d: {  	p0 =	sne.s32 s0, $0x0;
	_ =	strace $0x90000047  }
0x3e: {  	s0 =	sadd.s32 @!p0 $0x100000, s1;
	[bflag:$0x2] =	sbarrier.arrive $0xFFFF  }
0x3f: {  	[sflag:s0] =	ssyncadd.tile.s32 @!p0 $0x1;
	_ =	shalt  }
.Lfunc_end2:
_tile_overlayer_lowered:
.L_overlay_start_2:
0x40: {  	(tag) =	ssettag $0x2  }
0x41: {  	s0 =	rddreg [dreg:$0x0];
	s2 =	stileid.u32  }
0x42: {  	s1 =	rddreg [dreg:$0x1];
	p0 =	sne.s32 s2, $0x0  }
0x43: {  	s3 =	rddreg [dreg:$0x2];
	[bflag:$0x3] =	sbarrier.arrive $0xFFFF;
	s2 =	simm.s32 @!p0 $0x1C01  }
0x44: {  	[timem:s3], [sflag:s2] =	dma.local @!p0 [hbm:s0], s1  }
0x45: {  	s0 =	simm.s32 @!p0 $0x1  }
0x46: {  	_ =	swait.ge @!p0 [sflag:s0], s1  }
0x47: {  	s1 =	ssub.s32 @!p0 $0x0, s1;
	[sflag:s0] =	ssyncset.done @!p0 $0x0  }
0x48: {  	[sflag:s0] =	ssyncadd.s32 @!p0 s1  }
0x49: {  	[bflag:$0x3] =	sbarrier.arrive $0xFFFF  }
0x4a: {  	_ =	shalt  }

// kernel: kernel.18.cloned.1.call-start
scs
__scs_entry_jumppad:
0x0: {  	(pc) =	sbr.rel $0x88, $3  }
0x1: {  	(tag) =	ssettag $0x0;
	lr =	simm.s32 $0x1  }
0x2: {  	[smem:$0x3F95] =	sst lr;
	_ =	strace $0xD0000000  }
0x3: {  	_ = 	snop  }
0x4: {  	_ = 	snop  }
0x5: {  	_ = 	snop  }
0x6: {  	_ = 	snop  }
0x7: {  	_ = 	snop  }
__scs_overlays_trampoline_lowered:
0x8: {  	[smem:$0x3FA4] =	sst s0  }
0x9: {  	[smem:$0x3FA5] =	sst s1  }
0xa: {  	[smem:$0x3FA6] =	sst s2  }
0xb: {  	[smem:$0x3FA7] =	sst s3  }
0xc: {  	[smem:$0x3FA8] =	sst s4  }
0xd: {  	[smem:$0x3FA9] =	sst s5  }
0xe: {  	[smem:$0x3FAA] =	sst s6  }
0xf: {  	[smem:$0x3FAB] =	sst s7  }
0x10: {  	[smem:$0x3FAC] =	sst s8  }
0x11: {  	[smem:$0x3FAD] =	sst s9;
	s0 =	simm.s32 @!p0 $0x0  }
0x12: {  	s1 =	sld [smem:$0x3F93];
	s0 =	simm.s32 @p0 $0x1  }
0x13: {  	[smem:$0x3FAE] =	sst s0;
	s0 =	simm.s32 @!p1 $0x0  }
0x14: {  	s2 =	sld [smem:$0x3F92];
	s0 =	simm.s32 @p1 $0x1  }
0x15: {  	[smem:$0x3FAF] =	sst s0;
	s0 =	simm.s32 @!p2 $0x0  }
0x16: {  	s3 =	sld [smem:$0x3FDB];
	s0 =	simm.s32 @p2 $0x1  }
0x17: {  	s4 =	simm.s32 $0x1BF5;
	[smem:$0x3FB1] =	sst s0  }
0x18: {  	s0 =	sld [smem:$0x3F94];
	_ =	swait.ge [sflag:s4], $0x0  }
0x19: {  	s7 =	sld [smem:$0x3F95]  }
0x1a: {  	s8 =	sadd.s32 $0xFFFFE003, lr  }
0x1b: {  	s9 =	sadd.s32 $0xFFFFFEF7, lr;
	s5 =	simm.s32 $0xFFFFFFFF;
	p2 =	slt.u32 s8, $0xFFFFF086  }
0x1c: {  	p1 =	slt.u32 s9, $0xF7A;
	s5 =	simm.s32 @!p2 $0x0  }
0x1d: {  	s5 =	simm.s32 @p1 $0x1;
	p0 =	seq.s32 s7, s2  }
0x1e: {  	s7 =	smul.u32 @!p0 $0xF7A, s2;
	p2 =	seq.s32 @!p0 s5, $0x0  }
0x1f: {  	s9 =	smul.u32 $0xF7A, s1;
	s8 =	simm.s32 @!p0 $0x1BF5;
	p2 =	por !p2, p0  }
0x20: {  	[sflag:s8] =	ssyncset.s32 @!p0 $0xFFFFF086;
	s6 =	sadd.s32 @!p0 s3, s7;
	s7 =	simm.s32 @!p0 $0x108  }
0x21: {  	s3 =	sadd.s32 s3, s9;
	s6 =	sadd.s32 @!p0 $0x88, s6;
	s7 =	simm.s32 @p2 $0x1082  }
0x22: {  	[simem:s7], [sflag:s8] =	dma.local @!p0 [hbm:s6], $0xF7A  }
0x23: {  	s9 =	sor.u32 $0xD0000000, s2;
	s6 =	simm.s32 $0x108;
	_ =	swait.ge @!p0 [sflag:s8], $0x0  }
0x24: {  	s3 =	sadd.s32 $0x88, s3;
	s6 =	simm.s32 @!p1 $0x1082;
	[sflag:s4] =	ssyncset.s32 $0xFFFFF086  }
0x25: {  	[simem:s6], [sflag:s4] =	dma.local [hbm:s3], $0xF7A  }
0x26: {  	[smem:$0x3F95] =	sst s1;
	(tag) =	ssettag s2;
	_ =	strace s9  }
0x27: {  	s1 =	sld [smem:$0x3FA5]  }
0x28: {  	s2 =	sld [smem:$0x3FA6]  }
0x29: {  	s4 =	sld [smem:$0x3FA8]  }
0x2a: {  	p0 =	seq.s32 s5, $0x0;
	s5 =	sld [smem:$0x3FA9]  }
0x2b: {  	s6 =	sld [smem:$0x3FAA]  }
0x2c: {  	s7 =	sld [smem:$0x3FAB]  }
0x2d: {  	s3 =	simm.s32 $0x108;
	s8 =	sld [smem:$0x3FAC]  }
0x2e: {  	s3 =	simm.s32 @!p0 $0x1082;
	s9 =	sld [smem:$0x3FAD]  }
0x2f: {  	lr =	sadd.s32 s0, s3;
	s0 =	sld [smem:$0x3FA4]  }
0x30: {  	s3 =	sld [smem:$0x3FA7]  }
0x31: {  	[smem:$0x3FB0] =	sst s10  }
0x32: {  	s10 =	sld [smem:$0x3FAE];
	_ =	sdelay $0x3  }
0x33: {  	p0 =	seq.s32 s10, $0x1;
	s10 =	sld [smem:$0x3FB0];
	_ =	sdelay $0x3  }
0x34: {  	[smem:$0x3FB0] =	sst s10  }
0x35: {  	s10 =	sld [smem:$0x3FAF];
	_ =	sdelay $0x3  }
0x36: {  	p1 =	seq.s32 s10, $0x1;
	s10 =	sld [smem:$0x3FB0];
	_ =	sdelay $0x3  }
0x37: {  	[smem:$0x3FB0] =	sst s10  }
0x38: {  	s10 =	sld [smem:$0x3FB1]  }
0x39: {  	_ = 	snop;
	(pc) =	sbr.ind lr, $3  }
0x3a: {  	_ = 	snop  }
0x3b: {  	_ = 	snop  }
0x3c: {  	p2 =	seq.s32 s10, $0x1;
	s10 =	sld [smem:$0x3FB0]  }
0x3d: {  	_ =	shalt  }
0x3e: {  	_ =	shalt  }
0x3f: {  	_ =	shalt  }
0x40: {  	_ =	shalt  }
0x41: {  	_ =	shalt  }
0x42: {  	_ =	shalt  }
0x43: {  	_ =	shalt  }
0x44: {  	_ =	shalt  }
0x45: {  	_ =	shalt  }
0x46: {  	_ =	shalt  }
0x47: {  	_ =	shalt  }
0x48: {  	_ =	shalt  }
0x49: {  	_ =	shalt  }
0x4a: {  	_ =	shalt  }
0x4b: {  	_ =	shalt  }
0x4c: {  	_ =	shalt  }
0x4d: {  	_ =	shalt  }
0x4e: {  	_ =	shalt  }
0x4f: {  	_ =	shalt  }
0x50: {  	_ =	shalt  }
0x51: {  	_ =	shalt  }
0x52: {  	_ =	shalt  }
0x53: {  	_ =	shalt  }
0x54: {  	_ =	shalt  }
0x55: {  	_ =	shalt  }
0x56: {  	_ =	shalt  }
0x57: {  	_ =	shalt  }
0x58: {  	_ =	shalt  }
0x59: {  	_ =	shalt  }
0x5a: {  	_ =	shalt  }
0x5b: {  	_ =	shalt  }
0x5c: {  	_ =	shalt  }
0x5d: {  	_ =	shalt  }
0x5e: {  	_ =	shalt  }
0x5f: {  	_ =	shalt  }
0x60: {  	_ =	shalt  }
0x61: {  	_ =	shalt  }
0x62: {  	_ =	shalt  }
0x63: {  	_ =	shalt  }
0x64: {  	_ =	shalt  }
0x65: {  	_ =	shalt  }
0x66: {  	_ =	shalt  }
0x67: {  	_ =	shalt  }
0x68: {  	_ =	shalt  }
0x69: {  	_ =	shalt  }
0x6a: {  	_ =	shalt  }
0x6b: {  	_ =	shalt  }
0x6c: {  	_ =	shalt  }
0x6d: {  	_ =	shalt  }
0x6e: {  	_ =	shalt  }
0x6f: {  	_ =	shalt  }
0x70: {  	_ =	shalt  }
0x71: {  	_ =	shalt  }
0x72: {  	_ =	shalt  }
0x73: {  	_ =	shalt  }
0x74: {  	_ =	shalt  }
0x75: {  	_ =	shalt  }
0x76: {  	_ =	shalt  }
0x77: {  	_ =	shalt  }
0x78: {  	_ =	shalt  }
0x79: {  	_ =	shalt  }
0x7a: {  	_ =	shalt  }
0x7b: {  	_ =	shalt  }
0x7c: {  	_ =	shalt  }
0x7d: {  	_ =	shalt  }
0x7e: {  	_ =	shalt  }
0x7f: {  	_ =	shalt  }
0x80: {  	_ =	shalt  }
0x81: {  	_ =	shalt  }
0x82: {  	_ =	shalt  }
0x83: {  	_ =	shalt  }
0x84: {  	_ =	shalt  }
0x85: {  	_ =	shalt  }
0x86: {  	_ =	shalt  }
0x87: {  	_ =	shalt  }
.Lfunc_end0:
.L_simem_size_0:
called_computation.1_lowered:
.L_overlay_start_0:
0x88: {  	s2 =	sld [smem:$0x3FD9]  }
0x89: {  	s3 =	sld [smem:$0x3FFE];
	_ =	sdelay $0x1  }
0x8a: {  	s1 =	srdreg.scid  }
0x8b: {  	s0 =	sand.u32 $0x1, s1  }
0x8c: {  	s16 =	sshll.u32 s0, $0xA;
	s2 =	sadd.s32 s3, s2  }
0x8d: {  	s2 =	sadd.s32 s2, s16  }
0x8e: {  	[smem:$0x3FBC] =	sst s2  }
0x8f: {  	_ = 	snop  }
0x90: {  	(tm) =	ssettm $0x1  }
0x91: {  	s17 =	sld [smem:$0x3FFB];
	_ =	sdelay $0x3  }
0x92: {  	_ =	strace s17  }
0x93: {  	s2 =	sld [smem:$0x3FFC];
	_ =	sdelay $0x3  }
0x94: {  	_ =	strace s2  }
0x95: {  	s2 =	sld [smem:$0x3FFD];
	_ =	sdelay $0x3  }
0x96: {  	_ =	strace s2  }
0x97: {  	_ =	strace $0x8FFFFFFF  }
0x98: {  	s18 =	sld [smem:$0x3FDB];
	_ =	sdelay $0x1  }
0x99: {  	s19 =	simm.s32 $_scs_section_size  }
0x9a: {  	s4 =	simm.s32 $_size__tile_overlayer_lowered;
	s5 =	simm.s32 $_tile_overlayer_lowered  }
0x9b: {  	s22 =	simm.s32 $0x1BFF;
	s21 =	sshll.u32 s5, $0x1;
	s2 =	sadd.s32 s19, s18  }
0x9c: {  	s6 =	simm.s32 $0x0;
	s20 =	sshll.u32 s4, $0x1;
	s4 =	sadd.s32 s21, s2  }
0x9d: {  	[timem:s6], [sflag:s22] =	dma.local [hbm:s4], s20  }
0x9e: {  	_ =	swait.ge [sflag:s22], s20  }
0x9f: {  	s3 =	ssub.s32 $0x0, s20;
	[sflag:s22] =	ssyncset.done $0x0  }
0xa0: {  	[sflag:s22] =	ssyncadd.s32 s3;
	_ =	sdelay $0x1  }
0xa1: {  	s23 =	simm.s32 $0x1B8B  }
0xa2: {  	_ =	swait.ge [sflag:s23], $0x1  }
0xa3: {  	[sflag:s23] =	ssyncset.done $0x0  }
0xa4: {  	s25 =	simm.s32 $0x1B8E;
	s24 =	sld [smem:$0x3FFE];
	[sflag:s23] =	ssyncadd.s32 $0xFFFFFFFF  }
0xa5: {  	s26 =	simm.s32 $execute0_lowered;
	[smem:$0x3FD2] =	sst s25  }
0xa6: {  	s4 =	sshll.u32 s26, $0x1;
	_ =	strace $0x80000049;
	[dreg:$0x1] =	wrdreg $0xFFFFFFFF  }
0xa7: {  	s28 =	simm.s32 $_size_execute0_lowered;
	s2 =	sadd.s32 s2, s4;
	[dreg:$0x0] =	wrdreg $0x0  }
0xa8: {  	s4 =	sshll.u32 s28, $0x1;
	[dreg:$0x2] =	wrdreg s2  }
0xa9: {  	[dreg:$0x3] =	wrdreg s4  }
0xaa: {  	[dreg:$0x4] =	wrdreg $0xC0  }
0xab: {  	_ =	task [dreg:s6], $0x5FFFF  }
0xac: {  	[dreg:$0x1] =	wrdreg $0xFFFFFFFF  }
0xad: {  	[dreg:$0x0] =	wrdreg $0x60  }
0xae: {  	[dreg:$0x2] =	wrdreg s24  }
0xaf: {  	[dreg:$0x3] =	wrdreg $0xA8000  }
0xb0: {  	[dreg:$0x4] =	wrdreg $0x9  }
0xb1: {  	_ =	task.clear_ibuf [dreg:s6], $0x5FFFF;
	_ =	strace $0x90000049  }
0xb2: {  	s29 =	simm.s32 $0x9;
	_ =	strace $0x8000004B  }
0xb3: {  	_ =	swait.ge [sflag:s29], $0x1  }
0xb4: {  	[sflag:s29] =	ssyncadd.s32 $0xFFFFFFFF  }
0xb5: {  	_ =	strace $0x9000004B  }
0xb6: {  	_ =	sfence  }
0xb7: {  	s30 =	sld [smem:$0x0];
	_ =	sdelay $0x2  }
0xb8: {  	s31 =	sshll.u32 s1, $0xD;
	s1 =	sshrl.u32 s1, $0x2  }
0xb9: {  	s3 =	sand.u32 $0x4000, s31;
	s1 =	sadd.s32 s1, s30  }
0xba: {  	s0 =	sor.u32 s3, s0;
	s1 =	sshll.u32 s1, $0x11  }
0xbb: {  	s0 =	sor.u32 s1, s0  }
0xbc: {  	s0 =	sadd.s32 $0x8F2B, s0  }
0xbd: {  	[sflag:s0] =	ssyncadd.remote.s32 $0x1  }
0xbe: {  	_ =	sfence.sel $0xFFFF  }
0xbf: {  	[dreg:$0x0] =	wrdreg $0xFFFFFFFF;
	(pc) =	sbr.abs _section_cstart, $3  }
0xc0: {  	[dreg:$0x1] =	wrdreg $0xFFFFFFFF  }
0xc1: {  	_ =	task.clear_ibuf [dreg:s6], $0x2FFFF;
	_ =	strace $0x9FFFFFFF  }
0xc2: {  	(tm) =	ssettm $0x7FFFFFFF  }
0xc3: {  	_ =	shalt  }
tec
execute0_lowered:
.L_overlay_start_1:
0x0: {  	(tag) =	ssettag $0x1  }
0x1: {  	s14 =	rddreg [dreg:$0x0]  }
0x2: {  	s0 =	srdreg.scid;
	s2 =	rddreg [dreg:$0x1]  }
0x3: {  	s3 =	simm.s32 $0x0;
	s18 =	simm.s32 $0x5;
	s19 =	simm.s32 $0x80  }
0x4: {  	s20 =	simm.s32 $0x6;
	s5 =	sand.u32 $0x1, s0;
	s0 =	stileid.u32  }
0x5: {  	[smem:$0x7FF] =	sst s3;
	s4 =	sadd.s32 $0xDC00, s14;
	s11 =	sadd.s32 $0x8980, s14  }
0x6: {  	s12 =	sadd.s32 $0x8A00, s14;
	s13 =	sadd.s32 $0xD980, s14;
	s8 =	smul.u32 $0x14000, s0  }
0x7: {  	s1 =	sshll.u32 s5, $0x4;
	s9 =	smul.u32 $0x140000, s5;
	s5 =	ssub.s32 $0x2, s5  }
0x8: {  	s30 =	smul.u32 $0x50000, s0;
	s6 =	sor.u32 s0, s1;
	s1 =	rddreg [dreg:$0x2]  }
0x9: {  	_ =	strace $0x8000004A;
	s29 =	sshrl.u32 s5, $0x1;
	s7 =	smul.u32 $0x280, s6  }
0xa: {  	s28 =	sshrl.u32 s8, $0x3;
	s8 =	sadd.s32 s8, s9;
	s16 =	ssub.s32 s5, s29  }
0xb: {  	p0 =	seq.s32 s6, $0x1F;
	s5 =	simm.s32 $0xA;
	s31 =	sshrl.u32 s30, $0x2  }
0xc: {  	s6 =	sshll.u32 s0, $0x6;
	s8 =	sshrl.u32 s8, $0x3;
	s5 =	simm.s32 @!p0 $0x28  }
0xd: {  	s17 =	sadd.s32 s31, s2;
	s16 =	smax.u32 s16, $0x1;
	s10 =	sadd.s32 s7, s14  }
0xe: {  	s7 =	sadd.s32 s28, s14;
	s15 =	sadd.s32 s8, s14;
	s8 =	sor.u32 $0x1C05, s6  }
0xf: {  	s14 =	sadd.s32 $0xDA00, s14;
	s17 =	sshrl.u32 s17, $0x3;
	s7 =	sadd.s32 $0x35C00, s7  }
0x10: {  	s9 =	sadd.s32 $0x3C00, s10;
	s10 =	sadd.s32 $0x8C00, s10;
	s15 =	sadd.s32 $0x5DC00, s15  }
.LBB2_1:
0x11: {  	[spmem:s17], [sflag:s8] =	dma.local [hbm:s7], $0x2800  }
0x12: {  	s21 =	simm.s32 @p0 $0x0  }
0x13: {  	[tilespmem:s21], [sflag:$0x3] =	stream.linear.gather @p0 [hbm4b:s11+s21], $0x400, $0x38;
	[tilespmem:$0x1E800] =	vst v63  }
0x14: {  	s22 =	simm.s32 @p0 $0x400  }
0x15: {  	[tilespmem:s22], [sflag:$0x3] =	stream.linear.gather @p0 [hbm4b:s12+s21], $0x100, $0x38;
	[tilespmem:$0x1E800] =	vst v63  }
0x16: {  	s22 =	simm.s32 @p0 $0x1400  }
0x17: {  	[tilespmem:s22], [sflag:$0x4] =	stream.linear.gather @p0 [hbm4b:s13+s21], $0x400, $0x38;
	[tilespmem:$0x1E800] =	vst v63  }
0x18: {  	s22 =	simm.s32 @p0 $0x1800  }
0x19: {  	[tilespmem:s22], [sflag:$0x4] =	stream.linear.gather @p0 [hbm4b:s14+s21], $0x100, $0x38;
	[tilespmem:$0x1E800] =	vst v63  }
0x1a: {  	s22 =	simm.s32 @p0 $0x3  }
0x1b: {  	_ =	swait.ge @p0 [sflag:s22], $0x400  }
0x1c: {  	[sflag:s22] =	ssyncset.done @p0 $0x0  }
0x1d: {  	[sflag:s22] =	ssyncadd.s32 @p0 $0xFFFFFC00  }
0x1e: {  	_ =	swait.ge @p0 [sflag:s22], $0x100  }
0x1f: {  	[sflag:s22] =	ssyncset.done @p0 $0x0  }
0x20: {  	s23 =	simm.s32 @p0 $0x2800;
	[sflag:s22] =	ssyncadd.s32 @p0 $0xFFFFFF00;
	s22 =	simm.s32 @p0 $0x80  }
0x21: {  	[tilespmem:s23], [sflag:$0x1] =	stream.indirect.gather @p0 [hbm4b:s4+s22], $0x80, s21, s22, $0xb8;
	[tilespmem:$0x1E800] =	vst v63  }
0x22: {  	s21 =	simm.s32 @p0 $0x4  }
0x23: {  	_ =	swait.ge @p0 [sflag:s21], $0x400  }
0x24: {  	[sflag:s21] =	ssyncset.done @p0 $0x0  }
0x25: {  	[sflag:s21] =	ssyncadd.s32 @p0 $0xFFFFFC00  }
0x26: {  	_ =	swait.ge @p0 [sflag:s21], $0x100  }
0x27: {  	[sflag:s21] =	ssyncset.done @p0 $0x0  }
0x28: {  	[sflag:s21] =	ssyncadd.s32 @p0 $0xFFFFFF00;
	s21 =	simm.s32 @!p0 $0x0  }
0x29: {  	[tilespmem:s21], [sflag:$0x3] =	stream.linear.gather @!p0 [hbm4b:s9+s21], $0x1400, $0x38;
	[tilespmem:$0x1E800] =	vst v63  }
0x2a: {  	s22 =	simm.s32 @!p0 $0x1400  }
0x2b: {  	[tilespmem:s22], [sflag:$0x4] =	stream.linear.gather @!p0 [hbm4b:s10+s21], $0x1400, $0x38;
	[tilespmem:$0x1E800] =	vst v63  }
0x2c: {  	s22 =	simm.s32 @!p0 $0x3  }
0x2d: {  	_ =	swait.ge @!p0 [sflag:s22], $0x1400  }
0x2e: {  	[sflag:s22] =	ssyncset.done @!p0 $0x0  }
0x2f: {  	s23 =	simm.s32 @!p0 $0x2800;
	[sflag:s22] =	ssyncadd.s32 @!p0 $0xFFFFEC00;
	s22 =	simm.s32 @!p0 $0x80  }
0x30: {  	[tilespmem:s23], [sflag:$0x1] =	stream.indirect.gather @!p0 [hbm4b:s4+s22], $0x80, s21, s22, $0xb8;
	[tilespmem:$0x1E800] =	vst v63  }
0x31: {  	s21 =	simm.s32 @!p0 $0x4  }
0x32: {  	_ =	swait.ge @!p0 [sflag:s21], $0x1400  }
0x33: {  	[sflag:s21] =	ssyncset.done @!p0 $0x0  }
0x34: {  	p2 =	sne.s32 s5, $0x2;
	[sflag:s21] =	ssyncadd.s32 @!p0 $0xFFFFEC00  }
.Ltmp0:
0x35: {  	_ =	swait.ge [sflag:s18], $0x2800;
	(pc) =	sbr.rel @!p2 .LBB2_2-.Ltmp0, $4  }
0x36: {  	[sflag:s18] =	ssyncset.done $0x0  }
0x37: {  	[sflag:s18] =	ssyncadd.s32 $0xFFFFD800  }
0x38: {  	s24 =	simm.s32 $0x1;
	p1 =	por $0x0, $0x0;
	[bflag:$0x0] =	sbarrier.arrive $0xFFFF  }
0x39: {  	s25 =	sand.u32 $0x1, s24;
	s23 =	simm.s32 $0x1400;
	s21 =	simm.s32 $0x2  }
0x3a: {  	s22 =	simm.s32 $0x0  }
0x3b: {  	s24 =	sshll.u32 s25, $0xE;
	s31 =	sadd.s32 $0x1, s25;
	s22 =	sand.u32 $0x1, s22  }
0x3c: {  	p2 =	sne.s32 s5, $0x3;
	s24 =	sor.u32 $0x2800, s24;
	s26 =	sadd.s32 $0x1, s22  }
0x3d: {  	[tilespmem:s24], [sflag:s31] =	stream.indirect.gather [hbm4b:s4+s19], $0x80, s19, s19, $0xb8;
	[tilespmem:$0x1E800] =	vst v63  }
.Ltmp1:
0x3e: {  	s25 =	sand.u32 $0x1, s21;
	_ =	swait.ge [sflag:s26], $0x4000;
	(pc) =	sbr.rel @!p2 .LBB2_4-.Ltmp1, $4  }
0x3f: {  	p1 =	por $0x1, $0x1;
	s22 =	sshll.u32 s22, $0xE;
	[sflag:s26] =	ssyncset.done $0x0  }
0x40: {  	s24 =	simm.s32 $0x3;
	s22 =	sor.u32 $0x2800, s22;
	[sflag:s26] =	ssyncadd.s32 $0xFFFFC000  }
0x41: {  	[spmem:s2] =	stream.indirect.scatter.add.f32 [tilespmem:s22], [sflag:$0x6], $0x80, s23, s19, $0xb8;
	[tilespmem:$0x1E800] =	vst v63  }
0x42: {  	s23 =	simm.s32 $0x1480;
	s22 =	simm.s32 $0x100;
	_ =	swait.ge [sflag:s20], $0x4000  }
.LBB2_5:
0x43: {  	s26 =	sadd.s32 $0xFFFFFFFF, s21  }
0x44: {  	s28 =	sshll.u32 s25, $0xE;
	[sflag:s20] =	ssyncset.done $0x0;
	s21 =	smov.u32 s24  }
0x45: {  	s29 =	smov.u32 s23;
	s25 =	sadd.s32 $0x1, s25;
	s24 =	sadd.s32 $0x1, s24  }
0x46: {  	s26 =	sand.u32 $0x1, s26;
	s28 =	sor.u32 $0x2800, s28;
	p2 =	sne.s32 s5, s24  }
0x47: {  	s30 =	sshll.u32 s26, $0xE;
	s26 =	sadd.s32 $0x1, s26;
	[sflag:s20] =	ssyncadd.s32 $0xFFFFC000  }
0x48: {  	[tilespmem:s28], [sflag:s25] =	stream.indirect.gather [hbm4b:s4+s19], $0x80, s22, s19, $0xb8;
	[tilespmem:$0x1E800] =	vst v63  }
.Ltmp2:
0x49: {  	_ =	swait.ge [sflag:s26], $0x4000;
	(pc) =	sbr.rel @p2 .LBB2_5-.Ltmp2, $4  }
0x4a: {  	s25 =	sor.u32 $0x2800, s30;
	[sflag:s26] =	ssyncset.done $0x0  }
0x4b: {  	s23 =	sadd.s32 $0x80, s23;
	[sflag:s26] =	ssyncadd.s32 $0xFFFFC000  }
0x4c: {  	[spmem:s2] =	stream.indirect.scatter.add.f32 [tilespmem:s25], [sflag:$0x6], $0x80, s29, s19, $0xb8;
	[tilespmem:$0x1E800] =	vst v63  }
0x4d: {  	s22 =	sadd.s32 $0x80, s22;
	s25 =	sand.u32 $0x1, s21;
	_ =	swait.ge [sflag:s20], $0x4000  }
0x4e: {  	s24 =	smov.u32 s21  }
.LBB2_7:
0x4f: {  	s21 =	sadd.s32 $0xFFFFFFFF, s24;
	s28 =	sshll.u32 s25, $0xE  }
0x50: {  	[sflag:s20] =	ssyncset.done @p1 $0x0;
	s29 =	sadd.s32 $0x1, s25;
	s21 =	sand.u32 $0x1, s21  }
0x51: {  	s24 =	sor.u32 $0x2800, s28;
	[sflag:s20] =	ssyncadd.s32 @p1 $0xFFFFC000;
	s26 =	sadd.s32 $0x1, s21  }
0x52: {  	[tilespmem:s24], [sflag:s29] =	stream.indirect.gather [hbm4b:s4+s19], $0x80, s22, s19, $0xb8;
	[tilespmem:$0x1E800] =	vst v63  }
0x53: {  	_ =	swait.ge [sflag:s26], $0x4000  }
0x54: {  	s21 =	sshll.u32 s21, $0xE;
	[sflag:s26] =	ssyncset.done $0x0  }
0x55: {  	s21 =	sor.u32 $0x2800, s21;
	[sflag:s26] =	ssyncadd.s32 $0xFFFFC000  }
0x56: {  	[spmem:s2] =	stream.indirect.scatter.add.f32 [tilespmem:s21], [sflag:$0x6], $0x80, s23, s19, $0xb8;
	[tilespmem:$0x1E800] =	vst v63  }
0x57: {  	_ =	swait.ge [sflag:s20], $0x4000  }
0x58: {  	[sflag:s20] =	ssyncset.done $0x0  }
0x59: {  	[sflag:s20] =	ssyncadd.s32 $0xFFFFC000  }
0x5a: {  	_ =	swait.ge [sflag:s29], $0x4000  }
0x5b: {  	[sflag:s29] =	ssyncset.done $0x0  }
0x5c: {  	s30 =	sadd.s32 $0x80, s23;
	[sflag:s29] =	ssyncadd.s32 $0xFFFFC000  }
0x5d: {  	[spmem:s2] =	stream.indirect.scatter.add.f32 [tilespmem:s24], [sflag:$0x6], $0x80, s30, s19, $0xb8;
	[tilespmem:$0x1E800] =	vst v63  }
0x5e: {  	_ =	swait.ge [sflag:s20], $0x4000  }
0x5f: {  	[sflag:s20] =	ssyncset.done $0x0  }
0x60: {  	s3 =	sadd.s32 $0x1, s3;
	[sflag:s20] =	ssyncadd.s32 $0xFFFFC000  }
0x61: {  	s31 =	sor.u32 $0x1C06, s6;
	p1 =	sne.s32 s3, s16;
	[bflag:$0x0] =	sbarrier.arrive $0xFFFF  }
0x62: {  	[hbm:s15], [sflag:s31] =	dma.local [spmem:s17], $0x2800  }
.Ltmp3:
0x63: {  	_ = 	snop;
	(pc) =	sbr.rel @p1 .LBB2_1-.Ltmp3, $4  }
.Ltmp4:
0x64: {  	_ = 	snop;
	(pc) =	sbr.rel @!p1 .LBB2_8-.Ltmp4, $4  }
0x65: {  	_ =	swait.ge [sflag:s20], $0x2800  }
0x66: {  	[sflag:s20] =	ssyncset.done $0x0  }
0x67: {  	[sflag:s20] =	ssyncadd.s32 $0xFFFFD800  }
0x68: {  	_ = 	snop  }
.LBB2_2:
.Ltmp5:
0x69: {  	(pc) =	sbr.rel .LBB2_7-.Ltmp5, $2  }
0x6a: {  	_ =	sdelay $0x2  }
0x6b: {  	s22 =	simm.s32 $0x80  }
.LBB2_4:
.Ltmp6:
0x6c: {  	(pc) =	sbr.rel .LBB2_7-.Ltmp6, $2  }
0x6d: {  	_ =	sdelay $0x2  }
0x6e: {  	s24 =	simm.s32 $0x2;
	s23 =	simm.s32 $0x1480  }
.LBB2_8:
0x6f: {  	_ =	sfence.sel $0x180000  }
0x70: {  	[bflag:$0x0] =	sbarrier.arrive $0xFFFF  }
0x71: {  	p0 =	sne.s32 s0, $0x0;
	_ =	strace $0x9000004A  }
0x72: {  	s0 =	sadd.s32 @!p0 $0x100000, s1;
	[bflag:$0x2] =	sbarrier.arrive $0xFFFF  }
0x73: {  	[sflag:s0] =	ssyncadd.tile.s32 @!p0 $0x1;
	_ =	shalt  }
.Lfunc_end2:
_tile_overlayer_lowered:
.L_overlay_start_2:
0x74: {  	(tag) =	ssettag $0x2  }
0x75: {  	s0 =	rddreg [dreg:$0x0];
	s2 =	stileid.u32  }
0x76: {  	s1 =	rddreg [dreg:$0x1];
	p0 =	sne.s32 s2, $0x0  }
0x77: {  	s3 =	rddreg [dreg:$0x2];
	[bflag:$0x3] =	sbarrier.arrive $0xFFFF;
	s2 =	simm.s32 @!p0 $0x1C06  }
0x78: {  	[timem:s3], [sflag:s2] =	dma.local @!p0 [hbm:s0], s1  }
0x79: {  	s0 =	simm.s32 @!p0 $0x6  }
0x7a: {  	_ =	swait.ge @!p0 [sflag:s0], s1  }
0x7b: {  	s1 =	ssub.s32 @!p0 $0x0, s1;
	[sflag:s0] =	ssyncset.done @!p0 $0x0  }
0x7c: {  	[sflag:s0] =	ssyncadd.s32 @!p0 s1  }
0x7d: {  	[bflag:$0x3] =	sbarrier.arrive $0xFFFF  }
0x7e: {  	_ =	shalt  }

// kernel: kernel.21.cloned.1.call-start
scs
__scs_entry_jumppad:
0x0: {  	(pc) =	sbr.rel $0x88, $3  }
0x1: {  	(tag) =	ssettag $0x0;
	lr =	simm.s32 $0x1  }
0x2: {  	[smem:$0x3F95] =	sst lr;
	_ =	strace $0xD0000000  }
0x3: {  	_ = 	snop  }
0x4: {  	_ = 	snop  }
0x5: {  	_ = 	snop  }
0x6: {  	_ = 	snop  }
0x7: {  	_ = 	snop  }
__scs_overlays_trampoline_lowered:
0x8: {  	[smem:$0x3FA4] =	sst s0  }
0x9: {  	[smem:$0x3FA5] =	sst s1  }
0xa: {  	[smem:$0x3FA6] =	sst s2  }
0xb: {  	[smem:$0x3FA7] =	sst s3  }
0xc: {  	[smem:$0x3FA8] =	sst s4  }
0xd: {  	[smem:$0x3FA9] =	sst s5  }
0xe: {  	[smem:$0x3FAA] =	sst s6  }
0xf: {  	[smem:$0x3FAB] =	sst s7  }
0x10: {  	[smem:$0x3FAC] =	sst s8  }
0x11: {  	[smem:$0x3FAD] =	sst s9;
	s0 =	simm.s32 @!p0 $0x0  }
0x12: {  	s1 =	sld [smem:$0x3F93];
	s0 =	simm.s32 @p0 $0x1  }
0x13: {  	[smem:$0x3FAE] =	sst s0;
	s0 =	simm.s32 @!p1 $0x0  }
0x14: {  	s2 =	sld [smem:$0x3F92];
	s0 =	simm.s32 @p1 $0x1  }
0x15: {  	[smem:$0x3FAF] =	sst s0;
	s0 =	simm.s32 @!p2 $0x0  }
0x16: {  	s3 =	sld [smem:$0x3FDB];
	s0 =	simm.s32 @p2 $0x1  }
0x17: {  	s4 =	simm.s32 $0x1BF5;
	[smem:$0x3FB1] =	sst s0  }
0x18: {  	s0 =	sld [smem:$0x3F94];
	_ =	swait.ge [sflag:s4], $0x0  }
0x19: {  	s7 =	sld [smem:$0x3F95]  }
0x1a: {  	s8 =	sadd.s32 $0xFFFFE003, lr  }
0x1b: {  	s9 =	sadd.s32 $0xFFFFFEF7, lr;
	s5 =	simm.s32 $0xFFFFFFFF;
	p2 =	slt.u32 s8, $0xFFFFF086  }
0x1c: {  	p1 =	slt.u32 s9, $0xF7A;
	s5 =	simm.s32 @!p2 $0x0  }
0x1d: {  	s5 =	simm.s32 @p1 $0x1;
	p0 =	seq.s32 s7, s2  }
0x1e: {  	s7 =	smul.u32 @!p0 $0xF7A, s2;
	p2 =	seq.s32 @!p0 s5, $0x0  }
0x1f: {  	s9 =	smul.u32 $0xF7A, s1;
	s8 =	simm.s32 @!p0 $0x1BF5;
	p2 =	por !p2, p0  }
0x20: {  	[sflag:s8] =	ssyncset.s32 @!p0 $0xFFFFF086;
	s6 =	sadd.s32 @!p0 s3, s7;
	s7 =	simm.s32 @!p0 $0x108  }
0x21: {  	s3 =	sadd.s32 s3, s9;
	s6 =	sadd.s32 @!p0 $0x88, s6;
	s7 =	simm.s32 @p2 $0x1082  }
0x22: {  	[simem:s7], [sflag:s8] =	dma.local @!p0 [hbm:s6], $0xF7A  }
0x23: {  	s9 =	sor.u32 $0xD0000000, s2;
	s6 =	simm.s32 $0x108;
	_ =	swait.ge @!p0 [sflag:s8], $0x0  }
0x24: {  	s3 =	sadd.s32 $0x88, s3;
	s6 =	simm.s32 @!p1 $0x1082;
	[sflag:s4] =	ssyncset.s32 $0xFFFFF086  }
0x25: {  	[simem:s6], [sflag:s4] =	dma.local [hbm:s3], $0xF7A  }
0x26: {  	[smem:$0x3F95] =	sst s1;
	(tag) =	ssettag s2;
	_ =	strace s9  }
0x27: {  	s1 =	sld [smem:$0x3FA5]  }
0x28: {  	s2 =	sld [smem:$0x3FA6]  }
0x29: {  	s4 =	sld [smem:$0x3FA8]  }
0x2a: {  	p0 =	seq.s32 s5, $0x0;
	s5 =	sld [smem:$0x3FA9]  }
0x2b: {  	s6 =	sld [smem:$0x3FAA]  }
0x2c: {  	s7 =	sld [smem:$0x3FAB]  }
0x2d: {  	s3 =	simm.s32 $0x108;
	s8 =	sld [smem:$0x3FAC]  }
0x2e: {  	s3 =	simm.s32 @!p0 $0x1082;
	s9 =	sld [smem:$0x3FAD]  }
0x2f: {  	lr =	sadd.s32 s0, s3;
	s0 =	sld [smem:$0x3FA4]  }
0x30: {  	s3 =	sld [smem:$0x3FA7]  }
0x31: {  	[smem:$0x3FB0] =	sst s10  }
0x32: {  	s10 =	sld [smem:$0x3FAE];
	_ =	sdelay $0x3  }
0x33: {  	p0 =	seq.s32 s10, $0x1;
	s10 =	sld [smem:$0x3FB0];
	_ =	sdelay $0x3  }
0x34: {  	[smem:$0x3FB0] =	sst s10  }
0x35: {  	s10 =	sld [smem:$0x3FAF];
	_ =	sdelay $0x3  }
0x36: {  	p1 =	seq.s32 s10, $0x1;
	s10 =	sld [smem:$0x3FB0];
	_ =	sdelay $0x3  }
0x37: {  	[smem:$0x3FB0] =	sst s10  }
0x38: {  	s10 =	sld [smem:$0x3FB1]  }
0x39: {  	_ = 	snop;
	(pc) =	sbr.ind lr, $3  }
0x3a: {  	_ = 	snop  }
0x3b: {  	_ = 	snop  }
0x3c: {  	p2 =	seq.s32 s10, $0x1;
	s10 =	sld [smem:$0x3FB0]  }
0x3d: {  	_ =	shalt  }
0x3e: {  	_ =	shalt  }
0x3f: {  	_ =	shalt  }
0x40: {  	_ =	shalt  }
0x41: {  	_ =	shalt  }
0x42: {  	_ =	shalt  }
0x43: {  	_ =	shalt  }
0x44: {  	_ =	shalt  }
0x45: {  	_ =	shalt  }
0x46: {  	_ =	shalt  }
0x47: {  	_ =	shalt  }
0x48: {  	_ =	shalt  }
0x49: {  	_ =	shalt  }
0x4a: {  	_ =	shalt  }
0x4b: {  	_ =	shalt  }
0x4c: {  	_ =	shalt  }
0x4d: {  	_ =	shalt  }
0x4e: {  	_ =	shalt  }
0x4f: {  	_ =	shalt  }
0x50: {  	_ =	shalt  }
0x51: {  	_ =	shalt  }
0x52: {  	_ =	shalt  }
0x53: {  	_ =	shalt  }
0x54: {  	_ =	shalt  }
0x55: {  	_ =	shalt  }
0x56: {  	_ =	shalt  }
0x57: {  	_ =	shalt  }
0x58: {  	_ =	shalt  }
0x59: {  	_ =	shalt  }
0x5a: {  	_ =	shalt  }
0x5b: {  	_ =	shalt  }
0x5c: {  	_ =	shalt  }
0x5d: {  	_ =	shalt  }
0x5e: {  	_ =	shalt  }
0x5f: {  	_ =	shalt  }
0x60: {  	_ =	shalt  }
0x61: {  	_ =	shalt  }
0x62: {  	_ =	shalt  }
0x63: {  	_ =	shalt  }
0x64: {  	_ =	shalt  }
0x65: {  	_ =	shalt  }
0x66: {  	_ =	shalt  }
0x67: {  	_ =	shalt  }
0x68: {  	_ =	shalt  }
0x69: {  	_ =	shalt  }
0x6a: {  	_ =	shalt  }
0x6b: {  	_ =	shalt  }
0x6c: {  	_ =	shalt  }
0x6d: {  	_ =	shalt  }
0x6e: {  	_ =	shalt  }
0x6f: {  	_ =	shalt  }
0x70: {  	_ =	shalt  }
0x71: {  	_ =	shalt  }
0x72: {  	_ =	shalt  }
0x73: {  	_ =	shalt  }
0x74: {  	_ =	shalt  }
0x75: {  	_ =	shalt  }
0x76: {  	_ =	shalt  }
0x77: {  	_ =	shalt  }
0x78: {  	_ =	shalt  }
0x79: {  	_ =	shalt  }
0x7a: {  	_ =	shalt  }
0x7b: {  	_ =	shalt  }
0x7c: {  	_ =	shalt  }
0x7d: {  	_ =	shalt  }
0x7e: {  	_ =	shalt  }
0x7f: {  	_ =	shalt  }
0x80: {  	_ =	shalt  }
0x81: {  	_ =	shalt  }
0x82: {  	_ =	shalt  }
0x83: {  	_ =	shalt  }
0x84: {  	_ =	shalt  }
0x85: {  	_ =	shalt  }
0x86: {  	_ =	shalt  }
0x87: {  	_ =	shalt  }
.Lfunc_end0:
.L_simem_size_0:
called_computation.2_lowered:
.L_overlay_start_0:
0x88: {  	s2 =	sld [smem:$0x3FD9]  }
0x89: {  	s3 =	sld [smem:$0x3FFE];
	_ =	sdelay $0x1  }
0x8a: {  	s1 =	srdreg.scid  }
0x8b: {  	s0 =	sand.u32 $0x1, s1  }
0x8c: {  	s16 =	sshll.u32 s0, $0xA;
	s2 =	sadd.s32 s3, s2  }
0x8d: {  	s2 =	sadd.s32 s2, s16  }
0x8e: {  	[smem:$0x3FBC] =	sst s2  }
0x8f: {  	_ = 	snop  }
0x90: {  	(tm) =	ssettm $0x1  }
0x91: {  	s17 =	sld [smem:$0x3FFB];
	_ =	sdelay $0x3  }
0x92: {  	_ =	strace s17  }
0x93: {  	s2 =	sld [smem:$0x3FFC];
	_ =	sdelay $0x3  }
0x94: {  	_ =	strace s2  }
0x95: {  	s2 =	sld [smem:$0x3FFD];
	_ =	sdelay $0x3  }
0x96: {  	_ =	strace s2  }
0x97: {  	_ =	strace $0x8FFFFFFF  }
0x98: {  	s18 =	sld [smem:$0x3FDB];
	_ =	sdelay $0x1  }
0x99: {  	s19 =	simm.s32 $_scs_section_size  }
0x9a: {  	s4 =	simm.s32 $_size__tile_overlayer_lowered;
	s5 =	simm.s32 $_tile_overlayer_lowered  }
0x9b: {  	s22 =	simm.s32 $0x1BFF;
	s21 =	sshll.u32 s5, $0x1;
	s2 =	sadd.s32 s19, s18  }
0x9c: {  	s6 =	simm.s32 $0x0;
	s20 =	sshll.u32 s4, $0x1;
	s4 =	sadd.s32 s21, s2  }
0x9d: {  	[timem:s6], [sflag:s22] =	dma.local [hbm:s4], s20  }
0x9e: {  	_ =	swait.ge [sflag:s22], s20  }
0x9f: {  	s3 =	ssub.s32 $0x0, s20;
	[sflag:s22] =	ssyncset.done $0x0  }
0xa0: {  	[sflag:s22] =	ssyncadd.s32 s3;
	_ =	sdelay $0x1  }
0xa1: {  	s23 =	simm.s32 $0x1B8B  }
0xa2: {  	_ =	swait.ge [sflag:s23], $0x1  }
0xa3: {  	[sflag:s23] =	ssyncset.done $0x0  }
0xa4: {  	s25 =	simm.s32 $0x1B8E;
	s24 =	sld [smem:$0x3FFE];
	[sflag:s23] =	ssyncadd.s32 $0xFFFFFFFF  }
0xa5: {  	s26 =	simm.s32 $execute0_lowered;
	[smem:$0x3FD2] =	sst s25  }
0xa6: {  	s4 =	sshll.u32 s26, $0x1;
	_ =	strace $0x8000004C;
	[dreg:$0x1] =	wrdreg $0xFFFFFFFF  }
0xa7: {  	s28 =	simm.s32 $_size_execute0_lowered;
	s2 =	sadd.s32 s2, s4;
	[dreg:$0x0] =	wrdreg $0x0  }
0xa8: {  	s4 =	sshll.u32 s28, $0x1;
	[dreg:$0x2] =	wrdreg s2  }
0xa9: {  	[dreg:$0x3] =	wrdreg s4  }
0xaa: {  	[dreg:$0x4] =	wrdreg $0xC0  }
0xab: {  	_ =	task [dreg:s6], $0x5FFFF  }
0xac: {  	[dreg:$0x1] =	wrdreg $0xFFFFFFFF  }
0xad: {  	[dreg:$0x0] =	wrdreg $0x60  }
0xae: {  	[dreg:$0x2] =	wrdreg s24  }
0xaf: {  	[dreg:$0x3] =	wrdreg $0xA8000  }
0xb0: {  	[dreg:$0x4] =	wrdreg $0x9  }
0xb1: {  	_ =	task.clear_ibuf [dreg:s6], $0x5FFFF;
	_ =	strace $0x9000004C  }
0xb2: {  	s29 =	simm.s32 $0x9;
	_ =	strace $0x8000004E  }
0xb3: {  	_ =	swait.ge [sflag:s29], $0x1  }
0xb4: {  	[sflag:s29] =	ssyncadd.s32 $0xFFFFFFFF  }
0xb5: {  	_ =	strace $0x9000004E  }
0xb6: {  	_ =	sfence  }
0xb7: {  	s30 =	sld [smem:$0x0];
	_ =	sdelay $0x2  }
0xb8: {  	s31 =	sshll.u32 s1, $0xD;
	s1 =	sshrl.u32 s1, $0x2  }
0xb9: {  	s3 =	sand.u32 $0x4000, s31;
	s1 =	sadd.s32 s1, s30  }
0xba: {  	s0 =	sor.u32 s3, s0;
	s1 =	sshll.u32 s1, $0x11  }
0xbb: {  	s0 =	sor.u32 s1, s0  }
0xbc: {  	s0 =	sadd.s32 $0x8F2B, s0  }
0xbd: {  	[sflag:s0] =	ssyncadd.remote.s32 $0x1  }
0xbe: {  	_ =	sfence.sel $0xFFFF  }
0xbf: {  	[dreg:$0x0] =	wrdreg $0xFFFFFFFF;
	(pc) =	sbr.abs _section_cstart, $3  }
0xc0: {  	[dreg:$0x1] =	wrdreg $0xFFFFFFFF  }
0xc1: {  	_ =	task.clear_ibuf [dreg:s6], $0x2FFFF;
	_ =	strace $0x9FFFFFFF  }
0xc2: {  	(tm) =	ssettm $0x7FFFFFFF  }
0xc3: {  	_ =	shalt  }
tec
execute0_lowered:
.L_overlay_start_1:
0x0: {  	(tag) =	ssettag $0x1  }
0x1: {  	s14 =	rddreg [dreg:$0x0]  }
0x2: {  	s0 =	srdreg.scid;
	s2 =	rddreg [dreg:$0x1]  }
0x3: {  	s3 =	simm.s32 $0x0;
	s18 =	simm.s32 $0x5;
	s19 =	simm.s32 $0x80  }
0x4: {  	s20 =	simm.s32 $0x6;
	s5 =	sand.u32 $0x1, s0;
	s0 =	stileid.u32  }
0x5: {  	[smem:$0x7FF] =	sst s3;
	s4 =	sadd.s32 $0xDC00, s14;
	s11 =	sadd.s32 $0x8980, s14  }
0x6: {  	s12 =	sadd.s32 $0x8A00, s14;
	s13 =	sadd.s32 $0xD980, s14;
	s8 =	smul.u32 $0x14000, s0  }
0x7: {  	s1 =	sshll.u32 s5, $0x4;
	s9 =	smul.u32 $0x140000, s5;
	s5 =	ssub.s32 $0x2, s5  }
0x8: {  	s30 =	smul.u32 $0x50000, s0;
	s6 =	sor.u32 s0, s1;
	s1 =	rddreg [dreg:$0x2]  }
0x9: {  	_ =	strace $0x8000004D;
	s29 =	sshrl.u32 s5, $0x1;
	s7 =	smul.u32 $0x280, s6  }
0xa: {  	s28 =	sshrl.u32 s8, $0x3;
	s8 =	sadd.s32 s8, s9;
	s16 =	ssub.s32 s5, s29  }
0xb: {  	p0 =	seq.s32 s6, $0x1F;
	s5 =	simm.s32 $0xA;
	s31 =	sshrl.u32 s30, $0x2  }
0xc: {  	s6 =	sshll.u32 s0, $0x6;
	s8 =	sshrl.u32 s8, $0x3;
	s5 =	simm.s32 @!p0 $0x28  }
0xd: {  	s17 =	sadd.s32 s31, s2;
	s16 =	smax.u32 s16, $0x1;
	s10 =	sadd.s32 s7, s14  }
0xe: {  	s7 =	sadd.s32 s28, s14;
	s15 =	sadd.s32 s8, s14;
	s8 =	sor.u32 $0x1C05, s6  }
0xf: {  	s14 =	sadd.s32 $0xDA00, s14;
	s17 =	sshrl.u32 s17, $0x3;
	s7 =	sadd.s32 $0x35C00, s7  }
0x10: {  	s9 =	sadd.s32 $0x3C00, s10;
	s10 =	sadd.s32 $0x8C00, s10;
	s15 =	sadd.s32 $0x5DC00, s15  }
.LBB2_1:
0x11: {  	[spmem:s17], [sflag:s8] =	dma.local [hbm:s7], $0x2800  }
0x12: {  	s21 =	simm.s32 @p0 $0x0  }
0x13: {  	[tilespmem:s21], [sflag:$0x3] =	stream.linear.gather @p0 [hbm4b:s11+s21], $0x400, $0x38;
	[tilespmem:$0x1E800] =	vst v63  }
0x14: {  	s22 =	simm.s32 @p0 $0x400  }
0x15: {  	[tilespmem:s22], [sflag:$0x3] =	stream.linear.gather @p0 [hbm4b:s12+s21], $0x100, $0x38;
	[tilespmem:$0x1E800] =	vst v63  }
0x16: {  	s22 =	simm.s32 @p0 $0x1400  }
0x17: {  	[tilespmem:s22], [sflag:$0x4] =	stream.linear.gather @p0 [hbm4b:s13+s21], $0x400, $0x38;
	[tilespmem:$0x1E800] =	vst v63  }
0x18: {  	s22 =	simm.s32 @p0 $0x1800  }
0x19: {  	[tilespmem:s22], [sflag:$0x4] =	stream.linear.gather @p0 [hbm4b:s14+s21], $0x100, $0x38;
	[tilespmem:$0x1E800] =	vst v63  }
0x1a: {  	s22 =	simm.s32 @p0 $0x3  }
0x1b: {  	_ =	swait.ge @p0 [sflag:s22], $0x400  }
0x1c: {  	[sflag:s22] =	ssyncset.done @p0 $0x0  }
0x1d: {  	[sflag:s22] =	ssyncadd.s32 @p0 $0xFFFFFC00  }
0x1e: {  	_ =	swait.ge @p0 [sflag:s22], $0x100  }
0x1f: {  	[sflag:s22] =	ssyncset.done @p0 $0x0  }
0x20: {  	s23 =	simm.s32 @p0 $0x2800;
	[sflag:s22] =	ssyncadd.s32 @p0 $0xFFFFFF00;
	s22 =	simm.s32 @p0 $0x80  }
0x21: {  	[tilespmem:s23], [sflag:$0x1] =	stream.indirect.gather @p0 [hbm4b:s4+s22], $0x80, s21, s22, $0xb8;
	[tilespmem:$0x1E800] =	vst v63  }
0x22: {  	s21 =	simm.s32 @p0 $0x4  }
0x23: {  	_ =	swait.ge @p0 [sflag:s21], $0x400  }
0x24: {  	[sflag:s21] =	ssyncset.done @p0 $0x0  }
0x25: {  	[sflag:s21] =	ssyncadd.s32 @p0 $0xFFFFFC00  }
0x26: {  	_ =	swait.ge @p0 [sflag:s21], $0x100  }
0x27: {  	[sflag:s21] =	ssyncset.done @p0 $0x0  }
0x28: {  	[sflag:s21] =	ssyncadd.s32 @p0 $0xFFFFFF00;
	s21 =	simm.s32 @!p0 $0x0  }
0x29: {  	[tilespmem:s21], [sflag:$0x3] =	stream.linear.gather @!p0 [hbm4b:s9+s21], $0x1400, $0x38;
	[tilespmem:$0x1E800] =	vst v63  }
0x2a: {  	s22 =	simm.s32 @!p0 $0x1400  }
0x2b: {  	[tilespmem:s22], [sflag:$0x4] =	stream.linear.gather @!p0 [hbm4b:s10+s21], $0x1400, $0x38;
	[tilespmem:$0x1E800] =	vst v63  }
0x2c: {  	s22 =	simm.s32 @!p0 $0x3  }
0x2d: {  	_ =	swait.ge @!p0 [sflag:s22], $0x1400  }
0x2e: {  	[sflag:s22] =	ssyncset.done @!p0 $0x0  }
0x2f: {  	s23 =	simm.s32 @!p0 $0x2800;
	[sflag:s22] =	ssyncadd.s32 @!p0 $0xFFFFEC00;
	s22 =	simm.s32 @!p0 $0x80  }
0x30: {  	[tilespmem:s23], [sflag:$0x1] =	stream.indirect.gather @!p0 [hbm4b:s4+s22], $0x80, s21, s22, $0xb8;
	[tilespmem:$0x1E800] =	vst v63  }
0x31: {  	s21 =	simm.s32 @!p0 $0x4  }
0x32: {  	_ =	swait.ge @!p0 [sflag:s21], $0x1400  }
0x33: {  	[sflag:s21] =	ssyncset.done @!p0 $0x0  }
0x34: {  	p2 =	sne.s32 s5, $0x2;
	[sflag:s21] =	ssyncadd.s32 @!p0 $0xFFFFEC00  }
.Ltmp0:
0x35: {  	_ =	swait.ge [sflag:s18], $0x2800;
	(pc) =	sbr.rel @!p2 .LBB2_2-.Ltmp0, $4  }
0x36: {  	[sflag:s18] =	ssyncset.done $0x0  }
0x37: {  	[sflag:s18] =	ssyncadd.s32 $0xFFFFD800  }
0x38: {  	s24 =	simm.s32 $0x1;
	p1 =	por $0x0, $0x0;
	[bflag:$0x0] =	sbarrier.arrive $0xFFFF  }
0x39: {  	s25 =	sand.u32 $0x1, s24;
	s23 =	simm.s32 $0x1400;
	s21 =	simm.s32 $0x2  }
0x3a: {  	s22 =	simm.s32 $0x0  }
0x3b: {  	s24 =	sshll.u32 s25, $0xE;
	s31 =	sadd.s32 $0x1, s25;
	s22 =	sand.u32 $0x1, s22  }
0x3c: {  	p2 =	sne.s32 s5, $0x3;
	s24 =	sor.u32 $0x2800, s24;
	s26 =	sadd.s32 $0x1, s22  }
0x3d: {  	[tilespmem:s24], [sflag:s31] =	stream.indirect.gather [hbm4b:s4+s19], $0x80, s19, s19, $0xb8;
	[tilespmem:$0x1E800] =	vst v63  }
.Ltmp1:
0x3e: {  	s25 =	sand.u32 $0x1, s21;
	_ =	swait.ge [sflag:s26], $0x4000;
	(pc) =	sbr.rel @!p2 .LBB2_4-.Ltmp1, $4  }
0x3f: {  	p1 =	por $0x1, $0x1;
	s22 =	sshll.u32 s22, $0xE;
	[sflag:s26] =	ssyncset.done $0x0  }
0x40: {  	s24 =	simm.s32 $0x3;
	s22 =	sor.u32 $0x2800, s22;
	[sflag:s26] =	ssyncadd.s32 $0xFFFFC000  }
0x41: {  	[spmem:s2] =	stream.indirect.scatter.add.f32 [tilespmem:s22], [sflag:$0x6], $0x80, s23, s19, $0xb8;
	[tilespmem:$0x1E800] =	vst v63  }
0x42: {  	s23 =	simm.s32 $0x1480;
	s22 =	simm.s32 $0x100;
	_ =	swait.ge [sflag:s20], $0x4000  }
.LBB2_5:
0x43: {  	s26 =	sadd.s32 $0xFFFFFFFF, s21  }
0x44: {  	s28 =	sshll.u32 s25, $0xE;
	[sflag:s20] =	ssyncset.done $0x0;
	s21 =	smov.u32 s24  }
0x45: {  	s29 =	smov.u32 s23;
	s25 =	sadd.s32 $0x1, s25;
	s24 =	sadd.s32 $0x1, s24  }
0x46: {  	s26 =	sand.u32 $0x1, s26;
	s28 =	sor.u32 $0x2800, s28;
	p2 =	sne.s32 s5, s24  }
0x47: {  	s30 =	sshll.u32 s26, $0xE;
	s26 =	sadd.s32 $0x1, s26;
	[sflag:s20] =	ssyncadd.s32 $0xFFFFC000  }
0x48: {  	[tilespmem:s28], [sflag:s25] =	stream.indirect.gather [hbm4b:s4+s19], $0x80, s22, s19, $0xb8;
	[tilespmem:$0x1E800] =	vst v63  }
.Ltmp2:
0x49: {  	_ =	swait.ge [sflag:s26], $0x4000;
	(pc) =	sbr.rel @p2 .LBB2_5-.Ltmp2, $4  }
0x4a: {  	s25 =	sor.u32 $0x2800, s30;
	[sflag:s26] =	ssyncset.done $0x0  }
0x4b: {  	s23 =	sadd.s32 $0x80, s23;
	[sflag:s26] =	ssyncadd.s32 $0xFFFFC000  }
0x4c: {  	[spmem:s2] =	stream.indirect.scatter.add.f32 [tilespmem:s25], [sflag:$0x6], $0x80, s29, s19, $0xb8;
	[tilespmem:$0x1E800] =	vst v63  }
0x4d: {  	s22 =	sadd.s32 $0x80, s22;
	s25 =	sand.u32 $0x1, s21;
	_ =	swait.ge [sflag:s20], $0x4000  }
0x4e: {  	s24 =	smov.u32 s21  }
.LBB2_7:
0x4f: {  	s21 =	sadd.s32 $0xFFFFFFFF, s24;
	s28 =	sshll.u32 s25, $0xE  }
0x50: {  	[sflag:s20] =	ssyncset.done @p1 $0x0;
	s29 =	sadd.s32 $0x1, s25;
	s21 =	sand.u32 $0x1, s21  }
0x51: {  	s24 =	sor.u32 $0x2800, s28;
	[sflag:s20] =	ssyncadd.s32 @p1 $0xFFFFC000;
	s26 =	sadd.s32 $0x1, s21  }
0x52: {  	[tilespmem:s24], [sflag:s29] =	stream.indirect.gather [hbm4b:s4+s19], $0x80, s22, s19, $0xb8;
	[tilespmem:$0x1E800] =	vst v63  }
0x53: {  	_ =	swait.ge [sflag:s26], $0x4000  }
0x54: {  	s21 =	sshll.u32 s21, $0xE;
	[sflag:s26] =	ssyncset.done $0x0  }
0x55: {  	s21 =	sor.u32 $0x2800, s21;
	[sflag:s26] =	ssyncadd.s32 $0xFFFFC000  }
0x56: {  	[spmem:s2] =	stream.indirect.scatter.add.f32 [tilespmem:s21], [sflag:$0x6], $0x80, s23, s19, $0xb8;
	[tilespmem:$0x1E800] =	vst v63  }
0x57: {  	_ =	swait.ge [sflag:s20], $0x4000  }
0x58: {  	[sflag:s20] =	ssyncset.done $0x0  }
0x59: {  	[sflag:s20] =	ssyncadd.s32 $0xFFFFC000  }
0x5a: {  	_ =	swait.ge [sflag:s29], $0x4000  }
0x5b: {  	[sflag:s29] =	ssyncset.done $0x0  }
0x5c: {  	s30 =	sadd.s32 $0x80, s23;
	[sflag:s29] =	ssyncadd.s32 $0xFFFFC000  }
0x5d: {  	[spmem:s2] =	stream.indirect.scatter.add.f32 [tilespmem:s24], [sflag:$0x6], $0x80, s30, s19, $0xb8;
	[tilespmem:$0x1E800] =	vst v63  }
0x5e: {  	_ =	swait.ge [sflag:s20], $0x4000  }
0x5f: {  	[sflag:s20] =	ssyncset.done $0x0  }
0x60: {  	s3 =	sadd.s32 $0x1, s3;
	[sflag:s20] =	ssyncadd.s32 $0xFFFFC000  }
0x61: {  	s31 =	sor.u32 $0x1C06, s6;
	p1 =	sne.s32 s3, s16;
	[bflag:$0x0] =	sbarrier.arrive $0xFFFF  }
0x62: {  	[hbm:s15], [sflag:s31] =	dma.local [spmem:s17], $0x2800  }
.Ltmp3:
0x63: {  	_ = 	snop;
	(pc) =	sbr.rel @p1 .LBB2_1-.Ltmp3, $4  }
.Ltmp4:
0x64: {  	_ = 	snop;
	(pc) =	sbr.rel @!p1 .LBB2_8-.Ltmp4, $4  }
0x65: {  	_ =	swait.ge [sflag:s20], $0x2800  }
0x66: {  	[sflag:s20] =	ssyncset.done $0x0  }
0x67: {  	[sflag:s20] =	ssyncadd.s32 $0xFFFFD800  }
0x68: {  	_ = 	snop  }
.LBB2_2:
.Ltmp5:
0x69: {  	(pc) =	sbr.rel .LBB2_7-.Ltmp5, $2  }
0x6a: {  	_ =	sdelay $0x2  }
0x6b: {  	s22 =	simm.s32 $0x80  }
.LBB2_4:
.Ltmp6:
0x6c: {  	(pc) =	sbr.rel .LBB2_7-.Ltmp6, $2  }
0x6d: {  	_ =	sdelay $0x2  }
0x6e: {  	s24 =	simm.s32 $0x2;
	s23 =	simm.s32 $0x1480  }
.LBB2_8:
0x6f: {  	_ =	sfence.sel $0x180000  }
0x70: {  	[bflag:$0x0] =	sbarrier.arrive $0xFFFF  }
0x71: {  	p0 =	sne.s32 s0, $0x0;
	_ =	strace $0x9000004D  }
0x72: {  	s0 =	sadd.s32 @!p0 $0x100000, s1;
	[bflag:$0x2] =	sbarrier.arrive $0xFFFF  }
0x73: {  	[sflag:s0] =	ssyncadd.tile.s32 @!p0 $0x1;
	_ =	shalt  }
.Lfunc_end2:
_tile_overlayer_lowered:
.L_overlay_start_2:
0x74: {  	(tag) =	ssettag $0x2  }
0x75: {  	s0 =	rddreg [dreg:$0x0];
	s2 =	stileid.u32  }
0x76: {  	s1 =	rddreg [dreg:$0x1];
	p0 =	sne.s32 s2, $0x0  }
0x77: {  	s3 =	rddreg [dreg:$0x2];
	[bflag:$0x3] =	sbarrier.arrive $0xFFFF;
	s2 =	simm.s32 @!p0 $0x1C06  }
0x78: {  	[timem:s3], [sflag:s2] =	dma.local @!p0 [hbm:s0], s1  }
0x79: {  	s0 =	simm.s32 @!p0 $0x6  }
0x7a: {  	_ =	swait.ge @!p0 [sflag:s0], s1  }
0x7b: {  	s1 =	ssub.s32 @!p0 $0x0, s1;
	[sflag:s0] =	ssyncset.done @!p0 $0x0  }
0x7c: {  	[sflag:s0] =	ssyncadd.s32 @!p0 s1  }
0x7d: {  	[bflag:$0x3] =	sbarrier.arrive $0xFFFF  }
0x7e: {  	_ =	shalt  }

// kernel: kernel.24.cloned.1.call-start
scs
__scs_entry_jumppad:
0x0: {  	(pc) =	sbr.rel $0x88, $3  }
0x1: {  	(tag) =	ssettag $0x0;
	lr =	simm.s32 $0x1  }
0x2: {  	[smem:$0x3F95] =	sst lr;
	_ =	strace $0xD0000000  }
0x3: {  	_ = 	snop  }
0x4: {  	_ = 	snop  }
0x5: {  	_ = 	snop  }
0x6: {  	_ = 	snop  }
0x7: {  	_ = 	snop  }
__scs_overlays_trampoline_lowered:
0x8: {  	[smem:$0x3FA4] =	sst s0  }
0x9: {  	[smem:$0x3FA5] =	sst s1  }
0xa: {  	[smem:$0x3FA6] =	sst s2  }
0xb: {  	[smem:$0x3FA7] =	sst s3  }
0xc: {  	[smem:$0x3FA8] =	sst s4  }
0xd: {  	[smem:$0x3FA9] =	sst s5  }
0xe: {  	[smem:$0x3FAA] =	sst s6  }
0xf: {  	[smem:$0x3FAB] =	sst s7  }
0x10: {  	[smem:$0x3FAC] =	sst s8  }
0x11: {  	[smem:$0x3FAD] =	sst s9;
	s0 =	simm.s32 @!p0 $0x0  }
0x12: {  	s1 =	sld [smem:$0x3F93];
	s0 =	simm.s32 @p0 $0x1  }
0x13: {  	[smem:$0x3FAE] =	sst s0;
	s0 =	simm.s32 @!p1 $0x0  }
0x14: {  	s2 =	sld [smem:$0x3F92];
	s0 =	simm.s32 @p1 $0x1  }
0x15: {  	[smem:$0x3FAF] =	sst s0;
	s0 =	simm.s32 @!p2 $0x0  }
0x16: {  	s3 =	sld [smem:$0x3FDB];
	s0 =	simm.s32 @p2 $0x1  }
0x17: {  	s4 =	simm.s32 $0x1BF5;
	[smem:$0x3FB1] =	sst s0  }
0x18: {  	s0 =	sld [smem:$0x3F94];
	_ =	swait.ge [sflag:s4], $0x0  }
0x19: {  	s7 =	sld [smem:$0x3F95]  }
0x1a: {  	s8 =	sadd.s32 $0xFFFFE003, lr  }
0x1b: {  	s9 =	sadd.s32 $0xFFFFFEF7, lr;
	s5 =	simm.s32 $0xFFFFFFFF;
	p2 =	slt.u32 s8, $0xFFFFF086  }
0x1c: {  	p1 =	slt.u32 s9, $0xF7A;
	s5 =	simm.s32 @!p2 $0x0  }
0x1d: {  	s5 =	simm.s32 @p1 $0x1;
	p0 =	seq.s32 s7, s2  }
0x1e: {  	s7 =	smul.u32 @!p0 $0xF7A, s2;
	p2 =	seq.s32 @!p0 s5, $0x0  }
0x1f: {  	s9 =	smul.u32 $0xF7A, s1;
	s8 =	simm.s32 @!p0 $0x1BF5;
	p2 =	por !p2, p0  }
0x20: {  	[sflag:s8] =	ssyncset.s32 @!p0 $0xFFFFF086;
	s6 =	sadd.s32 @!p0 s3, s7;
	s7 =	simm.s32 @!p0 $0x108  }
0x21: {  	s3 =	sadd.s32 s3, s9;
	s6 =	sadd.s32 @!p0 $0x88, s6;
	s7 =	simm.s32 @p2 $0x1082  }
0x22: {  	[simem:s7], [sflag:s8] =	dma.local @!p0 [hbm:s6], $0xF7A  }
0x23: {  	s9 =	sor.u32 $0xD0000000, s2;
	s6 =	simm.s32 $0x108;
	_ =	swait.ge @!p0 [sflag:s8], $0x0  }
0x24: {  	s3 =	sadd.s32 $0x88, s3;
	s6 =	simm.s32 @!p1 $0x1082;
	[sflag:s4] =	ssyncset.s32 $0xFFFFF086  }
0x25: {  	[simem:s6], [sflag:s4] =	dma.local [hbm:s3], $0xF7A  }
0x26: {  	[smem:$0x3F95] =	sst s1;
	(tag) =	ssettag s2;
	_ =	strace s9  }
0x27: {  	s1 =	sld [smem:$0x3FA5]  }
0x28: {  	s2 =	sld [smem:$0x3FA6]  }
0x29: {  	s4 =	sld [smem:$0x3FA8]  }
0x2a: {  	p0 =	seq.s32 s5, $0x0;
	s5 =	sld [smem:$0x3FA9]  }
0x2b: {  	s6 =	sld [smem:$0x3FAA]  }
0x2c: {  	s7 =	sld [smem:$0x3FAB]  }
0x2d: {  	s3 =	simm.s32 $0x108;
	s8 =	sld [smem:$0x3FAC]  }
0x2e: {  	s3 =	simm.s32 @!p0 $0x1082;
	s9 =	sld [smem:$0x3FAD]  }
0x2f: {  	lr =	sadd.s32 s0, s3;
	s0 =	sld [smem:$0x3FA4]  }
0x30: {  	s3 =	sld [smem:$0x3FA7]  }
0x31: {  	[smem:$0x3FB0] =	sst s10  }
0x32: {  	s10 =	sld [smem:$0x3FAE];
	_ =	sdelay $0x3  }
0x33: {  	p0 =	seq.s32 s10, $0x1;
	s10 =	sld [smem:$0x3FB0];
	_ =	sdelay $0x3  }
0x34: {  	[smem:$0x3FB0] =	sst s10  }
0x35: {  	s10 =	sld [smem:$0x3FAF];
	_ =	sdelay $0x3  }
0x36: {  	p1 =	seq.s32 s10, $0x1;
	s10 =	sld [smem:$0x3FB0];
	_ =	sdelay $0x3  }
0x37: {  	[smem:$0x3FB0] =	sst s10  }
0x38: {  	s10 =	sld [smem:$0x3FB1]  }
0x39: {  	_ = 	snop;
	(pc) =	sbr.ind lr, $3  }
0x3a: {  	_ = 	snop  }
0x3b: {  	_ = 	snop  }
0x3c: {  	p2 =	seq.s32 s10, $0x1;
	s10 =	sld [smem:$0x3FB0]  }
0x3d: {  	_ =	shalt  }
0x3e: {  	_ =	shalt  }
0x3f: {  	_ =	shalt  }
0x40: {  	_ =	shalt  }
0x41: {  	_ =	shalt  }
0x42: {  	_ =	shalt  }
0x43: {  	_ =	shalt  }
0x44: {  	_ =	shalt  }
0x45: {  	_ =	shalt  }
0x46: {  	_ =	shalt  }
0x47: {  	_ =	shalt  }
0x48: {  	_ =	shalt  }
0x49: {  	_ =	shalt  }
0x4a: {  	_ =	shalt  }
0x4b: {  	_ =	shalt  }
0x4c: {  	_ =	shalt  }
0x4d: {  	_ =	shalt  }
0x4e: {  	_ =	shalt  }
0x4f: {  	_ =	shalt  }
0x50: {  	_ =	shalt  }
0x51: {  	_ =	shalt  }
0x52: {  	_ =	shalt  }
0x53: {  	_ =	shalt  }
0x54: {  	_ =	shalt  }
0x55: {  	_ =	shalt  }
0x56: {  	_ =	shalt  }
0x57: {  	_ =	shalt  }
0x58: {  	_ =	shalt  }
0x59: {  	_ =	shalt  }
0x5a: {  	_ =	shalt  }
0x5b: {  	_ =	shalt  }
0x5c: {  	_ =	shalt  }
0x5d: {  	_ =	shalt  }
0x5e: {  	_ =	shalt  }
0x5f: {  	_ =	shalt  }
0x60: {  	_ =	shalt  }
0x61: {  	_ =	shalt  }
0x62: {  	_ =	shalt  }
0x63: {  	_ =	shalt  }
0x64: {  	_ =	shalt  }
0x65: {  	_ =	shalt  }
0x66: {  	_ =	shalt  }
0x67: {  	_ =	shalt  }
0x68: {  	_ =	shalt  }
0x69: {  	_ =	shalt  }
0x6a: {  	_ =	shalt  }
0x6b: {  	_ =	shalt  }
0x6c: {  	_ =	shalt  }
0x6d: {  	_ =	shalt  }
0x6e: {  	_ =	shalt  }
0x6f: {  	_ =	shalt  }
0x70: {  	_ =	shalt  }
0x71: {  	_ =	shalt  }
0x72: {  	_ =	shalt  }
0x73: {  	_ =	shalt  }
0x74: {  	_ =	shalt  }
0x75: {  	_ =	shalt  }
0x76: {  	_ =	shalt  }
0x77: {  	_ =	shalt  }
0x78: {  	_ =	shalt  }
0x79: {  	_ =	shalt  }
0x7a: {  	_ =	shalt  }
0x7b: {  	_ =	shalt  }
0x7c: {  	_ =	shalt  }
0x7d: {  	_ =	shalt  }
0x7e: {  	_ =	shalt  }
0x7f: {  	_ =	shalt  }
0x80: {  	_ =	shalt  }
0x81: {  	_ =	shalt  }
0x82: {  	_ =	shalt  }
0x83: {  	_ =	shalt  }
0x84: {  	_ =	shalt  }
0x85: {  	_ =	shalt  }
0x86: {  	_ =	shalt  }
0x87: {  	_ =	shalt  }
.Lfunc_end0:
.L_simem_size_0:
called_computation.3_lowered:
.L_overlay_start_0:
0x88: {  	s2 =	sld [smem:$0x3FD9]  }
0x89: {  	s3 =	sld [smem:$0x3FFE];
	_ =	sdelay $0x1  }
0x8a: {  	s1 =	srdreg.scid  }
0x8b: {  	s0 =	sand.u32 $0x1, s1  }
0x8c: {  	s16 =	sshll.u32 s0, $0xA;
	s2 =	sadd.s32 s3, s2  }
0x8d: {  	s2 =	sadd.s32 s2, s16  }
0x8e: {  	[smem:$0x3FBC] =	sst s2  }
0x8f: {  	_ = 	snop  }
0x90: {  	(tm) =	ssettm $0x1  }
0x91: {  	s17 =	sld [smem:$0x3FFB];
	_ =	sdelay $0x3  }
0x92: {  	_ =	strace s17  }
0x93: {  	s2 =	sld [smem:$0x3FFC];
	_ =	sdelay $0x3  }
0x94: {  	_ =	strace s2  }
0x95: {  	s2 =	sld [smem:$0x3FFD];
	_ =	sdelay $0x3  }
0x96: {  	_ =	strace s2  }
0x97: {  	_ =	strace $0x8FFFFFFF  }
0x98: {  	s18 =	sld [smem:$0x3FDB];
	_ =	sdelay $0x1  }
0x99: {  	s19 =	simm.s32 $_scs_section_size  }
0x9a: {  	s4 =	simm.s32 $_size__tile_overlayer_lowered;
	s5 =	simm.s32 $_tile_overlayer_lowered  }
0x9b: {  	s22 =	simm.s32 $0x1BFF;
	s21 =	sshll.u32 s5, $0x1;
	s2 =	sadd.s32 s19, s18  }
0x9c: {  	s6 =	simm.s32 $0x0;
	s20 =	sshll.u32 s4, $0x1;
	s4 =	sadd.s32 s21, s2  }
0x9d: {  	[timem:s6], [sflag:s22] =	dma.local [hbm:s4], s20  }
0x9e: {  	_ =	swait.ge [sflag:s22], s20  }
0x9f: {  	s3 =	ssub.s32 $0x0, s20;
	[sflag:s22] =	ssyncset.done $0x0  }
0xa0: {  	[sflag:s22] =	ssyncadd.s32 s3;
	_ =	sdelay $0x1  }
0xa1: {  	s23 =	simm.s32 $0x1B8B  }
0xa2: {  	_ =	swait.ge [sflag:s23], $0x1  }
0xa3: {  	[sflag:s23] =	ssyncset.done $0x0  }
0xa4: {  	s25 =	simm.s32 $0x1B8E;
	s24 =	sld [smem:$0x3FFE];
	[sflag:s23] =	ssyncadd.s32 $0xFFFFFFFF  }
0xa5: {  	s26 =	simm.s32 $execute0_lowered;
	[smem:$0x3FD2] =	sst s25  }
0xa6: {  	s4 =	sshll.u32 s26, $0x1;
	_ =	strace $0x8000004F;
	[dreg:$0x1] =	wrdreg $0xFFFFFFFF  }
0xa7: {  	s28 =	simm.s32 $_size_execute0_lowered;
	s2 =	sadd.s32 s2, s4;
	[dreg:$0x0] =	wrdreg $0x0  }
0xa8: {  	s4 =	sshll.u32 s28, $0x1;
	[dreg:$0x2] =	wrdreg s2  }
0xa9: {  	[dreg:$0x3] =	wrdreg s4  }
0xaa: {  	[dreg:$0x4] =	wrdreg $0xC0  }
0xab: {  	_ =	task [dreg:s6], $0x5FFFF  }
0xac: {  	[dreg:$0x1] =	wrdreg $0xFFFFFFFF  }
0xad: {  	[dreg:$0x0] =	wrdreg $0x60  }
0xae: {  	[dreg:$0x2] =	wrdreg s24  }
0xaf: {  	[dreg:$0x3] =	wrdreg $0xA8000  }
0xb0: {  	[dreg:$0x4] =	wrdreg $0x9  }
0xb1: {  	_ =	task.clear_ibuf [dreg:s6], $0x5FFFF;
	_ =	strace $0x9000004F  }
0xb2: {  	s29 =	simm.s32 $0x9;
	_ =	strace $0x80000051  }
0xb3: {  	_ =	swait.ge [sflag:s29], $0x1  }
0xb4: {  	[sflag:s29] =	ssyncadd.s32 $0xFFFFFFFF  }
0xb5: {  	_ =	strace $0x90000051  }
0xb6: {  	_ =	sfence  }
0xb7: {  	s30 =	sld [smem:$0x0];
	_ =	sdelay $0x2  }
0xb8: {  	s31 =	sshll.u32 s1, $0xD;
	s1 =	sshrl.u32 s1, $0x2  }
0xb9: {  	s3 =	sand.u32 $0x4000, s31;
	s1 =	sadd.s32 s1, s30  }
0xba: {  	s0 =	sor.u32 s3, s0;
	s1 =	sshll.u32 s1, $0x11  }
0xbb: {  	s0 =	sor.u32 s1, s0  }
0xbc: {  	s0 =	sadd.s32 $0x8F2B, s0  }
0xbd: {  	[sflag:s0] =	ssyncadd.remote.s32 $0x1  }
0xbe: {  	_ =	sfence.sel $0xFFFF  }
0xbf: {  	[dreg:$0x0] =	wrdreg $0xFFFFFFFF;
	(pc) =	sbr.abs _section_cstart, $3  }
0xc0: {  	[dreg:$0x1] =	wrdreg $0xFFFFFFFF  }
0xc1: {  	_ =	task.clear_ibuf [dreg:s6], $0x2FFFF;
	_ =	strace $0x9FFFFFFF  }
0xc2: {  	(tm) =	ssettm $0x7FFFFFFF  }
0xc3: {  	_ =	shalt  }
tec
execute0_lowered:
.L_overlay_start_1:
0x0: {  	(tag) =	ssettag $0x1  }
0x1: {  	s14 =	rddreg [dreg:$0x0]  }
0x2: {  	s0 =	srdreg.scid;
	s2 =	rddreg [dreg:$0x1]  }
0x3: {  	s3 =	simm.s32 $0x0;
	s18 =	simm.s32 $0x5;
	s19 =	simm.s32 $0x80  }
0x4: {  	s20 =	simm.s32 $0x6;
	s5 =	sand.u32 $0x1, s0;
	s0 =	stileid.u32  }
0x5: {  	[smem:$0x7FF] =	sst s3;
	s4 =	sadd.s32 $0xDC00, s14;
	s11 =	sadd.s32 $0x8980, s14  }
0x6: {  	s12 =	sadd.s32 $0x8A00, s14;
	s13 =	sadd.s32 $0xD980, s14;
	s8 =	smul.u32 $0x14000, s0  }
0x7: {  	s1 =	sshll.u32 s5, $0x4;
	s9 =	smul.u32 $0x140000, s5;
	s5 =	ssub.s32 $0x2, s5  }
0x8: {  	s30 =	smul.u32 $0x50000, s0;
	s6 =	sor.u32 s0, s1;
	s1 =	rddreg [dreg:$0x2]  }
0x9: {  	_ =	strace $0x80000050;
	s29 =	sshrl.u32 s5, $0x1;
	s7 =	smul.u32 $0x280, s6  }
0xa: {  	s28 =	sshrl.u32 s8, $0x3;
	s8 =	sadd.s32 s8, s9;
	s16 =	ssub.s32 s5, s29  }
0xb: {  	p0 =	seq.s32 s6, $0x1F;
	s5 =	simm.s32 $0xA;
	s31 =	sshrl.u32 s30, $0x2  }
0xc: {  	s6 =	sshll.u32 s0, $0x6;
	s8 =	sshrl.u32 s8, $0x3;
	s5 =	simm.s32 @!p0 $0x28  }
0xd: {  	s17 =	sadd.s32 s31, s2;
	s16 =	smax.u32 s16, $0x1;
	s10 =	sadd.s32 s7, s14  }
0xe: {  	s7 =	sadd.s32 s28, s14;
	s15 =	sadd.s32 s8, s14;
	s8 =	sor.u32 $0x1C05, s6  }
0xf: {  	s14 =	sadd.s32 $0xDA00, s14;
	s17 =	sshrl.u32 s17, $0x3;
	s7 =	sadd.s32 $0x35C00, s7  }
0x10: {  	s9 =	sadd.s32 $0x3C00, s10;
	s10 =	sadd.s32 $0x8C00, s10;
	s15 =	sadd.s32 $0x5DC00, s15  }
.LBB2_1:
0x11: {  	[spmem:s17], [sflag:s8] =	dma.local [hbm:s7], $0x2800  }
0x12: {  	s21 =	simm.s32 @p0 $0x0  }
0x13: {  	[tilespmem:s21], [sflag:$0x3] =	stream.linear.gather @p0 [hbm4b:s11+s21], $0x400, $0x38;
	[tilespmem:$0x1E800] =	vst v63  }
0x14: {  	s22 =	simm.s32 @p0 $0x400  }
0x15: {  	[tilespmem:s22], [sflag:$0x3] =	stream.linear.gather @p0 [hbm4b:s12+s21], $0x100, $0x38;
	[tilespmem:$0x1E800] =	vst v63  }
0x16: {  	s22 =	simm.s32 @p0 $0x1400  }
0x17: {  	[tilespmem:s22], [sflag:$0x4] =	stream.linear.gather @p0 [hbm4b:s13+s21], $0x400, $0x38;
	[tilespmem:$0x1E800] =	vst v63  }
0x18: {  	s22 =	simm.s32 @p0 $0x1800  }
0x19: {  	[tilespmem:s22], [sflag:$0x4] =	stream.linear.gather @p0 [hbm4b:s14+s21], $0x100, $0x38;
	[tilespmem:$0x1E800] =	vst v63  }
0x1a: {  	s22 =	simm.s32 @p0 $0x3  }
0x1b: {  	_ =	swait.ge @p0 [sflag:s22], $0x400  }
0x1c: {  	[sflag:s22] =	ssyncset.done @p0 $0x0  }
0x1d: {  	[sflag:s22] =	ssyncadd.s32 @p0 $0xFFFFFC00  }
0x1e: {  	_ =	swait.ge @p0 [sflag:s22], $0x100  }
0x1f: {  	[sflag:s22] =	ssyncset.done @p0 $0x0  }
0x20: {  	s23 =	simm.s32 @p0 $0x2800;
	[sflag:s22] =	ssyncadd.s32 @p0 $0xFFFFFF00;
	s22 =	simm.s32 @p0 $0x80  }
0x21: {  	[tilespmem:s23], [sflag:$0x1] =	stream.indirect.gather @p0 [hbm4b:s4+s22], $0x80, s21, s22, $0xb8;
	[tilespmem:$0x1E800] =	vst v63  }
0x22: {  	s21 =	simm.s32 @p0 $0x4  }
0x23: {  	_ =	swait.ge @p0 [sflag:s21], $0x400  }
0x24: {  	[sflag:s21] =	ssyncset.done @p0 $0x0  }
0x25: {  	[sflag:s21] =	ssyncadd.s32 @p0 $0xFFFFFC00  }
0x26: {  	_ =	swait.ge @p0 [sflag:s21], $0x100  }
0x27: {  	[sflag:s21] =	ssyncset.done @p0 $0x0  }
0x28: {  	[sflag:s21] =	ssyncadd.s32 @p0 $0xFFFFFF00;
	s21 =	simm.s32 @!p0 $0x0  }
0x29: {  	[tilespmem:s21], [sflag:$0x3] =	stream.linear.gather @!p0 [hbm4b:s9+s21], $0x1400, $0x38;
	[tilespmem:$0x1E800] =	vst v63  }
0x2a: {  	s22 =	simm.s32 @!p0 $0x1400  }
0x2b: {  	[tilespmem:s22], [sflag:$0x4] =	stream.linear.gather @!p0 [hbm4b:s10+s21], $0x1400, $0x38;
	[tilespmem:$0x1E800] =	vst v63  }
0x2c: {  	s22 =	simm.s32 @!p0 $0x3  }
0x2d: {  	_ =	swait.ge @!p0 [sflag:s22], $0x1400  }
0x2e: {  	[sflag:s22] =	ssyncset.done @!p0 $0x0  }
0x2f: {  	s23 =	simm.s32 @!p0 $0x2800;
	[sflag:s22] =	ssyncadd.s32 @!p0 $0xFFFFEC00;
	s22 =	simm.s32 @!p0 $0x80  }
0x30: {  	[tilespmem:s23], [sflag:$0x1] =	stream.indirect.gather @!p0 [hbm4b:s4+s22], $0x80, s21, s22, $0xb8;
	[tilespmem:$0x1E800] =	vst v63  }
0x31: {  	s21 =	simm.s32 @!p0 $0x4  }
0x32: {  	_ =	swait.ge @!p0 [sflag:s21], $0x1400  }
0x33: {  	[sflag:s21] =	ssyncset.done @!p0 $0x0  }
0x34: {  	p2 =	sne.s32 s5, $0x2;
	[sflag:s21] =	ssyncadd.s32 @!p0 $0xFFFFEC00  }
.Ltmp0:
0x35: {  	_ =	swait.ge [sflag:s18], $0x2800;
	(pc) =	sbr.rel @!p2 .LBB2_2-.Ltmp0, $4  }
0x36: {  	[sflag:s18] =	ssyncset.done $0x0  }
0x37: {  	[sflag:s18] =	ssyncadd.s32 $0xFFFFD800  }
0x38: {  	s24 =	simm.s32 $0x1;
	p1 =	por $0x0, $0x0;
	[bflag:$0x0] =	sbarrier.arrive $0xFFFF  }
0x39: {  	s25 =	sand.u32 $0x1, s24;
	s23 =	simm.s32 $0x1400;
	s21 =	simm.s32 $0x2  }
0x3a: {  	s22 =	simm.s32 $0x0  }
0x3b: {  	s24 =	sshll.u32 s25, $0xE;
	s31 =	sadd.s32 $0x1, s25;
	s22 =	sand.u32 $0x1, s22  }
0x3c: {  	p2 =	sne.s32 s5, $0x3;
	s24 =	sor.u32 $0x2800, s24;
	s26 =	sadd.s32 $0x1, s22  }
0x3d: {  	[tilespmem:s24], [sflag:s31] =	stream.indirect.gather [hbm4b:s4+s19], $0x80, s19, s19, $0xb8;
	[tilespmem:$0x1E800] =	vst v63  }
.Ltmp1:
0x3e: {  	s25 =	sand.u32 $0x1, s21;
	_ =	swait.ge [sflag:s26], $0x4000;
	(pc) =	sbr.rel @!p2 .LBB2_4-.Ltmp1, $4  }
0x3f: {  	p1 =	por $0x1, $0x1;
	s22 =	sshll.u32 s22, $0xE;
	[sflag:s26] =	ssyncset.done $0x0  }
0x40: {  	s24 =	simm.s32 $0x3;
	s22 =	sor.u32 $0x2800, s22;
	[sflag:s26] =	ssyncadd.s32 $0xFFFFC000  }
0x41: {  	[spmem:s2] =	stream.indirect.scatter.add.f32 [tilespmem:s22], [sflag:$0x6], $0x80, s23, s19, $0xb8;
	[tilespmem:$0x1E800] =	vst v63  }
0x42: {  	s23 =	simm.s32 $0x1480;
	s22 =	simm.s32 $0x100;
	_ =	swait.ge [sflag:s20], $0x4000  }
.LBB2_5:
0x43: {  	s26 =	sadd.s32 $0xFFFFFFFF, s21  }
0x44: {  	s28 =	sshll.u32 s25, $0xE;
	[sflag:s20] =	ssyncset.done $0x0;
	s21 =	smov.u32 s24  }
0x45: {  	s29 =	smov.u32 s23;
	s25 =	sadd.s32 $0x1, s25;
	s24 =	sadd.s32 $0x1, s24  }
0x46: {  	s26 =	sand.u32 $0x1, s26;
	s28 =	sor.u32 $0x2800, s28;
	p2 =	sne.s32 s5, s24  }
0x47: {  	s30 =	sshll.u32 s26, $0xE;
	s26 =	sadd.s32 $0x1, s26;
	[sflag:s20] =	ssyncadd.s32 $0xFFFFC000  }
0x48: {  	[tilespmem:s28], [sflag:s25] =	stream.indirect.gather [hbm4b:s4+s19], $0x80, s22, s19, $0xb8;
	[tilespmem:$0x1E800] =	vst v63  }
.Ltmp2:
0x49: {  	_ =	swait.ge [sflag:s26], $0x4000;
	(pc) =	sbr.rel @p2 .LBB2_5-.Ltmp2, $4  }
0x4a: {  	s25 =	sor.u32 $0x2800, s30;
	[sflag:s26] =	ssyncset.done $0x0  }
0x4b: {  	s23 =	sadd.s32 $0x80, s23;
	[sflag:s26] =	ssyncadd.s32 $0xFFFFC000  }
0x4c: {  	[spmem:s2] =	stream.indirect.scatter.add.f32 [tilespmem:s25], [sflag:$0x6], $0x80, s29, s19, $0xb8;
	[tilespmem:$0x1E800] =	vst v63  }
0x4d: {  	s22 =	sadd.s32 $0x80, s22;
	s25 =	sand.u32 $0x1, s21;
	_ =	swait.ge [sflag:s20], $0x4000  }
0x4e: {  	s24 =	smov.u32 s21  }
.LBB2_7:
0x4f: {  	s21 =	sadd.s32 $0xFFFFFFFF, s24;
	s28 =	sshll.u32 s25, $0xE  }
0x50: {  	[sflag:s20] =	ssyncset.done @p1 $0x0;
	s29 =	sadd.s32 $0x1, s25;
	s21 =	sand.u32 $0x1, s21  }
0x51: {  	s24 =	sor.u32 $0x2800, s28;
	[sflag:s20] =	ssyncadd.s32 @p1 $0xFFFFC000;
	s26 =	sadd.s32 $0x1, s21  }
0x52: {  	[tilespmem:s24], [sflag:s29] =	stream.indirect.gather [hbm4b:s4+s19], $0x80, s22, s19, $0xb8;
	[tilespmem:$0x1E800] =	vst v63  }
0x53: {  	_ =	swait.ge [sflag:s26], $0x4000  }
0x54: {  	s21 =	sshll.u32 s21, $0xE;
	[sflag:s26] =	ssyncset.done $0x0  }
0x55: {  	s21 =	sor.u32 $0x2800, s21;
	[sflag:s26] =	ssyncadd.s32 $0xFFFFC000  }
0x56: {  	[spmem:s2] =	stream.indirect.scatter.add.f32 [tilespmem:s21], [sflag:$0x6], $0x80, s23, s19, $0xb8;
	[tilespmem:$0x1E800] =	vst v63  }
0x57: {  	_ =	swait.ge [sflag:s20], $0x4000  }
0x58: {  	[sflag:s20] =	ssyncset.done $0x0  }
0x59: {  	[sflag:s20] =	ssyncadd.s32 $0xFFFFC000  }
0x5a: {  	_ =	swait.ge [sflag:s29], $0x4000  }
0x5b: {  	[sflag:s29] =	ssyncset.done $0x0  }
0x5c: {  	s30 =	sadd.s32 $0x80, s23;
	[sflag:s29] =	ssyncadd.s32 $0xFFFFC000  }
0x5d: {  	[spmem:s2] =	stream.indirect.scatter.add.f32 [tilespmem:s24], [sflag:$0x6], $0x80, s30, s19, $0xb8;
	[tilespmem:$0x1E800] =	vst v63  }
0x5e: {  	_ =	swait.ge [sflag:s20], $0x4000  }
0x5f: {  	[sflag:s20] =	ssyncset.done $0x0  }
0x60: {  	s3 =	sadd.s32 $0x1, s3;
	[sflag:s20] =	ssyncadd.s32 $0xFFFFC000  }
0x61: {  	s31 =	sor.u32 $0x1C06, s6;
	p1 =	sne.s32 s3, s16;
	[bflag:$0x0] =	sbarrier.arrive $0xFFFF  }
0x62: {  	[hbm:s15], [sflag:s31] =	dma.local [spmem:s17], $0x2800  }
.Ltmp3:
0x63: {  	_ = 	snop;
	(pc) =	sbr.rel @p1 .LBB2_1-.Ltmp3, $4  }
.Ltmp4:
0x64: {  	_ = 	snop;
	(pc) =	sbr.rel @!p1 .LBB2_8-.Ltmp4, $4  }
0x65: {  	_ =	swait.ge [sflag:s20], $0x2800  }
0x66: {  	[sflag:s20] =	ssyncset.done $0x0  }
0x67: {  	[sflag:s20] =	ssyncadd.s32 $0xFFFFD800  }
0x68: {  	_ = 	snop  }
.LBB2_2:
.Ltmp5:
0x69: {  	(pc) =	sbr.rel .LBB2_7-.Ltmp5, $2  }
0x6a: {  	_ =	sdelay $0x2  }
0x6b: {  	s22 =	simm.s32 $0x80  }
.LBB2_4:
.Ltmp6:
0x6c: {  	(pc) =	sbr.rel .LBB2_7-.Ltmp6, $2  }
0x6d: {  	_ =	sdelay $0x2  }
0x6e: {  	s24 =	simm.s32 $0x2;
	s23 =	simm.s32 $0x1480  }
.LBB2_8:
0x6f: {  	_ =	sfence.sel $0x180000  }
0x70: {  	[bflag:$0x0] =	sbarrier.arrive $0xFFFF  }
0x71: {  	p0 =	sne.s32 s0, $0x0;
	_ =	strace $0x90000050  }
0x72: {  	s0 =	sadd.s32 @!p0 $0x100000, s1;
	[bflag:$0x2] =	sbarrier.arrive $0xFFFF  }
0x73: {  	[sflag:s0] =	ssyncadd.tile.s32 @!p0 $0x1;
	_ =	shalt  }
.Lfunc_end2:
_tile_overlayer_lowered:
.L_overlay_start_2:
0x74: {  	(tag) =	ssettag $0x2  }
0x75: {  	s0 =	rddreg [dreg:$0x0];
	s2 =	stileid.u32  }
0x76: {  	s1 =	rddreg [dreg:$0x1];
	p0 =	sne.s32 s2, $0x0  }
0x77: {  	s3 =	rddreg [dreg:$0x2];
	[bflag:$0x3] =	sbarrier.arrive $0xFFFF;
	s2 =	simm.s32 @!p0 $0x1C06  }
0x78: {  	[timem:s3], [sflag:s2] =	dma.local @!p0 [hbm:s0], s1  }
0x79: {  	s0 =	simm.s32 @!p0 $0x6  }
0x7a: {  	_ =	swait.ge @!p0 [sflag:s0], s1  }
0x7b: {  	s1 =	ssub.s32 @!p0 $0x0, s1;
	[sflag:s0] =	ssyncset.done @!p0 $0x0  }
0x7c: {  	[sflag:s0] =	ssyncadd.s32 @!p0 s1  }
0x7d: {  	[bflag:$0x3] =	sbarrier.arrive $0xFFFF  }
0x7e: {  	_ =	shalt  }

// kernel: kernel.27.cloned.1.call-start
scs
__scs_entry_jumppad:
0x0: {  	(pc) =	sbr.rel $0x88, $3  }
0x1: {  	(tag) =	ssettag $0x0;
	lr =	simm.s32 $0x1  }
0x2: {  	[smem:$0x3F95] =	sst lr;
	_ =	strace $0xD0000000  }
0x3: {  	_ = 	snop  }
0x4: {  	_ = 	snop  }
0x5: {  	_ = 	snop  }
0x6: {  	_ = 	snop  }
0x7: {  	_ = 	snop  }
__scs_overlays_trampoline_lowered:
0x8: {  	[smem:$0x3FA4] =	sst s0  }
0x9: {  	[smem:$0x3FA5] =	sst s1  }
0xa: {  	[smem:$0x3FA6] =	sst s2  }
0xb: {  	[smem:$0x3FA7] =	sst s3  }
0xc: {  	[smem:$0x3FA8] =	sst s4  }
0xd: {  	[smem:$0x3FA9] =	sst s5  }
0xe: {  	[smem:$0x3FAA] =	sst s6  }
0xf: {  	[smem:$0x3FAB] =	sst s7  }
0x10: {  	[smem:$0x3FAC] =	sst s8  }
0x11: {  	[smem:$0x3FAD] =	sst s9;
	s0 =	simm.s32 @!p0 $0x0  }
0x12: {  	s1 =	sld [smem:$0x3F93];
	s0 =	simm.s32 @p0 $0x1  }
0x13: {  	[smem:$0x3FAE] =	sst s0;
	s0 =	simm.s32 @!p1 $0x0  }
0x14: {  	s2 =	sld [smem:$0x3F92];
	s0 =	simm.s32 @p1 $0x1  }
0x15: {  	[smem:$0x3FAF] =	sst s0;
	s0 =	simm.s32 @!p2 $0x0  }
0x16: {  	s3 =	sld [smem:$0x3FDB];
	s0 =	simm.s32 @p2 $0x1  }
0x17: {  	s4 =	simm.s32 $0x1BF5;
	[smem:$0x3FB1] =	sst s0  }
0x18: {  	s0 =	sld [smem:$0x3F94];
	_ =	swait.ge [sflag:s4], $0x0  }
0x19: {  	s7 =	sld [smem:$0x3F95]  }
0x1a: {  	s8 =	sadd.s32 $0xFFFFE003, lr  }
0x1b: {  	s9 =	sadd.s32 $0xFFFFFEF7, lr;
	s5 =	simm.s32 $0xFFFFFFFF;
	p2 =	slt.u32 s8, $0xFFFFF086  }
0x1c: {  	p1 =	slt.u32 s9, $0xF7A;
	s5 =	simm.s32 @!p2 $0x0  }
0x1d: {  	s5 =	simm.s32 @p1 $0x1;
	p0 =	seq.s32 s7, s2  }
0x1e: {  	s7 =	smul.u32 @!p0 $0xF7A, s2;
	p2 =	seq.s32 @!p0 s5, $0x0  }
0x1f: {  	s9 =	smul.u32 $0xF7A, s1;
	s8 =	simm.s32 @!p0 $0x1BF5;
	p2 =	por !p2, p0  }
0x20: {  	[sflag:s8] =	ssyncset.s32 @!p0 $0xFFFFF086;
	s6 =	sadd.s32 @!p0 s3, s7;
	s7 =	simm.s32 @!p0 $0x108  }
0x21: {  	s3 =	sadd.s32 s3, s9;
	s6 =	sadd.s32 @!p0 $0x88, s6;
	s7 =	simm.s32 @p2 $0x1082  }
0x22: {  	[simem:s7], [sflag:s8] =	dma.local @!p0 [hbm:s6], $0xF7A  }
0x23: {  	s9 =	sor.u32 $0xD0000000, s2;
	s6 =	simm.s32 $0x108;
	_ =	swait.ge @!p0 [sflag:s8], $0x0  }
0x24: {  	s3 =	sadd.s32 $0x88, s3;
	s6 =	simm.s32 @!p1 $0x1082;
	[sflag:s4] =	ssyncset.s32 $0xFFFFF086  }
0x25: {  	[simem:s6], [sflag:s4] =	dma.local [hbm:s3], $0xF7A  }
0x26: {  	[smem:$0x3F95] =	sst s1;
	(tag) =	ssettag s2;
	_ =	strace s9  }
0x27: {  	s1 =	sld [smem:$0x3FA5]  }
0x28: {  	s2 =	sld [smem:$0x3FA6]  }
0x29: {  	s4 =	sld [smem:$0x3FA8]  }
0x2a: {  	p0 =	seq.s32 s5, $0x0;
	s5 =	sld [smem:$0x3FA9]  }
0x2b: {  	s6 =	sld [smem:$0x3FAA]  }
0x2c: {  	s7 =	sld [smem:$0x3FAB]  }
0x2d: {  	s3 =	simm.s32 $0x108;
	s8 =	sld [smem:$0x3FAC]  }
0x2e: {  	s3 =	simm.s32 @!p0 $0x1082;
	s9 =	sld [smem:$0x3FAD]  }
0x2f: {  	lr =	sadd.s32 s0, s3;
	s0 =	sld [smem:$0x3FA4]  }
0x30: {  	s3 =	sld [smem:$0x3FA7]  }
0x31: {  	[smem:$0x3FB0] =	sst s10  }
0x32: {  	s10 =	sld [smem:$0x3FAE];
	_ =	sdelay $0x3  }
0x33: {  	p0 =	seq.s32 s10, $0x1;
	s10 =	sld [smem:$0x3FB0];
	_ =	sdelay $0x3  }
0x34: {  	[smem:$0x3FB0] =	sst s10  }
0x35: {  	s10 =	sld [smem:$0x3FAF];
	_ =	sdelay $0x3  }
0x36: {  	p1 =	seq.s32 s10, $0x1;
	s10 =	sld [smem:$0x3FB0];
	_ =	sdelay $0x3  }
0x37: {  	[smem:$0x3FB0] =	sst s10  }
0x38: {  	s10 =	sld [smem:$0x3FB1]  }
0x39: {  	_ = 	snop;
	(pc) =	sbr.ind lr, $3  }
0x3a: {  	_ = 	snop  }
0x3b: {  	_ = 	snop  }
0x3c: {  	p2 =	seq.s32 s10, $0x1;
	s10 =	sld [smem:$0x3FB0]  }
0x3d: {  	_ =	shalt  }
0x3e: {  	_ =	shalt  }
0x3f: {  	_ =	shalt  }
0x40: {  	_ =	shalt  }
0x41: {  	_ =	shalt  }
0x42: {  	_ =	shalt  }
0x43: {  	_ =	shalt  }
0x44: {  	_ =	shalt  }
0x45: {  	_ =	shalt  }
0x46: {  	_ =	shalt  }
0x47: {  	_ =	shalt  }
0x48: {  	_ =	shalt  }
0x49: {  	_ =	shalt  }
0x4a: {  	_ =	shalt  }
0x4b: {  	_ =	shalt  }
0x4c: {  	_ =	shalt  }
0x4d: {  	_ =	shalt  }
0x4e: {  	_ =	shalt  }
0x4f: {  	_ =	shalt  }
0x50: {  	_ =	shalt  }
0x51: {  	_ =	shalt  }
0x52: {  	_ =	shalt  }
0x53: {  	_ =	shalt  }
0x54: {  	_ =	shalt  }
0x55: {  	_ =	shalt  }
0x56: {  	_ =	shalt  }
0x57: {  	_ =	shalt  }
0x58: {  	_ =	shalt  }
0x59: {  	_ =	shalt  }
0x5a: {  	_ =	shalt  }
0x5b: {  	_ =	shalt  }
0x5c: {  	_ =	shalt  }
0x5d: {  	_ =	shalt  }
0x5e: {  	_ =	shalt  }
0x5f: {  	_ =	shalt  }
0x60: {  	_ =	shalt  }
0x61: {  	_ =	shalt  }
0x62: {  	_ =	shalt  }
0x63: {  	_ =	shalt  }
0x64: {  	_ =	shalt  }
0x65: {  	_ =	shalt  }
0x66: {  	_ =	shalt  }
0x67: {  	_ =	shalt  }
0x68: {  	_ =	shalt  }
0x69: {  	_ =	shalt  }
0x6a: {  	_ =	shalt  }
0x6b: {  	_ =	shalt  }
0x6c: {  	_ =	shalt  }
0x6d: {  	_ =	shalt  }
0x6e: {  	_ =	shalt  }
0x6f: {  	_ =	shalt  }
0x70: {  	_ =	shalt  }
0x71: {  	_ =	shalt  }
0x72: {  	_ =	shalt  }
0x73: {  	_ =	shalt  }
0x74: {  	_ =	shalt  }
0x75: {  	_ =	shalt  }
0x76: {  	_ =	shalt  }
0x77: {  	_ =	shalt  }
0x78: {  	_ =	shalt  }
0x79: {  	_ =	shalt  }
0x7a: {  	_ =	shalt  }
0x7b: {  	_ =	shalt  }
0x7c: {  	_ =	shalt  }
0x7d: {  	_ =	shalt  }
0x7e: {  	_ =	shalt  }
0x7f: {  	_ =	shalt  }
0x80: {  	_ =	shalt  }
0x81: {  	_ =	shalt  }
0x82: {  	_ =	shalt  }
0x83: {  	_ =	shalt  }
0x84: {  	_ =	shalt  }
0x85: {  	_ =	shalt  }
0x86: {  	_ =	shalt  }
0x87: {  	_ =	shalt  }
.Lfunc_end0:
.L_simem_size_0:
called_computation.4_lowered:
.L_overlay_start_0:
0x88: {  	s2 =	sld [smem:$0x3FD9]  }
0x89: {  	s3 =	sld [smem:$0x3FFE];
	_ =	sdelay $0x1  }
0x8a: {  	s1 =	srdreg.scid  }
0x8b: {  	s0 =	sand.u32 $0x1, s1  }
0x8c: {  	s16 =	sshll.u32 s0, $0xA;
	s2 =	sadd.s32 s3, s2  }
0x8d: {  	s2 =	sadd.s32 s2, s16  }
0x8e: {  	[smem:$0x3FBC] =	sst s2  }
0x8f: {  	_ = 	snop  }
0x90: {  	(tm) =	ssettm $0x1  }
0x91: {  	s17 =	sld [smem:$0x3FFB];
	_ =	sdelay $0x3  }
0x92: {  	_ =	strace s17  }
0x93: {  	s2 =	sld [smem:$0x3FFC];
	_ =	sdelay $0x3  }
0x94: {  	_ =	strace s2  }
0x95: {  	s2 =	sld [smem:$0x3FFD];
	_ =	sdelay $0x3  }
0x96: {  	_ =	strace s2  }
0x97: {  	_ =	strace $0x8FFFFFFF  }
0x98: {  	s18 =	sld [smem:$0x3FDB];
	_ =	sdelay $0x1  }
0x99: {  	s19 =	simm.s32 $_scs_section_size  }
0x9a: {  	s4 =	simm.s32 $_size__tile_overlayer_lowered;
	s5 =	simm.s32 $_tile_overlayer_lowered  }
0x9b: {  	s22 =	simm.s32 $0x1BFF;
	s21 =	sshll.u32 s5, $0x1;
	s2 =	sadd.s32 s19, s18  }
0x9c: {  	s6 =	simm.s32 $0x0;
	s20 =	sshll.u32 s4, $0x1;
	s4 =	sadd.s32 s21, s2  }
0x9d: {  	[timem:s6], [sflag:s22] =	dma.local [hbm:s4], s20  }
0x9e: {  	_ =	swait.ge [sflag:s22], s20  }
0x9f: {  	s3 =	ssub.s32 $0x0, s20;
	[sflag:s22] =	ssyncset.done $0x0  }
0xa0: {  	[sflag:s22] =	ssyncadd.s32 s3;
	_ =	sdelay $0x1  }
0xa1: {  	s23 =	simm.s32 $0x1B8B  }
0xa2: {  	_ =	swait.ge [sflag:s23], $0x1  }
0xa3: {  	[sflag:s23] =	ssyncset.done $0x0  }
0xa4: {  	s25 =	simm.s32 $0x1B8E;
	s24 =	sld [smem:$0x3FFE];
	[sflag:s23] =	ssyncadd.s32 $0xFFFFFFFF  }
0xa5: {  	s26 =	simm.s32 $execute0_lowered;
	[smem:$0x3FD2] =	sst s25  }
0xa6: {  	s4 =	sshll.u32 s26, $0x1;
	_ =	strace $0x80000052;
	[dreg:$0x1] =	wrdreg $0xFFFFFFFF  }
0xa7: {  	s28 =	simm.s32 $_size_execute0_lowered;
	s2 =	sadd.s32 s2, s4;
	[dreg:$0x0] =	wrdreg $0x0  }
0xa8: {  	s4 =	sshll.u32 s28, $0x1;
	[dreg:$0x2] =	wrdreg s2  }
0xa9: {  	[dreg:$0x3] =	wrdreg s4  }
0xaa: {  	[dreg:$0x4] =	wrdreg $0xC0  }
0xab: {  	_ =	task [dreg:s6], $0x5FFFF  }
0xac: {  	[dreg:$0x1] =	wrdreg $0xFFFFFFFF  }
0xad: {  	[dreg:$0x0] =	wrdreg $0x60  }
0xae: {  	[dreg:$0x2] =	wrdreg s24  }
0xaf: {  	[dreg:$0x3] =	wrdreg $0xA8000  }
0xb0: {  	[dreg:$0x4] =	wrdreg $0x9  }
0xb1: {  	_ =	task.clear_ibuf [dreg:s6], $0x5FFFF;
	_ =	strace $0x90000052  }
0xb2: {  	s29 =	simm.s32 $0x9;
	_ =	strace $0x80000054  }
0xb3: {  	_ =	swait.ge [sflag:s29], $0x1  }
0xb4: {  	[sflag:s29] =	ssyncadd.s32 $0xFFFFFFFF  }
0xb5: {  	_ =	strace $0x90000054  }
0xb6: {  	_ =	sfence  }
0xb7: {  	s30 =	sld [smem:$0x0];
	_ =	sdelay $0x2  }
0xb8: {  	s31 =	sshll.u32 s1, $0xD;
	s1 =	sshrl.u32 s1, $0x2  }
0xb9: {  	s3 =	sand.u32 $0x4000, s31;
	s1 =	sadd.s32 s1, s30  }
0xba: {  	s0 =	sor.u32 s3, s0;
	s1 =	sshll.u32 s1, $0x11  }
0xbb: {  	s0 =	sor.u32 s1, s0  }
0xbc: {  	s0 =	sadd.s32 $0x8F2B, s0  }
0xbd: {  	[sflag:s0] =	ssyncadd.remote.s32 $0x1  }
0xbe: {  	_ =	sfence.sel $0xFFFF  }
0xbf: {  	[dreg:$0x0] =	wrdreg $0xFFFFFFFF;
	(pc) =	sbr.abs _section_cstart, $3  }
0xc0: {  	[dreg:$0x1] =	wrdreg $0xFFFFFFFF  }
0xc1: {  	_ =	task.clear_ibuf [dreg:s6], $0x2FFFF;
	_ =	strace $0x9FFFFFFF  }
0xc2: {  	(tm) =	ssettm $0x7FFFFFFF  }
0xc3: {  	_ =	shalt  }
tec
execute0_lowered:
.L_overlay_start_1:
0x0: {  	(tag) =	ssettag $0x1  }
0x1: {  	s14 =	rddreg [dreg:$0x0]  }
0x2: {  	s0 =	srdreg.scid;
	s2 =	rddreg [dreg:$0x1]  }
0x3: {  	s3 =	simm.s32 $0x0;
	s18 =	simm.s32 $0x5;
	s19 =	simm.s32 $0x80  }
0x4: {  	s20 =	simm.s32 $0x6;
	s5 =	sand.u32 $0x1, s0;
	s0 =	stileid.u32  }
0x5: {  	[smem:$0x7FF] =	sst s3;
	s4 =	sadd.s32 $0xDC00, s14;
	s11 =	sadd.s32 $0x8980, s14  }
0x6: {  	s12 =	sadd.s32 $0x8A00, s14;
	s13 =	sadd.s32 $0xD980, s14;
	s8 =	smul.u32 $0x14000, s0  }
0x7: {  	s1 =	sshll.u32 s5, $0x4;
	s9 =	smul.u32 $0x140000, s5;
	s5 =	ssub.s32 $0x2, s5  }
0x8: {  	s30 =	smul.u32 $0x50000, s0;
	s6 =	sor.u32 s0, s1;
	s1 =	rddreg [dreg:$0x2]  }
0x9: {  	_ =	strace $0x80000053;
	s29 =	sshrl.u32 s5, $0x1;
	s7 =	smul.u32 $0x280, s6  }
0xa: {  	s28 =	sshrl.u32 s8, $0x3;
	s8 =	sadd.s32 s8, s9;
	s16 =	ssub.s32 s5, s29  }
0xb: {  	p0 =	seq.s32 s6, $0x1F;
	s5 =	simm.s32 $0xA;
	s31 =	sshrl.u32 s30, $0x2  }
0xc: {  	s6 =	sshll.u32 s0, $0x6;
	s8 =	sshrl.u32 s8, $0x3;
	s5 =	simm.s32 @!p0 $0x28  }
0xd: {  	s17 =	sadd.s32 s31, s2;
	s16 =	smax.u32 s16, $0x1;
	s10 =	sadd.s32 s7, s14  }
0xe: {  	s7 =	sadd.s32 s28, s14;
	s15 =	sadd.s32 s8, s14;
	s8 =	sor.u32 $0x1C05, s6  }
0xf: {  	s14 =	sadd.s32 $0xDA00, s14;
	s17 =	sshrl.u32 s17, $0x3;
	s7 =	sadd.s32 $0x35C00, s7  }
0x10: {  	s9 =	sadd.s32 $0x3C00, s10;
	s10 =	sadd.s32 $0x8C00, s10;
	s15 =	sadd.s32 $0x5DC00, s15  }
.LBB2_1:
0x11: {  	[spmem:s17], [sflag:s8] =	dma.local [hbm:s7], $0x2800  }
0x12: {  	s21 =	simm.s32 @p0 $0x0  }
0x13: {  	[tilespmem:s21], [sflag:$0x3] =	stream.linear.gather @p0 [hbm4b:s11+s21], $0x400, $0x38;
	[tilespmem:$0x1E800] =	vst v63  }
0x14: {  	s22 =	simm.s32 @p0 $0x400  }
0x15: {  	[tilespmem:s22], [sflag:$0x3] =	stream.linear.gather @p0 [hbm4b:s12+s21], $0x100, $0x38;
	[tilespmem:$0x1E800] =	vst v63  }
0x16: {  	s22 =	simm.s32 @p0 $0x1400  }
0x17: {  	[tilespmem:s22], [sflag:$0x4] =	stream.linear.gather @p0 [hbm4b:s13+s21], $0x400, $0x38;
	[tilespmem:$0x1E800] =	vst v63  }
0x18: {  	s22 =	simm.s32 @p0 $0x1800  }
0x19: {  	[tilespmem:s22], [sflag:$0x4] =	stream.linear.gather @p0 [hbm4b:s14+s21], $0x100, $0x38;
	[tilespmem:$0x1E800] =	vst v63  }
0x1a: {  	s22 =	simm.s32 @p0 $0x3  }
0x1b: {  	_ =	swait.ge @p0 [sflag:s22], $0x400  }
0x1c: {  	[sflag:s22] =	ssyncset.done @p0 $0x0  }
0x1d: {  	[sflag:s22] =	ssyncadd.s32 @p0 $0xFFFFFC00  }
0x1e: {  	_ =	swait.ge @p0 [sflag:s22], $0x100  }
0x1f: {  	[sflag:s22] =	ssyncset.done @p0 $0x0  }
0x20: {  	s23 =	simm.s32 @p0 $0x2800;
	[sflag:s22] =	ssyncadd.s32 @p0 $0xFFFFFF00;
	s22 =	simm.s32 @p0 $0x80  }
0x21: {  	[tilespmem:s23], [sflag:$0x1] =	stream.indirect.gather @p0 [hbm4b:s4+s22], $0x80, s21, s22, $0xb8;
	[tilespmem:$0x1E800] =	vst v63  }
0x22: {  	s21 =	simm.s32 @p0 $0x4  }
0x23: {  	_ =	swait.ge @p0 [sflag:s21], $0x400  }
0x24: {  	[sflag:s21] =	ssyncset.done @p0 $0x0  }
0x25: {  	[sflag:s21] =	ssyncadd.s32 @p0 $0xFFFFFC00  }
0x26: {  	_ =	swait.ge @p0 [sflag:s21], $0x100  }
0x27: {  	[sflag:s21] =	ssyncset.done @p0 $0x0  }
0x28: {  	[sflag:s21] =	ssyncadd.s32 @p0 $0xFFFFFF00;
	s21 =	simm.s32 @!p0 $0x0  }
0x29: {  	[tilespmem:s21], [sflag:$0x3] =	stream.linear.gather @!p0 [hbm4b:s9+s21], $0x1400, $0x38;
	[tilespmem:$0x1E800] =	vst v63  }
0x2a: {  	s22 =	simm.s32 @!p0 $0x1400  }
0x2b: {  	[tilespmem:s22], [sflag:$0x4] =	stream.linear.gather @!p0 [hbm4b:s10+s21], $0x1400, $0x38;
	[tilespmem:$0x1E800] =	vst v63  }
0x2c: {  	s22 =	simm.s32 @!p0 $0x3  }
0x2d: {  	_ =	swait.ge @!p0 [sflag:s22], $0x1400  }
0x2e: {  	[sflag:s22] =	ssyncset.done @!p0 $0x0  }
0x2f: {  	s23 =	simm.s32 @!p0 $0x2800;
	[sflag:s22] =	ssyncadd.s32 @!p0 $0xFFFFEC00;
	s22 =	simm.s32 @!p0 $0x80  }
0x30: {  	[tilespmem:s23], [sflag:$0x1] =	stream.indirect.gather @!p0 [hbm4b:s4+s22], $0x80, s21, s22, $0xb8;
	[tilespmem:$0x1E800] =	vst v63  }
0x31: {  	s21 =	simm.s32 @!p0 $0x4  }
0x32: {  	_ =	swait.ge @!p0 [sflag:s21], $0x1400  }
0x33: {  	[sflag:s21] =	ssyncset.done @!p0 $0x0  }
0x34: {  	p2 =	sne.s32 s5, $0x2;
	[sflag:s21] =	ssyncadd.s32 @!p0 $0xFFFFEC00  }
.Ltmp0:
0x35: {  	_ =	swait.ge [sflag:s18], $0x2800;
	(pc) =	sbr.rel @!p2 .LBB2_2-.Ltmp0, $4  }
0x36: {  	[sflag:s18] =	ssyncset.done $0x0  }
0x37: {  	[sflag:s18] =	ssyncadd.s32 $0xFFFFD800  }
0x38: {  	s24 =	simm.s32 $0x1;
	p1 =	por $0x0, $0x0;
	[bflag:$0x0] =	sbarrier.arrive $0xFFFF  }
0x39: {  	s25 =	sand.u32 $0x1, s24;
	s23 =	simm.s32 $0x1400;
	s21 =	simm.s32 $0x2  }
0x3a: {  	s22 =	simm.s32 $0x0  }
0x3b: {  	s24 =	sshll.u32 s25, $0xE;
	s31 =	sadd.s32 $0x1, s25;
	s22 =	sand.u32 $0x1, s22  }
0x3c: {  	p2 =	sne.s32 s5, $0x3;
	s24 =	sor.u32 $0x2800, s24;
	s26 =	sadd.s32 $0x1, s22  }
0x3d: {  	[tilespmem:s24], [sflag:s31] =	stream.indirect.gather [hbm4b:s4+s19], $0x80, s19, s19, $0xb8;
	[tilespmem:$0x1E800] =	vst v63  }
.Ltmp1:
0x3e: {  	s25 =	sand.u32 $0x1, s21;
	_ =	swait.ge [sflag:s26], $0x4000;
	(pc) =	sbr.rel @!p2 .LBB2_4-.Ltmp1, $4  }
0x3f: {  	p1 =	por $0x1, $0x1;
	s22 =	sshll.u32 s22, $0xE;
	[sflag:s26] =	ssyncset.done $0x0  }
0x40: {  	s24 =	simm.s32 $0x3;
	s22 =	sor.u32 $0x2800, s22;
	[sflag:s26] =	ssyncadd.s32 $0xFFFFC000  }
0x41: {  	[spmem:s2] =	stream.indirect.scatter.add.f32 [tilespmem:s22], [sflag:$0x6], $0x80, s23, s19, $0xb8;
	[tilespmem:$0x1E800] =	vst v63  }
0x42: {  	s23 =	simm.s32 $0x1480;
	s22 =	simm.s32 $0x100;
	_ =	swait.ge [sflag:s20], $0x4000  }
.LBB2_5:
0x43: {  	s26 =	sadd.s32 $0xFFFFFFFF, s21  }
0x44: {  	s28 =	sshll.u32 s25, $0xE;
	[sflag:s20] =	ssyncset.done $0x0;
	s21 =	smov.u32 s24  }
0x45: {  	s29 =	smov.u32 s23;
	s25 =	sadd.s32 $0x1, s25;
	s24 =	sadd.s32 $0x1, s24  }
0x46: {  	s26 =	sand.u32 $0x1, s26;
	s28 =	sor.u32 $0x2800, s28;
	p2 =	sne.s32 s5, s24  }
0x47: {  	s30 =	sshll.u32 s26, $0xE;
	s26 =	sadd.s32 $0x1, s26;
	[sflag:s20] =	ssyncadd.s32 $0xFFFFC000  }
0x48: {  	[tilespmem:s28], [sflag:s25] =	stream.indirect.gather [hbm4b:s4+s19], $0x80, s22, s19, $0xb8;
	[tilespmem:$0x1E800] =	vst v63  }
.Ltmp2:
0x49: {  	_ =	swait.ge [sflag:s26], $0x4000;
	(pc) =	sbr.rel @p2 .LBB2_5-.Ltmp2, $4  }
0x4a: {  	s25 =	sor.u32 $0x2800, s30;
	[sflag:s26] =	ssyncset.done $0x0  }
0x4b: {  	s23 =	sadd.s32 $0x80, s23;
	[sflag:s26] =	ssyncadd.s32 $0xFFFFC000  }
0x4c: {  	[spmem:s2] =	stream.indirect.scatter.add.f32 [tilespmem:s25], [sflag:$0x6], $0x80, s29, s19, $0xb8;
	[tilespmem:$0x1E800] =	vst v63  }
0x4d: {  	s22 =	sadd.s32 $0x80, s22;
	s25 =	sand.u32 $0x1, s21;
	_ =	swait.ge [sflag:s20], $0x4000  }
0x4e: {  	s24 =	smov.u32 s21  }
.LBB2_7:
0x4f: {  	s21 =	sadd.s32 $0xFFFFFFFF, s24;
	s28 =	sshll.u32 s25, $0xE  }
0x50: {  	[sflag:s20] =	ssyncset.done @p1 $0x0;
	s29 =	sadd.s32 $0x1, s25;
	s21 =	sand.u32 $0x1, s21  }
0x51: {  	s24 =	sor.u32 $0x2800, s28;
	[sflag:s20] =	ssyncadd.s32 @p1 $0xFFFFC000;
	s26 =	sadd.s32 $0x1, s21  }
0x52: {  	[tilespmem:s24], [sflag:s29] =	stream.indirect.gather [hbm4b:s4+s19], $0x80, s22, s19, $0xb8;
	[tilespmem:$0x1E800] =	vst v63  }
0x53: {  	_ =	swait.ge [sflag:s26], $0x4000  }
0x54: {  	s21 =	sshll.u32 s21, $0xE;
	[sflag:s26] =	ssyncset.done $0x0  }
0x55: {  	s21 =	sor.u32 $0x2800, s21;
	[sflag:s26] =	ssyncadd.s32 $0xFFFFC000  }
0x56: {  	[spmem:s2] =	stream.indirect.scatter.add.f32 [tilespmem:s21], [sflag:$0x6], $0x80, s23, s19, $0xb8;
	[tilespmem:$0x1E800] =	vst v63  }
0x57: {  	_ =	swait.ge [sflag:s20], $0x4000  }
0x58: {  	[sflag:s20] =	ssyncset.done $0x0  }
0x59: {  	[sflag:s20] =	ssyncadd.s32 $0xFFFFC000  }
0x5a: {  	_ =	swait.ge [sflag:s29], $0x4000  }
0x5b: {  	[sflag:s29] =	ssyncset.done $0x0  }
0x5c: {  	s30 =	sadd.s32 $0x80, s23;
	[sflag:s29] =	ssyncadd.s32 $0xFFFFC000  }
0x5d: {  	[spmem:s2] =	stream.indirect.scatter.add.f32 [tilespmem:s24], [sflag:$0x6], $0x80, s30, s19, $0xb8;
	[tilespmem:$0x1E800] =	vst v63  }
0x5e: {  	_ =	swait.ge [sflag:s20], $0x4000  }
0x5f: {  	[sflag:s20] =	ssyncset.done $0x0  }
0x60: {  	s3 =	sadd.s32 $0x1, s3;
	[sflag:s20] =	ssyncadd.s32 $0xFFFFC000  }
0x61: {  	s31 =	sor.u32 $0x1C06, s6;
	p1 =	sne.s32 s3, s16;
	[bflag:$0x0] =	sbarrier.arrive $0xFFFF  }
0x62: {  	[hbm:s15], [sflag:s31] =	dma.local [spmem:s17], $0x2800  }
.Ltmp3:
0x63: {  	_ = 	snop;
	(pc) =	sbr.rel @p1 .LBB2_1-.Ltmp3, $4  }
.Ltmp4:
0x64: {  	_ = 	snop;
	(pc) =	sbr.rel @!p1 .LBB2_8-.Ltmp4, $4  }
0x65: {  	_ =	swait.ge [sflag:s20], $0x2800  }
0x66: {  	[sflag:s20] =	ssyncset.done $0x0  }
0x67: {  	[sflag:s20] =	ssyncadd.s32 $0xFFFFD800  }
0x68: {  	_ = 	snop  }
.LBB2_2:
.Ltmp5:
0x69: {  	(pc) =	sbr.rel .LBB2_7-.Ltmp5, $2  }
0x6a: {  	_ =	sdelay $0x2  }
0x6b: {  	s22 =	simm.s32 $0x80  }
.LBB2_4:
.Ltmp6:
0x6c: {  	(pc) =	sbr.rel .LBB2_7-.Ltmp6, $2  }
0x6d: {  	_ =	sdelay $0x2  }
0x6e: {  	s24 =	simm.s32 $0x2;
	s23 =	simm.s32 $0x1480  }
.LBB2_8:
0x6f: {  	_ =	sfence.sel $0x180000  }
0x70: {  	[bflag:$0x0] =	sbarrier.arrive $0xFFFF  }
0x71: {  	p0 =	sne.s32 s0, $0x0;
	_ =	strace $0x90000053  }
0x72: {  	s0 =	sadd.s32 @!p0 $0x100000, s1;
	[bflag:$0x2] =	sbarrier.arrive $0xFFFF  }
0x73: {  	[sflag:s0] =	ssyncadd.tile.s32 @!p0 $0x1;
	_ =	shalt  }
.Lfunc_end2:
_tile_overlayer_lowered:
.L_overlay_start_2:
0x74: {  	(tag) =	ssettag $0x2  }
0x75: {  	s0 =	rddreg [dreg:$0x0];
	s2 =	stileid.u32  }
0x76: {  	s1 =	rddreg [dreg:$0x1];
	p0 =	sne.s32 s2, $0x0  }
0x77: {  	s3 =	rddreg [dreg:$0x2];
	[bflag:$0x3] =	sbarrier.arrive $0xFFFF;
	s2 =	simm.s32 @!p0 $0x1C06  }
0x78: {  	[timem:s3], [sflag:s2] =	dma.local @!p0 [hbm:s0], s1  }
0x79: {  	s0 =	simm.s32 @!p0 $0x6  }
0x7a: {  	_ =	swait.ge @!p0 [sflag:s0], s1  }
0x7b: {  	s1 =	ssub.s32 @!p0 $0x0, s1;
	[sflag:s0] =	ssyncset.done @!p0 $0x0  }
0x7c: {  	[sflag:s0] =	ssyncadd.s32 @!p0 s1  }
0x7d: {  	[bflag:$0x3] =	sbarrier.arrive $0xFFFF  }
0x7e: {  	_ =	shalt  }

// kernel: kernel.30.cloned.1.call-start
scs
__scs_entry_jumppad:
0x0: {  	(pc) =	sbr.rel $0x88, $3  }
0x1: {  	(tag) =	ssettag $0x0;
	lr =	simm.s32 $0x1  }
0x2: {  	[smem:$0x3F95] =	sst lr;
	_ =	strace $0xD0000000  }
0x3: {  	_ = 	snop  }
0x4: {  	_ = 	snop  }
0x5: {  	_ = 	snop  }
0x6: {  	_ = 	snop  }
0x7: {  	_ = 	snop  }
__scs_overlays_trampoline_lowered:
0x8: {  	[smem:$0x3FA4] =	sst s0  }
0x9: {  	[smem:$0x3FA5] =	sst s1  }
0xa: {  	[smem:$0x3FA6] =	sst s2  }
0xb: {  	[smem:$0x3FA7] =	sst s3  }
0xc: {  	[smem:$0x3FA8] =	sst s4  }
0xd: {  	[smem:$0x3FA9] =	sst s5  }
0xe: {  	[smem:$0x3FAA] =	sst s6  }
0xf: {  	[smem:$0x3FAB] =	sst s7  }
0x10: {  	[smem:$0x3FAC] =	sst s8  }
0x11: {  	[smem:$0x3FAD] =	sst s9;
	s0 =	simm.s32 @!p0 $0x0  }
0x12: {  	s1 =	sld [smem:$0x3F93];
	s0 =	simm.s32 @p0 $0x1  }
0x13: {  	[smem:$0x3FAE] =	sst s0;
	s0 =	simm.s32 @!p1 $0x0  }
0x14: {  	s2 =	sld [smem:$0x3F92];
	s0 =	simm.s32 @p1 $0x1  }
0x15: {  	[smem:$0x3FAF] =	sst s0;
	s0 =	simm.s32 @!p2 $0x0  }
0x16: {  	s3 =	sld [smem:$0x3FDB];
	s0 =	simm.s32 @p2 $0x1  }
0x17: {  	s4 =	simm.s32 $0x1BF5;
	[smem:$0x3FB1] =	sst s0  }
0x18: {  	s0 =	sld [smem:$0x3F94];
	_ =	swait.ge [sflag:s4], $0x0  }
0x19: {  	s7 =	sld [smem:$0x3F95]  }
0x1a: {  	s8 =	sadd.s32 $0xFFFFE003, lr  }
0x1b: {  	s9 =	sadd.s32 $0xFFFFFEF7, lr;
	s5 =	simm.s32 $0xFFFFFFFF;
	p2 =	slt.u32 s8, $0xFFFFF086  }
0x1c: {  	p1 =	slt.u32 s9, $0xF7A;
	s5 =	simm.s32 @!p2 $0x0  }
0x1d: {  	s5 =	simm.s32 @p1 $0x1;
	p0 =	seq.s32 s7, s2  }
0x1e: {  	s7 =	smul.u32 @!p0 $0xF7A, s2;
	p2 =	seq.s32 @!p0 s5, $0x0  }
0x1f: {  	s9 =	smul.u32 $0xF7A, s1;
	s8 =	simm.s32 @!p0 $0x1BF5;
	p2 =	por !p2, p0  }
0x20: {  	[sflag:s8] =	ssyncset.s32 @!p0 $0xFFFFF086;
	s6 =	sadd.s32 @!p0 s3, s7;
	s7 =	simm.s32 @!p0 $0x108  }
0x21: {  	s3 =	sadd.s32 s3, s9;
	s6 =	sadd.s32 @!p0 $0x88, s6;
	s7 =	simm.s32 @p2 $0x1082  }
0x22: {  	[simem:s7], [sflag:s8] =	dma.local @!p0 [hbm:s6], $0xF7A  }
0x23: {  	s9 =	sor.u32 $0xD0000000, s2;
	s6 =	simm.s32 $0x108;
	_ =	swait.ge @!p0 [sflag:s8], $0x0  }
0x24: {  	s3 =	sadd.s32 $0x88, s3;
	s6 =	simm.s32 @!p1 $0x1082;
	[sflag:s4] =	ssyncset.s32 $0xFFFFF086  }
0x25: {  	[simem:s6], [sflag:s4] =	dma.local [hbm:s3], $0xF7A  }
0x26: {  	[smem:$0x3F95] =	sst s1;
	(tag) =	ssettag s2;
	_ =	strace s9  }
0x27: {  	s1 =	sld [smem:$0x3FA5]  }
0x28: {  	s2 =	sld [smem:$0x3FA6]  }
0x29: {  	s4 =	sld [smem:$0x3FA8]  }
0x2a: {  	p0 =	seq.s32 s5, $0x0;
	s5 =	sld [smem:$0x3FA9]  }
0x2b: {  	s6 =	sld [smem:$0x3FAA]  }
0x2c: {  	s7 =	sld [smem:$0x3FAB]  }
0x2d: {  	s3 =	simm.s32 $0x108;
	s8 =	sld [smem:$0x3FAC]  }
0x2e: {  	s3 =	simm.s32 @!p0 $0x1082;
	s9 =	sld [smem:$0x3FAD]  }
0x2f: {  	lr =	sadd.s32 s0, s3;
	s0 =	sld [smem:$0x3FA4]  }
0x30: {  	s3 =	sld [smem:$0x3FA7]  }
0x31: {  	[smem:$0x3FB0] =	sst s10  }
0x32: {  	s10 =	sld [smem:$0x3FAE];
	_ =	sdelay $0x3  }
0x33: {  	p0 =	seq.s32 s10, $0x1;
	s10 =	sld [smem:$0x3FB0];
	_ =	sdelay $0x3  }
0x34: {  	[smem:$0x3FB0] =	sst s10  }
0x35: {  	s10 =	sld [smem:$0x3FAF];
	_ =	sdelay $0x3  }
0x36: {  	p1 =	seq.s32 s10, $0x1;
	s10 =	sld [smem:$0x3FB0];
	_ =	sdelay $0x3  }
0x37: {  	[smem:$0x3FB0] =	sst s10  }
0x38: {  	s10 =	sld [smem:$0x3FB1]  }
0x39: {  	_ = 	snop;
	(pc) =	sbr.ind lr, $3  }
0x3a: {  	_ = 	snop  }
0x3b: {  	_ = 	snop  }
0x3c: {  	p2 =	seq.s32 s10, $0x1;
	s10 =	sld [smem:$0x3FB0]  }
0x3d: {  	_ =	shalt  }
0x3e: {  	_ =	shalt  }
0x3f: {  	_ =	shalt  }
0x40: {  	_ =	shalt  }
0x41: {  	_ =	shalt  }
0x42: {  	_ =	shalt  }
0x43: {  	_ =	shalt  }
0x44: {  	_ =	shalt  }
0x45: {  	_ =	shalt  }
0x46: {  	_ =	shalt  }
0x47: {  	_ =	shalt  }
0x48: {  	_ =	shalt  }
0x49: {  	_ =	shalt  }
0x4a: {  	_ =	shalt  }
0x4b: {  	_ =	shalt  }
0x4c: {  	_ =	shalt  }
0x4d: {  	_ =	shalt  }
0x4e: {  	_ =	shalt  }
0x4f: {  	_ =	shalt  }
0x50: {  	_ =	shalt  }
0x51: {  	_ =	shalt  }
0x52: {  	_ =	shalt  }
0x53: {  	_ =	shalt  }
0x54: {  	_ =	shalt  }
0x55: {  	_ =	shalt  }
0x56: {  	_ =	shalt  }
0x57: {  	_ =	shalt  }
0x58: {  	_ =	shalt  }
0x59: {  	_ =	shalt  }
0x5a: {  	_ =	shalt  }
0x5b: {  	_ =	shalt  }
0x5c: {  	_ =	shalt  }
0x5d: {  	_ =	shalt  }
0x5e: {  	_ =	shalt  }
0x5f: {  	_ =	shalt  }
0x60: {  	_ =	shalt  }
0x61: {  	_ =	shalt  }
0x62: {  	_ =	shalt  }
0x63: {  	_ =	shalt  }
0x64: {  	_ =	shalt  }
0x65: {  	_ =	shalt  }
0x66: {  	_ =	shalt  }
0x67: {  	_ =	shalt  }
0x68: {  	_ =	shalt  }
0x69: {  	_ =	shalt  }
0x6a: {  	_ =	shalt  }
0x6b: {  	_ =	shalt  }
0x6c: {  	_ =	shalt  }
0x6d: {  	_ =	shalt  }
0x6e: {  	_ =	shalt  }
0x6f: {  	_ =	shalt  }
0x70: {  	_ =	shalt  }
0x71: {  	_ =	shalt  }
0x72: {  	_ =	shalt  }
0x73: {  	_ =	shalt  }
0x74: {  	_ =	shalt  }
0x75: {  	_ =	shalt  }
0x76: {  	_ =	shalt  }
0x77: {  	_ =	shalt  }
0x78: {  	_ =	shalt  }
0x79: {  	_ =	shalt  }
0x7a: {  	_ =	shalt  }
0x7b: {  	_ =	shalt  }
0x7c: {  	_ =	shalt  }
0x7d: {  	_ =	shalt  }
0x7e: {  	_ =	shalt  }
0x7f: {  	_ =	shalt  }
0x80: {  	_ =	shalt  }
0x81: {  	_ =	shalt  }
0x82: {  	_ =	shalt  }
0x83: {  	_ =	shalt  }
0x84: {  	_ =	shalt  }
0x85: {  	_ =	shalt  }
0x86: {  	_ =	shalt  }
0x87: {  	_ =	shalt  }
.Lfunc_end0:
.L_simem_size_0:
called_computation.5_lowered:
.L_overlay_start_0:
0x88: {  	s2 =	sld [smem:$0x3FD9]  }
0x89: {  	s3 =	sld [smem:$0x3FFE];
	_ =	sdelay $0x1  }
0x8a: {  	s1 =	srdreg.scid  }
0x8b: {  	s0 =	sand.u32 $0x1, s1  }
0x8c: {  	s16 =	sshll.u32 s0, $0xA;
	s2 =	sadd.s32 s3, s2  }
0x8d: {  	s2 =	sadd.s32 s2, s16  }
0x8e: {  	[smem:$0x3FBC] =	sst s2  }
0x8f: {  	_ = 	snop  }
0x90: {  	(tm) =	ssettm $0x1  }
0x91: {  	s17 =	sld [smem:$0x3FFB];
	_ =	sdelay $0x3  }
0x92: {  	_ =	strace s17  }
0x93: {  	s2 =	sld [smem:$0x3FFC];
	_ =	sdelay $0x3  }
0x94: {  	_ =	strace s2  }
0x95: {  	s2 =	sld [smem:$0x3FFD];
	_ =	sdelay $0x3  }
0x96: {  	_ =	strace s2  }
0x97: {  	_ =	strace $0x8FFFFFFF  }
0x98: {  	s18 =	sld [smem:$0x3FDB];
	_ =	sdelay $0x1  }
0x99: {  	s19 =	simm.s32 $_scs_section_size  }
0x9a: {  	s4 =	simm.s32 $_size__tile_overlayer_lowered;
	s5 =	simm.s32 $_tile_overlayer_lowered  }
0x9b: {  	s22 =	simm.s32 $0x1BFF;
	s21 =	sshll.u32 s5, $0x1;
	s2 =	sadd.s32 s19, s18  }
0x9c: {  	s6 =	simm.s32 $0x0;
	s20 =	sshll.u32 s4, $0x1;
	s4 =	sadd.s32 s21, s2  }
0x9d: {  	[timem:s6], [sflag:s22] =	dma.local [hbm:s4], s20  }
0x9e: {  	_ =	swait.ge [sflag:s22], s20  }
0x9f: {  	s3 =	ssub.s32 $0x0, s20;
	[sflag:s22] =	ssyncset.done $0x0  }
0xa0: {  	[sflag:s22] =	ssyncadd.s32 s3;
	_ =	sdelay $0x1  }
0xa1: {  	s23 =	simm.s32 $0x1B8B  }
0xa2: {  	_ =	swait.ge [sflag:s23], $0x1  }
0xa3: {  	[sflag:s23] =	ssyncset.done $0x0  }
0xa4: {  	s25 =	simm.s32 $0x1B8E;
	s24 =	sld [smem:$0x3FFE];
	[sflag:s23] =	ssyncadd.s32 $0xFFFFFFFF  }
0xa5: {  	s26 =	simm.s32 $execute0_lowered;
	[smem:$0x3FD2] =	sst s25  }
0xa6: {  	s4 =	sshll.u32 s26, $0x1;
	_ =	strace $0x80000055;
	[dreg:$0x1] =	wrdreg $0xFFFFFFFF  }
0xa7: {  	s28 =	simm.s32 $_size_execute0_lowered;
	s2 =	sadd.s32 s2, s4;
	[dreg:$0x0] =	wrdreg $0x0  }
0xa8: {  	s4 =	sshll.u32 s28, $0x1;
	[dreg:$0x2] =	wrdreg s2  }
0xa9: {  	[dreg:$0x3] =	wrdreg s4  }
0xaa: {  	[dreg:$0x4] =	wrdreg $0xC0  }
0xab: {  	_ =	task [dreg:s6], $0x5FFFF  }
0xac: {  	[dreg:$0x1] =	wrdreg $0xFFFFFFFF  }
0xad: {  	[dreg:$0x0] =	wrdreg $0x60  }
0xae: {  	[dreg:$0x2] =	wrdreg s24  }
0xaf: {  	[dreg:$0x3] =	wrdreg $0xA8000  }
0xb0: {  	[dreg:$0x4] =	wrdreg $0x9  }
0xb1: {  	_ =	task.clear_ibuf [dreg:s6], $0x5FFFF;
	_ =	strace $0x90000055  }
0xb2: {  	s29 =	simm.s32 $0x9;
	_ =	strace $0x80000057  }
0xb3: {  	_ =	swait.ge [sflag:s29], $0x1  }
0xb4: {  	[sflag:s29] =	ssyncadd.s32 $0xFFFFFFFF  }
0xb5: {  	_ =	strace $0x90000057  }
0xb6: {  	_ =	sfence  }
0xb7: {  	s30 =	sld [smem:$0x0];
	_ =	sdelay $0x2  }
0xb8: {  	s31 =	sshll.u32 s1, $0xD;
	s1 =	sshrl.u32 s1, $0x2  }
0xb9: {  	s3 =	sand.u32 $0x4000, s31;
	s1 =	sadd.s32 s1, s30  }
0xba: {  	s0 =	sor.u32 s3, s0;
	s1 =	sshll.u32 s1, $0x11  }
0xbb: {  	s0 =	sor.u32 s1, s0  }
0xbc: {  	s0 =	sadd.s32 $0x8F2B, s0  }
0xbd: {  	[sflag:s0] =	ssyncadd.remote.s32 $0x1  }
0xbe: {  	_ =	sfence.sel $0xFFFF  }
0xbf: {  	[dreg:$0x0] =	wrdreg $0xFFFFFFFF;
	(pc) =	sbr.abs _section_cstart, $3  }
0xc0: {  	[dreg:$0x1] =	wrdreg $0xFFFFFFFF  }
0xc1: {  	_ =	task.clear_ibuf [dreg:s6], $0x2FFFF;
	_ =	strace $0x9FFFFFFF  }
0xc2: {  	(tm) =	ssettm $0x7FFFFFFF  }
0xc3: {  	_ =	shalt  }
tec
execute0_lowered:
.L_overlay_start_1:
0x0: {  	(tag) =	ssettag $0x1  }
0x1: {  	s14 =	rddreg [dreg:$0x0]  }
0x2: {  	s0 =	srdreg.scid;
	s2 =	rddreg [dreg:$0x1]  }
0x3: {  	s3 =	simm.s32 $0x0;
	s18 =	simm.s32 $0x5;
	s19 =	simm.s32 $0x80  }
0x4: {  	s20 =	simm.s32 $0x6;
	s5 =	sand.u32 $0x1, s0;
	s0 =	stileid.u32  }
0x5: {  	[smem:$0x7FF] =	sst s3;
	s4 =	sadd.s32 $0xDC00, s14;
	s11 =	sadd.s32 $0x8980, s14  }
0x6: {  	s12 =	sadd.s32 $0x8A00, s14;
	s13 =	sadd.s32 $0xD980, s14;
	s8 =	smul.u32 $0x14000, s0  }
0x7: {  	s1 =	sshll.u32 s5, $0x4;
	s9 =	smul.u32 $0x140000, s5;
	s5 =	ssub.s32 $0x2, s5  }
0x8: {  	s30 =	smul.u32 $0x50000, s0;
	s6 =	sor.u32 s0, s1;
	s1 =	rddreg [dreg:$0x2]  }
0x9: {  	_ =	strace $0x80000056;
	s29 =	sshrl.u32 s5, $0x1;
	s7 =	smul.u32 $0x280, s6  }
0xa: {  	s28 =	sshrl.u32 s8, $0x3;
	s8 =	sadd.s32 s8, s9;
	s16 =	ssub.s32 s5, s29  }
0xb: {  	p0 =	seq.s32 s6, $0x1F;
	s5 =	simm.s32 $0xA;
	s31 =	sshrl.u32 s30, $0x2  }
0xc: {  	s6 =	sshll.u32 s0, $0x6;
	s8 =	sshrl.u32 s8, $0x3;
	s5 =	simm.s32 @!p0 $0x28  }
0xd: {  	s17 =	sadd.s32 s31, s2;
	s16 =	smax.u32 s16, $0x1;
	s10 =	sadd.s32 s7, s14  }
0xe: {  	s7 =	sadd.s32 s28, s14;
	s15 =	sadd.s32 s8, s14;
	s8 =	sor.u32 $0x1C05, s6  }
0xf: {  	s14 =	sadd.s32 $0xDA00, s14;
	s17 =	sshrl.u32 s17, $0x3;
	s7 =	sadd.s32 $0x35C00, s7  }
0x10: {  	s9 =	sadd.s32 $0x3C00, s10;
	s10 =	sadd.s32 $0x8C00, s10;
	s15 =	sadd.s32 $0x5DC00, s15  }
.LBB2_1:
0x11: {  	[spmem:s17], [sflag:s8] =	dma.local [hbm:s7], $0x2800  }
0x12: {  	s21 =	simm.s32 @p0 $0x0  }
0x13: {  	[tilespmem:s21], [sflag:$0x3] =	stream.linear.gather @p0 [hbm4b:s11+s21], $0x400, $0x38;
	[tilespmem:$0x1E800] =	vst v63  }
0x14: {  	s22 =	simm.s32 @p0 $0x400  }
0x15: {  	[tilespmem:s22], [sflag:$0x3] =	stream.linear.gather @p0 [hbm4b:s12+s21], $0x100, $0x38;
	[tilespmem:$0x1E800] =	vst v63  }
0x16: {  	s22 =	simm.s32 @p0 $0x1400  }
0x17: {  	[tilespmem:s22], [sflag:$0x4] =	stream.linear.gather @p0 [hbm4b:s13+s21], $0x400, $0x38;
	[tilespmem:$0x1E800] =	vst v63  }
0x18: {  	s22 =	simm.s32 @p0 $0x1800  }
0x19: {  	[tilespmem:s22], [sflag:$0x4] =	stream.linear.gather @p0 [hbm4b:s14+s21], $0x100, $0x38;
	[tilespmem:$0x1E800] =	vst v63  }
0x1a: {  	s22 =	simm.s32 @p0 $0x3  }
0x1b: {  	_ =	swait.ge @p0 [sflag:s22], $0x400  }
0x1c: {  	[sflag:s22] =	ssyncset.done @p0 $0x0  }
0x1d: {  	[sflag:s22] =	ssyncadd.s32 @p0 $0xFFFFFC00  }
0x1e: {  	_ =	swait.ge @p0 [sflag:s22], $0x100  }
0x1f: {  	[sflag:s22] =	ssyncset.done @p0 $0x0  }
0x20: {  	s23 =	simm.s32 @p0 $0x2800;
	[sflag:s22] =	ssyncadd.s32 @p0 $0xFFFFFF00;
	s22 =	simm.s32 @p0 $0x80  }
0x21: {  	[tilespmem:s23], [sflag:$0x1] =	stream.indirect.gather @p0 [hbm4b:s4+s22], $0x80, s21, s22, $0xb8;
	[tilespmem:$0x1E800] =	vst v63  }
0x22: {  	s21 =	simm.s32 @p0 $0x4  }
0x23: {  	_ =	swait.ge @p0 [sflag:s21], $0x400  }
0x24: {  	[sflag:s21] =	ssyncset.done @p0 $0x0  }
0x25: {  	[sflag:s21] =	ssyncadd.s32 @p0 $0xFFFFFC00  }
0x26: {  	_ =	swait.ge @p0 [sflag:s21], $0x100  }
0x27: {  	[sflag:s21] =	ssyncset.done @p0 $0x0  }
0x28: {  	[sflag:s21] =	ssyncadd.s32 @p0 $0xFFFFFF00;
	s21 =	simm.s32 @!p0 $0x0  }
0x29: {  	[tilespmem:s21], [sflag:$0x3] =	stream.linear.gather @!p0 [hbm4b:s9+s21], $0x1400, $0x38;
	[tilespmem:$0x1E800] =	vst v63  }
0x2a: {  	s22 =	simm.s32 @!p0 $0x1400  }
0x2b: {  	[tilespmem:s22], [sflag:$0x4] =	stream.linear.gather @!p0 [hbm4b:s10+s21], $0x1400, $0x38;
	[tilespmem:$0x1E800] =	vst v63  }
0x2c: {  	s22 =	simm.s32 @!p0 $0x3  }
0x2d: {  	_ =	swait.ge @!p0 [sflag:s22], $0x1400  }
0x2e: {  	[sflag:s22] =	ssyncset.done @!p0 $0x0  }
0x2f: {  	s23 =	simm.s32 @!p0 $0x2800;
	[sflag:s22] =	ssyncadd.s32 @!p0 $0xFFFFEC00;
	s22 =	simm.s32 @!p0 $0x80  }
0x30: {  	[tilespmem:s23], [sflag:$0x1] =	stream.indirect.gather @!p0 [hbm4b:s4+s22], $0x80, s21, s22, $0xb8;
	[tilespmem:$0x1E800] =	vst v63  }
0x31: {  	s21 =	simm.s32 @!p0 $0x4  }
0x32: {  	_ =	swait.ge @!p0 [sflag:s21], $0x1400  }
0x33: {  	[sflag:s21] =	ssyncset.done @!p0 $0x0  }
0x34: {  	p2 =	sne.s32 s5, $0x2;
	[sflag:s21] =	ssyncadd.s32 @!p0 $0xFFFFEC00  }
.Ltmp0:
0x35: {  	_ =	swait.ge [sflag:s18], $0x2800;
	(pc) =	sbr.rel @!p2 .LBB2_2-.Ltmp0, $4  }
0x36: {  	[sflag:s18] =	ssyncset.done $0x0  }
0x37: {  	[sflag:s18] =	ssyncadd.s32 $0xFFFFD800  }
0x38: {  	s24 =	simm.s32 $0x1;
	p1 =	por $0x0, $0x0;
	[bflag:$0x0] =	sbarrier.arrive $0xFFFF  }
0x39: {  	s25 =	sand.u32 $0x1, s24;
	s23 =	simm.s32 $0x1400;
	s21 =	simm.s32 $0x2  }
0x3a: {  	s22 =	simm.s32 $0x0  }
0x3b: {  	s24 =	sshll.u32 s25, $0xE;
	s31 =	sadd.s32 $0x1, s25;
	s22 =	sand.u32 $0x1, s22  }
0x3c: {  	p2 =	sne.s32 s5, $0x3;
	s24 =	sor.u32 $0x2800, s24;
	s26 =	sadd.s32 $0x1, s22  }
0x3d: {  	[tilespmem:s24], [sflag:s31] =	stream.indirect.gather [hbm4b:s4+s19], $0x80, s19, s19, $0xb8;
	[tilespmem:$0x1E800] =	vst v63  }
.Ltmp1:
0x3e: {  	s25 =	sand.u32 $0x1, s21;
	_ =	swait.ge [sflag:s26], $0x4000;
	(pc) =	sbr.rel @!p2 .LBB2_4-.Ltmp1, $4  }
0x3f: {  	p1 =	por $0x1, $0x1;
	s22 =	sshll.u32 s22, $0xE;
	[sflag:s26] =	ssyncset.done $0x0  }
0x40: {  	s24 =	simm.s32 $0x3;
	s22 =	sor.u32 $0x2800, s22;
	[sflag:s26] =	ssyncadd.s32 $0xFFFFC000  }
0x41: {  	[spmem:s2] =	stream.indirect.scatter.add.f32 [tilespmem:s22], [sflag:$0x6], $0x80, s23, s19, $0xb8;
	[tilespmem:$0x1E800] =	vst v63  }
0x42: {  	s23 =	simm.s32 $0x1480;
	s22 =	simm.s32 $0x100;
	_ =	swait.ge [sflag:s20], $0x4000  }
.LBB2_5:
0x43: {  	s26 =	sadd.s32 $0xFFFFFFFF, s21  }
0x44: {  	s28 =	sshll.u32 s25, $0xE;
	[sflag:s20] =	ssyncset.done $0x0;
	s21 =	smov.u32 s24  }
0x45: {  	s29 =	smov.u32 s23;
	s25 =	sadd.s32 $0x1, s25;
	s24 =	sadd.s32 $0x1, s24  }
0x46: {  	s26 =	sand.u32 $0x1, s26;
	s28 =	sor.u32 $0x2800, s28;
	p2 =	sne.s32 s5, s24  }
0x47: {  	s30 =	sshll.u32 s26, $0xE;
	s26 =	sadd.s32 $0x1, s26;
	[sflag:s20] =	ssyncadd.s32 $0xFFFFC000  }
0x48: {  	[tilespmem:s28], [sflag:s25] =	stream.indirect.gather [hbm4b:s4+s19], $0x80, s22, s19, $0xb8;
	[tilespmem:$0x1E800] =	vst v63  }
.Ltmp2:
0x49: {  	_ =	swait.ge [sflag:s26], $0x4000;
	(pc) =	sbr.rel @p2 .LBB2_5-.Ltmp2, $4  }
0x4a: {  	s25 =	sor.u32 $0x2800, s30;
	[sflag:s26] =	ssyncset.done $0x0  }
0x4b: {  	s23 =	sadd.s32 $0x80, s23;
	[sflag:s26] =	ssyncadd.s32 $0xFFFFC000  }
0x4c: {  	[spmem:s2] =	stream.indirect.scatter.add.f32 [tilespmem:s25], [sflag:$0x6], $0x80, s29, s19, $0xb8;
	[tilespmem:$0x1E800] =	vst v63  }
0x4d: {  	s22 =	sadd.s32 $0x80, s22;
	s25 =	sand.u32 $0x1, s21;
	_ =	swait.ge [sflag:s20], $0x4000  }
0x4e: {  	s24 =	smov.u32 s21  }
.LBB2_7:
0x4f: {  	s21 =	sadd.s32 $0xFFFFFFFF, s24;
	s28 =	sshll.u32 s25, $0xE  }
0x50: {  	[sflag:s20] =	ssyncset.done @p1 $0x0;
	s29 =	sadd.s32 $0x1, s25;
	s21 =	sand.u32 $0x1, s21  }
0x51: {  	s24 =	sor.u32 $0x2800, s28;
	[sflag:s20] =	ssyncadd.s32 @p1 $0xFFFFC000;
	s26 =	sadd.s32 $0x1, s21  }
0x52: {  	[tilespmem:s24], [sflag:s29] =	stream.indirect.gather [hbm4b:s4+s19], $0x80, s22, s19, $0xb8;
	[tilespmem:$0x1E800] =	vst v63  }
0x53: {  	_ =	swait.ge [sflag:s26], $0x4000  }
0x54: {  	s21 =	sshll.u32 s21, $0xE;
	[sflag:s26] =	ssyncset.done $0x0  }
0x55: {  	s21 =	sor.u32 $0x2800, s21;
	[sflag:s26] =	ssyncadd.s32 $0xFFFFC000  }
0x56: {  	[spmem:s2] =	stream.indirect.scatter.add.f32 [tilespmem:s21], [sflag:$0x6], $0x80, s23, s19, $0xb8;
	[tilespmem:$0x1E800] =	vst v63  }
0x57: {  	_ =	swait.ge [sflag:s20], $0x4000  }
0x58: {  	[sflag:s20] =	ssyncset.done $0x0  }
0x59: {  	[sflag:s20] =	ssyncadd.s32 $0xFFFFC000  }
0x5a: {  	_ =	swait.ge [sflag:s29], $0x4000  }
0x5b: {  	[sflag:s29] =	ssyncset.done $0x0  }
0x5c: {  	s30 =	sadd.s32 $0x80, s23;
	[sflag:s29] =	ssyncadd.s32 $0xFFFFC000  }
0x5d: {  	[spmem:s2] =	stream.indirect.scatter.add.f32 [tilespmem:s24], [sflag:$0x6], $0x80, s30, s19, $0xb8;
	[tilespmem:$0x1E800] =	vst v63  }
0x5e: {  	_ =	swait.ge [sflag:s20], $0x4000  }
0x5f: {  	[sflag:s20] =	ssyncset.done $0x0  }
0x60: {  	s3 =	sadd.s32 $0x1, s3;
	[sflag:s20] =	ssyncadd.s32 $0xFFFFC000  }
0x61: {  	s31 =	sor.u32 $0x1C06, s6;
	p1 =	sne.s32 s3, s16;
	[bflag:$0x0] =	sbarrier.arrive $0xFFFF  }
0x62: {  	[hbm:s15], [sflag:s31] =	dma.local [spmem:s17], $0x2800  }
.Ltmp3:
0x63: {  	_ = 	snop;
	(pc) =	sbr.rel @p1 .LBB2_1-.Ltmp3, $4  }
.Ltmp4:
0x64: {  	_ = 	snop;
	(pc) =	sbr.rel @!p1 .LBB2_8-.Ltmp4, $4  }
0x65: {  	_ =	swait.ge [sflag:s20], $0x2800  }
0x66: {  	[sflag:s20] =	ssyncset.done $0x0  }
0x67: {  	[sflag:s20] =	ssyncadd.s32 $0xFFFFD800  }
0x68: {  	_ = 	snop  }
.LBB2_2:
.Ltmp5:
0x69: {  	(pc) =	sbr.rel .LBB2_7-.Ltmp5, $2  }
0x6a: {  	_ =	sdelay $0x2  }
0x6b: {  	s22 =	simm.s32 $0x80  }
.LBB2_4:
.Ltmp6:
0x6c: {  	(pc) =	sbr.rel .LBB2_7-.Ltmp6, $2  }
0x6d: {  	_ =	sdelay $0x2  }
0x6e: {  	s24 =	simm.s32 $0x2;
	s23 =	simm.s32 $0x1480  }
.LBB2_8:
0x6f: {  	_ =	sfence.sel $0x180000  }
0x70: {  	[bflag:$0x0] =	sbarrier.arrive $0xFFFF  }
0x71: {  	p0 =	sne.s32 s0, $0x0;
	_ =	strace $0x90000056  }
0x72: {  	s0 =	sadd.s32 @!p0 $0x100000, s1;
	[bflag:$0x2] =	sbarrier.arrive $0xFFFF  }
0x73: {  	[sflag:s0] =	ssyncadd.tile.s32 @!p0 $0x1;
	_ =	shalt  }
.Lfunc_end2:
_tile_overlayer_lowered:
.L_overlay_start_2:
0x74: {  	(tag) =	ssettag $0x2  }
0x75: {  	s0 =	rddreg [dreg:$0x0];
	s2 =	stileid.u32  }
0x76: {  	s1 =	rddreg [dreg:$0x1];
	p0 =	sne.s32 s2, $0x0  }
0x77: {  	s3 =	rddreg [dreg:$0x2];
	[bflag:$0x3] =	sbarrier.arrive $0xFFFF;
	s2 =	simm.s32 @!p0 $0x1C06  }
0x78: {  	[timem:s3], [sflag:s2] =	dma.local @!p0 [hbm:s0], s1  }
0x79: {  	s0 =	simm.s32 @!p0 $0x6  }
0x7a: {  	_ =	swait.ge @!p0 [sflag:s0], s1  }
0x7b: {  	s1 =	ssub.s32 @!p0 $0x0, s1;
	[sflag:s0] =	ssyncset.done @!p0 $0x0  }
0x7c: {  	[sflag:s0] =	ssyncadd.s32 @!p0 s1  }
0x7d: {  	[bflag:$0x3] =	sbarrier.arrive $0xFFFF  }
0x7e: {  	_ =	shalt  }

</sc_bundles>
